<compile_context>
chip_gen: v7x
topology: tpu7x:2x2x1
jax: 0.10.2.dev20260603
libtpu: 0.0.44.dev20260713+nightly
codegen_flags: <defaults>
</compile_context>

<pallas_src>
import functools

import jax
import jax.numpy as jnp
from jax import lax
from jax.experimental import pallas as pl
from jax.experimental.pallas import tpu as pltpu
from jax.experimental.pallas import tpu_sc as plsc

VOCAB = 1000000
STYLE = 18
B = 16384
L = 200
EPS = 1e-12

N = B * L
NW = 32
TOK_PER_W = N // NW
CHUNK = 512
GATHER = 128
N_GATHER = 2 * CHUNK // GATHER
GROUPS = CHUNK // 16
N_CHUNK = TOK_PER_W // CHUNK
N_PAIR = N_CHUNK // 2
WROWS = VOCAB * STYLE // 32


def _rsqrt(v):
    i = plsc.bitcast(v, jnp.int32)
    i = jnp.int32(0x5F3759DF) - (i >> 1)
    y = plsc.bitcast(i, jnp.float32)
    for _ in range(3):
        y = y * (1.5 - 0.5 * v * y * y)
    return y


def _body(sidx_hbm, wids_hbm, bids_hbm, bot_hbm, word_hbm, gam_hbm, bet_hbm,
          out_hbm,
          sidx_v, wid_v, bid_v, rows_v, out_v, bot_v, gam_v, bet_v,
          sem_a, sem_b):
    nc = 2
    w = lax.axis_index("s") * nc + lax.axis_index("c")
    base_w = w * TOK_PER_W

    pltpu.sync_copy(bot_hbm, bot_v)
    pltpu.sync_copy(gam_hbm, gam_v)
    pltpu.sync_copy(bet_hbm, bet_v)
    g0, g1 = gam_v[pl.ds(0, 16)], gam_v[pl.ds(16, 16)]
    b0, b1 = bet_v[pl.ds(0, 16)], bet_v[pl.ds(16, 16)]
    gam = [g0[d] for d in range(16)] + [g1[0], g1[1]]
    bet = [b0[d] for d in range(16)] + [b1[0], b1[1]]

    lanes = lax.broadcasted_iota(jnp.int32, (16,), 0)
    sem = [sem_a, sem_b]

    def gather_copy(p, j):
        return pltpu.make_async_copy(
            word_hbm.at[sidx_v.at[p, j]],
            rows_v.at[p, pl.ds(j * GATHER, GATHER), :],
            sem[p])

    def stage(ci, p):
        tok = base_w + ci * CHUNK
        row0 = pl.multiple_of(tok // 64, 8)
        pltpu.sync_copy(sidx_hbm.at[pl.ds(row0, N_GATHER), :],
                        sidx_v.at[p])
        pltpu.sync_copy(wids_hbm.at[pl.ds(tok, CHUNK)], wid_v.at[p])
        pltpu.sync_copy(bids_hbm.at[pl.ds(tok, CHUNK)], bid_v.at[p])
        for j in range(N_GATHER):
            gather_copy(p, j).start()

    def process(ci, p):
        for j in range(N_GATHER):
            gather_copy(p, j).wait()

        def group_body(g, _):
            tvec = lanes + g * 16
            widv = wid_v[p, pl.ds(g * 16, 16)]
            bidv = bid_v[p, pl.ds(g * 16, 16)] * STYLE
            base = tvec * 64 + ((widv * STYLE) & 31)
            x = []
            for d in range(STYLE):
                fi = base + d
                wv = plsc.load_gather(rows_v.at[p], [fi >> 5, fi & 31])
                bv = plsc.load_gather(bot_v, [bidv + d])
                x.append(wv * bv)
            s = x[0]
            for d in range(1, STYLE):
                s = s + x[d]
            m = s * (1.0 / STYLE)
            t = [xd - m for xd in x]
            q = t[0] * t[0]
            for d in range(1, STYLE):
                q = q + t[d] * t[d]
            r = _rsqrt(q * (1.0 / STYLE) + EPS)
            oidx = tvec * STYLE
            for d in range(STYLE):
                yd = t[d] * (r * gam[d]) + bet[d]
                plsc.store_scatter(out_v.at[p], [oidx + d], yd)
            return None

        lax.fori_loop(0, GROUPS, group_body, None)
        tok = base_w + ci * CHUNK
        pltpu.sync_copy(out_v.at[p],
                        out_hbm.at[pl.ds(tok * STYLE, CHUNK * STYLE)])

    stage(0, 0)

    def pair_body(k, _):
        stage(2 * k + 1, 1)
        process(2 * k, 0)

        @pl.when(k < N_PAIR - 1)
        def _():
            stage(2 * k + 2, 0)

        process(2 * k + 1, 1)
        return None

    lax.fori_loop(0, N_PAIR, pair_body, None)


@jax.jit
def _run(sidx, wids, bids, bottom_flat, word32, gamma32, beta32):
    mesh = plsc.VectorSubcoreMesh(core_axis_name="c", subcore_axis_name="s")
    f = functools.partial(
        pl.kernel,
        mesh=mesh,
        out_type=jax.ShapeDtypeStruct((N * STYLE,), jnp.float32),
        scratch_types=[
            pltpu.VMEM((2, N_GATHER, GATHER), jnp.int32),
            pltpu.VMEM((2, CHUNK), jnp.int32),
            pltpu.VMEM((2, CHUNK), jnp.int32),
            pltpu.VMEM((2, 2 * CHUNK, 32), jnp.float32),
            pltpu.VMEM((2, CHUNK * STYLE), jnp.float32),
            pltpu.VMEM((STYLE * STYLE,), jnp.float32),
            pltpu.VMEM((32,), jnp.float32),
            pltpu.VMEM((32,), jnp.float32),
            pltpu.SemaphoreType.DMA,
            pltpu.SemaphoreType.DMA,
        ],
        compiler_params=pltpu.CompilerParams(
            needs_layout_passes=False, use_tc_tiling_on_sc=False),
    )(_body)
    return f(sidx, wids, bids, bottom_flat, word32, gamma32, beta32)


def kernel(input_bids, input_wids, bottom_emb, word_emb, gamma, beta):
    wids = input_wids.reshape(-1).astype(jnp.int32)
    bids = input_bids.reshape(-1).astype(jnp.int32)
    blk0 = (wids * STYLE) >> 5
    blk1 = jnp.minimum(blk0 + 1, WROWS - 1)
    sidx = jnp.stack([blk0, blk1], axis=-1).reshape(-1, GATHER)
    word32 = word_emb.reshape(-1).reshape(WROWS, 32)
    bottom_flat = bottom_emb.reshape(-1)
    gam32 = jnp.zeros((32,), jnp.float32).at[:STYLE].set(gamma)
    bet32 = jnp.zeros((32,), jnp.float32).at[:STYLE].set(beta)
    out = _run(sidx, wids, bids, bottom_flat, word32, gam32, bet32)
    return out.reshape(B, L, STYLE)

# --- scband reference (transcript-rebuilt; emitter-appended) ---
"""Pipeline reference for scband-embeddings-layer-57028575756672 (READ-ONLY COPY).

The authoritative reference and input builder live on the scoring server;
editing this copy changes nothing except your own understanding.
"""

import jax, jax.numpy as jnp
import numpy as np

VOCAB = 1000000
STYLE = 18
B = 16384
L = 200
EPS = 1e-12


def setup_inputs(seed: int = 0) -> dict:
    key = jax.random.key(seed)
    k1, k2, k3, k4 = jax.random.split(key, 4)
    input_bids = jax.random.randint(k1, (B, L), 0, STYLE, dtype=jnp.int64)
    input_wids = jax.random.randint(k2, (B, L), 0, VOCAB, dtype=jnp.int64)
    bottom_emb = jax.random.normal(k3, (STYLE, STYLE), dtype=jnp.float32) * 0.02
    word_emb = jax.random.normal(k4, (VOCAB, STYLE), dtype=jnp.float32) * 0.02
    gamma = jnp.ones((STYLE,), dtype=jnp.float32)
    beta = jnp.zeros((STYLE,), dtype=jnp.float32)
    return {
        "input_bids": input_bids,
        "input_wids": input_wids,
        "bottom_emb": bottom_emb,
        "word_emb": word_emb,
        "gamma": gamma,
        "beta": beta,
    }


def reference(input_bids, input_wids, bottom_emb, word_emb, gamma, beta):
    # embedding lookups (gather)
    embedding_b = jnp.take(bottom_emb, input_bids, axis=0)  # [B, L, STYLE]
    embedding_w = jnp.take(word_emb, input_wids, axis=0)    # [B, L, STYLE]
    x = embedding_b * embedding_w
    # LayerNorm over last axis
    mean = jnp.mean(x, axis=-1, keepdims=True)
    var = jnp.mean(jnp.square(x - mean), axis=-1, keepdims=True)
    y = (x - mean) / jnp.sqrt(var + EPS)
    y = y * gamma + beta
    # dropout is identity at inference (training=None -> not training)
    return y

if __name__ == "__main__":
    import jax
    _d = setup_inputs()
    print(jax.jit(kernel)(*tuple(_d.values())))

</pallas_src>

<mosaic_0001>
#map = affine_map<(d0, d1) -> (0, 0)>
#map1 = affine_map<(d0, d1) -> (0)>
module attributes {stable_mosaic.version = 14 : i64} {
  func.func @_body(%arg0: i32, %arg1: i32, %arg2: memref<51200x128xi32, #tpu.memory_space<hbm>>, %arg3: memref<3276800xi32, #tpu.memory_space<hbm>>, %arg4: memref<3276800xi32, #tpu.memory_space<hbm>>, %arg5: memref<324xf32, #tpu.memory_space<hbm>>, %arg6: memref<562500x32xf32, #tpu.memory_space<hbm>>, %arg7: memref<32xf32, #tpu.memory_space<hbm>>, %arg8: memref<32xf32, #tpu.memory_space<hbm>>, %arg9: memref<58982400xf32, #tpu.memory_space<hbm>>, %arg10: memref<2x8x128xi32, #tpu.memory_space<vmem>>, %arg11: memref<2x512xi32, #tpu.memory_space<vmem>>, %arg12: memref<2x512xi32, #tpu.memory_space<vmem>>, %arg13: memref<2x1024x32xf32, #tpu.memory_space<vmem>>, %arg14: memref<2x9216xf32, #tpu.memory_space<vmem>>, %arg15: memref<324xf32, #tpu.memory_space<vmem>>, %arg16: memref<32xf32, #tpu.memory_space<vmem>>, %arg17: memref<32xf32, #tpu.memory_space<vmem>>, %arg18: memref<!tpu.dma_semaphore, #tpu.memory_space<semaphore_mem>>, %arg19: memref<!tpu.dma_semaphore, #tpu.memory_space<semaphore_mem>>) attributes {dimension_semantics = [#tpu.dimension_semantics<core_parallel>, #tpu.dimension_semantics<subcore_parallel>], iteration_bounds = array<i64: 2, 16>, scalar_prefetch = 0 : i64, scratch_operands = 10 : i64, tpu.core_type = #tpu.core_type<sc_vector_subcore>, window_params = [{transform_indices = #map}, {transform_indices = #map1}, {transform_indices = #map1}, {transform_indices = #map1}, {transform_indices = #map}, {transform_indices = #map1}, {transform_indices = #map1}, {transform_indices = #map1}]} {
    %mul3A = arith.constant 2 : i32
    %mul3A_0 = arith.muli %arg1, %mul3A : i32
    %add3A = arith.addi %mul3A_0, %arg0 : i32
    %mul3A_1 = arith.constant 102400 : i32
    %mul3A_2 = arith.muli %add3A, %mul3A_1 : i32
    "tpu.region"() ({
      %run_scoped3A_207 = tpu.sem_alloc : memref<!tpu.dma_semaphore, #tpu.memory_space<semaphore_mem>>
      tpu.enqueue_dma source(%arg5 : memref<324xf32, #tpu.memory_space<hbm>>) target(%arg15 : memref<324xf32, #tpu.memory_space<vmem>>) target_semaphore(%run_scoped3A_207 : memref<!tpu.dma_semaphore, #tpu.memory_space<semaphore_mem>>)
      tpu.wait_dma2 semaphore(%run_scoped3A_207 : memref<!tpu.dma_semaphore, #tpu.memory_space<semaphore_mem>>) src(%arg5 : memref<324xf32, #tpu.memory_space<hbm>>) dst(%arg15 : memref<324xf32, #tpu.memory_space<vmem>>)
      tpu.yield
    }) : () -> ()
    "tpu.region"() ({
      %run_scoped3A_207 = tpu.sem_alloc : memref<!tpu.dma_semaphore, #tpu.memory_space<semaphore_mem>>
      tpu.enqueue_dma source(%arg7 : memref<32xf32, #tpu.memory_space<hbm>>) target(%arg16 : memref<32xf32, #tpu.memory_space<vmem>>) target_semaphore(%run_scoped3A_207 : memref<!tpu.dma_semaphore, #tpu.memory_space<semaphore_mem>>)
      tpu.wait_dma2 semaphore(%run_scoped3A_207 : memref<!tpu.dma_semaphore, #tpu.memory_space<semaphore_mem>>) src(%arg7 : memref<32xf32, #tpu.memory_space<hbm>>) dst(%arg16 : memref<32xf32, #tpu.memory_space<vmem>>)
      tpu.yield
    }) : () -> ()
    "tpu.region"() ({
      %run_scoped3A_207 = tpu.sem_alloc : memref<!tpu.dma_semaphore, #tpu.memory_space<semaphore_mem>>
      tpu.enqueue_dma source(%arg8 : memref<32xf32, #tpu.memory_space<hbm>>) target(%arg17 : memref<32xf32, #tpu.memory_space<vmem>>) target_semaphore(%run_scoped3A_207 : memref<!tpu.dma_semaphore, #tpu.memory_space<semaphore_mem>>)
      tpu.wait_dma2 semaphore(%run_scoped3A_207 : memref<!tpu.dma_semaphore, #tpu.memory_space<semaphore_mem>>) src(%arg8 : memref<32xf32, #tpu.memory_space<hbm>>) dst(%arg17 : memref<32xf32, #tpu.memory_space<vmem>>)
      tpu.yield
    }) : () -> ()
    %get3A = arith.constant 0 : index
    %get3A_3 = tpu.vector_load %arg16[%get3A] {strides = array<i32>} : memref<32xf32, #tpu.memory_space<vmem>>, vector<16xf32>,
    %get3A_4 = arith.constant 16 : index
    %get3A_5 = tpu.vector_load %arg16[%get3A_4] {strides = array<i32>} : memref<32xf32, #tpu.memory_space<vmem>>, vector<16xf32>,
    %get3A_6 = arith.constant 0 : index
    %get3A_7 = tpu.vector_load %arg17[%get3A_6] {strides = array<i32>} : memref<32xf32, #tpu.memory_space<vmem>>, vector<16xf32>,
    %get3A_8 = arith.constant 16 : index
    %get3A_9 = tpu.vector_load %arg17[%get3A_8] {strides = array<i32>} : memref<32xf32, #tpu.memory_space<vmem>>, vector<16xf32>,
    %slice3A = vector.extract_strided_slice %get3A_3 {offsets = [0], sizes = [1], strides = [1]} : vector<16xf32> to vector<1xf32>
    %squeeze3A = vector.extract %slice3A[0] : f32 from vector<1xf32>
    %slice3A_10 = vector.extract_strided_slice %get3A_3 {offsets = [1], sizes = [1], strides = [1]} : vector<16xf32> to vector<1xf32>
    %squeeze3A_11 = vector.extract %slice3A_10[0] : f32 from vector<1xf32>
    %slice3A_12 = vector.extract_strided_slice %get3A_3 {offsets = [2], sizes = [1], strides = [1]} : vector<16xf32> to vector<1xf32>
    %squeeze3A_13 = vector.extract %slice3A_12[0] : f32 from vector<1xf32>
    %slice3A_14 = vector.extract_strided_slice %get3A_3 {offsets = [3], sizes = [1], strides = [1]} : vector<16xf32> to vector<1xf32>
    %squeeze3A_15 = vector.extract %slice3A_14[0] : f32 from vector<1xf32>
    %slice3A_16 = vector.extract_strided_slice %get3A_3 {offsets = [4], sizes = [1], strides = [1]} : vector<16xf32> to vector<1xf32>
    %squeeze3A_17 = vector.extract %slice3A_16[0] : f32 from vector<1xf32>
    %slice3A_18 = vector.extract_strided_slice %get3A_3 {offsets = [5], sizes = [1], strides = [1]} : vector<16xf32> to vector<1xf32>
    %squeeze3A_19 = vector.extract %slice3A_18[0] : f32 from vector<1xf32>
    %slice3A_20 = vector.extract_strided_slice %get3A_3 {offsets = [6], sizes = [1], strides = [1]} : vector<16xf32> to vector<1xf32>
    %squeeze3A_21 = vector.extract %slice3A_20[0] : f32 from vector<1xf32>
    %slice3A_22 = vector.extract_strided_slice %get3A_3 {offsets = [7], sizes = [1], strides = [1]} : vector<16xf32> to vector<1xf32>
    %squeeze3A_23 = vector.extract %slice3A_22[0] : f32 from vector<1xf32>
    %slice3A_24 = vector.extract_strided_slice %get3A_3 {offsets = [8], sizes = [1], strides = [1]} : vector<16xf32> to vector<1xf32>
    %squeeze3A_25 = vector.extract %slice3A_24[0] : f32 from vector<1xf32>
    %slice3A_26 = vector.extract_strided_slice %get3A_3 {offsets = [9], sizes = [1], strides = [1]} : vector<16xf32> to vector<1xf32>
    %squeeze3A_27 = vector.extract %slice3A_26[0] : f32 from vector<1xf32>
    %slice3A_28 = vector.extract_strided_slice %get3A_3 {offsets = [10], sizes = [1], strides = [1]} : vector<16xf32> to vector<1xf32>
    %squeeze3A_29 = vector.extract %slice3A_28[0] : f32 from vector<1xf32>
    %slice3A_30 = vector.extract_strided_slice %get3A_3 {offsets = [11], sizes = [1], strides = [1]} : vector<16xf32> to vector<1xf32>
    %squeeze3A_31 = vector.extract %slice3A_30[0] : f32 from vector<1xf32>
    %slice3A_32 = vector.extract_strided_slice %get3A_3 {offsets = [12], sizes = [1], strides = [1]} : vector<16xf32> to vector<1xf32>
    %squeeze3A_33 = vector.extract %slice3A_32[0] : f32 from vector<1xf32>
    %slice3A_34 = vector.extract_strided_slice %get3A_3 {offsets = [13], sizes = [1], strides = [1]} : vector<16xf32> to vector<1xf32>
    %squeeze3A_35 = vector.extract %slice3A_34[0] : f32 from vector<1xf32>
    %slice3A_36 = vector.extract_strided_slice %get3A_3 {offsets = [14], sizes = [1], strides = [1]} : vector<16xf32> to vector<1xf32>
    %squeeze3A_37 = vector.extract %slice3A_36[0] : f32 from vector<1xf32>
    %slice3A_38 = vector.extract_strided_slice %get3A_3 {offsets = [15], sizes = [1], strides = [1]} : vector<16xf32> to vector<1xf32>
    %squeeze3A_39 = vector.extract %slice3A_38[0] : f32 from vector<1xf32>
    %slice3A_40 = vector.extract_strided_slice %get3A_5 {offsets = [0], sizes = [1], strides = [1]} : vector<16xf32> to vector<1xf32>
    %squeeze3A_41 = vector.extract %slice3A_40[0] : f32 from vector<1xf32>
    %slice3A_42 = vector.extract_strided_slice %get3A_5 {offsets = [1], sizes = [1], strides = [1]} : vector<16xf32> to vector<1xf32>
    %squeeze3A_43 = vector.extract %slice3A_42[0] : f32 from vector<1xf32>
    %slice3A_44 = vector.extract_strided_slice %get3A_7 {offsets = [0], sizes = [1], strides = [1]} : vector<16xf32> to vector<1xf32>
    %squeeze3A_45 = vector.extract %slice3A_44[0] : f32 from vector<1xf32>
    %slice3A_46 = vector.extract_strided_slice %get3A_7 {offsets = [1], sizes = [1], strides = [1]} : vector<16xf32> to vector<1xf32>
    %squeeze3A_47 = vector.extract %slice3A_46[0] : f32 from vector<1xf32>
    %slice3A_48 = vector.extract_strided_slice %get3A_7 {offsets = [2], sizes = [1], strides = [1]} : vector<16xf32> to vector<1xf32>
    %squeeze3A_49 = vector.extract %slice3A_48[0] : f32 from vector<1xf32>
    %slice3A_50 = vector.extract_strided_slice %get3A_7 {offsets = [3], sizes = [1], strides = [1]} : vector<16xf32> to vector<1xf32>
    %squeeze3A_51 = vector.extract %slice3A_50[0] : f32 from vector<1xf32>
    %slice3A_52 = vector.extract_strided_slice %get3A_7 {offsets = [4], sizes = [1], strides = [1]} : vector<16xf32> to vector<1xf32>
    %squeeze3A_53 = vector.extract %slice3A_52[0] : f32 from vector<1xf32>
    %slice3A_54 = vector.extract_strided_slice %get3A_7 {offsets = [5], sizes = [1], strides = [1]} : vector<16xf32> to vector<1xf32>
    %squeeze3A_55 = vector.extract %slice3A_54[0] : f32 from vector<1xf32>
    %slice3A_56 = vector.extract_strided_slice %get3A_7 {offsets = [6], sizes = [1], strides = [1]} : vector<16xf32> to vector<1xf32>
    %squeeze3A_57 = vector.extract %slice3A_56[0] : f32 from vector<1xf32>
    %slice3A_58 = vector.extract_strided_slice %get3A_7 {offsets = [7], sizes = [1], strides = [1]} : vector<16xf32> to vector<1xf32>
    %squeeze3A_59 = vector.extract %slice3A_58[0] : f32 from vector<1xf32>
    %slice3A_60 = vector.extract_strided_slice %get3A_7 {offsets = [8], sizes = [1], strides = [1]} : vector<16xf32> to vector<1xf32>
    %squeeze3A_61 = vector.extract %slice3A_60[0] : f32 from vector<1xf32>
    %slice3A_62 = vector.extract_strided_slice %get3A_7 {offsets = [9], sizes = [1], strides = [1]} : vector<16xf32> to vector<1xf32>
    %squeeze3A_63 = vector.extract %slice3A_62[0] : f32 from vector<1xf32>
    %slice3A_64 = vector.extract_strided_slice %get3A_7 {offsets = [10], sizes = [1], strides = [1]} : vector<16xf32> to vector<1xf32>
    %squeeze3A_65 = vector.extract %slice3A_64[0] : f32 from vector<1xf32>
    %slice3A_66 = vector.extract_strided_slice %get3A_7 {offsets = [11], sizes = [1], strides = [1]} : vector<16xf32> to vector<1xf32>
    %squeeze3A_67 = vector.extract %slice3A_66[0] : f32 from vector<1xf32>
    %slice3A_68 = vector.extract_strided_slice %get3A_7 {offsets = [12], sizes = [1], strides = [1]} : vector<16xf32> to vector<1xf32>
    %squeeze3A_69 = vector.extract %slice3A_68[0] : f32 from vector<1xf32>
    %slice3A_70 = vector.extract_strided_slice %get3A_7 {offsets = [13], sizes = [1], strides = [1]} : vector<16xf32> to vector<1xf32>
    %squeeze3A_71 = vector.extract %slice3A_70[0] : f32 from vector<1xf32>
    %slice3A_72 = vector.extract_strided_slice %get3A_7 {offsets = [14], sizes = [1], strides = [1]} : vector<16xf32> to vector<1xf32>
    %squeeze3A_73 = vector.extract %slice3A_72[0] : f32 from vector<1xf32>
    %slice3A_74 = vector.extract_strided_slice %get3A_7 {offsets = [15], sizes = [1], strides = [1]} : vector<16xf32> to vector<1xf32>
    %squeeze3A_75 = vector.extract %slice3A_74[0] : f32 from vector<1xf32>
    %slice3A_76 = vector.extract_strided_slice %get3A_9 {offsets = [0], sizes = [1], strides = [1]} : vector<16xf32> to vector<1xf32>
    %squeeze3A_77 = vector.extract %slice3A_76[0] : f32 from vector<1xf32>
    %slice3A_78 = vector.extract_strided_slice %get3A_9 {offsets = [1], sizes = [1], strides = [1]} : vector<16xf32> to vector<1xf32>
    %squeeze3A_79 = vector.extract %slice3A_78[0] : f32 from vector<1xf32>
    %iota3A = tpu.iota {dimensions = array<i32: 0>} : vector<16xi32>
    %add3A_80 = arith.constant 0 : i32
    %add3A_81 = arith.addi %mul3A_2, %add3A_80 : i32
    %jit3A = arith.constant 64 : i32
    %div3A = arith.divsi %add3A_81, %jit3A : i32
    %sign3A = arith.constant 0 : i32
    %sign3A_82 = arith.cmpi sgt, %add3A_81, %sign3A : i32
    %sign3A_83 = arith.extui %sign3A_82 : i1 to i32
    %sign3A_84 = arith.constant 0 : i32
    %sign3A_85 = arith.cmpi slt, %add3A_81, %sign3A_84 : i32
    %sign3A_86 = arith.extui %sign3A_85 : i1 to i32
    %sign3A_87 = arith.subi %sign3A_83, %sign3A_86 : i32
    %sign3A_88 = arith.constant 0 : i32
    %sign3A_89 = arith.cmpi sgt, %jit3A, %sign3A_88 : i32
    %sign3A_90 = arith.extui %sign3A_89 : i1 to i32
    %sign3A_91 = arith.constant 0 : i32
    %sign3A_92 = arith.cmpi slt, %jit3A, %sign3A_91 : i32
    %sign3A_93 = arith.extui %sign3A_92 : i1 to i32
    %sign3A_94 = arith.subi %sign3A_90, %sign3A_93 : i32
    %ne3A = arith.cmpi ne, %sign3A_87, %sign3A_94 : i32
    %rem3A = arith.remsi %add3A_81, %jit3A : i32
    %ne3A_95 = arith.constant 0 : i32
    %ne3A_96 = arith.cmpi ne, %rem3A, %ne3A_95 : i32
    %and3A = arith.andi %ne3A, %ne3A_96 : i1
    %sub3A = arith.constant 1 : i32
    %sub3A_97 = arith.subi %div3A, %sub3A : i32
    %select_n3A = arith.select %and3A, %sub3A_97, %div3A : i32
    %multiple_of3A = tpu.assume_multiple %select_n3A, 8 : i32
    %run_scoped3A = arith.constant 0 : i32
    "tpu.region"() ({
      %run_scoped3A_207 = tpu.sem_alloc : memref<!tpu.dma_semaphore, #tpu.memory_space<semaphore_mem>>
      %dma_start3A_208 = arith.constant 0 : i32
      %dma_start3A_209 = arith.constant 0 : i32
      %dma_start3A_210 = tpu.memref_slice %arg10[%run_scoped3A, %dma_start3A_208, %dma_start3A_209] : memref<2x8x128xi32, #tpu.memory_space<vmem>> -> memref<1x8x128xi32, #tpu.memory_space<vmem>>
      %dma_start3A_211 = tpu.memref_squeeze %dma_start3A_210 : memref<1x8x128xi32, #tpu.memory_space<vmem>> -> memref<8x128xi32, #tpu.memory_space<vmem>>
      %dma_start3A_212 = arith.constant 0 : i32
      %dma_start3A_213 = tpu.memref_slice %arg2[%multiple_of3A, %dma_start3A_212] : memref<51200x128xi32, #tpu.memory_space<hbm>> -> memref<8x128xi32, #tpu.memory_space<hbm>>
      %dma_start3A_214 = arith.constant 0 : i32
      %dma_start3A_215 = arith.constant 0 : i32
      %dma_start3A_216 = tpu.memref_slice %arg10[%run_scoped3A, %dma_start3A_214, %dma_start3A_215] : memref<2x8x128xi32, #tpu.memory_space<vmem>> -> memref<1x8x128xi32, #tpu.memory_space<vmem>>
      %dma_start3A_217 = tpu.memref_squeeze %dma_start3A_216 : memref<1x8x128xi32, #tpu.memory_space<vmem>> -> memref<8x128xi32, #tpu.memory_space<vmem>>
      %dma_start3A_218 = arith.constant 0 : i32
      %dma_start3A_219 = tpu.memref_slice %arg2[%multiple_of3A, %dma_start3A_218] : memref<51200x128xi32, #tpu.memory_space<hbm>> -> memref<8x128xi32, #tpu.memory_space<hbm>>
      tpu.enqueue_dma source(%dma_start3A_219 : memref<8x128xi32, #tpu.memory_space<hbm>>) target(%dma_start3A_217 : memref<8x128xi32, #tpu.memory_space<vmem>>) target_semaphore(%run_scoped3A_207 : memref<!tpu.dma_semaphore, #tpu.memory_space<semaphore_mem>>)
      %dma_wait3A = arith.constant 0 : i32
      %dma_wait3A_220 = arith.constant 0 : i32
      %dma_wait3A_221 = tpu.memref_slice %arg10[%run_scoped3A, %dma_wait3A, %dma_wait3A_220] : memref<2x8x128xi32, #tpu.memory_space<vmem>> -> memref<1x8x128xi32, #tpu.memory_space<vmem>>
      %dma_wait3A_222 = tpu.memref_squeeze %dma_wait3A_221 : memref<1x8x128xi32, #tpu.memory_space<vmem>> -> memref<8x128xi32, #tpu.memory_space<vmem>>
      %dma_wait3A_223 = arith.constant 0 : i32
      %dma_wait3A_224 = tpu.memref_slice %arg2[%multiple_of3A, %dma_wait3A_223] : memref<51200x128xi32, #tpu.memory_space<hbm>> -> memref<8x128xi32, #tpu.memory_space<hbm>>
      %dma_wait3A_225 = arith.constant 0 : i32
      %dma_wait3A_226 = arith.constant 0 : i32
      %dma_wait3A_227 = tpu.memref_slice %arg10[%run_scoped3A, %dma_wait3A_225, %dma_wait3A_226] : memref<2x8x128xi32, #tpu.memory_space<vmem>> -> memref<1x8x128xi32, #tpu.memory_space<vmem>>
      %dma_wait3A_228 = tpu.memref_squeeze %dma_wait3A_227 : memref<1x8x128xi32, #tpu.memory_space<vmem>> -> memref<8x128xi32, #tpu.memory_space<vmem>>
      %dma_wait3A_229 = arith.constant 0 : i32
      %dma_wait3A_230 = tpu.memref_slice %arg2[%multiple_of3A, %dma_wait3A_229] : memref<51200x128xi32, #tpu.memory_space<hbm>> -> memref<8x128xi32, #tpu.memory_space<hbm>>
      tpu.wait_dma2 semaphore(%run_scoped3A_207 : memref<!tpu.dma_semaphore, #tpu.memory_space<semaphore_mem>>) src(%dma_wait3A_230 : memref<8x128xi32, #tpu.memory_space<hbm>>) dst(%dma_wait3A_228 : memref<8x128xi32, #tpu.memory_space<vmem>>)
      tpu.yield
    }) : () -> ()
    %run_scoped3A_98 = arith.constant 0 : i32
    "tpu.region"() ({
      %run_scoped3A_207 = tpu.sem_alloc : memref<!tpu.dma_semaphore, #tpu.memory_space<semaphore_mem>>
      %dma_start3A_208 = arith.constant 0 : i32
      %dma_start3A_209 = tpu.memref_slice %arg11[%run_scoped3A_98, %dma_start3A_208] : memref<2x512xi32, #tpu.memory_space<vmem>> -> memref<1x512xi32, #tpu.memory_space<vmem>>
      %dma_start3A_210 = tpu.memref_squeeze %dma_start3A_209 : memref<1x512xi32, #tpu.memory_space<vmem>> -> memref<512xi32, #tpu.memory_space<vmem>>
      %dma_start3A_211 = tpu.memref_slice %arg3[%add3A_81] : memref<3276800xi32, #tpu.memory_space<hbm>> -> memref<512xi32, #tpu.memory_space<hbm>>
      %dma_start3A_212 = arith.constant 0 : i32
      %dma_start3A_213 = tpu.memref_slice %arg11[%run_scoped3A_98, %dma_start3A_212] : memref<2x512xi32, #tpu.memory_space<vmem>> -> memref<1x512xi32, #tpu.memory_space<vmem>>
      %dma_start3A_214 = tpu.memref_squeeze %dma_start3A_213 : memref<1x512xi32, #tpu.memory_space<vmem>> -> memref<512xi32, #tpu.memory_space<vmem>>
      %dma_start3A_215 = tpu.memref_slice %arg3[%add3A_81] : memref<3276800xi32, #tpu.memory_space<hbm>> -> memref<512xi32, #tpu.memory_space<hbm>>
      tpu.enqueue_dma source(%dma_start3A_215 : memref<512xi32, #tpu.memory_space<hbm>>) target(%dma_start3A_214 : memref<512xi32, #tpu.memory_space<vmem>>) target_semaphore(%run_scoped3A_207 : memref<!tpu.dma_semaphore, #tpu.memory_space<semaphore_mem>>)
      %dma_wait3A = arith.constant 0 : i32
      %dma_wait3A_216 = tpu.memref_slice %arg11[%run_scoped3A_98, %dma_wait3A] : memref<2x512xi32, #tpu.memory_space<vmem>> -> memref<1x512xi32, #tpu.memory_space<vmem>>
      %dma_wait3A_217 = tpu.memref_squeeze %dma_wait3A_216 : memref<1x512xi32, #tpu.memory_space<vmem>> -> memref<512xi32, #tpu.memory_space<vmem>>
      %dma_wait3A_218 = tpu.memref_slice %arg3[%add3A_81] : memref<3276800xi32, #tpu.memory_space<hbm>> -> memref<512xi32, #tpu.memory_space<hbm>>
      %dma_wait3A_219 = arith.constant 0 : i32
      %dma_wait3A_220 = tpu.memref_slice %arg11[%run_scoped3A_98, %dma_wait3A_219] : memref<2x512xi32, #tpu.memory_space<vmem>> -> memref<1x512xi32, #tpu.memory_space<vmem>>
      %dma_wait3A_221 = tpu.memref_squeeze %dma_wait3A_220 : memref<1x512xi32, #tpu.memory_space<vmem>> -> memref<512xi32, #tpu.memory_space<vmem>>
      %dma_wait3A_222 = tpu.memref_slice %arg3[%add3A_81] : memref<3276800xi32, #tpu.memory_space<hbm>> -> memref<512xi32, #tpu.memory_space<hbm>>
      tpu.wait_dma2 semaphore(%run_scoped3A_207 : memref<!tpu.dma_semaphore, #tpu.memory_space<semaphore_mem>>) src(%dma_wait3A_222 : memref<512xi32, #tpu.memory_space<hbm>>) dst(%dma_wait3A_221 : memref<512xi32, #tpu.memory_space<vmem>>)
      tpu.yield
    }) : () -> ()
    %run_scoped3A_99 = arith.constant 0 : i32
    "tpu.region"() ({
      %run_scoped3A_207 = tpu.sem_alloc : memref<!tpu.dma_semaphore, #tpu.memory_space<semaphore_mem>>
      %dma_start3A_208 = arith.constant 0 : i32
      %dma_start3A_209 = tpu.memref_slice %arg12[%run_scoped3A_99, %dma_start3A_208] : memref<2x512xi32, #tpu.memory_space<vmem>> -> memref<1x512xi32, #tpu.memory_space<vmem>>
      %dma_start3A_210 = tpu.memref_squeeze %dma_start3A_209 : memref<1x512xi32, #tpu.memory_space<vmem>> -> memref<512xi32, #tpu.memory_space<vmem>>
      %dma_start3A_211 = tpu.memref_slice %arg4[%add3A_81] : memref<3276800xi32, #tpu.memory_space<hbm>> -> memref<512xi32, #tpu.memory_space<hbm>>
      %dma_start3A_212 = arith.constant 0 : i32
      %dma_start3A_213 = tpu.memref_slice %arg12[%run_scoped3A_99, %dma_start3A_212] : memref<2x512xi32, #tpu.memory_space<vmem>> -> memref<1x512xi32, #tpu.memory_space<vmem>>
      %dma_start3A_214 = tpu.memref_squeeze %dma_start3A_213 : memref<1x512xi32, #tpu.memory_space<vmem>> -> memref<512xi32, #tpu.memory_space<vmem>>
      %dma_start3A_215 = tpu.memref_slice %arg4[%add3A_81] : memref<3276800xi32, #tpu.memory_space<hbm>> -> memref<512xi32, #tpu.memory_space<hbm>>
      tpu.enqueue_dma source(%dma_start3A_215 : memref<512xi32, #tpu.memory_space<hbm>>) target(%dma_start3A_214 : memref<512xi32, #tpu.memory_space<vmem>>) target_semaphore(%run_scoped3A_207 : memref<!tpu.dma_semaphore, #tpu.memory_space<semaphore_mem>>)
      %dma_wait3A = arith.constant 0 : i32
      %dma_wait3A_216 = tpu.memref_slice %arg12[%run_scoped3A_99, %dma_wait3A] : memref<2x512xi32, #tpu.memory_space<vmem>> -> memref<1x512xi32, #tpu.memory_space<vmem>>
      %dma_wait3A_217 = tpu.memref_squeeze %dma_wait3A_216 : memref<1x512xi32, #tpu.memory_space<vmem>> -> memref<512xi32, #tpu.memory_space<vmem>>
      %dma_wait3A_218 = tpu.memref_slice %arg4[%add3A_81] : memref<3276800xi32, #tpu.memory_space<hbm>> -> memref<512xi32, #tpu.memory_space<hbm>>
      %dma_wait3A_219 = arith.constant 0 : i32
      %dma_wait3A_220 = tpu.memref_slice %arg12[%run_scoped3A_99, %dma_wait3A_219] : memref<2x512xi32, #tpu.memory_space<vmem>> -> memref<1x512xi32, #tpu.memory_space<vmem>>
      %dma_wait3A_221 = tpu.memref_squeeze %dma_wait3A_220 : memref<1x512xi32, #tpu.memory_space<vmem>> -> memref<512xi32, #tpu.memory_space<vmem>>
      %dma_wait3A_222 = tpu.memref_slice %arg4[%add3A_81] : memref<3276800xi32, #tpu.memory_space<hbm>> -> memref<512xi32, #tpu.memory_space<hbm>>
      tpu.wait_dma2 semaphore(%run_scoped3A_207 : memref<!tpu.dma_semaphore, #tpu.memory_space<semaphore_mem>>) src(%dma_wait3A_222 : memref<512xi32, #tpu.memory_space<hbm>>) dst(%dma_wait3A_221 : memref<512xi32, #tpu.memory_space<vmem>>)
      tpu.yield
    }) : () -> ()
    %dma_start3A = arith.constant 0 : i32
    %dma_start3A_100 = arith.constant 0 : i32
    %dma_start3A_101 = arith.constant 0 : i32
    %dma_start3A_102 = arith.constant 0 : i32
    %dma_start3A_103 = arith.constant 0 : i32
    %dma_start3A_104 = tpu.memref_slice %arg13[%dma_start3A_101, %dma_start3A_102, %dma_start3A_103] : memref<2x1024x32xf32, #tpu.memory_space<vmem>> -> memref<1x128x32xf32, #tpu.memory_space<vmem>>
    %dma_start3A_105 = tpu.memref_squeeze %dma_start3A_104 : memref<1x128x32xf32, #tpu.memory_space<vmem>> -> memref<128x32xf32, #tpu.memory_space<vmem>>
    %dma_start3A_106 = arith.constant 0 : i32
    %dma_start3A_107 = tpu.memref_slice %arg10[%dma_start3A, %dma_start3A_100, %dma_start3A_106] : memref<2x8x128xi32, #tpu.memory_space<vmem>> -> memref<1x1x128xi32, #tpu.memory_space<vmem>>
    %dma_start3A_108 = tpu.memref_squeeze %dma_start3A_107 : memref<1x1x128xi32, #tpu.memory_space<vmem>> -> memref<128xi32, #tpu.memory_space<vmem>>
    %dma_start3A_109 = arith.constant 0 : i32
    %dma_start3A_110 = arith.constant 0 : i32
    %dma_start3A_111 = tpu.memref_slice %arg6[%dma_start3A_109, %dma_start3A_110] : memref<562500x32xf32, #tpu.memory_space<hbm>> -> memref<562500x32xf32, #tpu.memory_space<hbm>>
    tpu.enqueue_indirect_dma source(%dma_start3A_111 : memref<562500x32xf32, #tpu.memory_space<hbm>>) target(%dma_start3A_105 : memref<128x32xf32, #tpu.memory_space<vmem>>) offsets(%dma_start3A_108 : memref<128xi32, #tpu.memory_space<vmem>>) semaphore(%arg18 : memref<!tpu.dma_semaphore, #tpu.memory_space<semaphore_mem>>)
    %dma_start3A_112 = arith.constant 0 : i32
    %dma_start3A_113 = arith.constant 1 : i32
    %dma_start3A_114 = arith.constant 0 : i32
    %dma_start3A_115 = arith.constant 128 : i32
    %dma_start3A_116 = arith.constant 0 : i32
    %dma_start3A_117 = tpu.memref_slice %arg13[%dma_start3A_114, %dma_start3A_115, %dma_start3A_116] : memref<2x1024x32xf32, #tpu.memory_space<vmem>> -> memref<1x128x32xf32, #tpu.memory_space<vmem>>
    %dma_start3A_118 = tpu.memref_squeeze %dma_start3A_117 : memref<1x128x32xf32, #tpu.memory_space<vmem>> -> memref<128x32xf32, #tpu.memory_space<vmem>>
    %dma_start3A_119 = arith.constant 0 : i32
    %dma_start3A_120 = tpu.memref_slice %arg10[%dma_start3A_112, %dma_start3A_113, %dma_start3A_119] : memref<2x8x128xi32, #tpu.memory_space<vmem>> -> memref<1x1x128xi32, #tpu.memory_space<vmem>>
    %dma_start3A_121 = tpu.memref_squeeze %dma_start3A_120 : memref<1x1x128xi32, #tpu.memory_space<vmem>> -> memref<128xi32, #tpu.memory_space<vmem>>
    %dma_start3A_122 = arith.constant 0 : i32
    %dma_start3A_123 = arith.constant 0 : i32
    %dma_start3A_124 = tpu.memref_slice %arg6[%dma_start3A_122, %dma_start3A_123] : memref<562500x32xf32, #tpu.memory_space<hbm>> -> memref<562500x32xf32, #tpu.memory_space<hbm>>
    tpu.enqueue_indirect_dma source(%dma_start3A_124 : memref<562500x32xf32, #tpu.memory_space<hbm>>) target(%dma_start3A_118 : memref<128x32xf32, #tpu.memory_space<vmem>>) offsets(%dma_start3A_121 : memref<128xi32, #tpu.memory_space<vmem>>) semaphore(%arg18 : memref<!tpu.dma_semaphore, #tpu.memory_space<semaphore_mem>>)
    %dma_start3A_125 = arith.constant 0 : i32
    %dma_start3A_126 = arith.constant 2 : i32
    %dma_start3A_127 = arith.constant 0 : i32
    %dma_start3A_128 = arith.constant 256 : i32
    %dma_start3A_129 = arith.constant 0 : i32
    %dma_start3A_130 = tpu.memref_slice %arg13[%dma_start3A_127, %dma_start3A_128, %dma_start3A_129] : memref<2x1024x32xf32, #tpu.memory_space<vmem>> -> memref<1x128x32xf32, #tpu.memory_space<vmem>>
    %dma_start3A_131 = tpu.memref_squeeze %dma_start3A_130 : memref<1x128x32xf32, #tpu.memory_space<vmem>> -> memref<128x32xf32, #tpu.memory_space<vmem>>
    %dma_start3A_132 = arith.constant 0 : i32
    %dma_start3A_133 = tpu.memref_slice %arg10[%dma_start3A_125, %dma_start3A_126, %dma_start3A_132] : memref<2x8x128xi32, #tpu.memory_space<vmem>> -> memref<1x1x128xi32, #tpu.memory_space<vmem>>
    %dma_start3A_134 = tpu.memref_squeeze %dma_start3A_133 : memref<1x1x128xi32, #tpu.memory_space<vmem>> -> memref<128xi32, #tpu.memory_space<vmem>>
    %dma_start3A_135 = arith.constant 0 : i32
    %dma_start3A_136 = arith.constant 0 : i32
    %dma_start3A_137 = tpu.memref_slice %arg6[%dma_start3A_135, %dma_start3A_136] : memref<562500x32xf32, #tpu.memory_space<hbm>> -> memref<562500x32xf32, #tpu.memory_space<hbm>>
    tpu.enqueue_indirect_dma source(%dma_start3A_137 : memref<562500x32xf32, #tpu.memory_space<hbm>>) target(%dma_start3A_131 : memref<128x32xf32, #tpu.memory_space<vmem>>) offsets(%dma_start3A_134 : memref<128xi32, #tpu.memory_space<vmem>>) semaphore(%arg18 : memref<!tpu.dma_semaphore, #tpu.memory_space<semaphore_mem>>)
    %dma_start3A_138 = arith.constant 0 : i32
    %dma_start3A_139 = arith.constant 3 : i32
    %dma_start3A_140 = arith.constant 0 : i32
    %dma_start3A_141 = arith.constant 384 : i32
    %dma_start3A_142 = arith.constant 0 : i32
    %dma_start3A_143 = tpu.memref_slice %arg13[%dma_start3A_140, %dma_start3A_141, %dma_start3A_142] : memref<2x1024x32xf32, #tpu.memory_space<vmem>> -> memref<1x128x32xf32, #tpu.memory_space<vmem>>
    %dma_start3A_144 = tpu.memref_squeeze %dma_start3A_143 : memref<1x128x32xf32, #tpu.memory_space<vmem>> -> memref<128x32xf32, #tpu.memory_space<vmem>>
    %dma_start3A_145 = arith.constant 0 : i32
    %dma_start3A_146 = tpu.memref_slice %arg10[%dma_start3A_138, %dma_start3A_139, %dma_start3A_145] : memref<2x8x128xi32, #tpu.memory_space<vmem>> -> memref<1x1x128xi32, #tpu.memory_space<vmem>>
    %dma_start3A_147 = tpu.memref_squeeze %dma_start3A_146 : memref<1x1x128xi32, #tpu.memory_space<vmem>> -> memref<128xi32, #tpu.memory_space<vmem>>
    %dma_start3A_148 = arith.constant 0 : i32
    %dma_start3A_149 = arith.constant 0 : i32
    %dma_start3A_150 = tpu.memref_slice %arg6[%dma_start3A_148, %dma_start3A_149] : memref<562500x32xf32, #tpu.memory_space<hbm>> -> memref<562500x32xf32, #tpu.memory_space<hbm>>
    tpu.enqueue_indirect_dma source(%dma_start3A_150 : memref<562500x32xf32, #tpu.memory_space<hbm>>) target(%dma_start3A_144 : memref<128x32xf32, #tpu.memory_space<vmem>>) offsets(%dma_start3A_147 : memref<128xi32, #tpu.memory_space<vmem>>) semaphore(%arg18 : memref<!tpu.dma_semaphore, #tpu.memory_space<semaphore_mem>>)
    %dma_start3A_151 = arith.constant 0 : i32
    %dma_start3A_152 = arith.constant 4 : i32
    %dma_start3A_153 = arith.constant 0 : i32
    %dma_start3A_154 = arith.constant 512 : i32
    %dma_start3A_155 = arith.constant 0 : i32
    %dma_start3A_156 = tpu.memref_slice %arg13[%dma_start3A_153, %dma_start3A_154, %dma_start3A_155] : memref<2x1024x32xf32, #tpu.memory_space<vmem>> -> memref<1x128x32xf32, #tpu.memory_space<vmem>>
    %dma_start3A_157 = tpu.memref_squeeze %dma_start3A_156 : memref<1x128x32xf32, #tpu.memory_space<vmem>> -> memref<128x32xf32, #tpu.memory_space<vmem>>
    %dma_start3A_158 = arith.constant 0 : i32
    %dma_start3A_159 = tpu.memref_slice %arg10[%dma_start3A_151, %dma_start3A_152, %dma_start3A_158] : memref<2x8x128xi32, #tpu.memory_space<vmem>> -> memref<1x1x128xi32, #tpu.memory_space<vmem>>
    %dma_start3A_160 = tpu.memref_squeeze %dma_start3A_159 : memref<1x1x128xi32, #tpu.memory_space<vmem>> -> memref<128xi32, #tpu.memory_space<vmem>>
    %dma_start3A_161 = arith.constant 0 : i32
    %dma_start3A_162 = arith.constant 0 : i32
    %dma_start3A_163 = tpu.memref_slice %arg6[%dma_start3A_161, %dma_start3A_162] : memref<562500x32xf32, #tpu.memory_space<hbm>> -> memref<562500x32xf32, #tpu.memory_space<hbm>>
    tpu.enqueue_indirect_dma source(%dma_start3A_163 : memref<562500x32xf32, #tpu.memory_space<hbm>>) target(%dma_start3A_157 : memref<128x32xf32, #tpu.memory_space<vmem>>) offsets(%dma_start3A_160 : memref<128xi32, #tpu.memory_space<vmem>>) semaphore(%arg18 : memref<!tpu.dma_semaphore, #tpu.memory_space<semaphore_mem>>)
    %dma_start3A_164 = arith.constant 0 : i32
    %dma_start3A_165 = arith.constant 5 : i32
    %dma_start3A_166 = arith.constant 0 : i32
    %dma_start3A_167 = arith.constant 640 : i32
    %dma_start3A_168 = arith.constant 0 : i32
    %dma_start3A_169 = tpu.memref_slice %arg13[%dma_start3A_166, %dma_start3A_167, %dma_start3A_168] : memref<2x1024x32xf32, #tpu.memory_space<vmem>> -> memref<1x128x32xf32, #tpu.memory_space<vmem>>
    %dma_start3A_170 = tpu.memref_squeeze %dma_start3A_169 : memref<1x128x32xf32, #tpu.memory_space<vmem>> -> memref<128x32xf32, #tpu.memory_space<vmem>>
    %dma_start3A_171 = arith.constant 0 : i32
    %dma_start3A_172 = tpu.memref_slice %arg10[%dma_start3A_164, %dma_start3A_165, %dma_start3A_171] : memref<2x8x128xi32, #tpu.memory_space<vmem>> -> memref<1x1x128xi32, #tpu.memory_space<vmem>>
    %dma_start3A_173 = tpu.memref_squeeze %dma_start3A_172 : memref<1x1x128xi32, #tpu.memory_space<vmem>> -> memref<128xi32, #tpu.memory_space<vmem>>
    %dma_start3A_174 = arith.constant 0 : i32
    %dma_start3A_175 = arith.constant 0 : i32
    %dma_start3A_176 = tpu.memref_slice %arg6[%dma_start3A_174, %dma_start3A_175] : memref<562500x32xf32, #tpu.memory_space<hbm>> -> memref<562500x32xf32, #tpu.memory_space<hbm>>
    tpu.enqueue_indirect_dma source(%dma_start3A_176 : memref<562500x32xf32, #tpu.memory_space<hbm>>) target(%dma_start3A_170 : memref<128x32xf32, #tpu.memory_space<vmem>>) offsets(%dma_start3A_173 : memref<128xi32, #tpu.memory_space<vmem>>) semaphore(%arg18 : memref<!tpu.dma_semaphore, #tpu.memory_space<semaphore_mem>>)
    %dma_start3A_177 = arith.constant 0 : i32
    %dma_start3A_178 = arith.constant 6 : i32
    %dma_start3A_179 = arith.constant 0 : i32
    %dma_start3A_180 = arith.constant 768 : i32
    %dma_start3A_181 = arith.constant 0 : i32
    %dma_start3A_182 = tpu.memref_slice %arg13[%dma_start3A_179, %dma_start3A_180, %dma_start3A_181] : memref<2x1024x32xf32, #tpu.memory_space<vmem>> -> memref<1x128x32xf32, #tpu.memory_space<vmem>>
    %dma_start3A_183 = tpu.memref_squeeze %dma_start3A_182 : memref<1x128x32xf32, #tpu.memory_space<vmem>> -> memref<128x32xf32, #tpu.memory_space<vmem>>
    %dma_start3A_184 = arith.constant 0 : i32
    %dma_start3A_185 = tpu.memref_slice %arg10[%dma_start3A_177, %dma_start3A_178, %dma_start3A_184] : memref<2x8x128xi32, #tpu.memory_space<vmem>> -> memref<1x1x128xi32, #tpu.memory_space<vmem>>
    %dma_start3A_186 = tpu.memref_squeeze %dma_start3A_185 : memref<1x1x128xi32, #tpu.memory_space<vmem>> -> memref<128xi32, #tpu.memory_space<vmem>>
    %dma_start3A_187 = arith.constant 0 : i32
    %dma_start3A_188 = arith.constant 0 : i32
    %dma_start3A_189 = tpu.memref_slice %arg6[%dma_start3A_187, %dma_start3A_188] : memref<562500x32xf32, #tpu.memory_space<hbm>> -> memref<562500x32xf32, #tpu.memory_space<hbm>>
    tpu.enqueue_indirect_dma source(%dma_start3A_189 : memref<562500x32xf32, #tpu.memory_space<hbm>>) target(%dma_start3A_183 : memref<128x32xf32, #tpu.memory_space<vmem>>) offsets(%dma_start3A_186 : memref<128xi32, #tpu.memory_space<vmem>>) semaphore(%arg18 : memref<!tpu.dma_semaphore, #tpu.memory_space<semaphore_mem>>)
    %dma_start3A_190 = arith.constant 0 : i32
    %dma_start3A_191 = arith.constant 7 : i32
    %dma_start3A_192 = arith.constant 0 : i32
    %dma_start3A_193 = arith.constant 896 : i32
    %dma_start3A_194 = arith.constant 0 : i32
    %dma_start3A_195 = tpu.memref_slice %arg13[%dma_start3A_192, %dma_start3A_193, %dma_start3A_194] : memref<2x1024x32xf32, #tpu.memory_space<vmem>> -> memref<1x128x32xf32, #tpu.memory_space<vmem>>
    %dma_start3A_196 = tpu.memref_squeeze %dma_start3A_195 : memref<1x128x32xf32, #tpu.memory_space<vmem>> -> memref<128x32xf32, #tpu.memory_space<vmem>>
    %dma_start3A_197 = arith.constant 0 : i32
    %dma_start3A_198 = tpu.memref_slice %arg10[%dma_start3A_190, %dma_start3A_191, %dma_start3A_197] : memref<2x8x128xi32, #tpu.memory_space<vmem>> -> memref<1x1x128xi32, #tpu.memory_space<vmem>>
    %dma_start3A_199 = tpu.memref_squeeze %dma_start3A_198 : memref<1x1x128xi32, #tpu.memory_space<vmem>> -> memref<128xi32, #tpu.memory_space<vmem>>
    %dma_start3A_200 = arith.constant 0 : i32
    %dma_start3A_201 = arith.constant 0 : i32
    %dma_start3A_202 = tpu.memref_slice %arg6[%dma_start3A_200, %dma_start3A_201] : memref<562500x32xf32, #tpu.memory_space<hbm>> -> memref<562500x32xf32, #tpu.memory_space<hbm>>
    tpu.enqueue_indirect_dma source(%dma_start3A_202 : memref<562500x32xf32, #tpu.memory_space<hbm>>) target(%dma_start3A_196 : memref<128x32xf32, #tpu.memory_space<vmem>>) offsets(%dma_start3A_199 : memref<128xi32, #tpu.memory_space<vmem>>) semaphore(%arg18 : memref<!tpu.dma_semaphore, #tpu.memory_space<semaphore_mem>>)
    %scan3A = arith.constant 0 : i32
    %scan3A_203 = arith.constant 100 : i32
    %scan3A_204 = arith.addi %scan3A, %scan3A_203 : i32
    %scan3A_205 = arith.constant 1 : i32
    scf.for %scan3A_207 = %scan3A to %scan3A_204 step %scan3A_205  : i32 {
      %mul3A_208 = arith.constant 2 : i32
      %mul3A_209 = arith.muli %mul3A_208, %scan3A_207 : i32
      %add3A_210 = arith.constant 1 : i32
      %add3A_211 = arith.addi %mul3A_209, %add3A_210 : i32
      %mul3A_212 = arith.constant 512 : i32
      %mul3A_213 = arith.muli %add3A_211, %mul3A_212 : i32
      %add3A_214 = arith.addi %mul3A_2, %mul3A_213 : i32
      %jit3A_215 = arith.constant 64 : i32
      %div3A_216 = arith.divsi %add3A_214, %jit3A_215 : i32
      %sign3A_217 = arith.constant 0 : i32
      %sign3A_218 = arith.cmpi sgt, %add3A_214, %sign3A_217 : i32
      %sign3A_219 = arith.extui %sign3A_218 : i1 to i32
      %sign3A_220 = arith.constant 0 : i32
      %sign3A_221 = arith.cmpi slt, %add3A_214, %sign3A_220 : i32
      %sign3A_222 = arith.extui %sign3A_221 : i1 to i32
      %sign3A_223 = arith.subi %sign3A_219, %sign3A_222 : i32
      %sign3A_224 = arith.constant 0 : i32
      %sign3A_225 = arith.cmpi sgt, %jit3A_215, %sign3A_224 : i32
      %sign3A_226 = arith.extui %sign3A_225 : i1 to i32
      %sign3A_227 = arith.constant 0 : i32
      %sign3A_228 = arith.cmpi slt, %jit3A_215, %sign3A_227 : i32
      %sign3A_229 = arith.extui %sign3A_228 : i1 to i32
      %sign3A_230 = arith.subi %sign3A_226, %sign3A_229 : i32
      %ne3A_231 = arith.cmpi ne, %sign3A_223, %sign3A_230 : i32
      %rem3A_232 = arith.remsi %add3A_214, %jit3A_215 : i32
      %ne3A_233 = arith.constant 0 : i32
      %ne3A_234 = arith.cmpi ne, %rem3A_232, %ne3A_233 : i32
      %and3A_235 = arith.andi %ne3A_231, %ne3A_234 : i1
      %sub3A_236 = arith.constant 1 : i32
      %sub3A_237 = arith.subi %div3A_216, %sub3A_236 : i32
      %select_n3A_238 = arith.select %and3A_235, %sub3A_237, %div3A_216 : i32
      %multiple_of3A_239 = tpu.assume_multiple %select_n3A_238, 8 : i32
      %run_scoped3A_240 = arith.constant 1 : i32
      "tpu.region"() ({
        %run_scoped3A_584 = tpu.sem_alloc : memref<!tpu.dma_semaphore, #tpu.memory_space<semaphore_mem>>
        %dma_start3A_585 = arith.constant 0 : i32
        %dma_start3A_586 = arith.constant 0 : i32
        %dma_start3A_587 = tpu.memref_slice %arg10[%run_scoped3A_240, %dma_start3A_585, %dma_start3A_586] : memref<2x8x128xi32, #tpu.memory_space<vmem>> -> memref<1x8x128xi32, #tpu.memory_space<vmem>>
        %dma_start3A_588 = tpu.memref_squeeze %dma_start3A_587 : memref<1x8x128xi32, #tpu.memory_space<vmem>> -> memref<8x128xi32, #tpu.memory_space<vmem>>
        %dma_start3A_589 = arith.constant 0 : i32
        %dma_start3A_590 = tpu.memref_slice %arg2[%multiple_of3A_239, %dma_start3A_589] : memref<51200x128xi32, #tpu.memory_space<hbm>> -> memref<8x128xi32, #tpu.memory_space<hbm>>
        %dma_start3A_591 = arith.constant 0 : i32
        %dma_start3A_592 = arith.constant 0 : i32
        %dma_start3A_593 = tpu.memref_slice %arg10[%run_scoped3A_240, %dma_start3A_591, %dma_start3A_592] : memref<2x8x128xi32, #tpu.memory_space<vmem>> -> memref<1x8x128xi32, #tpu.memory_space<vmem>>
        %dma_start3A_594 = tpu.memref_squeeze %dma_start3A_593 : memref<1x8x128xi32, #tpu.memory_space<vmem>> -> memref<8x128xi32, #tpu.memory_space<vmem>>
        %dma_start3A_595 = arith.constant 0 : i32
        %dma_start3A_596 = tpu.memref_slice %arg2[%multiple_of3A_239, %dma_start3A_595] : memref<51200x128xi32, #tpu.memory_space<hbm>> -> memref<8x128xi32, #tpu.memory_space<hbm>>
        tpu.enqueue_dma source(%dma_start3A_596 : memref<8x128xi32, #tpu.memory_space<hbm>>) target(%dma_start3A_594 : memref<8x128xi32, #tpu.memory_space<vmem>>) target_semaphore(%run_scoped3A_584 : memref<!tpu.dma_semaphore, #tpu.memory_space<semaphore_mem>>)
        %dma_wait3A_597 = arith.constant 0 : i32
        %dma_wait3A_598 = arith.constant 0 : i32
        %dma_wait3A_599 = tpu.memref_slice %arg10[%run_scoped3A_240, %dma_wait3A_597, %dma_wait3A_598] : memref<2x8x128xi32, #tpu.memory_space<vmem>> -> memref<1x8x128xi32, #tpu.memory_space<vmem>>
        %dma_wait3A_600 = tpu.memref_squeeze %dma_wait3A_599 : memref<1x8x128xi32, #tpu.memory_space<vmem>> -> memref<8x128xi32, #tpu.memory_space<vmem>>
        %dma_wait3A_601 = arith.constant 0 : i32
        %dma_wait3A_602 = tpu.memref_slice %arg2[%multiple_of3A_239, %dma_wait3A_601] : memref<51200x128xi32, #tpu.memory_space<hbm>> -> memref<8x128xi32, #tpu.memory_space<hbm>>
        %dma_wait3A_603 = arith.constant 0 : i32
        %dma_wait3A_604 = arith.constant 0 : i32
        %dma_wait3A_605 = tpu.memref_slice %arg10[%run_scoped3A_240, %dma_wait3A_603, %dma_wait3A_604] : memref<2x8x128xi32, #tpu.memory_space<vmem>> -> memref<1x8x128xi32, #tpu.memory_space<vmem>>
        %dma_wait3A_606 = tpu.memref_squeeze %dma_wait3A_605 : memref<1x8x128xi32, #tpu.memory_space<vmem>> -> memref<8x128xi32, #tpu.memory_space<vmem>>
        %dma_wait3A_607 = arith.constant 0 : i32
        %dma_wait3A_608 = tpu.memref_slice %arg2[%multiple_of3A_239, %dma_wait3A_607] : memref<51200x128xi32, #tpu.memory_space<hbm>> -> memref<8x128xi32, #tpu.memory_space<hbm>>
        tpu.wait_dma2 semaphore(%run_scoped3A_584 : memref<!tpu.dma_semaphore, #tpu.memory_space<semaphore_mem>>) src(%dma_wait3A_608 : memref<8x128xi32, #tpu.memory_space<hbm>>) dst(%dma_wait3A_606 : memref<8x128xi32, #tpu.memory_space<vmem>>)
        tpu.yield
      }) : () -> ()
      %run_scoped3A_241 = arith.constant 1 : i32
      "tpu.region"() ({
        %run_scoped3A_584 = tpu.sem_alloc : memref<!tpu.dma_semaphore, #tpu.memory_space<semaphore_mem>>
        %dma_start3A_585 = arith.constant 0 : i32
        %dma_start3A_586 = tpu.memref_slice %arg11[%run_scoped3A_241, %dma_start3A_585] : memref<2x512xi32, #tpu.memory_space<vmem>> -> memref<1x512xi32, #tpu.memory_space<vmem>>
        %dma_start3A_587 = tpu.memref_squeeze %dma_start3A_586 : memref<1x512xi32, #tpu.memory_space<vmem>> -> memref<512xi32, #tpu.memory_space<vmem>>
        %dma_start3A_588 = tpu.memref_slice %arg3[%add3A_214] : memref<3276800xi32, #tpu.memory_space<hbm>> -> memref<512xi32, #tpu.memory_space<hbm>>
        %dma_start3A_589 = arith.constant 0 : i32
        %dma_start3A_590 = tpu.memref_slice %arg11[%run_scoped3A_241, %dma_start3A_589] : memref<2x512xi32, #tpu.memory_space<vmem>> -> memref<1x512xi32, #tpu.memory_space<vmem>>
        %dma_start3A_591 = tpu.memref_squeeze %dma_start3A_590 : memref<1x512xi32, #tpu.memory_space<vmem>> -> memref<512xi32, #tpu.memory_space<vmem>>
        %dma_start3A_592 = tpu.memref_slice %arg3[%add3A_214] : memref<3276800xi32, #tpu.memory_space<hbm>> -> memref<512xi32, #tpu.memory_space<hbm>>
        tpu.enqueue_dma source(%dma_start3A_592 : memref<512xi32, #tpu.memory_space<hbm>>) target(%dma_start3A_591 : memref<512xi32, #tpu.memory_space<vmem>>) target_semaphore(%run_scoped3A_584 : memref<!tpu.dma_semaphore, #tpu.memory_space<semaphore_mem>>)
        %dma_wait3A_593 = arith.constant 0 : i32
        %dma_wait3A_594 = tpu.memref_slice %arg11[%run_scoped3A_241, %dma_wait3A_593] : memref<2x512xi32, #tpu.memory_space<vmem>> -> memref<1x512xi32, #tpu.memory_space<vmem>>
        %dma_wait3A_595 = tpu.memref_squeeze %dma_wait3A_594 : memref<1x512xi32, #tpu.memory_space<vmem>> -> memref<512xi32, #tpu.memory_space<vmem>>
        %dma_wait3A_596 = tpu.memref_slice %arg3[%add3A_214] : memref<3276800xi32, #tpu.memory_space<hbm>> -> memref<512xi32, #tpu.memory_space<hbm>>
        %dma_wait3A_597 = arith.constant 0 : i32
        %dma_wait3A_598 = tpu.memref_slice %arg11[%run_scoped3A_241, %dma_wait3A_597] : memref<2x512xi32, #tpu.memory_space<vmem>> -> memref<1x512xi32, #tpu.memory_space<vmem>>
        %dma_wait3A_599 = tpu.memref_squeeze %dma_wait3A_598 : memref<1x512xi32, #tpu.memory_space<vmem>> -> memref<512xi32, #tpu.memory_space<vmem>>
        %dma_wait3A_600 = tpu.memref_slice %arg3[%add3A_214] : memref<3276800xi32, #tpu.memory_space<hbm>> -> memref<512xi32, #tpu.memory_space<hbm>>
        tpu.wait_dma2 semaphore(%run_scoped3A_584 : memref<!tpu.dma_semaphore, #tpu.memory_space<semaphore_mem>>) src(%dma_wait3A_600 : memref<512xi32, #tpu.memory_space<hbm>>) dst(%dma_wait3A_599 : memref<512xi32, #tpu.memory_space<vmem>>)
        tpu.yield
      }) : () -> ()
      %run_scoped3A_242 = arith.constant 1 : i32
      "tpu.region"() ({
        %run_scoped3A_584 = tpu.sem_alloc : memref<!tpu.dma_semaphore, #tpu.memory_space<semaphore_mem>>
        %dma_start3A_585 = arith.constant 0 : i32
        %dma_start3A_586 = tpu.memref_slice %arg12[%run_scoped3A_242, %dma_start3A_585] : memref<2x512xi32, #tpu.memory_space<vmem>> -> memref<1x512xi32, #tpu.memory_space<vmem>>
        %dma_start3A_587 = tpu.memref_squeeze %dma_start3A_586 : memref<1x512xi32, #tpu.memory_space<vmem>> -> memref<512xi32, #tpu.memory_space<vmem>>
        %dma_start3A_588 = tpu.memref_slice %arg4[%add3A_214] : memref<3276800xi32, #tpu.memory_space<hbm>> -> memref<512xi32, #tpu.memory_space<hbm>>
        %dma_start3A_589 = arith.constant 0 : i32
        %dma_start3A_590 = tpu.memref_slice %arg12[%run_scoped3A_242, %dma_start3A_589] : memref<2x512xi32, #tpu.memory_space<vmem>> -> memref<1x512xi32, #tpu.memory_space<vmem>>
        %dma_start3A_591 = tpu.memref_squeeze %dma_start3A_590 : memref<1x512xi32, #tpu.memory_space<vmem>> -> memref<512xi32, #tpu.memory_space<vmem>>
        %dma_start3A_592 = tpu.memref_slice %arg4[%add3A_214] : memref<3276800xi32, #tpu.memory_space<hbm>> -> memref<512xi32, #tpu.memory_space<hbm>>
        tpu.enqueue_dma source(%dma_start3A_592 : memref<512xi32, #tpu.memory_space<hbm>>) target(%dma_start3A_591 : memref<512xi32, #tpu.memory_space<vmem>>) target_semaphore(%run_scoped3A_584 : memref<!tpu.dma_semaphore, #tpu.memory_space<semaphore_mem>>)
        %dma_wait3A_593 = arith.constant 0 : i32
        %dma_wait3A_594 = tpu.memref_slice %arg12[%run_scoped3A_242, %dma_wait3A_593] : memref<2x512xi32, #tpu.memory_space<vmem>> -> memref<1x512xi32, #tpu.memory_space<vmem>>
        %dma_wait3A_595 = tpu.memref_squeeze %dma_wait3A_594 : memref<1x512xi32, #tpu.memory_space<vmem>> -> memref<512xi32, #tpu.memory_space<vmem>>
        %dma_wait3A_596 = tpu.memref_slice %arg4[%add3A_214] : memref<3276800xi32, #tpu.memory_space<hbm>> -> memref<512xi32, #tpu.memory_space<hbm>>
        %dma_wait3A_597 = arith.constant 0 : i32
        %dma_wait3A_598 = tpu.memref_slice %arg12[%run_scoped3A_242, %dma_wait3A_597] : memref<2x512xi32, #tpu.memory_space<vmem>> -> memref<1x512xi32, #tpu.memory_space<vmem>>
        %dma_wait3A_599 = tpu.memref_squeeze %dma_wait3A_598 : memref<1x512xi32, #tpu.memory_space<vmem>> -> memref<512xi32, #tpu.memory_space<vmem>>
        %dma_wait3A_600 = tpu.memref_slice %arg4[%add3A_214] : memref<3276800xi32, #tpu.memory_space<hbm>> -> memref<512xi32, #tpu.memory_space<hbm>>
        tpu.wait_dma2 semaphore(%run_scoped3A_584 : memref<!tpu.dma_semaphore, #tpu.memory_space<semaphore_mem>>) src(%dma_wait3A_600 : memref<512xi32, #tpu.memory_space<hbm>>) dst(%dma_wait3A_599 : memref<512xi32, #tpu.memory_space<vmem>>)
        tpu.yield
      }) : () -> ()
      %dma_start3A_243 = arith.constant 1 : i32
      %dma_start3A_244 = arith.constant 0 : i32
      %dma_start3A_245 = arith.constant 1 : i32
      %dma_start3A_246 = arith.constant 0 : i32
      %dma_start3A_247 = arith.constant 0 : i32
      %dma_start3A_248 = tpu.memref_slice %arg13[%dma_start3A_245, %dma_start3A_246, %dma_start3A_247] : memref<2x1024x32xf32, #tpu.memory_space<vmem>> -> memref<1x128x32xf32, #tpu.memory_space<vmem>>
      %dma_start3A_249 = tpu.memref_squeeze %dma_start3A_248 : memref<1x128x32xf32, #tpu.memory_space<vmem>> -> memref<128x32xf32, #tpu.memory_space<vmem>>
      %dma_start3A_250 = arith.constant 0 : i32
      %dma_start3A_251 = tpu.memref_slice %arg10[%dma_start3A_243, %dma_start3A_244, %dma_start3A_250] : memref<2x8x128xi32, #tpu.memory_space<vmem>> -> memref<1x1x128xi32, #tpu.memory_space<vmem>>
      %dma_start3A_252 = tpu.memref_squeeze %dma_start3A_251 : memref<1x1x128xi32, #tpu.memory_space<vmem>> -> memref<128xi32, #tpu.memory_space<vmem>>
      %dma_start3A_253 = arith.constant 0 : i32
      %dma_start3A_254 = arith.constant 0 : i32
      %dma_start3A_255 = tpu.memref_slice %arg6[%dma_start3A_253, %dma_start3A_254] : memref<562500x32xf32, #tpu.memory_space<hbm>> -> memref<562500x32xf32, #tpu.memory_space<hbm>>
      tpu.enqueue_indirect_dma source(%dma_start3A_255 : memref<562500x32xf32, #tpu.memory_space<hbm>>) target(%dma_start3A_249 : memref<128x32xf32, #tpu.memory_space<vmem>>) offsets(%dma_start3A_252 : memref<128xi32, #tpu.memory_space<vmem>>) semaphore(%arg19 : memref<!tpu.dma_semaphore, #tpu.memory_space<semaphore_mem>>)
      %dma_start3A_256 = arith.constant 1 : i32
      %dma_start3A_257 = arith.constant 1 : i32
      %dma_start3A_258 = arith.constant 1 : i32
      %dma_start3A_259 = arith.constant 128 : i32
      %dma_start3A_260 = arith.constant 0 : i32
      %dma_start3A_261 = tpu.memref_slice %arg13[%dma_start3A_258, %dma_start3A_259, %dma_start3A_260] : memref<2x1024x32xf32, #tpu.memory_space<vmem>> -> memref<1x128x32xf32, #tpu.memory_space<vmem>>
      %dma_start3A_262 = tpu.memref_squeeze %dma_start3A_261 : memref<1x128x32xf32, #tpu.memory_space<vmem>> -> memref<128x32xf32, #tpu.memory_space<vmem>>
      %dma_start3A_263 = arith.constant 0 : i32
      %dma_start3A_264 = tpu.memref_slice %arg10[%dma_start3A_256, %dma_start3A_257, %dma_start3A_263] : memref<2x8x128xi32, #tpu.memory_space<vmem>> -> memref<1x1x128xi32, #tpu.memory_space<vmem>>
      %dma_start3A_265 = tpu.memref_squeeze %dma_start3A_264 : memref<1x1x128xi32, #tpu.memory_space<vmem>> -> memref<128xi32, #tpu.memory_space<vmem>>
      %dma_start3A_266 = arith.constant 0 : i32
      %dma_start3A_267 = arith.constant 0 : i32
      %dma_start3A_268 = tpu.memref_slice %arg6[%dma_start3A_266, %dma_start3A_267] : memref<562500x32xf32, #tpu.memory_space<hbm>> -> memref<562500x32xf32, #tpu.memory_space<hbm>>
      tpu.enqueue_indirect_dma source(%dma_start3A_268 : memref<562500x32xf32, #tpu.memory_space<hbm>>) target(%dma_start3A_262 : memref<128x32xf32, #tpu.memory_space<vmem>>) offsets(%dma_start3A_265 : memref<128xi32, #tpu.memory_space<vmem>>) semaphore(%arg19 : memref<!tpu.dma_semaphore, #tpu.memory_space<semaphore_mem>>)
      %dma_start3A_269 = arith.constant 1 : i32
      %dma_start3A_270 = arith.constant 2 : i32
      %dma_start3A_271 = arith.constant 1 : i32
      %dma_start3A_272 = arith.constant 256 : i32
      %dma_start3A_273 = arith.constant 0 : i32
      %dma_start3A_274 = tpu.memref_slice %arg13[%dma_start3A_271, %dma_start3A_272, %dma_start3A_273] : memref<2x1024x32xf32, #tpu.memory_space<vmem>> -> memref<1x128x32xf32, #tpu.memory_space<vmem>>
      %dma_start3A_275 = tpu.memref_squeeze %dma_start3A_274 : memref<1x128x32xf32, #tpu.memory_space<vmem>> -> memref<128x32xf32, #tpu.memory_space<vmem>>
      %dma_start3A_276 = arith.constant 0 : i32
      %dma_start3A_277 = tpu.memref_slice %arg10[%dma_start3A_269, %dma_start3A_270, %dma_start3A_276] : memref<2x8x128xi32, #tpu.memory_space<vmem>> -> memref<1x1x128xi32, #tpu.memory_space<vmem>>
      %dma_start3A_278 = tpu.memref_squeeze %dma_start3A_277 : memref<1x1x128xi32, #tpu.memory_space<vmem>> -> memref<128xi32, #tpu.memory_space<vmem>>
      %dma_start3A_279 = arith.constant 0 : i32
      %dma_start3A_280 = arith.constant 0 : i32
      %dma_start3A_281 = tpu.memref_slice %arg6[%dma_start3A_279, %dma_start3A_280] : memref<562500x32xf32, #tpu.memory_space<hbm>> -> memref<562500x32xf32, #tpu.memory_space<hbm>>
      tpu.enqueue_indirect_dma source(%dma_start3A_281 : memref<562500x32xf32, #tpu.memory_space<hbm>>) target(%dma_start3A_275 : memref<128x32xf32, #tpu.memory_space<vmem>>) offsets(%dma_start3A_278 : memref<128xi32, #tpu.memory_space<vmem>>) semaphore(%arg19 : memref<!tpu.dma_semaphore, #tpu.memory_space<semaphore_mem>>)
      %dma_start3A_282 = arith.constant 1 : i32
      %dma_start3A_283 = arith.constant 3 : i32
      %dma_start3A_284 = arith.constant 1 : i32
      %dma_start3A_285 = arith.constant 384 : i32
      %dma_start3A_286 = arith.constant 0 : i32
      %dma_start3A_287 = tpu.memref_slice %arg13[%dma_start3A_284, %dma_start3A_285, %dma_start3A_286] : memref<2x1024x32xf32, #tpu.memory_space<vmem>> -> memref<1x128x32xf32, #tpu.memory_space<vmem>>
      %dma_start3A_288 = tpu.memref_squeeze %dma_start3A_287 : memref<1x128x32xf32, #tpu.memory_space<vmem>> -> memref<128x32xf32, #tpu.memory_space<vmem>>
      %dma_start3A_289 = arith.constant 0 : i32
      %dma_start3A_290 = tpu.memref_slice %arg10[%dma_start3A_282, %dma_start3A_283, %dma_start3A_289] : memref<2x8x128xi32, #tpu.memory_space<vmem>> -> memref<1x1x128xi32, #tpu.memory_space<vmem>>
      %dma_start3A_291 = tpu.memref_squeeze %dma_start3A_290 : memref<1x1x128xi32, #tpu.memory_space<vmem>> -> memref<128xi32, #tpu.memory_space<vmem>>
      %dma_start3A_292 = arith.constant 0 : i32
      %dma_start3A_293 = arith.constant 0 : i32
      %dma_start3A_294 = tpu.memref_slice %arg6[%dma_start3A_292, %dma_start3A_293] : memref<562500x32xf32, #tpu.memory_space<hbm>> -> memref<562500x32xf32, #tpu.memory_space<hbm>>
      tpu.enqueue_indirect_dma source(%dma_start3A_294 : memref<562500x32xf32, #tpu.memory_space<hbm>>) target(%dma_start3A_288 : memref<128x32xf32, #tpu.memory_space<vmem>>) offsets(%dma_start3A_291 : memref<128xi32, #tpu.memory_space<vmem>>) semaphore(%arg19 : memref<!tpu.dma_semaphore, #tpu.memory_space<semaphore_mem>>)
      %dma_start3A_295 = arith.constant 1 : i32
      %dma_start3A_296 = arith.constant 4 : i32
      %dma_start3A_297 = arith.constant 1 : i32
      %dma_start3A_298 = arith.constant 512 : i32
      %dma_start3A_299 = arith.constant 0 : i32
      %dma_start3A_300 = tpu.memref_slice %arg13[%dma_start3A_297, %dma_start3A_298, %dma_start3A_299] : memref<2x1024x32xf32, #tpu.memory_space<vmem>> -> memref<1x128x32xf32, #tpu.memory_space<vmem>>
      %dma_start3A_301 = tpu.memref_squeeze %dma_start3A_300 : memref<1x128x32xf32, #tpu.memory_space<vmem>> -> memref<128x32xf32, #tpu.memory_space<vmem>>
      %dma_start3A_302 = arith.constant 0 : i32
      %dma_start3A_303 = tpu.memref_slice %arg10[%dma_start3A_295, %dma_start3A_296, %dma_start3A_302] : memref<2x8x128xi32, #tpu.memory_space<vmem>> -> memref<1x1x128xi32, #tpu.memory_space<vmem>>
      %dma_start3A_304 = tpu.memref_squeeze %dma_start3A_303 : memref<1x1x128xi32, #tpu.memory_space<vmem>> -> memref<128xi32, #tpu.memory_space<vmem>>
      %dma_start3A_305 = arith.constant 0 : i32
      %dma_start3A_306 = arith.constant 0 : i32
      %dma_start3A_307 = tpu.memref_slice %arg6[%dma_start3A_305, %dma_start3A_306] : memref<562500x32xf32, #tpu.memory_space<hbm>> -> memref<562500x32xf32, #tpu.memory_space<hbm>>
      tpu.enqueue_indirect_dma source(%dma_start3A_307 : memref<562500x32xf32, #tpu.memory_space<hbm>>) target(%dma_start3A_301 : memref<128x32xf32, #tpu.memory_space<vmem>>) offsets(%dma_start3A_304 : memref<128xi32, #tpu.memory_space<vmem>>) semaphore(%arg19 : memref<!tpu.dma_semaphore, #tpu.memory_space<semaphore_mem>>)
      %dma_start3A_308 = arith.constant 1 : i32
      %dma_start3A_309 = arith.constant 5 : i32
      %dma_start3A_310 = arith.constant 1 : i32
      %dma_start3A_311 = arith.constant 640 : i32
      %dma_start3A_312 = arith.constant 0 : i32
      %dma_start3A_313 = tpu.memref_slice %arg13[%dma_start3A_310, %dma_start3A_311, %dma_start3A_312] : memref<2x1024x32xf32, #tpu.memory_space<vmem>> -> memref<1x128x32xf32, #tpu.memory_space<vmem>>
      %dma_start3A_314 = tpu.memref_squeeze %dma_start3A_313 : memref<1x128x32xf32, #tpu.memory_space<vmem>> -> memref<128x32xf32, #tpu.memory_space<vmem>>
      %dma_start3A_315 = arith.constant 0 : i32
      %dma_start3A_316 = tpu.memref_slice %arg10[%dma_start3A_308, %dma_start3A_309, %dma_start3A_315] : memref<2x8x128xi32, #tpu.memory_space<vmem>> -> memref<1x1x128xi32, #tpu.memory_space<vmem>>
      %dma_start3A_317 = tpu.memref_squeeze %dma_start3A_316 : memref<1x1x128xi32, #tpu.memory_space<vmem>> -> memref<128xi32, #tpu.memory_space<vmem>>
      %dma_start3A_318 = arith.constant 0 : i32
      %dma_start3A_319 = arith.constant 0 : i32
      %dma_start3A_320 = tpu.memref_slice %arg6[%dma_start3A_318, %dma_start3A_319] : memref<562500x32xf32, #tpu.memory_space<hbm>> -> memref<562500x32xf32, #tpu.memory_space<hbm>>
      tpu.enqueue_indirect_dma source(%dma_start3A_320 : memref<562500x32xf32, #tpu.memory_space<hbm>>) target(%dma_start3A_314 : memref<128x32xf32, #tpu.memory_space<vmem>>) offsets(%dma_start3A_317 : memref<128xi32, #tpu.memory_space<vmem>>) semaphore(%arg19 : memref<!tpu.dma_semaphore, #tpu.memory_space<semaphore_mem>>)
      %dma_start3A_321 = arith.constant 1 : i32
      %dma_start3A_322 = arith.constant 6 : i32
      %dma_start3A_323 = arith.constant 1 : i32
      %dma_start3A_324 = arith.constant 768 : i32
      %dma_start3A_325 = arith.constant 0 : i32
      %dma_start3A_326 = tpu.memref_slice %arg13[%dma_start3A_323, %dma_start3A_324, %dma_start3A_325] : memref<2x1024x32xf32, #tpu.memory_space<vmem>> -> memref<1x128x32xf32, #tpu.memory_space<vmem>>
      %dma_start3A_327 = tpu.memref_squeeze %dma_start3A_326 : memref<1x128x32xf32, #tpu.memory_space<vmem>> -> memref<128x32xf32, #tpu.memory_space<vmem>>
      %dma_start3A_328 = arith.constant 0 : i32
      %dma_start3A_329 = tpu.memref_slice %arg10[%dma_start3A_321, %dma_start3A_322, %dma_start3A_328] : memref<2x8x128xi32, #tpu.memory_space<vmem>> -> memref<1x1x128xi32, #tpu.memory_space<vmem>>
      %dma_start3A_330 = tpu.memref_squeeze %dma_start3A_329 : memref<1x1x128xi32, #tpu.memory_space<vmem>> -> memref<128xi32, #tpu.memory_space<vmem>>
      %dma_start3A_331 = arith.constant 0 : i32
      %dma_start3A_332 = arith.constant 0 : i32
      %dma_start3A_333 = tpu.memref_slice %arg6[%dma_start3A_331, %dma_start3A_332] : memref<562500x32xf32, #tpu.memory_space<hbm>> -> memref<562500x32xf32, #tpu.memory_space<hbm>>
      tpu.enqueue_indirect_dma source(%dma_start3A_333 : memref<562500x32xf32, #tpu.memory_space<hbm>>) target(%dma_start3A_327 : memref<128x32xf32, #tpu.memory_space<vmem>>) offsets(%dma_start3A_330 : memref<128xi32, #tpu.memory_space<vmem>>) semaphore(%arg19 : memref<!tpu.dma_semaphore, #tpu.memory_space<semaphore_mem>>)
      %dma_start3A_334 = arith.constant 1 : i32
      %dma_start3A_335 = arith.constant 7 : i32
      %dma_start3A_336 = arith.constant 1 : i32
      %dma_start3A_337 = arith.constant 896 : i32
      %dma_start3A_338 = arith.constant 0 : i32
      %dma_start3A_339 = tpu.memref_slice %arg13[%dma_start3A_336, %dma_start3A_337, %dma_start3A_338] : memref<2x1024x32xf32, #tpu.memory_space<vmem>> -> memref<1x128x32xf32, #tpu.memory_space<vmem>>
      %dma_start3A_340 = tpu.memref_squeeze %dma_start3A_339 : memref<1x128x32xf32, #tpu.memory_space<vmem>> -> memref<128x32xf32, #tpu.memory_space<vmem>>
      %dma_start3A_341 = arith.constant 0 : i32
      %dma_start3A_342 = tpu.memref_slice %arg10[%dma_start3A_334, %dma_start3A_335, %dma_start3A_341] : memref<2x8x128xi32, #tpu.memory_space<vmem>> -> memref<1x1x128xi32, #tpu.memory_space<vmem>>
      %dma_start3A_343 = tpu.memref_squeeze %dma_start3A_342 : memref<1x1x128xi32, #tpu.memory_space<vmem>> -> memref<128xi32, #tpu.memory_space<vmem>>
      %dma_start3A_344 = arith.constant 0 : i32
      %dma_start3A_345 = arith.constant 0 : i32
      %dma_start3A_346 = tpu.memref_slice %arg6[%dma_start3A_344, %dma_start3A_345] : memref<562500x32xf32, #tpu.memory_space<hbm>> -> memref<562500x32xf32, #tpu.memory_space<hbm>>
      tpu.enqueue_indirect_dma source(%dma_start3A_346 : memref<562500x32xf32, #tpu.memory_space<hbm>>) target(%dma_start3A_340 : memref<128x32xf32, #tpu.memory_space<vmem>>) offsets(%dma_start3A_343 : memref<128xi32, #tpu.memory_space<vmem>>) semaphore(%arg19 : memref<!tpu.dma_semaphore, #tpu.memory_space<semaphore_mem>>)
      %mul3A_347 = arith.constant 2 : i32
      %mul3A_348 = arith.muli %mul3A_347, %scan3A_207 : i32
      %dma_wait3A = arith.constant 0 : i32
      %dma_wait3A_349 = arith.constant 0 : i32
      %dma_wait3A_350 = arith.constant 0 : i32
      %dma_wait3A_351 = arith.constant 0 : i32
      %dma_wait3A_352 = arith.constant 0 : i32
      %dma_wait3A_353 = tpu.memref_slice %arg13[%dma_wait3A_350, %dma_wait3A_351, %dma_wait3A_352] : memref<2x1024x32xf32, #tpu.memory_space<vmem>> -> memref<1x128x32xf32, #tpu.memory_space<vmem>>
      %dma_wait3A_354 = tpu.memref_squeeze %dma_wait3A_353 : memref<1x128x32xf32, #tpu.memory_space<vmem>> -> memref<128x32xf32, #tpu.memory_space<vmem>>
      %dma_wait3A_355 = arith.constant 0 : i32
      %dma_wait3A_356 = tpu.memref_slice %arg10[%dma_wait3A, %dma_wait3A_349, %dma_wait3A_355] : memref<2x8x128xi32, #tpu.memory_space<vmem>> -> memref<1x1x128xi32, #tpu.memory_space<vmem>>
      %dma_wait3A_357 = tpu.memref_squeeze %dma_wait3A_356 : memref<1x1x128xi32, #tpu.memory_space<vmem>> -> memref<128xi32, #tpu.memory_space<vmem>>
      %dma_wait3A_358 = arith.constant 0 : i32
      %dma_wait3A_359 = arith.constant 0 : i32
      %dma_wait3A_360 = tpu.memref_slice %arg6[%dma_wait3A_358, %dma_wait3A_359] : memref<562500x32xf32, #tpu.memory_space<hbm>> -> memref<562500x32xf32, #tpu.memory_space<hbm>>
      tpu.wait_indirect_dma semaphore(%arg18 : memref<!tpu.dma_semaphore, #tpu.memory_space<semaphore_mem>>) src(%dma_wait3A_360 : memref<562500x32xf32, #tpu.memory_space<hbm>>) dst(%dma_wait3A_354 : memref<128x32xf32, #tpu.memory_space<vmem>>)
      %dma_wait3A_361 = arith.constant 0 : i32
      %dma_wait3A_362 = arith.constant 1 : i32
      %dma_wait3A_363 = arith.constant 0 : i32
      %dma_wait3A_364 = arith.constant 128 : i32
      %dma_wait3A_365 = arith.constant 0 : i32
      %dma_wait3A_366 = tpu.memref_slice %arg13[%dma_wait3A_363, %dma_wait3A_364, %dma_wait3A_365] : memref<2x1024x32xf32, #tpu.memory_space<vmem>> -> memref<1x128x32xf32, #tpu.memory_space<vmem>>
      %dma_wait3A_367 = tpu.memref_squeeze %dma_wait3A_366 : memref<1x128x32xf32, #tpu.memory_space<vmem>> -> memref<128x32xf32, #tpu.memory_space<vmem>>
      %dma_wait3A_368 = arith.constant 0 : i32
      %dma_wait3A_369 = tpu.memref_slice %arg10[%dma_wait3A_361, %dma_wait3A_362, %dma_wait3A_368] : memref<2x8x128xi32, #tpu.memory_space<vmem>> -> memref<1x1x128xi32, #tpu.memory_space<vmem>>
      %dma_wait3A_370 = tpu.memref_squeeze %dma_wait3A_369 : memref<1x1x128xi32, #tpu.memory_space<vmem>> -> memref<128xi32, #tpu.memory_space<vmem>>
      %dma_wait3A_371 = arith.constant 0 : i32
      %dma_wait3A_372 = arith.constant 0 : i32
      %dma_wait3A_373 = tpu.memref_slice %arg6[%dma_wait3A_371, %dma_wait3A_372] : memref<562500x32xf32, #tpu.memory_space<hbm>> -> memref<562500x32xf32, #tpu.memory_space<hbm>>
      tpu.wait_indirect_dma semaphore(%arg18 : memref<!tpu.dma_semaphore, #tpu.memory_space<semaphore_mem>>) src(%dma_wait3A_373 : memref<562500x32xf32, #tpu.memory_space<hbm>>) dst(%dma_wait3A_367 : memref<128x32xf32, #tpu.memory_space<vmem>>)
      %dma_wait3A_374 = arith.constant 0 : i32
      %dma_wait3A_375 = arith.constant 2 : i32
      %dma_wait3A_376 = arith.constant 0 : i32
      %dma_wait3A_377 = arith.constant 256 : i32
      %dma_wait3A_378 = arith.constant 0 : i32
      %dma_wait3A_379 = tpu.memref_slice %arg13[%dma_wait3A_376, %dma_wait3A_377, %dma_wait3A_378] : memref<2x1024x32xf32, #tpu.memory_space<vmem>> -> memref<1x128x32xf32, #tpu.memory_space<vmem>>
      %dma_wait3A_380 = tpu.memref_squeeze %dma_wait3A_379 : memref<1x128x32xf32, #tpu.memory_space<vmem>> -> memref<128x32xf32, #tpu.memory_space<vmem>>
      %dma_wait3A_381 = arith.constant 0 : i32
      %dma_wait3A_382 = tpu.memref_slice %arg10[%dma_wait3A_374, %dma_wait3A_375, %dma_wait3A_381] : memref<2x8x128xi32, #tpu.memory_space<vmem>> -> memref<1x1x128xi32, #tpu.memory_space<vmem>>
      %dma_wait3A_383 = tpu.memref_squeeze %dma_wait3A_382 : memref<1x1x128xi32, #tpu.memory_space<vmem>> -> memref<128xi32, #tpu.memory_space<vmem>>
      %dma_wait3A_384 = arith.constant 0 : i32
      %dma_wait3A_385 = arith.constant 0 : i32
      %dma_wait3A_386 = tpu.memref_slice %arg6[%dma_wait3A_384, %dma_wait3A_385] : memref<562500x32xf32, #tpu.memory_space<hbm>> -> memref<562500x32xf32, #tpu.memory_space<hbm>>
      tpu.wait_indirect_dma semaphore(%arg18 : memref<!tpu.dma_semaphore, #tpu.memory_space<semaphore_mem>>) src(%dma_wait3A_386 : memref<562500x32xf32, #tpu.memory_space<hbm>>) dst(%dma_wait3A_380 : memref<128x32xf32, #tpu.memory_space<vmem>>)
      %dma_wait3A_387 = arith.constant 0 : i32
      %dma_wait3A_388 = arith.constant 3 : i32
      %dma_wait3A_389 = arith.constant 0 : i32
      %dma_wait3A_390 = arith.constant 384 : i32
      %dma_wait3A_391 = arith.constant 0 : i32
      %dma_wait3A_392 = tpu.memref_slice %arg13[%dma_wait3A_389, %dma_wait3A_390, %dma_wait3A_391] : memref<2x1024x32xf32, #tpu.memory_space<vmem>> -> memref<1x128x32xf32, #tpu.memory_space<vmem>>
      %dma_wait3A_393 = tpu.memref_squeeze %dma_wait3A_392 : memref<1x128x32xf32, #tpu.memory_space<vmem>> -> memref<128x32xf32, #tpu.memory_space<vmem>>
      %dma_wait3A_394 = arith.constant 0 : i32
      %dma_wait3A_395 = tpu.memref_slice %arg10[%dma_wait3A_387, %dma_wait3A_388, %dma_wait3A_394] : memref<2x8x128xi32, #tpu.memory_space<vmem>> -> memref<1x1x128xi32, #tpu.memory_space<vmem>>
      %dma_wait3A_396 = tpu.memref_squeeze %dma_wait3A_395 : memref<1x1x128xi32, #tpu.memory_space<vmem>> -> memref<128xi32, #tpu.memory_space<vmem>>
      %dma_wait3A_397 = arith.constant 0 : i32
      %dma_wait3A_398 = arith.constant 0 : i32
      %dma_wait3A_399 = tpu.memref_slice %arg6[%dma_wait3A_397, %dma_wait3A_398] : memref<562500x32xf32, #tpu.memory_space<hbm>> -> memref<562500x32xf32, #tpu.memory_space<hbm>>
      tpu.wait_indirect_dma semaphore(%arg18 : memref<!tpu.dma_semaphore, #tpu.memory_space<semaphore_mem>>) src(%dma_wait3A_399 : memref<562500x32xf32, #tpu.memory_space<hbm>>) dst(%dma_wait3A_393 : memref<128x32xf32, #tpu.memory_space<vmem>>)
      %dma_wait3A_400 = arith.constant 0 : i32
      %dma_wait3A_401 = arith.constant 4 : i32
      %dma_wait3A_402 = arith.constant 0 : i32
      %dma_wait3A_403 = arith.constant 512 : i32
      %dma_wait3A_404 = arith.constant 0 : i32
      %dma_wait3A_405 = tpu.memref_slice %arg13[%dma_wait3A_402, %dma_wait3A_403, %dma_wait3A_404] : memref<2x1024x32xf32, #tpu.memory_space<vmem>> -> memref<1x128x32xf32, #tpu.memory_space<vmem>>
      %dma_wait3A_406 = tpu.memref_squeeze %dma_wait3A_405 : memref<1x128x32xf32, #tpu.memory_space<vmem>> -> memref<128x32xf32, #tpu.memory_space<vmem>>
      %dma_wait3A_407 = arith.constant 0 : i32
      %dma_wait3A_408 = tpu.memref_slice %arg10[%dma_wait3A_400, %dma_wait3A_401, %dma_wait3A_407] : memref<2x8x128xi32, #tpu.memory_space<vmem>> -> memref<1x1x128xi32, #tpu.memory_space<vmem>>
      %dma_wait3A_409 = tpu.memref_squeeze %dma_wait3A_408 : memref<1x1x128xi32, #tpu.memory_space<vmem>> -> memref<128xi32, #tpu.memory_space<vmem>>
      %dma_wait3A_410 = arith.constant 0 : i32
      %dma_wait3A_411 = arith.constant 0 : i32
      %dma_wait3A_412 = tpu.memref_slice %arg6[%dma_wait3A_410, %dma_wait3A_411] : memref<562500x32xf32, #tpu.memory_space<hbm>> -> memref<562500x32xf32, #tpu.memory_space<hbm>>
      tpu.wait_indirect_dma semaphore(%arg18 : memref<!tpu.dma_semaphore, #tpu.memory_space<semaphore_mem>>) src(%dma_wait3A_412 : memref<562500x32xf32, #tpu.memory_space<hbm>>) dst(%dma_wait3A_406 : memref<128x32xf32, #tpu.memory_space<vmem>>)
      %dma_wait3A_413 = arith.constant 0 : i32
      %dma_wait3A_414 = arith.constant 5 : i32
      %dma_wait3A_415 = arith.constant 0 : i32
      %dma_wait3A_416 = arith.constant 640 : i32
      %dma_wait3A_417 = arith.constant 0 : i32
      %dma_wait3A_418 = tpu.memref_slice %arg13[%dma_wait3A_415, %dma_wait3A_416, %dma_wait3A_417] : memref<2x1024x32xf32, #tpu.memory_space<vmem>> -> memref<1x128x32xf32, #tpu.memory_space<vmem>>
      %dma_wait3A_419 = tpu.memref_squeeze %dma_wait3A_418 : memref<1x128x32xf32, #tpu.memory_space<vmem>> -> memref<128x32xf32, #tpu.memory_space<vmem>>
      %dma_wait3A_420 = arith.constant 0 : i32
      %dma_wait3A_421 = tpu.memref_slice %arg10[%dma_wait3A_413, %dma_wait3A_414, %dma_wait3A_420] : memref<2x8x128xi32, #tpu.memory_space<vmem>> -> memref<1x1x128xi32, #tpu.memory_space<vmem>>
      %dma_wait3A_422 = tpu.memref_squeeze %dma_wait3A_421 : memref<1x1x128xi32, #tpu.memory_space<vmem>> -> memref<128xi32, #tpu.memory_space<vmem>>
      %dma_wait3A_423 = arith.constant 0 : i32
      %dma_wait3A_424 = arith.constant 0 : i32
      %dma_wait3A_425 = tpu.memref_slice %arg6[%dma_wait3A_423, %dma_wait3A_424] : memref<562500x32xf32, #tpu.memory_space<hbm>> -> memref<562500x32xf32, #tpu.memory_space<hbm>>
      tpu.wait_indirect_dma semaphore(%arg18 : memref<!tpu.dma_semaphore, #tpu.memory_space<semaphore_mem>>) src(%dma_wait3A_425 : memref<562500x32xf32, #tpu.memory_space<hbm>>) dst(%dma_wait3A_419 : memref<128x32xf32, #tpu.memory_space<vmem>>)
      %dma_wait3A_426 = arith.constant 0 : i32
      %dma_wait3A_427 = arith.constant 6 : i32
      %dma_wait3A_428 = arith.constant 0 : i32
      %dma_wait3A_429 = arith.constant 768 : i32
      %dma_wait3A_430 = arith.constant 0 : i32
      %dma_wait3A_431 = tpu.memref_slice %arg13[%dma_wait3A_428, %dma_wait3A_429, %dma_wait3A_430] : memref<2x1024x32xf32, #tpu.memory_space<vmem>> -> memref<1x128x32xf32, #tpu.memory_space<vmem>>
      %dma_wait3A_432 = tpu.memref_squeeze %dma_wait3A_431 : memref<1x128x32xf32, #tpu.memory_space<vmem>> -> memref<128x32xf32, #tpu.memory_space<vmem>>
      %dma_wait3A_433 = arith.constant 0 : i32
      %dma_wait3A_434 = tpu.memref_slice %arg10[%dma_wait3A_426, %dma_wait3A_427, %dma_wait3A_433] : memref<2x8x128xi32, #tpu.memory_space<vmem>> -> memref<1x1x128xi32, #tpu.memory_space<vmem>>
      %dma_wait3A_435 = tpu.memref_squeeze %dma_wait3A_434 : memref<1x1x128xi32, #tpu.memory_space<vmem>> -> memref<128xi32, #tpu.memory_space<vmem>>
      %dma_wait3A_436 = arith.constant 0 : i32
      %dma_wait3A_437 = arith.constant 0 : i32
      %dma_wait3A_438 = tpu.memref_slice %arg6[%dma_wait3A_436, %dma_wait3A_437] : memref<562500x32xf32, #tpu.memory_space<hbm>> -> memref<562500x32xf32, #tpu.memory_space<hbm>>
      tpu.wait_indirect_dma semaphore(%arg18 : memref<!tpu.dma_semaphore, #tpu.memory_space<semaphore_mem>>) src(%dma_wait3A_438 : memref<562500x32xf32, #tpu.memory_space<hbm>>) dst(%dma_wait3A_432 : memref<128x32xf32, #tpu.memory_space<vmem>>)
      %dma_wait3A_439 = arith.constant 0 : i32
      %dma_wait3A_440 = arith.constant 7 : i32
      %dma_wait3A_441 = arith.constant 0 : i32
      %dma_wait3A_442 = arith.constant 896 : i32
      %dma_wait3A_443 = arith.constant 0 : i32
      %dma_wait3A_444 = tpu.memref_slice %arg13[%dma_wait3A_441, %dma_wait3A_442, %dma_wait3A_443] : memref<2x1024x32xf32, #tpu.memory_space<vmem>> -> memref<1x128x32xf32, #tpu.memory_space<vmem>>
      %dma_wait3A_445 = tpu.memref_squeeze %dma_wait3A_444 : memref<1x128x32xf32, #tpu.memory_space<vmem>> -> memref<128x32xf32, #tpu.memory_space<vmem>>
      %dma_wait3A_446 = arith.constant 0 : i32
      %dma_wait3A_447 = tpu.memref_slice %arg10[%dma_wait3A_439, %dma_wait3A_440, %dma_wait3A_446] : memref<2x8x128xi32, #tpu.memory_space<vmem>> -> memref<1x1x128xi32, #tpu.memory_space<vmem>>
      %dma_wait3A_448 = tpu.memref_squeeze %dma_wait3A_447 : memref<1x1x128xi32, #tpu.memory_space<vmem>> -> memref<128xi32, #tpu.memory_space<vmem>>
      %dma_wait3A_449 = arith.constant 0 : i32
      %dma_wait3A_450 = arith.constant 0 : i32
      %dma_wait3A_451 = tpu.memref_slice %arg6[%dma_wait3A_449, %dma_wait3A_450] : memref<562500x32xf32, #tpu.memory_space<hbm>> -> memref<562500x32xf32, #tpu.memory_space<hbm>>
      tpu.wait_indirect_dma semaphore(%arg18 : memref<!tpu.dma_semaphore, #tpu.memory_space<semaphore_mem>>) src(%dma_wait3A_451 : memref<562500x32xf32, #tpu.memory_space<hbm>>) dst(%dma_wait3A_445 : memref<128x32xf32, #tpu.memory_space<vmem>>)
      %scan3A_452 = arith.constant 0 : i32
      %scan3A_453 = arith.constant 32 : i32
      %scan3A_454 = arith.addi %scan3A_452, %scan3A_453 : i32
      %scan3A_455 = arith.constant 1 : i32
      scf.for %scan3A_584 = %scan3A_452 to %scan3A_454 step %scan3A_455  : i32 {
        %mul3A_585 = arith.constant 16 : i32
        %mul3A_586 = arith.muli %scan3A_584, %mul3A_585 : i32
        %add3A_587 = vector.broadcast %mul3A_586 : i32 to vector<16xi32>
        %add3A_588 = arith.addi %iota3A, %add3A_587 : vector<16xi32>
        %mul3A_589 = arith.constant 16 : i32
        %mul3A_590 = arith.muli %scan3A_584, %mul3A_589 : i32
        %get3A_591 = arith.constant 0 : i32
        %get3A_592 = arith.index_cast %get3A_591 : i32 to index
        %get3A_593 = arith.index_cast %mul3A_590 : i32 to index
        %get3A_594 = tpu.vector_load %arg11[%get3A_592, %get3A_593] {strides = array<i32>} : memref<2x512xi32, #tpu.memory_space<vmem>>, vector<16xi32>,
        %mul3A_595 = arith.constant 16 : i32
        %mul3A_596 = arith.muli %scan3A_584, %mul3A_595 : i32
        %get3A_597 = arith.constant 0 : i32
        %get3A_598 = arith.index_cast %get3A_597 : i32 to index
        %get3A_599 = arith.index_cast %mul3A_596 : i32 to index
        %get3A_600 = tpu.vector_load %arg12[%get3A_598, %get3A_599] {strides = array<i32>} : memref<2x512xi32, #tpu.memory_space<vmem>>, vector<16xi32>,
        %mul3A_601 = arith.constant 18 : i32
        %mul3A_602 = vector.broadcast %mul3A_601 : i32 to vector<16xi32>
        %mul3A_603 = arith.muli %get3A_600, %mul3A_602 : vector<16xi32>
        %mul3A_604 = arith.constant 64 : i32
        %mul3A_605 = vector.broadcast %mul3A_604 : i32 to vector<16xi32>
        %mul3A_606 = arith.muli %add3A_588, %mul3A_605 : vector<16xi32>
        %mul3A_607 = arith.constant 18 : i32
        %mul3A_608 = vector.broadcast %mul3A_607 : i32 to vector<16xi32>
        %mul3A_609 = arith.muli %get3A_594, %mul3A_608 : vector<16xi32>
        %and3A_610 = arith.constant 31 : i32
        %and3A_611 = vector.broadcast %and3A_610 : i32 to vector<16xi32>
        %and3A_612 = arith.andi %mul3A_609, %and3A_611 : vector<16xi32>
        %add3A_613 = arith.addi %mul3A_606, %and3A_612 : vector<16xi32>
        %add3A_614 = arith.constant 0 : i32
        %add3A_615 = vector.broadcast %add3A_614 : i32 to vector<16xi32>
        %add3A_616 = arith.addi %add3A_613, %add3A_615 : vector<16xi32>
        %shift_right_arithmetic3A = arith.constant 5 : i32
        %shift_right_arithmetic3A_617 = vector.broadcast %shift_right_arithmetic3A : i32 to vector<16xi32>
        %shift_right_arithmetic3A_618 = arith.shrsi %add3A_616, %shift_right_arithmetic3A_617 : vector<16xi32>
        %and3A_619 = arith.constant 31 : i32
        %and3A_620 = vector.broadcast %and3A_619 : i32 to vector<16xi32>
        %and3A_621 = arith.andi %add3A_616, %and3A_620 : vector<16xi32>
        %gather3A = arith.constant 0 : i32
        %gather3A_622 = arith.constant 0 : i32
        %gather3A_623 = arith.constant 0 : i32
        %gather3A_624 = tpu.memref_slice %arg13[%gather3A, %gather3A_622, %gather3A_623] : memref<2x1024x32xf32, #tpu.memory_space<vmem>> -> memref<1x1024x32xf32, #tpu.memory_space<vmem>>
        %gather3A_625 = tpu.memref_squeeze %gather3A_624 : memref<1x1024x32xf32, #tpu.memory_space<vmem>> -> memref<1024x32xf32, #tpu.memory_space<vmem>>
        %gather3A_626 = tpu.vector_load_idx %gather3A_625[%shift_right_arithmetic3A_618, %and3A_621] : memref<1024x32xf32, #tpu.memory_space<vmem>>[vector<16xi32>, vector<16xi32>], vector<16xf32>,
        %add3A_627 = arith.constant 0 : i32
        %add3A_628 = vector.broadcast %add3A_627 : i32 to vector<16xi32>
        %add3A_629 = arith.addi %mul3A_603, %add3A_628 : vector<16xi32>
        %gather3A_630 = tpu.vector_load_idx %arg15[%add3A_629] : memref<324xf32, #tpu.memory_space<vmem>>[vector<16xi32>], vector<16xf32>,
        %mul3A_631 = arith.mulf %gather3A_626, %gather3A_630 : vector<16xf32>
        %add3A_632 = arith.constant 1 : i32
        %add3A_633 = vector.broadcast %add3A_632 : i32 to vector<16xi32>
        %add3A_634 = arith.addi %add3A_613, %add3A_633 : vector<16xi32>
        %shift_right_arithmetic3A_635 = arith.constant 5 : i32
        %shift_right_arithmetic3A_636 = vector.broadcast %shift_right_arithmetic3A_635 : i32 to vector<16xi32>
        %shift_right_arithmetic3A_637 = arith.shrsi %add3A_634, %shift_right_arithmetic3A_636 : vector<16xi32>
        %and3A_638 = arith.constant 31 : i32
        %and3A_639 = vector.broadcast %and3A_638 : i32 to vector<16xi32>
        %and3A_640 = arith.andi %add3A_634, %and3A_639 : vector<16xi32>
        %gather3A_641 = arith.constant 0 : i32
        %gather3A_642 = arith.constant 0 : i32
        %gather3A_643 = arith.constant 0 : i32
        %gather3A_644 = tpu.memref_slice %arg13[%gather3A_641, %gather3A_642, %gather3A_643] : memref<2x1024x32xf32, #tpu.memory_space<vmem>> -> memref<1x1024x32xf32, #tpu.memory_space<vmem>>
        %gather3A_645 = tpu.memref_squeeze %gather3A_644 : memref<1x1024x32xf32, #tpu.memory_space<vmem>> -> memref<1024x32xf32, #tpu.memory_space<vmem>>
        %gather3A_646 = tpu.vector_load_idx %gather3A_645[%shift_right_arithmetic3A_637, %and3A_640] : memref<1024x32xf32, #tpu.memory_space<vmem>>[vector<16xi32>, vector<16xi32>], vector<16xf32>,
        %add3A_647 = arith.constant 1 : i32
        %add3A_648 = vector.broadcast %add3A_647 : i32 to vector<16xi32>
        %add3A_649 = arith.addi %mul3A_603, %add3A_648 : vector<16xi32>
        %gather3A_650 = tpu.vector_load_idx %arg15[%add3A_649] : memref<324xf32, #tpu.memory_space<vmem>>[vector<16xi32>], vector<16xf32>,
        %mul3A_651 = arith.mulf %gather3A_646, %gather3A_650 : vector<16xf32>
        %add3A_652 = arith.constant 2 : i32
        %add3A_653 = vector.broadcast %add3A_652 : i32 to vector<16xi32>
        %add3A_654 = arith.addi %add3A_613, %add3A_653 : vector<16xi32>
        %shift_right_arithmetic3A_655 = arith.constant 5 : i32
        %shift_right_arithmetic3A_656 = vector.broadcast %shift_right_arithmetic3A_655 : i32 to vector<16xi32>
        %shift_right_arithmetic3A_657 = arith.shrsi %add3A_654, %shift_right_arithmetic3A_656 : vector<16xi32>
        %and3A_658 = arith.constant 31 : i32
        %and3A_659 = vector.broadcast %and3A_658 : i32 to vector<16xi32>
        %and3A_660 = arith.andi %add3A_654, %and3A_659 : vector<16xi32>
        %gather3A_661 = arith.constant 0 : i32
        %gather3A_662 = arith.constant 0 : i32
        %gather3A_663 = arith.constant 0 : i32
        %gather3A_664 = tpu.memref_slice %arg13[%gather3A_661, %gather3A_662, %gather3A_663] : memref<2x1024x32xf32, #tpu.memory_space<vmem>> -> memref<1x1024x32xf32, #tpu.memory_space<vmem>>
        %gather3A_665 = tpu.memref_squeeze %gather3A_664 : memref<1x1024x32xf32, #tpu.memory_space<vmem>> -> memref<1024x32xf32, #tpu.memory_space<vmem>>
        %gather3A_666 = tpu.vector_load_idx %gather3A_665[%shift_right_arithmetic3A_657, %and3A_660] : memref<1024x32xf32, #tpu.memory_space<vmem>>[vector<16xi32>, vector<16xi32>], vector<16xf32>,
        %add3A_667 = arith.constant 2 : i32
        %add3A_668 = vector.broadcast %add3A_667 : i32 to vector<16xi32>
        %add3A_669 = arith.addi %mul3A_603, %add3A_668 : vector<16xi32>
        %gather3A_670 = tpu.vector_load_idx %arg15[%add3A_669] : memref<324xf32, #tpu.memory_space<vmem>>[vector<16xi32>], vector<16xf32>,
        %mul3A_671 = arith.mulf %gather3A_666, %gather3A_670 : vector<16xf32>
        %add3A_672 = arith.constant 3 : i32
        %add3A_673 = vector.broadcast %add3A_672 : i32 to vector<16xi32>
        %add3A_674 = arith.addi %add3A_613, %add3A_673 : vector<16xi32>
        %shift_right_arithmetic3A_675 = arith.constant 5 : i32
        %shift_right_arithmetic3A_676 = vector.broadcast %shift_right_arithmetic3A_675 : i32 to vector<16xi32>
        %shift_right_arithmetic3A_677 = arith.shrsi %add3A_674, %shift_right_arithmetic3A_676 : vector<16xi32>
        %and3A_678 = arith.constant 31 : i32
        %and3A_679 = vector.broadcast %and3A_678 : i32 to vector<16xi32>
        %and3A_680 = arith.andi %add3A_674, %and3A_679 : vector<16xi32>
        %gather3A_681 = arith.constant 0 : i32
        %gather3A_682 = arith.constant 0 : i32
        %gather3A_683 = arith.constant 0 : i32
        %gather3A_684 = tpu.memref_slice %arg13[%gather3A_681, %gather3A_682, %gather3A_683] : memref<2x1024x32xf32, #tpu.memory_space<vmem>> -> memref<1x1024x32xf32, #tpu.memory_space<vmem>>
        %gather3A_685 = tpu.memref_squeeze %gather3A_684 : memref<1x1024x32xf32, #tpu.memory_space<vmem>> -> memref<1024x32xf32, #tpu.memory_space<vmem>>
        %gather3A_686 = tpu.vector_load_idx %gather3A_685[%shift_right_arithmetic3A_677, %and3A_680] : memref<1024x32xf32, #tpu.memory_space<vmem>>[vector<16xi32>, vector<16xi32>], vector<16xf32>,
        %add3A_687 = arith.constant 3 : i32
        %add3A_688 = vector.broadcast %add3A_687 : i32 to vector<16xi32>
        %add3A_689 = arith.addi %mul3A_603, %add3A_688 : vector<16xi32>
        %gather3A_690 = tpu.vector_load_idx %arg15[%add3A_689] : memref<324xf32, #tpu.memory_space<vmem>>[vector<16xi32>], vector<16xf32>,
        %mul3A_691 = arith.mulf %gather3A_686, %gather3A_690 : vector<16xf32>
        %add3A_692 = arith.constant 4 : i32
        %add3A_693 = vector.broadcast %add3A_692 : i32 to vector<16xi32>
        %add3A_694 = arith.addi %add3A_613, %add3A_693 : vector<16xi32>
        %shift_right_arithmetic3A_695 = arith.constant 5 : i32
        %shift_right_arithmetic3A_696 = vector.broadcast %shift_right_arithmetic3A_695 : i32 to vector<16xi32>
        %shift_right_arithmetic3A_697 = arith.shrsi %add3A_694, %shift_right_arithmetic3A_696 : vector<16xi32>
        %and3A_698 = arith.constant 31 : i32
        %and3A_699 = vector.broadcast %and3A_698 : i32 to vector<16xi32>
        %and3A_700 = arith.andi %add3A_694, %and3A_699 : vector<16xi32>
        %gather3A_701 = arith.constant 0 : i32
        %gather3A_702 = arith.constant 0 : i32
        %gather3A_703 = arith.constant 0 : i32
        %gather3A_704 = tpu.memref_slice %arg13[%gather3A_701, %gather3A_702, %gather3A_703] : memref<2x1024x32xf32, #tpu.memory_space<vmem>> -> memref<1x1024x32xf32, #tpu.memory_space<vmem>>
        %gather3A_705 = tpu.memref_squeeze %gather3A_704 : memref<1x1024x32xf32, #tpu.memory_space<vmem>> -> memref<1024x32xf32, #tpu.memory_space<vmem>>
        %gather3A_706 = tpu.vector_load_idx %gather3A_705[%shift_right_arithmetic3A_697, %and3A_700] : memref<1024x32xf32, #tpu.memory_space<vmem>>[vector<16xi32>, vector<16xi32>], vector<16xf32>,
        %add3A_707 = arith.constant 4 : i32
        %add3A_708 = vector.broadcast %add3A_707 : i32 to vector<16xi32>
        %add3A_709 = arith.addi %mul3A_603, %add3A_708 : vector<16xi32>
        %gather3A_710 = tpu.vector_load_idx %arg15[%add3A_709] : memref<324xf32, #tpu.memory_space<vmem>>[vector<16xi32>], vector<16xf32>,
        %mul3A_711 = arith.mulf %gather3A_706, %gather3A_710 : vector<16xf32>
        %add3A_712 = arith.constant 5 : i32
        %add3A_713 = vector.broadcast %add3A_712 : i32 to vector<16xi32>
        %add3A_714 = arith.addi %add3A_613, %add3A_713 : vector<16xi32>
        %shift_right_arithmetic3A_715 = arith.constant 5 : i32
        %shift_right_arithmetic3A_716 = vector.broadcast %shift_right_arithmetic3A_715 : i32 to vector<16xi32>
        %shift_right_arithmetic3A_717 = arith.shrsi %add3A_714, %shift_right_arithmetic3A_716 : vector<16xi32>
        %and3A_718 = arith.constant 31 : i32
        %and3A_719 = vector.broadcast %and3A_718 : i32 to vector<16xi32>
        %and3A_720 = arith.andi %add3A_714, %and3A_719 : vector<16xi32>
        %gather3A_721 = arith.constant 0 : i32
        %gather3A_722 = arith.constant 0 : i32
        %gather3A_723 = arith.constant 0 : i32
        %gather3A_724 = tpu.memref_slice %arg13[%gather3A_721, %gather3A_722, %gather3A_723] : memref<2x1024x32xf32, #tpu.memory_space<vmem>> -> memref<1x1024x32xf32, #tpu.memory_space<vmem>>
        %gather3A_725 = tpu.memref_squeeze %gather3A_724 : memref<1x1024x32xf32, #tpu.memory_space<vmem>> -> memref<1024x32xf32, #tpu.memory_space<vmem>>
        %gather3A_726 = tpu.vector_load_idx %gather3A_725[%shift_right_arithmetic3A_717, %and3A_720] : memref<1024x32xf32, #tpu.memory_space<vmem>>[vector<16xi32>, vector<16xi32>], vector<16xf32>,
        %add3A_727 = arith.constant 5 : i32
        %add3A_728 = vector.broadcast %add3A_727 : i32 to vector<16xi32>
        %add3A_729 = arith.addi %mul3A_603, %add3A_728 : vector<16xi32>
        %gather3A_730 = tpu.vector_load_idx %arg15[%add3A_729] : memref<324xf32, #tpu.memory_space<vmem>>[vector<16xi32>], vector<16xf32>,
        %mul3A_731 = arith.mulf %gather3A_726, %gather3A_730 : vector<16xf32>
        %add3A_732 = arith.constant 6 : i32
        %add3A_733 = vector.broadcast %add3A_732 : i32 to vector<16xi32>
        %add3A_734 = arith.addi %add3A_613, %add3A_733 : vector<16xi32>
        %shift_right_arithmetic3A_735 = arith.constant 5 : i32
        %shift_right_arithmetic3A_736 = vector.broadcast %shift_right_arithmetic3A_735 : i32 to vector<16xi32>
        %shift_right_arithmetic3A_737 = arith.shrsi %add3A_734, %shift_right_arithmetic3A_736 : vector<16xi32>
        %and3A_738 = arith.constant 31 : i32
        %and3A_739 = vector.broadcast %and3A_738 : i32 to vector<16xi32>
        %and3A_740 = arith.andi %add3A_734, %and3A_739 : vector<16xi32>
        %gather3A_741 = arith.constant 0 : i32
        %gather3A_742 = arith.constant 0 : i32
        %gather3A_743 = arith.constant 0 : i32
        %gather3A_744 = tpu.memref_slice %arg13[%gather3A_741, %gather3A_742, %gather3A_743] : memref<2x1024x32xf32, #tpu.memory_space<vmem>> -> memref<1x1024x32xf32, #tpu.memory_space<vmem>>
        %gather3A_745 = tpu.memref_squeeze %gather3A_744 : memref<1x1024x32xf32, #tpu.memory_space<vmem>> -> memref<1024x32xf32, #tpu.memory_space<vmem>>
        %gather3A_746 = tpu.vector_load_idx %gather3A_745[%shift_right_arithmetic3A_737, %and3A_740] : memref<1024x32xf32, #tpu.memory_space<vmem>>[vector<16xi32>, vector<16xi32>], vector<16xf32>,
        %add3A_747 = arith.constant 6 : i32
        %add3A_748 = vector.broadcast %add3A_747 : i32 to vector<16xi32>
        %add3A_749 = arith.addi %mul3A_603, %add3A_748 : vector<16xi32>
        %gather3A_750 = tpu.vector_load_idx %arg15[%add3A_749] : memref<324xf32, #tpu.memory_space<vmem>>[vector<16xi32>], vector<16xf32>,
        %mul3A_751 = arith.mulf %gather3A_746, %gather3A_750 : vector<16xf32>
        %add3A_752 = arith.constant 7 : i32
        %add3A_753 = vector.broadcast %add3A_752 : i32 to vector<16xi32>
        %add3A_754 = arith.addi %add3A_613, %add3A_753 : vector<16xi32>
        %shift_right_arithmetic3A_755 = arith.constant 5 : i32
        %shift_right_arithmetic3A_756 = vector.broadcast %shift_right_arithmetic3A_755 : i32 to vector<16xi32>
        %shift_right_arithmetic3A_757 = arith.shrsi %add3A_754, %shift_right_arithmetic3A_756 : vector<16xi32>
        %and3A_758 = arith.constant 31 : i32
        %and3A_759 = vector.broadcast %and3A_758 : i32 to vector<16xi32>
        %and3A_760 = arith.andi %add3A_754, %and3A_759 : vector<16xi32>
        %gather3A_761 = arith.constant 0 : i32
        %gather3A_762 = arith.constant 0 : i32
        %gather3A_763 = arith.constant 0 : i32
        %gather3A_764 = tpu.memref_slice %arg13[%gather3A_761, %gather3A_762, %gather3A_763] : memref<2x1024x32xf32, #tpu.memory_space<vmem>> -> memref<1x1024x32xf32, #tpu.memory_space<vmem>>
        %gather3A_765 = tpu.memref_squeeze %gather3A_764 : memref<1x1024x32xf32, #tpu.memory_space<vmem>> -> memref<1024x32xf32, #tpu.memory_space<vmem>>
        %gather3A_766 = tpu.vector_load_idx %gather3A_765[%shift_right_arithmetic3A_757, %and3A_760] : memref<1024x32xf32, #tpu.memory_space<vmem>>[vector<16xi32>, vector<16xi32>], vector<16xf32>,
        %add3A_767 = arith.constant 7 : i32
        %add3A_768 = vector.broadcast %add3A_767 : i32 to vector<16xi32>
        %add3A_769 = arith.addi %mul3A_603, %add3A_768 : vector<16xi32>
        %gather3A_770 = tpu.vector_load_idx %arg15[%add3A_769] : memref<324xf32, #tpu.memory_space<vmem>>[vector<16xi32>], vector<16xf32>,
        %mul3A_771 = arith.mulf %gather3A_766, %gather3A_770 : vector<16xf32>
        %add3A_772 = arith.constant 8 : i32
        %add3A_773 = vector.broadcast %add3A_772 : i32 to vector<16xi32>
        %add3A_774 = arith.addi %add3A_613, %add3A_773 : vector<16xi32>
        %shift_right_arithmetic3A_775 = arith.constant 5 : i32
        %shift_right_arithmetic3A_776 = vector.broadcast %shift_right_arithmetic3A_775 : i32 to vector<16xi32>
        %shift_right_arithmetic3A_777 = arith.shrsi %add3A_774, %shift_right_arithmetic3A_776 : vector<16xi32>
        %and3A_778 = arith.constant 31 : i32
        %and3A_779 = vector.broadcast %and3A_778 : i32 to vector<16xi32>
        %and3A_780 = arith.andi %add3A_774, %and3A_779 : vector<16xi32>
        %gather3A_781 = arith.constant 0 : i32
        %gather3A_782 = arith.constant 0 : i32
        %gather3A_783 = arith.constant 0 : i32
        %gather3A_784 = tpu.memref_slice %arg13[%gather3A_781, %gather3A_782, %gather3A_783] : memref<2x1024x32xf32, #tpu.memory_space<vmem>> -> memref<1x1024x32xf32, #tpu.memory_space<vmem>>
        %gather3A_785 = tpu.memref_squeeze %gather3A_784 : memref<1x1024x32xf32, #tpu.memory_space<vmem>> -> memref<1024x32xf32, #tpu.memory_space<vmem>>
        %gather3A_786 = tpu.vector_load_idx %gather3A_785[%shift_right_arithmetic3A_777, %and3A_780] : memref<1024x32xf32, #tpu.memory_space<vmem>>[vector<16xi32>, vector<16xi32>], vector<16xf32>,
        %add3A_787 = arith.constant 8 : i32
        %add3A_788 = vector.broadcast %add3A_787 : i32 to vector<16xi32>
        %add3A_789 = arith.addi %mul3A_603, %add3A_788 : vector<16xi32>
        %gather3A_790 = tpu.vector_load_idx %arg15[%add3A_789] : memref<324xf32, #tpu.memory_space<vmem>>[vector<16xi32>], vector<16xf32>,
        %mul3A_791 = arith.mulf %gather3A_786, %gather3A_790 : vector<16xf32>
        %add3A_792 = arith.constant 9 : i32
        %add3A_793 = vector.broadcast %add3A_792 : i32 to vector<16xi32>
        %add3A_794 = arith.addi %add3A_613, %add3A_793 : vector<16xi32>
        %shift_right_arithmetic3A_795 = arith.constant 5 : i32
        %shift_right_arithmetic3A_796 = vector.broadcast %shift_right_arithmetic3A_795 : i32 to vector<16xi32>
        %shift_right_arithmetic3A_797 = arith.shrsi %add3A_794, %shift_right_arithmetic3A_796 : vector<16xi32>
        %and3A_798 = arith.constant 31 : i32
        %and3A_799 = vector.broadcast %and3A_798 : i32 to vector<16xi32>
        %and3A_800 = arith.andi %add3A_794, %and3A_799 : vector<16xi32>
        %gather3A_801 = arith.constant 0 : i32
        %gather3A_802 = arith.constant 0 : i32
        %gather3A_803 = arith.constant 0 : i32
        %gather3A_804 = tpu.memref_slice %arg13[%gather3A_801, %gather3A_802, %gather3A_803] : memref<2x1024x32xf32, #tpu.memory_space<vmem>> -> memref<1x1024x32xf32, #tpu.memory_space<vmem>>
        %gather3A_805 = tpu.memref_squeeze %gather3A_804 : memref<1x1024x32xf32, #tpu.memory_space<vmem>> -> memref<1024x32xf32, #tpu.memory_space<vmem>>
        %gather3A_806 = tpu.vector_load_idx %gather3A_805[%shift_right_arithmetic3A_797, %and3A_800] : memref<1024x32xf32, #tpu.memory_space<vmem>>[vector<16xi32>, vector<16xi32>], vector<16xf32>,
        %add3A_807 = arith.constant 9 : i32
        %add3A_808 = vector.broadcast %add3A_807 : i32 to vector<16xi32>
        %add3A_809 = arith.addi %mul3A_603, %add3A_808 : vector<16xi32>
        %gather3A_810 = tpu.vector_load_idx %arg15[%add3A_809] : memref<324xf32, #tpu.memory_space<vmem>>[vector<16xi32>], vector<16xf32>,
        %mul3A_811 = arith.mulf %gather3A_806, %gather3A_810 : vector<16xf32>
        %add3A_812 = arith.constant 10 : i32
        %add3A_813 = vector.broadcast %add3A_812 : i32 to vector<16xi32>
        %add3A_814 = arith.addi %add3A_613, %add3A_813 : vector<16xi32>
        %shift_right_arithmetic3A_815 = arith.constant 5 : i32
        %shift_right_arithmetic3A_816 = vector.broadcast %shift_right_arithmetic3A_815 : i32 to vector<16xi32>
        %shift_right_arithmetic3A_817 = arith.shrsi %add3A_814, %shift_right_arithmetic3A_816 : vector<16xi32>
        %and3A_818 = arith.constant 31 : i32
        %and3A_819 = vector.broadcast %and3A_818 : i32 to vector<16xi32>
        %and3A_820 = arith.andi %add3A_814, %and3A_819 : vector<16xi32>
        %gather3A_821 = arith.constant 0 : i32
        %gather3A_822 = arith.constant 0 : i32
        %gather3A_823 = arith.constant 0 : i32
        %gather3A_824 = tpu.memref_slice %arg13[%gather3A_821, %gather3A_822, %gather3A_823] : memref<2x1024x32xf32, #tpu.memory_space<vmem>> -> memref<1x1024x32xf32, #tpu.memory_space<vmem>>
        %gather3A_825 = tpu.memref_squeeze %gather3A_824 : memref<1x1024x32xf32, #tpu.memory_space<vmem>> -> memref<1024x32xf32, #tpu.memory_space<vmem>>
        %gather3A_826 = tpu.vector_load_idx %gather3A_825[%shift_right_arithmetic3A_817, %and3A_820] : memref<1024x32xf32, #tpu.memory_space<vmem>>[vector<16xi32>, vector<16xi32>], vector<16xf32>,
        %add3A_827 = arith.constant 10 : i32
        %add3A_828 = vector.broadcast %add3A_827 : i32 to vector<16xi32>
        %add3A_829 = arith.addi %mul3A_603, %add3A_828 : vector<16xi32>
        %gather3A_830 = tpu.vector_load_idx %arg15[%add3A_829] : memref<324xf32, #tpu.memory_space<vmem>>[vector<16xi32>], vector<16xf32>,
        %mul3A_831 = arith.mulf %gather3A_826, %gather3A_830 : vector<16xf32>
        %add3A_832 = arith.constant 11 : i32
        %add3A_833 = vector.broadcast %add3A_832 : i32 to vector<16xi32>
        %add3A_834 = arith.addi %add3A_613, %add3A_833 : vector<16xi32>
        %shift_right_arithmetic3A_835 = arith.constant 5 : i32
        %shift_right_arithmetic3A_836 = vector.broadcast %shift_right_arithmetic3A_835 : i32 to vector<16xi32>
        %shift_right_arithmetic3A_837 = arith.shrsi %add3A_834, %shift_right_arithmetic3A_836 : vector<16xi32>
        %and3A_838 = arith.constant 31 : i32
        %and3A_839 = vector.broadcast %and3A_838 : i32 to vector<16xi32>
        %and3A_840 = arith.andi %add3A_834, %and3A_839 : vector<16xi32>
        %gather3A_841 = arith.constant 0 : i32
        %gather3A_842 = arith.constant 0 : i32
        %gather3A_843 = arith.constant 0 : i32
        %gather3A_844 = tpu.memref_slice %arg13[%gather3A_841, %gather3A_842, %gather3A_843] : memref<2x1024x32xf32, #tpu.memory_space<vmem>> -> memref<1x1024x32xf32, #tpu.memory_space<vmem>>
        %gather3A_845 = tpu.memref_squeeze %gather3A_844 : memref<1x1024x32xf32, #tpu.memory_space<vmem>> -> memref<1024x32xf32, #tpu.memory_space<vmem>>
        %gather3A_846 = tpu.vector_load_idx %gather3A_845[%shift_right_arithmetic3A_837, %and3A_840] : memref<1024x32xf32, #tpu.memory_space<vmem>>[vector<16xi32>, vector<16xi32>], vector<16xf32>,
        %add3A_847 = arith.constant 11 : i32
        %add3A_848 = vector.broadcast %add3A_847 : i32 to vector<16xi32>
        %add3A_849 = arith.addi %mul3A_603, %add3A_848 : vector<16xi32>
        %gather3A_850 = tpu.vector_load_idx %arg15[%add3A_849] : memref<324xf32, #tpu.memory_space<vmem>>[vector<16xi32>], vector<16xf32>,
        %mul3A_851 = arith.mulf %gather3A_846, %gather3A_850 : vector<16xf32>
        %add3A_852 = arith.constant 12 : i32
        %add3A_853 = vector.broadcast %add3A_852 : i32 to vector<16xi32>
        %add3A_854 = arith.addi %add3A_613, %add3A_853 : vector<16xi32>
        %shift_right_arithmetic3A_855 = arith.constant 5 : i32
        %shift_right_arithmetic3A_856 = vector.broadcast %shift_right_arithmetic3A_855 : i32 to vector<16xi32>
        %shift_right_arithmetic3A_857 = arith.shrsi %add3A_854, %shift_right_arithmetic3A_856 : vector<16xi32>
        %and3A_858 = arith.constant 31 : i32
        %and3A_859 = vector.broadcast %and3A_858 : i32 to vector<16xi32>
        %and3A_860 = arith.andi %add3A_854, %and3A_859 : vector<16xi32>
        %gather3A_861 = arith.constant 0 : i32
        %gather3A_862 = arith.constant 0 : i32
        %gather3A_863 = arith.constant 0 : i32
        %gather3A_864 = tpu.memref_slice %arg13[%gather3A_861, %gather3A_862, %gather3A_863] : memref<2x1024x32xf32, #tpu.memory_space<vmem>> -> memref<1x1024x32xf32, #tpu.memory_space<vmem>>
        %gather3A_865 = tpu.memref_squeeze %gather3A_864 : memref<1x1024x32xf32, #tpu.memory_space<vmem>> -> memref<1024x32xf32, #tpu.memory_space<vmem>>
        %gather3A_866 = tpu.vector_load_idx %gather3A_865[%shift_right_arithmetic3A_857, %and3A_860] : memref<1024x32xf32, #tpu.memory_space<vmem>>[vector<16xi32>, vector<16xi32>], vector<16xf32>,
        %add3A_867 = arith.constant 12 : i32
        %add3A_868 = vector.broadcast %add3A_867 : i32 to vector<16xi32>
        %add3A_869 = arith.addi %mul3A_603, %add3A_868 : vector<16xi32>
        %gather3A_870 = tpu.vector_load_idx %arg15[%add3A_869] : memref<324xf32, #tpu.memory_space<vmem>>[vector<16xi32>], vector<16xf32>,
        %mul3A_871 = arith.mulf %gather3A_866, %gather3A_870 : vector<16xf32>
        %add3A_872 = arith.constant 13 : i32
        %add3A_873 = vector.broadcast %add3A_872 : i32 to vector<16xi32>
        %add3A_874 = arith.addi %add3A_613, %add3A_873 : vector<16xi32>
        %shift_right_arithmetic3A_875 = arith.constant 5 : i32
        %shift_right_arithmetic3A_876 = vector.broadcast %shift_right_arithmetic3A_875 : i32 to vector<16xi32>
        %shift_right_arithmetic3A_877 = arith.shrsi %add3A_874, %shift_right_arithmetic3A_876 : vector<16xi32>
        %and3A_878 = arith.constant 31 : i32
        %and3A_879 = vector.broadcast %and3A_878 : i32 to vector<16xi32>
        %and3A_880 = arith.andi %add3A_874, %and3A_879 : vector<16xi32>
        %gather3A_881 = arith.constant 0 : i32
        %gather3A_882 = arith.constant 0 : i32
        %gather3A_883 = arith.constant 0 : i32
        %gather3A_884 = tpu.memref_slice %arg13[%gather3A_881, %gather3A_882, %gather3A_883] : memref<2x1024x32xf32, #tpu.memory_space<vmem>> -> memref<1x1024x32xf32, #tpu.memory_space<vmem>>
        %gather3A_885 = tpu.memref_squeeze %gather3A_884 : memref<1x1024x32xf32, #tpu.memory_space<vmem>> -> memref<1024x32xf32, #tpu.memory_space<vmem>>
        %gather3A_886 = tpu.vector_load_idx %gather3A_885[%shift_right_arithmetic3A_877, %and3A_880] : memref<1024x32xf32, #tpu.memory_space<vmem>>[vector<16xi32>, vector<16xi32>], vector<16xf32>,
        %add3A_887 = arith.constant 13 : i32
        %add3A_888 = vector.broadcast %add3A_887 : i32 to vector<16xi32>
        %add3A_889 = arith.addi %mul3A_603, %add3A_888 : vector<16xi32>
        %gather3A_890 = tpu.vector_load_idx %arg15[%add3A_889] : memref<324xf32, #tpu.memory_space<vmem>>[vector<16xi32>], vector<16xf32>,
        %mul3A_891 = arith.mulf %gather3A_886, %gather3A_890 : vector<16xf32>
        %add3A_892 = arith.constant 14 : i32
        %add3A_893 = vector.broadcast %add3A_892 : i32 to vector<16xi32>
        %add3A_894 = arith.addi %add3A_613, %add3A_893 : vector<16xi32>
        %shift_right_arithmetic3A_895 = arith.constant 5 : i32
        %shift_right_arithmetic3A_896 = vector.broadcast %shift_right_arithmetic3A_895 : i32 to vector<16xi32>
        %shift_right_arithmetic3A_897 = arith.shrsi %add3A_894, %shift_right_arithmetic3A_896 : vector<16xi32>
        %and3A_898 = arith.constant 31 : i32
        %and3A_899 = vector.broadcast %and3A_898 : i32 to vector<16xi32>
        %and3A_900 = arith.andi %add3A_894, %and3A_899 : vector<16xi32>
        %gather3A_901 = arith.constant 0 : i32
        %gather3A_902 = arith.constant 0 : i32
        %gather3A_903 = arith.constant 0 : i32
        %gather3A_904 = tpu.memref_slice %arg13[%gather3A_901, %gather3A_902, %gather3A_903] : memref<2x1024x32xf32, #tpu.memory_space<vmem>> -> memref<1x1024x32xf32, #tpu.memory_space<vmem>>
        %gather3A_905 = tpu.memref_squeeze %gather3A_904 : memref<1x1024x32xf32, #tpu.memory_space<vmem>> -> memref<1024x32xf32, #tpu.memory_space<vmem>>
        %gather3A_906 = tpu.vector_load_idx %gather3A_905[%shift_right_arithmetic3A_897, %and3A_900] : memref<1024x32xf32, #tpu.memory_space<vmem>>[vector<16xi32>, vector<16xi32>], vector<16xf32>,
        %add3A_907 = arith.constant 14 : i32
        %add3A_908 = vector.broadcast %add3A_907 : i32 to vector<16xi32>
        %add3A_909 = arith.addi %mul3A_603, %add3A_908 : vector<16xi32>
        %gather3A_910 = tpu.vector_load_idx %arg15[%add3A_909] : memref<324xf32, #tpu.memory_space<vmem>>[vector<16xi32>], vector<16xf32>,
        %mul3A_911 = arith.mulf %gather3A_906, %gather3A_910 : vector<16xf32>
        %add3A_912 = arith.constant 15 : i32
        %add3A_913 = vector.broadcast %add3A_912 : i32 to vector<16xi32>
        %add3A_914 = arith.addi %add3A_613, %add3A_913 : vector<16xi32>
        %shift_right_arithmetic3A_915 = arith.constant 5 : i32
        %shift_right_arithmetic3A_916 = vector.broadcast %shift_right_arithmetic3A_915 : i32 to vector<16xi32>
        %shift_right_arithmetic3A_917 = arith.shrsi %add3A_914, %shift_right_arithmetic3A_916 : vector<16xi32>
        %and3A_918 = arith.constant 31 : i32
        %and3A_919 = vector.broadcast %and3A_918 : i32 to vector<16xi32>
        %and3A_920 = arith.andi %add3A_914, %and3A_919 : vector<16xi32>
        %gather3A_921 = arith.constant 0 : i32
        %gather3A_922 = arith.constant 0 : i32
        %gather3A_923 = arith.constant 0 : i32
        %gather3A_924 = tpu.memref_slice %arg13[%gather3A_921, %gather3A_922, %gather3A_923] : memref<2x1024x32xf32, #tpu.memory_space<vmem>> -> memref<1x1024x32xf32, #tpu.memory_space<vmem>>
        %gather3A_925 = tpu.memref_squeeze %gather3A_924 : memref<1x1024x32xf32, #tpu.memory_space<vmem>> -> memref<1024x32xf32, #tpu.memory_space<vmem>>
        %gather3A_926 = tpu.vector_load_idx %gather3A_925[%shift_right_arithmetic3A_917, %and3A_920] : memref<1024x32xf32, #tpu.memory_space<vmem>>[vector<16xi32>, vector<16xi32>], vector<16xf32>,
        %add3A_927 = arith.constant 15 : i32
        %add3A_928 = vector.broadcast %add3A_927 : i32 to vector<16xi32>
        %add3A_929 = arith.addi %mul3A_603, %add3A_928 : vector<16xi32>
        %gather3A_930 = tpu.vector_load_idx %arg15[%add3A_929] : memref<324xf32, #tpu.memory_space<vmem>>[vector<16xi32>], vector<16xf32>,
        %mul3A_931 = arith.mulf %gather3A_926, %gather3A_930 : vector<16xf32>
        %add3A_932 = arith.constant 16 : i32
        %add3A_933 = vector.broadcast %add3A_932 : i32 to vector<16xi32>
        %add3A_934 = arith.addi %add3A_613, %add3A_933 : vector<16xi32>
        %shift_right_arithmetic3A_935 = arith.constant 5 : i32
        %shift_right_arithmetic3A_936 = vector.broadcast %shift_right_arithmetic3A_935 : i32 to vector<16xi32>
        %shift_right_arithmetic3A_937 = arith.shrsi %add3A_934, %shift_right_arithmetic3A_936 : vector<16xi32>
        %and3A_938 = arith.constant 31 : i32
        %and3A_939 = vector.broadcast %and3A_938 : i32 to vector<16xi32>
        %and3A_940 = arith.andi %add3A_934, %and3A_939 : vector<16xi32>
        %gather3A_941 = arith.constant 0 : i32
        %gather3A_942 = arith.constant 0 : i32
        %gather3A_943 = arith.constant 0 : i32
        %gather3A_944 = tpu.memref_slice %arg13[%gather3A_941, %gather3A_942, %gather3A_943] : memref<2x1024x32xf32, #tpu.memory_space<vmem>> -> memref<1x1024x32xf32, #tpu.memory_space<vmem>>
        %gather3A_945 = tpu.memref_squeeze %gather3A_944 : memref<1x1024x32xf32, #tpu.memory_space<vmem>> -> memref<1024x32xf32, #tpu.memory_space<vmem>>
        %gather3A_946 = tpu.vector_load_idx %gather3A_945[%shift_right_arithmetic3A_937, %and3A_940] : memref<1024x32xf32, #tpu.memory_space<vmem>>[vector<16xi32>, vector<16xi32>], vector<16xf32>,
        %add3A_947 = arith.constant 16 : i32
        %add3A_948 = vector.broadcast %add3A_947 : i32 to vector<16xi32>
        %add3A_949 = arith.addi %mul3A_603, %add3A_948 : vector<16xi32>
        %gather3A_950 = tpu.vector_load_idx %arg15[%add3A_949] : memref<324xf32, #tpu.memory_space<vmem>>[vector<16xi32>], vector<16xf32>,
        %mul3A_951 = arith.mulf %gather3A_946, %gather3A_950 : vector<16xf32>
        %add3A_952 = arith.constant 17 : i32
        %add3A_953 = vector.broadcast %add3A_952 : i32 to vector<16xi32>
        %add3A_954 = arith.addi %add3A_613, %add3A_953 : vector<16xi32>
        %shift_right_arithmetic3A_955 = arith.constant 5 : i32
        %shift_right_arithmetic3A_956 = vector.broadcast %shift_right_arithmetic3A_955 : i32 to vector<16xi32>
        %shift_right_arithmetic3A_957 = arith.shrsi %add3A_954, %shift_right_arithmetic3A_956 : vector<16xi32>
        %and3A_958 = arith.constant 31 : i32
        %and3A_959 = vector.broadcast %and3A_958 : i32 to vector<16xi32>
        %and3A_960 = arith.andi %add3A_954, %and3A_959 : vector<16xi32>
        %gather3A_961 = arith.constant 0 : i32
        %gather3A_962 = arith.constant 0 : i32
        %gather3A_963 = arith.constant 0 : i32
        %gather3A_964 = tpu.memref_slice %arg13[%gather3A_961, %gather3A_962, %gather3A_963] : memref<2x1024x32xf32, #tpu.memory_space<vmem>> -> memref<1x1024x32xf32, #tpu.memory_space<vmem>>
        %gather3A_965 = tpu.memref_squeeze %gather3A_964 : memref<1x1024x32xf32, #tpu.memory_space<vmem>> -> memref<1024x32xf32, #tpu.memory_space<vmem>>
        %gather3A_966 = tpu.vector_load_idx %gather3A_965[%shift_right_arithmetic3A_957, %and3A_960] : memref<1024x32xf32, #tpu.memory_space<vmem>>[vector<16xi32>, vector<16xi32>], vector<16xf32>,
        %add3A_967 = arith.constant 17 : i32
        %add3A_968 = vector.broadcast %add3A_967 : i32 to vector<16xi32>
        %add3A_969 = arith.addi %mul3A_603, %add3A_968 : vector<16xi32>
        %gather3A_970 = tpu.vector_load_idx %arg15[%add3A_969] : memref<324xf32, #tpu.memory_space<vmem>>[vector<16xi32>], vector<16xf32>,
        %mul3A_971 = arith.mulf %gather3A_966, %gather3A_970 : vector<16xf32>
        %add3A_972 = arith.addf %mul3A_631, %mul3A_651 : vector<16xf32>
        %add3A_973 = arith.addf %add3A_972, %mul3A_671 : vector<16xf32>
        %add3A_974 = arith.addf %add3A_973, %mul3A_691 : vector<16xf32>
        %add3A_975 = arith.addf %add3A_974, %mul3A_711 : vector<16xf32>
        %add3A_976 = arith.addf %add3A_975, %mul3A_731 : vector<16xf32>
        %add3A_977 = arith.addf %add3A_976, %mul3A_751 : vector<16xf32>
        %add3A_978 = arith.addf %add3A_977, %mul3A_771 : vector<16xf32>
        %add3A_979 = arith.addf %add3A_978, %mul3A_791 : vector<16xf32>
        %add3A_980 = arith.addf %add3A_979, %mul3A_811 : vector<16xf32>
        %add3A_981 = arith.addf %add3A_980, %mul3A_831 : vector<16xf32>
        %add3A_982 = arith.addf %add3A_981, %mul3A_851 : vector<16xf32>
        %add3A_983 = arith.addf %add3A_982, %mul3A_871 : vector<16xf32>
        %add3A_984 = arith.addf %add3A_983, %mul3A_891 : vector<16xf32>
        %add3A_985 = arith.addf %add3A_984, %mul3A_911 : vector<16xf32>
        %add3A_986 = arith.addf %add3A_985, %mul3A_931 : vector<16xf32>
        %add3A_987 = arith.addf %add3A_986, %mul3A_951 : vector<16xf32>
        %add3A_988 = arith.addf %add3A_987, %mul3A_971 : vector<16xf32>
        %mul3A_989 = arith.constant 0.055555556 : f32
        %mul3A_990 = vector.broadcast %mul3A_989 : f32 to vector<16xf32>
        %mul3A_991 = arith.mulf %add3A_988, %mul3A_990 : vector<16xf32>
        %sub3A_992 = arith.subf %mul3A_631, %mul3A_991 : vector<16xf32>
        %sub3A_993 = arith.subf %mul3A_651, %mul3A_991 : vector<16xf32>
        %sub3A_994 = arith.subf %mul3A_671, %mul3A_991 : vector<16xf32>
        %sub3A_995 = arith.subf %mul3A_691, %mul3A_991 : vector<16xf32>
        %sub3A_996 = arith.subf %mul3A_711, %mul3A_991 : vector<16xf32>
        %sub3A_997 = arith.subf %mul3A_731, %mul3A_991 : vector<16xf32>
        %sub3A_998 = arith.subf %mul3A_751, %mul3A_991 : vector<16xf32>
        %sub3A_999 = arith.subf %mul3A_771, %mul3A_991 : vector<16xf32>
        %sub3A_1000 = arith.subf %mul3A_791, %mul3A_991 : vector<16xf32>
        %sub3A_1001 = arith.subf %mul3A_811, %mul3A_991 : vector<16xf32>
        %sub3A_1002 = arith.subf %mul3A_831, %mul3A_991 : vector<16xf32>
        %sub3A_1003 = arith.subf %mul3A_851, %mul3A_991 : vector<16xf32>
        %sub3A_1004 = arith.subf %mul3A_871, %mul3A_991 : vector<16xf32>
        %sub3A_1005 = arith.subf %mul3A_891, %mul3A_991 : vector<16xf32>
        %sub3A_1006 = arith.subf %mul3A_911, %mul3A_991 : vector<16xf32>
        %sub3A_1007 = arith.subf %mul3A_931, %mul3A_991 : vector<16xf32>
        %sub3A_1008 = arith.subf %mul3A_951, %mul3A_991 : vector<16xf32>
        %sub3A_1009 = arith.subf %mul3A_971, %mul3A_991 : vector<16xf32>
        %mul3A_1010 = arith.mulf %sub3A_992, %sub3A_992 : vector<16xf32>
        %mul3A_1011 = arith.mulf %sub3A_993, %sub3A_993 : vector<16xf32>
        %add3A_1012 = arith.addf %mul3A_1010, %mul3A_1011 : vector<16xf32>
        %mul3A_1013 = arith.mulf %sub3A_994, %sub3A_994 : vector<16xf32>
        %add3A_1014 = arith.addf %add3A_1012, %mul3A_1013 : vector<16xf32>
        %mul3A_1015 = arith.mulf %sub3A_995, %sub3A_995 : vector<16xf32>
        %add3A_1016 = arith.addf %add3A_1014, %mul3A_1015 : vector<16xf32>
        %mul3A_1017 = arith.mulf %sub3A_996, %sub3A_996 : vector<16xf32>
        %add3A_1018 = arith.addf %add3A_1016, %mul3A_1017 : vector<16xf32>
        %mul3A_1019 = arith.mulf %sub3A_997, %sub3A_997 : vector<16xf32>
        %add3A_1020 = arith.addf %add3A_1018, %mul3A_1019 : vector<16xf32>
        %mul3A_1021 = arith.mulf %sub3A_998, %sub3A_998 : vector<16xf32>
        %add3A_1022 = arith.addf %add3A_1020, %mul3A_1021 : vector<16xf32>
        %mul3A_1023 = arith.mulf %sub3A_999, %sub3A_999 : vector<16xf32>
        %add3A_1024 = arith.addf %add3A_1022, %mul3A_1023 : vector<16xf32>
        %mul3A_1025 = arith.mulf %sub3A_1000, %sub3A_1000 : vector<16xf32>
        %add3A_1026 = arith.addf %add3A_1024, %mul3A_1025 : vector<16xf32>
        %mul3A_1027 = arith.mulf %sub3A_1001, %sub3A_1001 : vector<16xf32>
        %add3A_1028 = arith.addf %add3A_1026, %mul3A_1027 : vector<16xf32>
        %mul3A_1029 = arith.mulf %sub3A_1002, %sub3A_1002 : vector<16xf32>
        %add3A_1030 = arith.addf %add3A_1028, %mul3A_1029 : vector<16xf32>
        %mul3A_1031 = arith.mulf %sub3A_1003, %sub3A_1003 : vector<16xf32>
        %add3A_1032 = arith.addf %add3A_1030, %mul3A_1031 : vector<16xf32>
        %mul3A_1033 = arith.mulf %sub3A_1004, %sub3A_1004 : vector<16xf32>
        %add3A_1034 = arith.addf %add3A_1032, %mul3A_1033 : vector<16xf32>
        %mul3A_1035 = arith.mulf %sub3A_1005, %sub3A_1005 : vector<16xf32>
        %add3A_1036 = arith.addf %add3A_1034, %mul3A_1035 : vector<16xf32>
        %mul3A_1037 = arith.mulf %sub3A_1006, %sub3A_1006 : vector<16xf32>
        %add3A_1038 = arith.addf %add3A_1036, %mul3A_1037 : vector<16xf32>
        %mul3A_1039 = arith.mulf %sub3A_1007, %sub3A_1007 : vector<16xf32>
        %add3A_1040 = arith.addf %add3A_1038, %mul3A_1039 : vector<16xf32>
        %mul3A_1041 = arith.mulf %sub3A_1008, %sub3A_1008 : vector<16xf32>
        %add3A_1042 = arith.addf %add3A_1040, %mul3A_1041 : vector<16xf32>
        %mul3A_1043 = arith.mulf %sub3A_1009, %sub3A_1009 : vector<16xf32>
        %add3A_1044 = arith.addf %add3A_1042, %mul3A_1043 : vector<16xf32>
        %mul3A_1045 = arith.constant 0.055555556 : f32
        %mul3A_1046 = vector.broadcast %mul3A_1045 : f32 to vector<16xf32>
        %mul3A_1047 = arith.mulf %add3A_1044, %mul3A_1046 : vector<16xf32>
        %add3A_1048 = arith.constant 9.99999996E-13 : f32
        %add3A_1049 = vector.broadcast %add3A_1048 : f32 to vector<16xf32>
        %add3A_1050 = arith.addf %mul3A_1047, %add3A_1049 : vector<16xf32>
        %bitcast3A = vector.bitcast %add3A_1050 : vector<16xf32> to vector<16xi32>
        %shift_right_arithmetic3A_1051 = arith.constant 1 : i32
        %shift_right_arithmetic3A_1052 = vector.broadcast %shift_right_arithmetic3A_1051 : i32 to vector<16xi32>
        %shift_right_arithmetic3A_1053 = arith.shrsi %bitcast3A, %shift_right_arithmetic3A_1052 : vector<16xi32>
        %sub3A_1054 = arith.constant 1597463007 : i32
        %sub3A_1055 = vector.broadcast %sub3A_1054 : i32 to vector<16xi32>
        %sub3A_1056 = arith.subi %sub3A_1055, %shift_right_arithmetic3A_1053 : vector<16xi32>
        %bitcast3A_1057 = vector.bitcast %sub3A_1056 : vector<16xi32> to vector<16xf32>
        %mul3A_1058 = arith.constant 5.000000e-01 : f32
        %mul3A_1059 = vector.broadcast %mul3A_1058 : f32 to vector<16xf32>
        %mul3A_1060 = arith.mulf %mul3A_1059, %add3A_1050 : vector<16xf32>
        %mul3A_1061 = arith.mulf %mul3A_1060, %bitcast3A_1057 : vector<16xf32>
        %mul3A_1062 = arith.mulf %mul3A_1061, %bitcast3A_1057 : vector<16xf32>
        %sub3A_1063 = arith.constant 1.500000e+00 : f32
        %sub3A_1064 = vector.broadcast %sub3A_1063 : f32 to vector<16xf32>
        %sub3A_1065 = arith.subf %sub3A_1064, %mul3A_1062 : vector<16xf32>
        %mul3A_1066 = arith.mulf %bitcast3A_1057, %sub3A_1065 : vector<16xf32>
        %mul3A_1067 = arith.constant 5.000000e-01 : f32
        %mul3A_1068 = vector.broadcast %mul3A_1067 : f32 to vector<16xf32>
        %mul3A_1069 = arith.mulf %mul3A_1068, %add3A_1050 : vector<16xf32>
        %mul3A_1070 = arith.mulf %mul3A_1069, %mul3A_1066 : vector<16xf32>
        %mul3A_1071 = arith.mulf %mul3A_1070, %mul3A_1066 : vector<16xf32>
        %sub3A_1072 = arith.constant 1.500000e+00 : f32
        %sub3A_1073 = vector.broadcast %sub3A_1072 : f32 to vector<16xf32>
        %sub3A_1074 = arith.subf %sub3A_1073, %mul3A_1071 : vector<16xf32>
        %mul3A_1075 = arith.mulf %mul3A_1066, %sub3A_1074 : vector<16xf32>
        %mul3A_1076 = arith.constant 5.000000e-01 : f32
        %mul3A_1077 = vector.broadcast %mul3A_1076 : f32 to vector<16xf32>
        %mul3A_1078 = arith.mulf %mul3A_1077, %add3A_1050 : vector<16xf32>
        %mul3A_1079 = arith.mulf %mul3A_1078, %mul3A_1075 : vector<16xf32>
        %mul3A_1080 = arith.mulf %mul3A_1079, %mul3A_1075 : vector<16xf32>
        %sub3A_1081 = arith.constant 1.500000e+00 : f32
        %sub3A_1082 = vector.broadcast %sub3A_1081 : f32 to vector<16xf32>
        %sub3A_1083 = arith.subf %sub3A_1082, %mul3A_1080 : vector<16xf32>
        %mul3A_1084 = arith.mulf %mul3A_1075, %sub3A_1083 : vector<16xf32>
        %mul3A_1085 = arith.constant 18 : i32
        %mul3A_1086 = vector.broadcast %mul3A_1085 : i32 to vector<16xi32>
        %mul3A_1087 = arith.muli %add3A_588, %mul3A_1086 : vector<16xi32>
        %mul3A_1088 = vector.broadcast %squeeze3A : f32 to vector<16xf32>
        %mul3A_1089 = arith.mulf %mul3A_1084, %mul3A_1088 : vector<16xf32>
        %mul3A_1090 = arith.mulf %sub3A_992, %mul3A_1089 : vector<16xf32>
        %add3A_1091 = vector.broadcast %squeeze3A_45 : f32 to vector<16xf32>
        %add3A_1092 = arith.addf %mul3A_1090, %add3A_1091 : vector<16xf32>
        %add3A_1093 = arith.constant 0 : i32
        %add3A_1094 = vector.broadcast %add3A_1093 : i32 to vector<16xi32>
        %add3A_1095 = arith.addi %mul3A_1087, %add3A_1094 : vector<16xi32>
        %scatter3A = arith.constant 0 : i32
        %scatter3A_1096 = arith.constant 0 : i32
        %scatter3A_1097 = tpu.memref_slice %arg14[%scatter3A, %scatter3A_1096] : memref<2x9216xf32, #tpu.memory_space<vmem>> -> memref<1x9216xf32, #tpu.memory_space<vmem>>
        %scatter3A_1098 = tpu.memref_squeeze %scatter3A_1097 : memref<1x9216xf32, #tpu.memory_space<vmem>> -> memref<9216xf32, #tpu.memory_space<vmem>>
        tpu.vector_store_idx %scatter3A_1098[%add3A_1095], %add3A_1092 : memref<9216xf32, #tpu.memory_space<vmem>>[vector<16xi32>], vector<16xf32>,
        %mul3A_1099 = vector.broadcast %squeeze3A_11 : f32 to vector<16xf32>
        %mul3A_1100 = arith.mulf %mul3A_1084, %mul3A_1099 : vector<16xf32>
        %mul3A_1101 = arith.mulf %sub3A_993, %mul3A_1100 : vector<16xf32>
        %add3A_1102 = vector.broadcast %squeeze3A_47 : f32 to vector<16xf32>
        %add3A_1103 = arith.addf %mul3A_1101, %add3A_1102 : vector<16xf32>
        %add3A_1104 = arith.constant 1 : i32
        %add3A_1105 = vector.broadcast %add3A_1104 : i32 to vector<16xi32>
        %add3A_1106 = arith.addi %mul3A_1087, %add3A_1105 : vector<16xi32>
        %scatter3A_1107 = arith.constant 0 : i32
        %scatter3A_1108 = arith.constant 0 : i32
        %scatter3A_1109 = tpu.memref_slice %arg14[%scatter3A_1107, %scatter3A_1108] : memref<2x9216xf32, #tpu.memory_space<vmem>> -> memref<1x9216xf32, #tpu.memory_space<vmem>>
        %scatter3A_1110 = tpu.memref_squeeze %scatter3A_1109 : memref<1x9216xf32, #tpu.memory_space<vmem>> -> memref<9216xf32, #tpu.memory_space<vmem>>
        tpu.vector_store_idx %scatter3A_1110[%add3A_1106], %add3A_1103 : memref<9216xf32, #tpu.memory_space<vmem>>[vector<16xi32>], vector<16xf32>,
        %mul3A_1111 = vector.broadcast %squeeze3A_13 : f32 to vector<16xf32>
        %mul3A_1112 = arith.mulf %mul3A_1084, %mul3A_1111 : vector<16xf32>
        %mul3A_1113 = arith.mulf %sub3A_994, %mul3A_1112 : vector<16xf32>
        %add3A_1114 = vector.broadcast %squeeze3A_49 : f32 to vector<16xf32>
        %add3A_1115 = arith.addf %mul3A_1113, %add3A_1114 : vector<16xf32>
        %add3A_1116 = arith.constant 2 : i32
        %add3A_1117 = vector.broadcast %add3A_1116 : i32 to vector<16xi32>
        %add3A_1118 = arith.addi %mul3A_1087, %add3A_1117 : vector<16xi32>
        %scatter3A_1119 = arith.constant 0 : i32
        %scatter3A_1120 = arith.constant 0 : i32
        %scatter3A_1121 = tpu.memref_slice %arg14[%scatter3A_1119, %scatter3A_1120] : memref<2x9216xf32, #tpu.memory_space<vmem>> -> memref<1x9216xf32, #tpu.memory_space<vmem>>
        %scatter3A_1122 = tpu.memref_squeeze %scatter3A_1121 : memref<1x9216xf32, #tpu.memory_space<vmem>> -> memref<9216xf32, #tpu.memory_space<vmem>>
        tpu.vector_store_idx %scatter3A_1122[%add3A_1118], %add3A_1115 : memref<9216xf32, #tpu.memory_space<vmem>>[vector<16xi32>], vector<16xf32>,
        %mul3A_1123 = vector.broadcast %squeeze3A_15 : f32 to vector<16xf32>
        %mul3A_1124 = arith.mulf %mul3A_1084, %mul3A_1123 : vector<16xf32>
        %mul3A_1125 = arith.mulf %sub3A_995, %mul3A_1124 : vector<16xf32>
        %add3A_1126 = vector.broadcast %squeeze3A_51 : f32 to vector<16xf32>
        %add3A_1127 = arith.addf %mul3A_1125, %add3A_1126 : vector<16xf32>
        %add3A_1128 = arith.constant 3 : i32
        %add3A_1129 = vector.broadcast %add3A_1128 : i32 to vector<16xi32>
        %add3A_1130 = arith.addi %mul3A_1087, %add3A_1129 : vector<16xi32>
        %scatter3A_1131 = arith.constant 0 : i32
        %scatter3A_1132 = arith.constant 0 : i32
        %scatter3A_1133 = tpu.memref_slice %arg14[%scatter3A_1131, %scatter3A_1132] : memref<2x9216xf32, #tpu.memory_space<vmem>> -> memref<1x9216xf32, #tpu.memory_space<vmem>>
        %scatter3A_1134 = tpu.memref_squeeze %scatter3A_1133 : memref<1x9216xf32, #tpu.memory_space<vmem>> -> memref<9216xf32, #tpu.memory_space<vmem>>
        tpu.vector_store_idx %scatter3A_1134[%add3A_1130], %add3A_1127 : memref<9216xf32, #tpu.memory_space<vmem>>[vector<16xi32>], vector<16xf32>,
        %mul3A_1135 = vector.broadcast %squeeze3A_17 : f32 to vector<16xf32>
        %mul3A_1136 = arith.mulf %mul3A_1084, %mul3A_1135 : vector<16xf32>
        %mul3A_1137 = arith.mulf %sub3A_996, %mul3A_1136 : vector<16xf32>
        %add3A_1138 = vector.broadcast %squeeze3A_53 : f32 to vector<16xf32>
        %add3A_1139 = arith.addf %mul3A_1137, %add3A_1138 : vector<16xf32>
        %add3A_1140 = arith.constant 4 : i32
        %add3A_1141 = vector.broadcast %add3A_1140 : i32 to vector<16xi32>
        %add3A_1142 = arith.addi %mul3A_1087, %add3A_1141 : vector<16xi32>
        %scatter3A_1143 = arith.constant 0 : i32
        %scatter3A_1144 = arith.constant 0 : i32
        %scatter3A_1145 = tpu.memref_slice %arg14[%scatter3A_1143, %scatter3A_1144] : memref<2x9216xf32, #tpu.memory_space<vmem>> -> memref<1x9216xf32, #tpu.memory_space<vmem>>
        %scatter3A_1146 = tpu.memref_squeeze %scatter3A_1145 : memref<1x9216xf32, #tpu.memory_space<vmem>> -> memref<9216xf32, #tpu.memory_space<vmem>>
        tpu.vector_store_idx %scatter3A_1146[%add3A_1142], %add3A_1139 : memref<9216xf32, #tpu.memory_space<vmem>>[vector<16xi32>], vector<16xf32>,
        %mul3A_1147 = vector.broadcast %squeeze3A_19 : f32 to vector<16xf32>
        %mul3A_1148 = arith.mulf %mul3A_1084, %mul3A_1147 : vector<16xf32>
        %mul3A_1149 = arith.mulf %sub3A_997, %mul3A_1148 : vector<16xf32>
        %add3A_1150 = vector.broadcast %squeeze3A_55 : f32 to vector<16xf32>
        %add3A_1151 = arith.addf %mul3A_1149, %add3A_1150 : vector<16xf32>
        %add3A_1152 = arith.constant 5 : i32
        %add3A_1153 = vector.broadcast %add3A_1152 : i32 to vector<16xi32>
        %add3A_1154 = arith.addi %mul3A_1087, %add3A_1153 : vector<16xi32>
        %scatter3A_1155 = arith.constant 0 : i32
        %scatter3A_1156 = arith.constant 0 : i32
        %scatter3A_1157 = tpu.memref_slice %arg14[%scatter3A_1155, %scatter3A_1156] : memref<2x9216xf32, #tpu.memory_space<vmem>> -> memref<1x9216xf32, #tpu.memory_space<vmem>>
        %scatter3A_1158 = tpu.memref_squeeze %scatter3A_1157 : memref<1x9216xf32, #tpu.memory_space<vmem>> -> memref<9216xf32, #tpu.memory_space<vmem>>
        tpu.vector_store_idx %scatter3A_1158[%add3A_1154], %add3A_1151 : memref<9216xf32, #tpu.memory_space<vmem>>[vector<16xi32>], vector<16xf32>,
        %mul3A_1159 = vector.broadcast %squeeze3A_21 : f32 to vector<16xf32>
        %mul3A_1160 = arith.mulf %mul3A_1084, %mul3A_1159 : vector<16xf32>
        %mul3A_1161 = arith.mulf %sub3A_998, %mul3A_1160 : vector<16xf32>
        %add3A_1162 = vector.broadcast %squeeze3A_57 : f32 to vector<16xf32>
        %add3A_1163 = arith.addf %mul3A_1161, %add3A_1162 : vector<16xf32>
        %add3A_1164 = arith.constant 6 : i32
        %add3A_1165 = vector.broadcast %add3A_1164 : i32 to vector<16xi32>
        %add3A_1166 = arith.addi %mul3A_1087, %add3A_1165 : vector<16xi32>
        %scatter3A_1167 = arith.constant 0 : i32
        %scatter3A_1168 = arith.constant 0 : i32
        %scatter3A_1169 = tpu.memref_slice %arg14[%scatter3A_1167, %scatter3A_1168] : memref<2x9216xf32, #tpu.memory_space<vmem>> -> memref<1x9216xf32, #tpu.memory_space<vmem>>
        %scatter3A_1170 = tpu.memref_squeeze %scatter3A_1169 : memref<1x9216xf32, #tpu.memory_space<vmem>> -> memref<9216xf32, #tpu.memory_space<vmem>>
        tpu.vector_store_idx %scatter3A_1170[%add3A_1166], %add3A_1163 : memref<9216xf32, #tpu.memory_space<vmem>>[vector<16xi32>], vector<16xf32>,
        %mul3A_1171 = vector.broadcast %squeeze3A_23 : f32 to vector<16xf32>
        %mul3A_1172 = arith.mulf %mul3A_1084, %mul3A_1171 : vector<16xf32>
        %mul3A_1173 = arith.mulf %sub3A_999, %mul3A_1172 : vector<16xf32>
        %add3A_1174 = vector.broadcast %squeeze3A_59 : f32 to vector<16xf32>
        %add3A_1175 = arith.addf %mul3A_1173, %add3A_1174 : vector<16xf32>
        %add3A_1176 = arith.constant 7 : i32
        %add3A_1177 = vector.broadcast %add3A_1176 : i32 to vector<16xi32>
        %add3A_1178 = arith.addi %mul3A_1087, %add3A_1177 : vector<16xi32>
        %scatter3A_1179 = arith.constant 0 : i32
        %scatter3A_1180 = arith.constant 0 : i32
        %scatter3A_1181 = tpu.memref_slice %arg14[%scatter3A_1179, %scatter3A_1180] : memref<2x9216xf32, #tpu.memory_space<vmem>> -> memref<1x9216xf32, #tpu.memory_space<vmem>>
        %scatter3A_1182 = tpu.memref_squeeze %scatter3A_1181 : memref<1x9216xf32, #tpu.memory_space<vmem>> -> memref<9216xf32, #tpu.memory_space<vmem>>
        tpu.vector_store_idx %scatter3A_1182[%add3A_1178], %add3A_1175 : memref<9216xf32, #tpu.memory_space<vmem>>[vector<16xi32>], vector<16xf32>,
        %mul3A_1183 = vector.broadcast %squeeze3A_25 : f32 to vector<16xf32>
        %mul3A_1184 = arith.mulf %mul3A_1084, %mul3A_1183 : vector<16xf32>
        %mul3A_1185 = arith.mulf %sub3A_1000, %mul3A_1184 : vector<16xf32>
        %add3A_1186 = vector.broadcast %squeeze3A_61 : f32 to vector<16xf32>
        %add3A_1187 = arith.addf %mul3A_1185, %add3A_1186 : vector<16xf32>
        %add3A_1188 = arith.constant 8 : i32
        %add3A_1189 = vector.broadcast %add3A_1188 : i32 to vector<16xi32>
        %add3A_1190 = arith.addi %mul3A_1087, %add3A_1189 : vector<16xi32>
        %scatter3A_1191 = arith.constant 0 : i32
        %scatter3A_1192 = arith.constant 0 : i32
        %scatter3A_1193 = tpu.memref_slice %arg14[%scatter3A_1191, %scatter3A_1192] : memref<2x9216xf32, #tpu.memory_space<vmem>> -> memref<1x9216xf32, #tpu.memory_space<vmem>>
        %scatter3A_1194 = tpu.memref_squeeze %scatter3A_1193 : memref<1x9216xf32, #tpu.memory_space<vmem>> -> memref<9216xf32, #tpu.memory_space<vmem>>
        tpu.vector_store_idx %scatter3A_1194[%add3A_1190], %add3A_1187 : memref<9216xf32, #tpu.memory_space<vmem>>[vector<16xi32>], vector<16xf32>,
        %mul3A_1195 = vector.broadcast %squeeze3A_27 : f32 to vector<16xf32>
        %mul3A_1196 = arith.mulf %mul3A_1084, %mul3A_1195 : vector<16xf32>
        %mul3A_1197 = arith.mulf %sub3A_1001, %mul3A_1196 : vector<16xf32>
        %add3A_1198 = vector.broadcast %squeeze3A_63 : f32 to vector<16xf32>
        %add3A_1199 = arith.addf %mul3A_1197, %add3A_1198 : vector<16xf32>
        %add3A_1200 = arith.constant 9 : i32
        %add3A_1201 = vector.broadcast %add3A_1200 : i32 to vector<16xi32>
        %add3A_1202 = arith.addi %mul3A_1087, %add3A_1201 : vector<16xi32>
        %scatter3A_1203 = arith.constant 0 : i32
        %scatter3A_1204 = arith.constant 0 : i32
        %scatter3A_1205 = tpu.memref_slice %arg14[%scatter3A_1203, %scatter3A_1204] : memref<2x9216xf32, #tpu.memory_space<vmem>> -> memref<1x9216xf32, #tpu.memory_space<vmem>>
        %scatter3A_1206 = tpu.memref_squeeze %scatter3A_1205 : memref<1x9216xf32, #tpu.memory_space<vmem>> -> memref<9216xf32, #tpu.memory_space<vmem>>
        tpu.vector_store_idx %scatter3A_1206[%add3A_1202], %add3A_1199 : memref<9216xf32, #tpu.memory_space<vmem>>[vector<16xi32>], vector<16xf32>,
        %mul3A_1207 = vector.broadcast %squeeze3A_29 : f32 to vector<16xf32>
        %mul3A_1208 = arith.mulf %mul3A_1084, %mul3A_1207 : vector<16xf32>
        %mul3A_1209 = arith.mulf %sub3A_1002, %mul3A_1208 : vector<16xf32>
        %add3A_1210 = vector.broadcast %squeeze3A_65 : f32 to vector<16xf32>
        %add3A_1211 = arith.addf %mul3A_1209, %add3A_1210 : vector<16xf32>
        %add3A_1212 = arith.constant 10 : i32
        %add3A_1213 = vector.broadcast %add3A_1212 : i32 to vector<16xi32>
        %add3A_1214 = arith.addi %mul3A_1087, %add3A_1213 : vector<16xi32>
        %scatter3A_1215 = arith.constant 0 : i32
        %scatter3A_1216 = arith.constant 0 : i32
        %scatter3A_1217 = tpu.memref_slice %arg14[%scatter3A_1215, %scatter3A_1216] : memref<2x9216xf32, #tpu.memory_space<vmem>> -> memref<1x9216xf32, #tpu.memory_space<vmem>>
        %scatter3A_1218 = tpu.memref_squeeze %scatter3A_1217 : memref<1x9216xf32, #tpu.memory_space<vmem>> -> memref<9216xf32, #tpu.memory_space<vmem>>
        tpu.vector_store_idx %scatter3A_1218[%add3A_1214], %add3A_1211 : memref<9216xf32, #tpu.memory_space<vmem>>[vector<16xi32>], vector<16xf32>,
        %mul3A_1219 = vector.broadcast %squeeze3A_31 : f32 to vector<16xf32>
        %mul3A_1220 = arith.mulf %mul3A_1084, %mul3A_1219 : vector<16xf32>
        %mul3A_1221 = arith.mulf %sub3A_1003, %mul3A_1220 : vector<16xf32>
        %add3A_1222 = vector.broadcast %squeeze3A_67 : f32 to vector<16xf32>
        %add3A_1223 = arith.addf %mul3A_1221, %add3A_1222 : vector<16xf32>
        %add3A_1224 = arith.constant 11 : i32
        %add3A_1225 = vector.broadcast %add3A_1224 : i32 to vector<16xi32>
        %add3A_1226 = arith.addi %mul3A_1087, %add3A_1225 : vector<16xi32>
        %scatter3A_1227 = arith.constant 0 : i32
        %scatter3A_1228 = arith.constant 0 : i32
        %scatter3A_1229 = tpu.memref_slice %arg14[%scatter3A_1227, %scatter3A_1228] : memref<2x9216xf32, #tpu.memory_space<vmem>> -> memref<1x9216xf32, #tpu.memory_space<vmem>>
        %scatter3A_1230 = tpu.memref_squeeze %scatter3A_1229 : memref<1x9216xf32, #tpu.memory_space<vmem>> -> memref<9216xf32, #tpu.memory_space<vmem>>
        tpu.vector_store_idx %scatter3A_1230[%add3A_1226], %add3A_1223 : memref<9216xf32, #tpu.memory_space<vmem>>[vector<16xi32>], vector<16xf32>,
        %mul3A_1231 = vector.broadcast %squeeze3A_33 : f32 to vector<16xf32>
        %mul3A_1232 = arith.mulf %mul3A_1084, %mul3A_1231 : vector<16xf32>
        %mul3A_1233 = arith.mulf %sub3A_1004, %mul3A_1232 : vector<16xf32>
        %add3A_1234 = vector.broadcast %squeeze3A_69 : f32 to vector<16xf32>
        %add3A_1235 = arith.addf %mul3A_1233, %add3A_1234 : vector<16xf32>
        %add3A_1236 = arith.constant 12 : i32
        %add3A_1237 = vector.broadcast %add3A_1236 : i32 to vector<16xi32>
        %add3A_1238 = arith.addi %mul3A_1087, %add3A_1237 : vector<16xi32>
        %scatter3A_1239 = arith.constant 0 : i32
        %scatter3A_1240 = arith.constant 0 : i32
        %scatter3A_1241 = tpu.memref_slice %arg14[%scatter3A_1239, %scatter3A_1240] : memref<2x9216xf32, #tpu.memory_space<vmem>> -> memref<1x9216xf32, #tpu.memory_space<vmem>>
        %scatter3A_1242 = tpu.memref_squeeze %scatter3A_1241 : memref<1x9216xf32, #tpu.memory_space<vmem>> -> memref<9216xf32, #tpu.memory_space<vmem>>
        tpu.vector_store_idx %scatter3A_1242[%add3A_1238], %add3A_1235 : memref<9216xf32, #tpu.memory_space<vmem>>[vector<16xi32>], vector<16xf32>,
        %mul3A_1243 = vector.broadcast %squeeze3A_35 : f32 to vector<16xf32>
        %mul3A_1244 = arith.mulf %mul3A_1084, %mul3A_1243 : vector<16xf32>
        %mul3A_1245 = arith.mulf %sub3A_1005, %mul3A_1244 : vector<16xf32>
        %add3A_1246 = vector.broadcast %squeeze3A_71 : f32 to vector<16xf32>
        %add3A_1247 = arith.addf %mul3A_1245, %add3A_1246 : vector<16xf32>
        %add3A_1248 = arith.constant 13 : i32
        %add3A_1249 = vector.broadcast %add3A_1248 : i32 to vector<16xi32>
        %add3A_1250 = arith.addi %mul3A_1087, %add3A_1249 : vector<16xi32>
        %scatter3A_1251 = arith.constant 0 : i32
        %scatter3A_1252 = arith.constant 0 : i32
        %scatter3A_1253 = tpu.memref_slice %arg14[%scatter3A_1251, %scatter3A_1252] : memref<2x9216xf32, #tpu.memory_space<vmem>> -> memref<1x9216xf32, #tpu.memory_space<vmem>>
        %scatter3A_1254 = tpu.memref_squeeze %scatter3A_1253 : memref<1x9216xf32, #tpu.memory_space<vmem>> -> memref<9216xf32, #tpu.memory_space<vmem>>
        tpu.vector_store_idx %scatter3A_1254[%add3A_1250], %add3A_1247 : memref<9216xf32, #tpu.memory_space<vmem>>[vector<16xi32>], vector<16xf32>,
        %mul3A_1255 = vector.broadcast %squeeze3A_37 : f32 to vector<16xf32>
        %mul3A_1256 = arith.mulf %mul3A_1084, %mul3A_1255 : vector<16xf32>
        %mul3A_1257 = arith.mulf %sub3A_1006, %mul3A_1256 : vector<16xf32>
        %add3A_1258 = vector.broadcast %squeeze3A_73 : f32 to vector<16xf32>
        %add3A_1259 = arith.addf %mul3A_1257, %add3A_1258 : vector<16xf32>
        %add3A_1260 = arith.constant 14 : i32
        %add3A_1261 = vector.broadcast %add3A_1260 : i32 to vector<16xi32>
        %add3A_1262 = arith.addi %mul3A_1087, %add3A_1261 : vector<16xi32>
        %scatter3A_1263 = arith.constant 0 : i32
        %scatter3A_1264 = arith.constant 0 : i32
        %scatter3A_1265 = tpu.memref_slice %arg14[%scatter3A_1263, %scatter3A_1264] : memref<2x9216xf32, #tpu.memory_space<vmem>> -> memref<1x9216xf32, #tpu.memory_space<vmem>>
        %scatter3A_1266 = tpu.memref_squeeze %scatter3A_1265 : memref<1x9216xf32, #tpu.memory_space<vmem>> -> memref<9216xf32, #tpu.memory_space<vmem>>
        tpu.vector_store_idx %scatter3A_1266[%add3A_1262], %add3A_1259 : memref<9216xf32, #tpu.memory_space<vmem>>[vector<16xi32>], vector<16xf32>,
        %mul3A_1267 = vector.broadcast %squeeze3A_39 : f32 to vector<16xf32>
        %mul3A_1268 = arith.mulf %mul3A_1084, %mul3A_1267 : vector<16xf32>
        %mul3A_1269 = arith.mulf %sub3A_1007, %mul3A_1268 : vector<16xf32>
        %add3A_1270 = vector.broadcast %squeeze3A_75 : f32 to vector<16xf32>
        %add3A_1271 = arith.addf %mul3A_1269, %add3A_1270 : vector<16xf32>
        %add3A_1272 = arith.constant 15 : i32
        %add3A_1273 = vector.broadcast %add3A_1272 : i32 to vector<16xi32>
        %add3A_1274 = arith.addi %mul3A_1087, %add3A_1273 : vector<16xi32>
        %scatter3A_1275 = arith.constant 0 : i32
        %scatter3A_1276 = arith.constant 0 : i32
        %scatter3A_1277 = tpu.memref_slice %arg14[%scatter3A_1275, %scatter3A_1276] : memref<2x9216xf32, #tpu.memory_space<vmem>> -> memref<1x9216xf32, #tpu.memory_space<vmem>>
        %scatter3A_1278 = tpu.memref_squeeze %scatter3A_1277 : memref<1x9216xf32, #tpu.memory_space<vmem>> -> memref<9216xf32, #tpu.memory_space<vmem>>
        tpu.vector_store_idx %scatter3A_1278[%add3A_1274], %add3A_1271 : memref<9216xf32, #tpu.memory_space<vmem>>[vector<16xi32>], vector<16xf32>,
        %mul3A_1279 = vector.broadcast %squeeze3A_41 : f32 to vector<16xf32>
        %mul3A_1280 = arith.mulf %mul3A_1084, %mul3A_1279 : vector<16xf32>
        %mul3A_1281 = arith.mulf %sub3A_1008, %mul3A_1280 : vector<16xf32>
        %add3A_1282 = vector.broadcast %squeeze3A_77 : f32 to vector<16xf32>
        %add3A_1283 = arith.addf %mul3A_1281, %add3A_1282 : vector<16xf32>
        %add3A_1284 = arith.constant 16 : i32
        %add3A_1285 = vector.broadcast %add3A_1284 : i32 to vector<16xi32>
        %add3A_1286 = arith.addi %mul3A_1087, %add3A_1285 : vector<16xi32>
        %scatter3A_1287 = arith.constant 0 : i32
        %scatter3A_1288 = arith.constant 0 : i32
        %scatter3A_1289 = tpu.memref_slice %arg14[%scatter3A_1287, %scatter3A_1288] : memref<2x9216xf32, #tpu.memory_space<vmem>> -> memref<1x9216xf32, #tpu.memory_space<vmem>>
        %scatter3A_1290 = tpu.memref_squeeze %scatter3A_1289 : memref<1x9216xf32, #tpu.memory_space<vmem>> -> memref<9216xf32, #tpu.memory_space<vmem>>
        tpu.vector_store_idx %scatter3A_1290[%add3A_1286], %add3A_1283 : memref<9216xf32, #tpu.memory_space<vmem>>[vector<16xi32>], vector<16xf32>,
        %mul3A_1291 = vector.broadcast %squeeze3A_43 : f32 to vector<16xf32>
        %mul3A_1292 = arith.mulf %mul3A_1084, %mul3A_1291 : vector<16xf32>
        %mul3A_1293 = arith.mulf %sub3A_1009, %mul3A_1292 : vector<16xf32>
        %add3A_1294 = vector.broadcast %squeeze3A_79 : f32 to vector<16xf32>
        %add3A_1295 = arith.addf %mul3A_1293, %add3A_1294 : vector<16xf32>
        %add3A_1296 = arith.constant 17 : i32
        %add3A_1297 = vector.broadcast %add3A_1296 : i32 to vector<16xi32>
        %add3A_1298 = arith.addi %mul3A_1087, %add3A_1297 : vector<16xi32>
        %scatter3A_1299 = arith.constant 0 : i32
        %scatter3A_1300 = arith.constant 0 : i32
        %scatter3A_1301 = tpu.memref_slice %arg14[%scatter3A_1299, %scatter3A_1300] : memref<2x9216xf32, #tpu.memory_space<vmem>> -> memref<1x9216xf32, #tpu.memory_space<vmem>>
        %scatter3A_1302 = tpu.memref_squeeze %scatter3A_1301 : memref<1x9216xf32, #tpu.memory_space<vmem>> -> memref<9216xf32, #tpu.memory_space<vmem>>
        tpu.vector_store_idx %scatter3A_1302[%add3A_1298], %add3A_1295 : memref<9216xf32, #tpu.memory_space<vmem>>[vector<16xi32>], vector<16xf32>,
      }
      %scan3A_456 = arith.constant 32 : i32
      %mul3A_457 = arith.constant 512 : i32
      %mul3A_458 = arith.muli %mul3A_348, %mul3A_457 : i32
      %add3A_459 = arith.addi %mul3A_2, %mul3A_458 : i32
      %mul3A_460 = arith.constant 18 : i32
      %mul3A_461 = arith.muli %add3A_459, %mul3A_460 : i32
      %run_scoped3A_462 = arith.constant 0 : i32
      "tpu.region"() ({
        %run_scoped3A_584 = tpu.sem_alloc : memref<!tpu.dma_semaphore, #tpu.memory_space<semaphore_mem>>
        %dma_start3A_585 = arith.constant 0 : i32
        %dma_start3A_586 = tpu.memref_slice %arg14[%run_scoped3A_462, %dma_start3A_585] : memref<2x9216xf32, #tpu.memory_space<vmem>> -> memref<1x9216xf32, #tpu.memory_space<vmem>>
        %dma_start3A_587 = tpu.memref_squeeze %dma_start3A_586 : memref<1x9216xf32, #tpu.memory_space<vmem>> -> memref<9216xf32, #tpu.memory_space<vmem>>
        %dma_start3A_588 = tpu.memref_slice %arg9[%mul3A_461] : memref<58982400xf32, #tpu.memory_space<hbm>> -> memref<9216xf32, #tpu.memory_space<hbm>>
        %dma_start3A_589 = tpu.memref_slice %arg9[%mul3A_461] : memref<58982400xf32, #tpu.memory_space<hbm>> -> memref<9216xf32, #tpu.memory_space<hbm>>
        %dma_start3A_590 = arith.constant 0 : i32
        %dma_start3A_591 = tpu.memref_slice %arg14[%run_scoped3A_462, %dma_start3A_590] : memref<2x9216xf32, #tpu.memory_space<vmem>> -> memref<1x9216xf32, #tpu.memory_space<vmem>>
        %dma_start3A_592 = tpu.memref_squeeze %dma_start3A_591 : memref<1x9216xf32, #tpu.memory_space<vmem>> -> memref<9216xf32, #tpu.memory_space<vmem>>
        tpu.enqueue_dma source(%dma_start3A_592 : memref<9216xf32, #tpu.memory_space<vmem>>) target(%dma_start3A_589 : memref<9216xf32, #tpu.memory_space<hbm>>) target_semaphore(%run_scoped3A_584 : memref<!tpu.dma_semaphore, #tpu.memory_space<semaphore_mem>>)
        %dma_wait3A_593 = arith.constant 0 : i32
        %dma_wait3A_594 = tpu.memref_slice %arg14[%run_scoped3A_462, %dma_wait3A_593] : memref<2x9216xf32, #tpu.memory_space<vmem>> -> memref<1x9216xf32, #tpu.memory_space<vmem>>
        %dma_wait3A_595 = tpu.memref_squeeze %dma_wait3A_594 : memref<1x9216xf32, #tpu.memory_space<vmem>> -> memref<9216xf32, #tpu.memory_space<vmem>>
        %dma_wait3A_596 = tpu.memref_slice %arg9[%mul3A_461] : memref<58982400xf32, #tpu.memory_space<hbm>> -> memref<9216xf32, #tpu.memory_space<hbm>>
        %dma_wait3A_597 = tpu.memref_slice %arg9[%mul3A_461] : memref<58982400xf32, #tpu.memory_space<hbm>> -> memref<9216xf32, #tpu.memory_space<hbm>>
        %dma_wait3A_598 = arith.constant 0 : i32
        %dma_wait3A_599 = tpu.memref_slice %arg14[%run_scoped3A_462, %dma_wait3A_598] : memref<2x9216xf32, #tpu.memory_space<vmem>> -> memref<1x9216xf32, #tpu.memory_space<vmem>>
        %dma_wait3A_600 = tpu.memref_squeeze %dma_wait3A_599 : memref<1x9216xf32, #tpu.memory_space<vmem>> -> memref<9216xf32, #tpu.memory_space<vmem>>
        tpu.wait_dma2 semaphore(%run_scoped3A_584 : memref<!tpu.dma_semaphore, #tpu.memory_space<semaphore_mem>>) src(%dma_wait3A_600 : memref<9216xf32, #tpu.memory_space<vmem>>) dst(%dma_wait3A_597 : memref<9216xf32, #tpu.memory_space<hbm>>)
        tpu.yield
      }) : () -> ()
      %lt3A = arith.constant 99 : i32
      %lt3A_463 = arith.cmpi slt, %scan3A_207, %lt3A : i32
      %convert_element_type3A = arith.extui %lt3A_463 : i1 to i32
      %cond3A = arith.constant 0 : i32
      %cond3A_464 = arith.cmpi ne, %convert_element_type3A, %cond3A : i32
      scf.if %cond3A_464 {
        %mul3A_584 = arith.constant 2 : i32
        %mul3A_585 = arith.muli %mul3A_584, %scan3A_207 : i32
        %add3A_586 = arith.constant 2 : i32
        %add3A_587 = arith.addi %mul3A_585, %add3A_586 : i32
        %mul3A_588 = arith.constant 512 : i32
        %mul3A_589 = arith.muli %add3A_587, %mul3A_588 : i32
        %add3A_590 = arith.addi %mul3A_2, %mul3A_589 : i32
        %jit3A_591 = arith.constant 64 : i32
        %div3A_592 = arith.divsi %add3A_590, %jit3A_591 : i32
        %sign3A_593 = arith.constant 0 : i32
        %sign3A_594 = arith.cmpi sgt, %add3A_590, %sign3A_593 : i32
        %sign3A_595 = arith.extui %sign3A_594 : i1 to i32
        %sign3A_596 = arith.constant 0 : i32
        %sign3A_597 = arith.cmpi slt, %add3A_590, %sign3A_596 : i32
        %sign3A_598 = arith.extui %sign3A_597 : i1 to i32
        %sign3A_599 = arith.subi %sign3A_595, %sign3A_598 : i32
        %sign3A_600 = arith.constant 0 : i32
        %sign3A_601 = arith.cmpi sgt, %jit3A_591, %sign3A_600 : i32
        %sign3A_602 = arith.extui %sign3A_601 : i1 to i32
        %sign3A_603 = arith.constant 0 : i32
        %sign3A_604 = arith.cmpi slt, %jit3A_591, %sign3A_603 : i32
        %sign3A_605 = arith.extui %sign3A_604 : i1 to i32
        %sign3A_606 = arith.subi %sign3A_602, %sign3A_605 : i32
        %ne3A_607 = arith.cmpi ne, %sign3A_599, %sign3A_606 : i32
        %rem3A_608 = arith.remsi %add3A_590, %jit3A_591 : i32
        %ne3A_609 = arith.constant 0 : i32
        %ne3A_610 = arith.cmpi ne, %rem3A_608, %ne3A_609 : i32
        %and3A_611 = arith.andi %ne3A_607, %ne3A_610 : i1
        %sub3A_612 = arith.constant 1 : i32
        %sub3A_613 = arith.subi %div3A_592, %sub3A_612 : i32
        %select_n3A_614 = arith.select %and3A_611, %sub3A_613, %div3A_592 : i32
        %multiple_of3A_615 = tpu.assume_multiple %select_n3A_614, 8 : i32
        %run_scoped3A_616 = arith.constant 0 : i32
        "tpu.region"() ({
          %run_scoped3A_723 = tpu.sem_alloc : memref<!tpu.dma_semaphore, #tpu.memory_space<semaphore_mem>>
          %dma_start3A_724 = arith.constant 0 : i32
          %dma_start3A_725 = arith.constant 0 : i32
          %dma_start3A_726 = tpu.memref_slice %arg10[%run_scoped3A_616, %dma_start3A_724, %dma_start3A_725] : memref<2x8x128xi32, #tpu.memory_space<vmem>> -> memref<1x8x128xi32, #tpu.memory_space<vmem>>
          %dma_start3A_727 = tpu.memref_squeeze %dma_start3A_726 : memref<1x8x128xi32, #tpu.memory_space<vmem>> -> memref<8x128xi32, #tpu.memory_space<vmem>>
          %dma_start3A_728 = arith.constant 0 : i32
          %dma_start3A_729 = tpu.memref_slice %arg2[%multiple_of3A_615, %dma_start3A_728] : memref<51200x128xi32, #tpu.memory_space<hbm>> -> memref<8x128xi32, #tpu.memory_space<hbm>>
          %dma_start3A_730 = arith.constant 0 : i32
          %dma_start3A_731 = arith.constant 0 : i32
          %dma_start3A_732 = tpu.memref_slice %arg10[%run_scoped3A_616, %dma_start3A_730, %dma_start3A_731] : memref<2x8x128xi32, #tpu.memory_space<vmem>> -> memref<1x8x128xi32, #tpu.memory_space<vmem>>
          %dma_start3A_733 = tpu.memref_squeeze %dma_start3A_732 : memref<1x8x128xi32, #tpu.memory_space<vmem>> -> memref<8x128xi32, #tpu.memory_space<vmem>>
          %dma_start3A_734 = arith.constant 0 : i32
          %dma_start3A_735 = tpu.memref_slice %arg2[%multiple_of3A_615, %dma_start3A_734] : memref<51200x128xi32, #tpu.memory_space<hbm>> -> memref<8x128xi32, #tpu.memory_space<hbm>>
          tpu.enqueue_dma source(%dma_start3A_735 : memref<8x128xi32, #tpu.memory_space<hbm>>) target(%dma_start3A_733 : memref<8x128xi32, #tpu.memory_space<vmem>>) target_semaphore(%run_scoped3A_723 : memref<!tpu.dma_semaphore, #tpu.memory_space<semaphore_mem>>)
          %dma_wait3A_736 = arith.constant 0 : i32
          %dma_wait3A_737 = arith.constant 0 : i32
          %dma_wait3A_738 = tpu.memref_slice %arg10[%run_scoped3A_616, %dma_wait3A_736, %dma_wait3A_737] : memref<2x8x128xi32, #tpu.memory_space<vmem>> -> memref<1x8x128xi32, #tpu.memory_space<vmem>>
          %dma_wait3A_739 = tpu.memref_squeeze %dma_wait3A_738 : memref<1x8x128xi32, #tpu.memory_space<vmem>> -> memref<8x128xi32, #tpu.memory_space<vmem>>
          %dma_wait3A_740 = arith.constant 0 : i32
          %dma_wait3A_741 = tpu.memref_slice %arg2[%multiple_of3A_615, %dma_wait3A_740] : memref<51200x128xi32, #tpu.memory_space<hbm>> -> memref<8x128xi32, #tpu.memory_space<hbm>>
          %dma_wait3A_742 = arith.constant 0 : i32
          %dma_wait3A_743 = arith.constant 0 : i32
          %dma_wait3A_744 = tpu.memref_slice %arg10[%run_scoped3A_616, %dma_wait3A_742, %dma_wait3A_743] : memref<2x8x128xi32, #tpu.memory_space<vmem>> -> memref<1x8x128xi32, #tpu.memory_space<vmem>>
          %dma_wait3A_745 = tpu.memref_squeeze %dma_wait3A_744 : memref<1x8x128xi32, #tpu.memory_space<vmem>> -> memref<8x128xi32, #tpu.memory_space<vmem>>
          %dma_wait3A_746 = arith.constant 0 : i32
          %dma_wait3A_747 = tpu.memref_slice %arg2[%multiple_of3A_615, %dma_wait3A_746] : memref<51200x128xi32, #tpu.memory_space<hbm>> -> memref<8x128xi32, #tpu.memory_space<hbm>>
          tpu.wait_dma2 semaphore(%run_scoped3A_723 : memref<!tpu.dma_semaphore, #tpu.memory_space<semaphore_mem>>) src(%dma_wait3A_747 : memref<8x128xi32, #tpu.memory_space<hbm>>) dst(%dma_wait3A_745 : memref<8x128xi32, #tpu.memory_space<vmem>>)
          tpu.yield
        }) : () -> ()
        %run_scoped3A_617 = arith.constant 0 : i32
        "tpu.region"() ({
          %run_scoped3A_723 = tpu.sem_alloc : memref<!tpu.dma_semaphore, #tpu.memory_space<semaphore_mem>>
          %dma_start3A_724 = arith.constant 0 : i32
          %dma_start3A_725 = tpu.memref_slice %arg11[%run_scoped3A_617, %dma_start3A_724] : memref<2x512xi32, #tpu.memory_space<vmem>> -> memref<1x512xi32, #tpu.memory_space<vmem>>
          %dma_start3A_726 = tpu.memref_squeeze %dma_start3A_725 : memref<1x512xi32, #tpu.memory_space<vmem>> -> memref<512xi32, #tpu.memory_space<vmem>>
          %dma_start3A_727 = tpu.memref_slice %arg3[%add3A_590] : memref<3276800xi32, #tpu.memory_space<hbm>> -> memref<512xi32, #tpu.memory_space<hbm>>
          %dma_start3A_728 = arith.constant 0 : i32
          %dma_start3A_729 = tpu.memref_slice %arg11[%run_scoped3A_617, %dma_start3A_728] : memref<2x512xi32, #tpu.memory_space<vmem>> -> memref<1x512xi32, #tpu.memory_space<vmem>>
          %dma_start3A_730 = tpu.memref_squeeze %dma_start3A_729 : memref<1x512xi32, #tpu.memory_space<vmem>> -> memref<512xi32, #tpu.memory_space<vmem>>
          %dma_start3A_731 = tpu.memref_slice %arg3[%add3A_590] : memref<3276800xi32, #tpu.memory_space<hbm>> -> memref<512xi32, #tpu.memory_space<hbm>>
          tpu.enqueue_dma source(%dma_start3A_731 : memref<512xi32, #tpu.memory_space<hbm>>) target(%dma_start3A_730 : memref<512xi32, #tpu.memory_space<vmem>>) target_semaphore(%run_scoped3A_723 : memref<!tpu.dma_semaphore, #tpu.memory_space<semaphore_mem>>)
          %dma_wait3A_732 = arith.constant 0 : i32
          %dma_wait3A_733 = tpu.memref_slice %arg11[%run_scoped3A_617, %dma_wait3A_732] : memref<2x512xi32, #tpu.memory_space<vmem>> -> memref<1x512xi32, #tpu.memory_space<vmem>>
          %dma_wait3A_734 = tpu.memref_squeeze %dma_wait3A_733 : memref<1x512xi32, #tpu.memory_space<vmem>> -> memref<512xi32, #tpu.memory_space<vmem>>
          %dma_wait3A_735 = tpu.memref_slice %arg3[%add3A_590] : memref<3276800xi32, #tpu.memory_space<hbm>> -> memref<512xi32, #tpu.memory_space<hbm>>
          %dma_wait3A_736 = arith.constant 0 : i32
          %dma_wait3A_737 = tpu.memref_slice %arg11[%run_scoped3A_617, %dma_wait3A_736] : memref<2x512xi32, #tpu.memory_space<vmem>> -> memref<1x512xi32, #tpu.memory_space<vmem>>
          %dma_wait3A_738 = tpu.memref_squeeze %dma_wait3A_737 : memref<1x512xi32, #tpu.memory_space<vmem>> -> memref<512xi32, #tpu.memory_space<vmem>>
          %dma_wait3A_739 = tpu.memref_slice %arg3[%add3A_590] : memref<3276800xi32, #tpu.memory_space<hbm>> -> memref<512xi32, #tpu.memory_space<hbm>>
          tpu.wait_dma2 semaphore(%run_scoped3A_723 : memref<!tpu.dma_semaphore, #tpu.memory_space<semaphore_mem>>) src(%dma_wait3A_739 : memref<512xi32, #tpu.memory_space<hbm>>) dst(%dma_wait3A_738 : memref<512xi32, #tpu.memory_space<vmem>>)
          tpu.yield
        }) : () -> ()
        %run_scoped3A_618 = arith.constant 0 : i32
        "tpu.region"() ({
          %run_scoped3A_723 = tpu.sem_alloc : memref<!tpu.dma_semaphore, #tpu.memory_space<semaphore_mem>>
          %dma_start3A_724 = arith.constant 0 : i32
          %dma_start3A_725 = tpu.memref_slice %arg12[%run_scoped3A_618, %dma_start3A_724] : memref<2x512xi32, #tpu.memory_space<vmem>> -> memref<1x512xi32, #tpu.memory_space<vmem>>
          %dma_start3A_726 = tpu.memref_squeeze %dma_start3A_725 : memref<1x512xi32, #tpu.memory_space<vmem>> -> memref<512xi32, #tpu.memory_space<vmem>>
          %dma_start3A_727 = tpu.memref_slice %arg4[%add3A_590] : memref<3276800xi32, #tpu.memory_space<hbm>> -> memref<512xi32, #tpu.memory_space<hbm>>
          %dma_start3A_728 = arith.constant 0 : i32
          %dma_start3A_729 = tpu.memref_slice %arg12[%run_scoped3A_618, %dma_start3A_728] : memref<2x512xi32, #tpu.memory_space<vmem>> -> memref<1x512xi32, #tpu.memory_space<vmem>>
          %dma_start3A_730 = tpu.memref_squeeze %dma_start3A_729 : memref<1x512xi32, #tpu.memory_space<vmem>> -> memref<512xi32, #tpu.memory_space<vmem>>
          %dma_start3A_731 = tpu.memref_slice %arg4[%add3A_590] : memref<3276800xi32, #tpu.memory_space<hbm>> -> memref<512xi32, #tpu.memory_space<hbm>>
          tpu.enqueue_dma source(%dma_start3A_731 : memref<512xi32, #tpu.memory_space<hbm>>) target(%dma_start3A_730 : memref<512xi32, #tpu.memory_space<vmem>>) target_semaphore(%run_scoped3A_723 : memref<!tpu.dma_semaphore, #tpu.memory_space<semaphore_mem>>)
          %dma_wait3A_732 = arith.constant 0 : i32
          %dma_wait3A_733 = tpu.memref_slice %arg12[%run_scoped3A_618, %dma_wait3A_732] : memref<2x512xi32, #tpu.memory_space<vmem>> -> memref<1x512xi32, #tpu.memory_space<vmem>>
          %dma_wait3A_734 = tpu.memref_squeeze %dma_wait3A_733 : memref<1x512xi32, #tpu.memory_space<vmem>> -> memref<512xi32, #tpu.memory_space<vmem>>
          %dma_wait3A_735 = tpu.memref_slice %arg4[%add3A_590] : memref<3276800xi32, #tpu.memory_space<hbm>> -> memref<512xi32, #tpu.memory_space<hbm>>
          %dma_wait3A_736 = arith.constant 0 : i32
          %dma_wait3A_737 = tpu.memref_slice %arg12[%run_scoped3A_618, %dma_wait3A_736] : memref<2x512xi32, #tpu.memory_space<vmem>> -> memref<1x512xi32, #tpu.memory_space<vmem>>
          %dma_wait3A_738 = tpu.memref_squeeze %dma_wait3A_737 : memref<1x512xi32, #tpu.memory_space<vmem>> -> memref<512xi32, #tpu.memory_space<vmem>>
          %dma_wait3A_739 = tpu.memref_slice %arg4[%add3A_590] : memref<3276800xi32, #tpu.memory_space<hbm>> -> memref<512xi32, #tpu.memory_space<hbm>>
          tpu.wait_dma2 semaphore(%run_scoped3A_723 : memref<!tpu.dma_semaphore, #tpu.memory_space<semaphore_mem>>) src(%dma_wait3A_739 : memref<512xi32, #tpu.memory_space<hbm>>) dst(%dma_wait3A_738 : memref<512xi32, #tpu.memory_space<vmem>>)
          tpu.yield
        }) : () -> ()
        %dma_start3A_619 = arith.constant 0 : i32
        %dma_start3A_620 = arith.constant 0 : i32
        %dma_start3A_621 = arith.constant 0 : i32
        %dma_start3A_622 = arith.constant 0 : i32
        %dma_start3A_623 = arith.constant 0 : i32
        %dma_start3A_624 = tpu.memref_slice %arg13[%dma_start3A_621, %dma_start3A_622, %dma_start3A_623] : memref<2x1024x32xf32, #tpu.memory_space<vmem>> -> memref<1x128x32xf32, #tpu.memory_space<vmem>>
        %dma_start3A_625 = tpu.memref_squeeze %dma_start3A_624 : memref<1x128x32xf32, #tpu.memory_space<vmem>> -> memref<128x32xf32, #tpu.memory_space<vmem>>
        %dma_start3A_626 = arith.constant 0 : i32
        %dma_start3A_627 = tpu.memref_slice %arg10[%dma_start3A_619, %dma_start3A_620, %dma_start3A_626] : memref<2x8x128xi32, #tpu.memory_space<vmem>> -> memref<1x1x128xi32, #tpu.memory_space<vmem>>
        %dma_start3A_628 = tpu.memref_squeeze %dma_start3A_627 : memref<1x1x128xi32, #tpu.memory_space<vmem>> -> memref<128xi32, #tpu.memory_space<vmem>>
        %dma_start3A_629 = arith.constant 0 : i32
        %dma_start3A_630 = arith.constant 0 : i32
        %dma_start3A_631 = tpu.memref_slice %arg6[%dma_start3A_629, %dma_start3A_630] : memref<562500x32xf32, #tpu.memory_space<hbm>> -> memref<562500x32xf32, #tpu.memory_space<hbm>>
        tpu.enqueue_indirect_dma source(%dma_start3A_631 : memref<562500x32xf32, #tpu.memory_space<hbm>>) target(%dma_start3A_625 : memref<128x32xf32, #tpu.memory_space<vmem>>) offsets(%dma_start3A_628 : memref<128xi32, #tpu.memory_space<vmem>>) semaphore(%arg18 : memref<!tpu.dma_semaphore, #tpu.memory_space<semaphore_mem>>)
        %dma_start3A_632 = arith.constant 0 : i32
        %dma_start3A_633 = arith.constant 1 : i32
        %dma_start3A_634 = arith.constant 0 : i32
        %dma_start3A_635 = arith.constant 128 : i32
        %dma_start3A_636 = arith.constant 0 : i32
        %dma_start3A_637 = tpu.memref_slice %arg13[%dma_start3A_634, %dma_start3A_635, %dma_start3A_636] : memref<2x1024x32xf32, #tpu.memory_space<vmem>> -> memref<1x128x32xf32, #tpu.memory_space<vmem>>
        %dma_start3A_638 = tpu.memref_squeeze %dma_start3A_637 : memref<1x128x32xf32, #tpu.memory_space<vmem>> -> memref<128x32xf32, #tpu.memory_space<vmem>>
        %dma_start3A_639 = arith.constant 0 : i32
        %dma_start3A_640 = tpu.memref_slice %arg10[%dma_start3A_632, %dma_start3A_633, %dma_start3A_639] : memref<2x8x128xi32, #tpu.memory_space<vmem>> -> memref<1x1x128xi32, #tpu.memory_space<vmem>>
        %dma_start3A_641 = tpu.memref_squeeze %dma_start3A_640 : memref<1x1x128xi32, #tpu.memory_space<vmem>> -> memref<128xi32, #tpu.memory_space<vmem>>
        %dma_start3A_642 = arith.constant 0 : i32
        %dma_start3A_643 = arith.constant 0 : i32
        %dma_start3A_644 = tpu.memref_slice %arg6[%dma_start3A_642, %dma_start3A_643] : memref<562500x32xf32, #tpu.memory_space<hbm>> -> memref<562500x32xf32, #tpu.memory_space<hbm>>
        tpu.enqueue_indirect_dma source(%dma_start3A_644 : memref<562500x32xf32, #tpu.memory_space<hbm>>) target(%dma_start3A_638 : memref<128x32xf32, #tpu.memory_space<vmem>>) offsets(%dma_start3A_641 : memref<128xi32, #tpu.memory_space<vmem>>) semaphore(%arg18 : memref<!tpu.dma_semaphore, #tpu.memory_space<semaphore_mem>>)
        %dma_start3A_645 = arith.constant 0 : i32
        %dma_start3A_646 = arith.constant 2 : i32
        %dma_start3A_647 = arith.constant 0 : i32
        %dma_start3A_648 = arith.constant 256 : i32
        %dma_start3A_649 = arith.constant 0 : i32
        %dma_start3A_650 = tpu.memref_slice %arg13[%dma_start3A_647, %dma_start3A_648, %dma_start3A_649] : memref<2x1024x32xf32, #tpu.memory_space<vmem>> -> memref<1x128x32xf32, #tpu.memory_space<vmem>>
        %dma_start3A_651 = tpu.memref_squeeze %dma_start3A_650 : memref<1x128x32xf32, #tpu.memory_space<vmem>> -> memref<128x32xf32, #tpu.memory_space<vmem>>
        %dma_start3A_652 = arith.constant 0 : i32
        %dma_start3A_653 = tpu.memref_slice %arg10[%dma_start3A_645, %dma_start3A_646, %dma_start3A_652] : memref<2x8x128xi32, #tpu.memory_space<vmem>> -> memref<1x1x128xi32, #tpu.memory_space<vmem>>
        %dma_start3A_654 = tpu.memref_squeeze %dma_start3A_653 : memref<1x1x128xi32, #tpu.memory_space<vmem>> -> memref<128xi32, #tpu.memory_space<vmem>>
        %dma_start3A_655 = arith.constant 0 : i32
        %dma_start3A_656 = arith.constant 0 : i32
        %dma_start3A_657 = tpu.memref_slice %arg6[%dma_start3A_655, %dma_start3A_656] : memref<562500x32xf32, #tpu.memory_space<hbm>> -> memref<562500x32xf32, #tpu.memory_space<hbm>>
        tpu.enqueue_indirect_dma source(%dma_start3A_657 : memref<562500x32xf32, #tpu.memory_space<hbm>>) target(%dma_start3A_651 : memref<128x32xf32, #tpu.memory_space<vmem>>) offsets(%dma_start3A_654 : memref<128xi32, #tpu.memory_space<vmem>>) semaphore(%arg18 : memref<!tpu.dma_semaphore, #tpu.memory_space<semaphore_mem>>)
        %dma_start3A_658 = arith.constant 0 : i32
        %dma_start3A_659 = arith.constant 3 : i32
        %dma_start3A_660 = arith.constant 0 : i32
        %dma_start3A_661 = arith.constant 384 : i32
        %dma_start3A_662 = arith.constant 0 : i32
        %dma_start3A_663 = tpu.memref_slice %arg13[%dma_start3A_660, %dma_start3A_661, %dma_start3A_662] : memref<2x1024x32xf32, #tpu.memory_space<vmem>> -> memref<1x128x32xf32, #tpu.memory_space<vmem>>
        %dma_start3A_664 = tpu.memref_squeeze %dma_start3A_663 : memref<1x128x32xf32, #tpu.memory_space<vmem>> -> memref<128x32xf32, #tpu.memory_space<vmem>>
        %dma_start3A_665 = arith.constant 0 : i32
        %dma_start3A_666 = tpu.memref_slice %arg10[%dma_start3A_658, %dma_start3A_659, %dma_start3A_665] : memref<2x8x128xi32, #tpu.memory_space<vmem>> -> memref<1x1x128xi32, #tpu.memory_space<vmem>>
        %dma_start3A_667 = tpu.memref_squeeze %dma_start3A_666 : memref<1x1x128xi32, #tpu.memory_space<vmem>> -> memref<128xi32, #tpu.memory_space<vmem>>
        %dma_start3A_668 = arith.constant 0 : i32
        %dma_start3A_669 = arith.constant 0 : i32
        %dma_start3A_670 = tpu.memref_slice %arg6[%dma_start3A_668, %dma_start3A_669] : memref<562500x32xf32, #tpu.memory_space<hbm>> -> memref<562500x32xf32, #tpu.memory_space<hbm>>
        tpu.enqueue_indirect_dma source(%dma_start3A_670 : memref<562500x32xf32, #tpu.memory_space<hbm>>) target(%dma_start3A_664 : memref<128x32xf32, #tpu.memory_space<vmem>>) offsets(%dma_start3A_667 : memref<128xi32, #tpu.memory_space<vmem>>) semaphore(%arg18 : memref<!tpu.dma_semaphore, #tpu.memory_space<semaphore_mem>>)
        %dma_start3A_671 = arith.constant 0 : i32
        %dma_start3A_672 = arith.constant 4 : i32
        %dma_start3A_673 = arith.constant 0 : i32
        %dma_start3A_674 = arith.constant 512 : i32
        %dma_start3A_675 = arith.constant 0 : i32
        %dma_start3A_676 = tpu.memref_slice %arg13[%dma_start3A_673, %dma_start3A_674, %dma_start3A_675] : memref<2x1024x32xf32, #tpu.memory_space<vmem>> -> memref<1x128x32xf32, #tpu.memory_space<vmem>>
        %dma_start3A_677 = tpu.memref_squeeze %dma_start3A_676 : memref<1x128x32xf32, #tpu.memory_space<vmem>> -> memref<128x32xf32, #tpu.memory_space<vmem>>
        %dma_start3A_678 = arith.constant 0 : i32
        %dma_start3A_679 = tpu.memref_slice %arg10[%dma_start3A_671, %dma_start3A_672, %dma_start3A_678] : memref<2x8x128xi32, #tpu.memory_space<vmem>> -> memref<1x1x128xi32, #tpu.memory_space<vmem>>
        %dma_start3A_680 = tpu.memref_squeeze %dma_start3A_679 : memref<1x1x128xi32, #tpu.memory_space<vmem>> -> memref<128xi32, #tpu.memory_space<vmem>>
        %dma_start3A_681 = arith.constant 0 : i32
        %dma_start3A_682 = arith.constant 0 : i32
        %dma_start3A_683 = tpu.memref_slice %arg6[%dma_start3A_681, %dma_start3A_682] : memref<562500x32xf32, #tpu.memory_space<hbm>> -> memref<562500x32xf32, #tpu.memory_space<hbm>>
        tpu.enqueue_indirect_dma source(%dma_start3A_683 : memref<562500x32xf32, #tpu.memory_space<hbm>>) target(%dma_start3A_677 : memref<128x32xf32, #tpu.memory_space<vmem>>) offsets(%dma_start3A_680 : memref<128xi32, #tpu.memory_space<vmem>>) semaphore(%arg18 : memref<!tpu.dma_semaphore, #tpu.memory_space<semaphore_mem>>)
        %dma_start3A_684 = arith.constant 0 : i32
        %dma_start3A_685 = arith.constant 5 : i32
        %dma_start3A_686 = arith.constant 0 : i32
        %dma_start3A_687 = arith.constant 640 : i32
        %dma_start3A_688 = arith.constant 0 : i32
        %dma_start3A_689 = tpu.memref_slice %arg13[%dma_start3A_686, %dma_start3A_687, %dma_start3A_688] : memref<2x1024x32xf32, #tpu.memory_space<vmem>> -> memref<1x128x32xf32, #tpu.memory_space<vmem>>
        %dma_start3A_690 = tpu.memref_squeeze %dma_start3A_689 : memref<1x128x32xf32, #tpu.memory_space<vmem>> -> memref<128x32xf32, #tpu.memory_space<vmem>>
        %dma_start3A_691 = arith.constant 0 : i32
        %dma_start3A_692 = tpu.memref_slice %arg10[%dma_start3A_684, %dma_start3A_685, %dma_start3A_691] : memref<2x8x128xi32, #tpu.memory_space<vmem>> -> memref<1x1x128xi32, #tpu.memory_space<vmem>>
        %dma_start3A_693 = tpu.memref_squeeze %dma_start3A_692 : memref<1x1x128xi32, #tpu.memory_space<vmem>> -> memref<128xi32, #tpu.memory_space<vmem>>
        %dma_start3A_694 = arith.constant 0 : i32
        %dma_start3A_695 = arith.constant 0 : i32
        %dma_start3A_696 = tpu.memref_slice %arg6[%dma_start3A_694, %dma_start3A_695] : memref<562500x32xf32, #tpu.memory_space<hbm>> -> memref<562500x32xf32, #tpu.memory_space<hbm>>
        tpu.enqueue_indirect_dma source(%dma_start3A_696 : memref<562500x32xf32, #tpu.memory_space<hbm>>) target(%dma_start3A_690 : memref<128x32xf32, #tpu.memory_space<vmem>>) offsets(%dma_start3A_693 : memref<128xi32, #tpu.memory_space<vmem>>) semaphore(%arg18 : memref<!tpu.dma_semaphore, #tpu.memory_space<semaphore_mem>>)
        %dma_start3A_697 = arith.constant 0 : i32
        %dma_start3A_698 = arith.constant 6 : i32
        %dma_start3A_699 = arith.constant 0 : i32
        %dma_start3A_700 = arith.constant 768 : i32
        %dma_start3A_701 = arith.constant 0 : i32
        %dma_start3A_702 = tpu.memref_slice %arg13[%dma_start3A_699, %dma_start3A_700, %dma_start3A_701] : memref<2x1024x32xf32, #tpu.memory_space<vmem>> -> memref<1x128x32xf32, #tpu.memory_space<vmem>>
        %dma_start3A_703 = tpu.memref_squeeze %dma_start3A_702 : memref<1x128x32xf32, #tpu.memory_space<vmem>> -> memref<128x32xf32, #tpu.memory_space<vmem>>
        %dma_start3A_704 = arith.constant 0 : i32
        %dma_start3A_705 = tpu.memref_slice %arg10[%dma_start3A_697, %dma_start3A_698, %dma_start3A_704] : memref<2x8x128xi32, #tpu.memory_space<vmem>> -> memref<1x1x128xi32, #tpu.memory_space<vmem>>
        %dma_start3A_706 = tpu.memref_squeeze %dma_start3A_705 : memref<1x1x128xi32, #tpu.memory_space<vmem>> -> memref<128xi32, #tpu.memory_space<vmem>>
        %dma_start3A_707 = arith.constant 0 : i32
        %dma_start3A_708 = arith.constant 0 : i32
        %dma_start3A_709 = tpu.memref_slice %arg6[%dma_start3A_707, %dma_start3A_708] : memref<562500x32xf32, #tpu.memory_space<hbm>> -> memref<562500x32xf32, #tpu.memory_space<hbm>>
        tpu.enqueue_indirect_dma source(%dma_start3A_709 : memref<562500x32xf32, #tpu.memory_space<hbm>>) target(%dma_start3A_703 : memref<128x32xf32, #tpu.memory_space<vmem>>) offsets(%dma_start3A_706 : memref<128xi32, #tpu.memory_space<vmem>>) semaphore(%arg18 : memref<!tpu.dma_semaphore, #tpu.memory_space<semaphore_mem>>)
        %dma_start3A_710 = arith.constant 0 : i32
        %dma_start3A_711 = arith.constant 7 : i32
        %dma_start3A_712 = arith.constant 0 : i32
        %dma_start3A_713 = arith.constant 896 : i32
        %dma_start3A_714 = arith.constant 0 : i32
        %dma_start3A_715 = tpu.memref_slice %arg13[%dma_start3A_712, %dma_start3A_713, %dma_start3A_714] : memref<2x1024x32xf32, #tpu.memory_space<vmem>> -> memref<1x128x32xf32, #tpu.memory_space<vmem>>
        %dma_start3A_716 = tpu.memref_squeeze %dma_start3A_715 : memref<1x128x32xf32, #tpu.memory_space<vmem>> -> memref<128x32xf32, #tpu.memory_space<vmem>>
        %dma_start3A_717 = arith.constant 0 : i32
        %dma_start3A_718 = tpu.memref_slice %arg10[%dma_start3A_710, %dma_start3A_711, %dma_start3A_717] : memref<2x8x128xi32, #tpu.memory_space<vmem>> -> memref<1x1x128xi32, #tpu.memory_space<vmem>>
        %dma_start3A_719 = tpu.memref_squeeze %dma_start3A_718 : memref<1x1x128xi32, #tpu.memory_space<vmem>> -> memref<128xi32, #tpu.memory_space<vmem>>
        %dma_start3A_720 = arith.constant 0 : i32
        %dma_start3A_721 = arith.constant 0 : i32
        %dma_start3A_722 = tpu.memref_slice %arg6[%dma_start3A_720, %dma_start3A_721] : memref<562500x32xf32, #tpu.memory_space<hbm>> -> memref<562500x32xf32, #tpu.memory_space<hbm>>
        tpu.enqueue_indirect_dma source(%dma_start3A_722 : memref<562500x32xf32, #tpu.memory_space<hbm>>) target(%dma_start3A_716 : memref<128x32xf32, #tpu.memory_space<vmem>>) offsets(%dma_start3A_719 : memref<128xi32, #tpu.memory_space<vmem>>) semaphore(%arg18 : memref<!tpu.dma_semaphore, #tpu.memory_space<semaphore_mem>>)
      } else {
      }
      %mul3A_465 = arith.constant 2 : i32
      %mul3A_466 = arith.muli %mul3A_465, %scan3A_207 : i32
      %add3A_467 = arith.constant 1 : i32
      %add3A_468 = arith.addi %mul3A_466, %add3A_467 : i32
      %dma_wait3A_469 = arith.constant 1 : i32
      %dma_wait3A_470 = arith.constant 0 : i32
      %dma_wait3A_471 = arith.constant 1 : i32
      %dma_wait3A_472 = arith.constant 0 : i32
      %dma_wait3A_473 = arith.constant 0 : i32
      %dma_wait3A_474 = tpu.memref_slice %arg13[%dma_wait3A_471, %dma_wait3A_472, %dma_wait3A_473] : memref<2x1024x32xf32, #tpu.memory_space<vmem>> -> memref<1x128x32xf32, #tpu.memory_space<vmem>>
      %dma_wait3A_475 = tpu.memref_squeeze %dma_wait3A_474 : memref<1x128x32xf32, #tpu.memory_space<vmem>> -> memref<128x32xf32, #tpu.memory_space<vmem>>
      %dma_wait3A_476 = arith.constant 0 : i32
      %dma_wait3A_477 = tpu.memref_slice %arg10[%dma_wait3A_469, %dma_wait3A_470, %dma_wait3A_476] : memref<2x8x128xi32, #tpu.memory_space<vmem>> -> memref<1x1x128xi32, #tpu.memory_space<vmem>>
      %dma_wait3A_478 = tpu.memref_squeeze %dma_wait3A_477 : memref<1x1x128xi32, #tpu.memory_space<vmem>> -> memref<128xi32, #tpu.memory_space<vmem>>
      %dma_wait3A_479 = arith.constant 0 : i32
      %dma_wait3A_480 = arith.constant 0 : i32
      %dma_wait3A_481 = tpu.memref_slice %arg6[%dma_wait3A_479, %dma_wait3A_480] : memref<562500x32xf32, #tpu.memory_space<hbm>> -> memref<562500x32xf32, #tpu.memory_space<hbm>>
      tpu.wait_indirect_dma semaphore(%arg19 : memref<!tpu.dma_semaphore, #tpu.memory_space<semaphore_mem>>) src(%dma_wait3A_481 : memref<562500x32xf32, #tpu.memory_space<hbm>>) dst(%dma_wait3A_475 : memref<128x32xf32, #tpu.memory_space<vmem>>)
      %dma_wait3A_482 = arith.constant 1 : i32
      %dma_wait3A_483 = arith.constant 1 : i32
      %dma_wait3A_484 = arith.constant 1 : i32
      %dma_wait3A_485 = arith.constant 128 : i32
      %dma_wait3A_486 = arith.constant 0 : i32
      %dma_wait3A_487 = tpu.memref_slice %arg13[%dma_wait3A_484, %dma_wait3A_485, %dma_wait3A_486] : memref<2x1024x32xf32, #tpu.memory_space<vmem>> -> memref<1x128x32xf32, #tpu.memory_space<vmem>>
      %dma_wait3A_488 = tpu.memref_squeeze %dma_wait3A_487 : memref<1x128x32xf32, #tpu.memory_space<vmem>> -> memref<128x32xf32, #tpu.memory_space<vmem>>
      %dma_wait3A_489 = arith.constant 0 : i32
      %dma_wait3A_490 = tpu.memref_slice %arg10[%dma_wait3A_482, %dma_wait3A_483, %dma_wait3A_489] : memref<2x8x128xi32, #tpu.memory_space<vmem>> -> memref<1x1x128xi32, #tpu.memory_space<vmem>>
      %dma_wait3A_491 = tpu.memref_squeeze %dma_wait3A_490 : memref<1x1x128xi32, #tpu.memory_space<vmem>> -> memref<128xi32, #tpu.memory_space<vmem>>
      %dma_wait3A_492 = arith.constant 0 : i32
      %dma_wait3A_493 = arith.constant 0 : i32
      %dma_wait3A_494 = tpu.memref_slice %arg6[%dma_wait3A_492, %dma_wait3A_493] : memref<562500x32xf32, #tpu.memory_space<hbm>> -> memref<562500x32xf32, #tpu.memory_space<hbm>>
      tpu.wait_indirect_dma semaphore(%arg19 : memref<!tpu.dma_semaphore, #tpu.memory_space<semaphore_mem>>) src(%dma_wait3A_494 : memref<562500x32xf32, #tpu.memory_space<hbm>>) dst(%dma_wait3A_488 : memref<128x32xf32, #tpu.memory_space<vmem>>)
      %dma_wait3A_495 = arith.constant 1 : i32
      %dma_wait3A_496 = arith.constant 2 : i32
      %dma_wait3A_497 = arith.constant 1 : i32
      %dma_wait3A_498 = arith.constant 256 : i32
      %dma_wait3A_499 = arith.constant 0 : i32
      %dma_wait3A_500 = tpu.memref_slice %arg13[%dma_wait3A_497, %dma_wait3A_498, %dma_wait3A_499] : memref<2x1024x32xf32, #tpu.memory_space<vmem>> -> memref<1x128x32xf32, #tpu.memory_space<vmem>>
      %dma_wait3A_501 = tpu.memref_squeeze %dma_wait3A_500 : memref<1x128x32xf32, #tpu.memory_space<vmem>> -> memref<128x32xf32, #tpu.memory_space<vmem>>
      %dma_wait3A_502 = arith.constant 0 : i32
      %dma_wait3A_503 = tpu.memref_slice %arg10[%dma_wait3A_495, %dma_wait3A_496, %dma_wait3A_502] : memref<2x8x128xi32, #tpu.memory_space<vmem>> -> memref<1x1x128xi32, #tpu.memory_space<vmem>>
      %dma_wait3A_504 = tpu.memref_squeeze %dma_wait3A_503 : memref<1x1x128xi32, #tpu.memory_space<vmem>> -> memref<128xi32, #tpu.memory_space<vmem>>
      %dma_wait3A_505 = arith.constant 0 : i32
      %dma_wait3A_506 = arith.constant 0 : i32
      %dma_wait3A_507 = tpu.memref_slice %arg6[%dma_wait3A_505, %dma_wait3A_506] : memref<562500x32xf32, #tpu.memory_space<hbm>> -> memref<562500x32xf32, #tpu.memory_space<hbm>>
      tpu.wait_indirect_dma semaphore(%arg19 : memref<!tpu.dma_semaphore, #tpu.memory_space<semaphore_mem>>) src(%dma_wait3A_507 : memref<562500x32xf32, #tpu.memory_space<hbm>>) dst(%dma_wait3A_501 : memref<128x32xf32, #tpu.memory_space<vmem>>)
      %dma_wait3A_508 = arith.constant 1 : i32
      %dma_wait3A_509 = arith.constant 3 : i32
      %dma_wait3A_510 = arith.constant 1 : i32
      %dma_wait3A_511 = arith.constant 384 : i32
      %dma_wait3A_512 = arith.constant 0 : i32
      %dma_wait3A_513 = tpu.memref_slice %arg13[%dma_wait3A_510, %dma_wait3A_511, %dma_wait3A_512] : memref<2x1024x32xf32, #tpu.memory_space<vmem>> -> memref<1x128x32xf32, #tpu.memory_space<vmem>>
      %dma_wait3A_514 = tpu.memref_squeeze %dma_wait3A_513 : memref<1x128x32xf32, #tpu.memory_space<vmem>> -> memref<128x32xf32, #tpu.memory_space<vmem>>
      %dma_wait3A_515 = arith.constant 0 : i32
      %dma_wait3A_516 = tpu.memref_slice %arg10[%dma_wait3A_508, %dma_wait3A_509, %dma_wait3A_515] : memref<2x8x128xi32, #tpu.memory_space<vmem>> -> memref<1x1x128xi32, #tpu.memory_space<vmem>>
      %dma_wait3A_517 = tpu.memref_squeeze %dma_wait3A_516 : memref<1x1x128xi32, #tpu.memory_space<vmem>> -> memref<128xi32, #tpu.memory_space<vmem>>
      %dma_wait3A_518 = arith.constant 0 : i32
      %dma_wait3A_519 = arith.constant 0 : i32
      %dma_wait3A_520 = tpu.memref_slice %arg6[%dma_wait3A_518, %dma_wait3A_519] : memref<562500x32xf32, #tpu.memory_space<hbm>> -> memref<562500x32xf32, #tpu.memory_space<hbm>>
      tpu.wait_indirect_dma semaphore(%arg19 : memref<!tpu.dma_semaphore, #tpu.memory_space<semaphore_mem>>) src(%dma_wait3A_520 : memref<562500x32xf32, #tpu.memory_space<hbm>>) dst(%dma_wait3A_514 : memref<128x32xf32, #tpu.memory_space<vmem>>)
      %dma_wait3A_521 = arith.constant 1 : i32
      %dma_wait3A_522 = arith.constant 4 : i32
      %dma_wait3A_523 = arith.constant 1 : i32
      %dma_wait3A_524 = arith.constant 512 : i32
      %dma_wait3A_525 = arith.constant 0 : i32
      %dma_wait3A_526 = tpu.memref_slice %arg13[%dma_wait3A_523, %dma_wait3A_524, %dma_wait3A_525] : memref<2x1024x32xf32, #tpu.memory_space<vmem>> -> memref<1x128x32xf32, #tpu.memory_space<vmem>>
      %dma_wait3A_527 = tpu.memref_squeeze %dma_wait3A_526 : memref<1x128x32xf32, #tpu.memory_space<vmem>> -> memref<128x32xf32, #tpu.memory_space<vmem>>
      %dma_wait3A_528 = arith.constant 0 : i32
      %dma_wait3A_529 = tpu.memref_slice %arg10[%dma_wait3A_521, %dma_wait3A_522, %dma_wait3A_528] : memref<2x8x128xi32, #tpu.memory_space<vmem>> -> memref<1x1x128xi32, #tpu.memory_space<vmem>>
      %dma_wait3A_530 = tpu.memref_squeeze %dma_wait3A_529 : memref<1x1x128xi32, #tpu.memory_space<vmem>> -> memref<128xi32, #tpu.memory_space<vmem>>
      %dma_wait3A_531 = arith.constant 0 : i32
      %dma_wait3A_532 = arith.constant 0 : i32
      %dma_wait3A_533 = tpu.memref_slice %arg6[%dma_wait3A_531, %dma_wait3A_532] : memref<562500x32xf32, #tpu.memory_space<hbm>> -> memref<562500x32xf32, #tpu.memory_space<hbm>>
      tpu.wait_indirect_dma semaphore(%arg19 : memref<!tpu.dma_semaphore, #tpu.memory_space<semaphore_mem>>) src(%dma_wait3A_533 : memref<562500x32xf32, #tpu.memory_space<hbm>>) dst(%dma_wait3A_527 : memref<128x32xf32, #tpu.memory_space<vmem>>)
      %dma_wait3A_534 = arith.constant 1 : i32
      %dma_wait3A_535 = arith.constant 5 : i32
      %dma_wait3A_536 = arith.constant 1 : i32
      %dma_wait3A_537 = arith.constant 640 : i32
      %dma_wait3A_538 = arith.constant 0 : i32
      %dma_wait3A_539 = tpu.memref_slice %arg13[%dma_wait3A_536, %dma_wait3A_537, %dma_wait3A_538] : memref<2x1024x32xf32, #tpu.memory_space<vmem>> -> memref<1x128x32xf32, #tpu.memory_space<vmem>>
      %dma_wait3A_540 = tpu.memref_squeeze %dma_wait3A_539 : memref<1x128x32xf32, #tpu.memory_space<vmem>> -> memref<128x32xf32, #tpu.memory_space<vmem>>
      %dma_wait3A_541 = arith.constant 0 : i32
      %dma_wait3A_542 = tpu.memref_slice %arg10[%dma_wait3A_534, %dma_wait3A_535, %dma_wait3A_541] : memref<2x8x128xi32, #tpu.memory_space<vmem>> -> memref<1x1x128xi32, #tpu.memory_space<vmem>>
      %dma_wait3A_543 = tpu.memref_squeeze %dma_wait3A_542 : memref<1x1x128xi32, #tpu.memory_space<vmem>> -> memref<128xi32, #tpu.memory_space<vmem>>
      %dma_wait3A_544 = arith.constant 0 : i32
      %dma_wait3A_545 = arith.constant 0 : i32
      %dma_wait3A_546 = tpu.memref_slice %arg6[%dma_wait3A_544, %dma_wait3A_545] : memref<562500x32xf32, #tpu.memory_space<hbm>> -> memref<562500x32xf32, #tpu.memory_space<hbm>>
      tpu.wait_indirect_dma semaphore(%arg19 : memref<!tpu.dma_semaphore, #tpu.memory_space<semaphore_mem>>) src(%dma_wait3A_546 : memref<562500x32xf32, #tpu.memory_space<hbm>>) dst(%dma_wait3A_540 : memref<128x32xf32, #tpu.memory_space<vmem>>)
      %dma_wait3A_547 = arith.constant 1 : i32
      %dma_wait3A_548 = arith.constant 6 : i32
      %dma_wait3A_549 = arith.constant 1 : i32
      %dma_wait3A_550 = arith.constant 768 : i32
      %dma_wait3A_551 = arith.constant 0 : i32
      %dma_wait3A_552 = tpu.memref_slice %arg13[%dma_wait3A_549, %dma_wait3A_550, %dma_wait3A_551] : memref<2x1024x32xf32, #tpu.memory_space<vmem>> -> memref<1x128x32xf32, #tpu.memory_space<vmem>>
      %dma_wait3A_553 = tpu.memref_squeeze %dma_wait3A_552 : memref<1x128x32xf32, #tpu.memory_space<vmem>> -> memref<128x32xf32, #tpu.memory_space<vmem>>
      %dma_wait3A_554 = arith.constant 0 : i32
      %dma_wait3A_555 = tpu.memref_slice %arg10[%dma_wait3A_547, %dma_wait3A_548, %dma_wait3A_554] : memref<2x8x128xi32, #tpu.memory_space<vmem>> -> memref<1x1x128xi32, #tpu.memory_space<vmem>>
      %dma_wait3A_556 = tpu.memref_squeeze %dma_wait3A_555 : memref<1x1x128xi32, #tpu.memory_space<vmem>> -> memref<128xi32, #tpu.memory_space<vmem>>
      %dma_wait3A_557 = arith.constant 0 : i32
      %dma_wait3A_558 = arith.constant 0 : i32
      %dma_wait3A_559 = tpu.memref_slice %arg6[%dma_wait3A_557, %dma_wait3A_558] : memref<562500x32xf32, #tpu.memory_space<hbm>> -> memref<562500x32xf32, #tpu.memory_space<hbm>>
      tpu.wait_indirect_dma semaphore(%arg19 : memref<!tpu.dma_semaphore, #tpu.memory_space<semaphore_mem>>) src(%dma_wait3A_559 : memref<562500x32xf32, #tpu.memory_space<hbm>>) dst(%dma_wait3A_553 : memref<128x32xf32, #tpu.memory_space<vmem>>)
      %dma_wait3A_560 = arith.constant 1 : i32
      %dma_wait3A_561 = arith.constant 7 : i32
      %dma_wait3A_562 = arith.constant 1 : i32
      %dma_wait3A_563 = arith.constant 896 : i32
      %dma_wait3A_564 = arith.constant 0 : i32
      %dma_wait3A_565 = tpu.memref_slice %arg13[%dma_wait3A_562, %dma_wait3A_563, %dma_wait3A_564] : memref<2x1024x32xf32, #tpu.memory_space<vmem>> -> memref<1x128x32xf32, #tpu.memory_space<vmem>>
      %dma_wait3A_566 = tpu.memref_squeeze %dma_wait3A_565 : memref<1x128x32xf32, #tpu.memory_space<vmem>> -> memref<128x32xf32, #tpu.memory_space<vmem>>
      %dma_wait3A_567 = arith.constant 0 : i32
      %dma_wait3A_568 = tpu.memref_slice %arg10[%dma_wait3A_560, %dma_wait3A_561, %dma_wait3A_567] : memref<2x8x128xi32, #tpu.memory_space<vmem>> -> memref<1x1x128xi32, #tpu.memory_space<vmem>>
      %dma_wait3A_569 = tpu.memref_squeeze %dma_wait3A_568 : memref<1x1x128xi32, #tpu.memory_space<vmem>> -> memref<128xi32, #tpu.memory_space<vmem>>
      %dma_wait3A_570 = arith.constant 0 : i32
      %dma_wait3A_571 = arith.constant 0 : i32
      %dma_wait3A_572 = tpu.memref_slice %arg6[%dma_wait3A_570, %dma_wait3A_571] : memref<562500x32xf32, #tpu.memory_space<hbm>> -> memref<562500x32xf32, #tpu.memory_space<hbm>>
      tpu.wait_indirect_dma semaphore(%arg19 : memref<!tpu.dma_semaphore, #tpu.memory_space<semaphore_mem>>) src(%dma_wait3A_572 : memref<562500x32xf32, #tpu.memory_space<hbm>>) dst(%dma_wait3A_566 : memref<128x32xf32, #tpu.memory_space<vmem>>)
      %scan3A_573 = arith.constant 0 : i32
      %scan3A_574 = arith.constant 32 : i32
      %scan3A_575 = arith.addi %scan3A_573, %scan3A_574 : i32
      %scan3A_576 = arith.constant 1 : i32
      scf.for %scan3A_584 = %scan3A_573 to %scan3A_575 step %scan3A_576  : i32 {
        %mul3A_585 = arith.constant 16 : i32
        %mul3A_586 = arith.muli %scan3A_584, %mul3A_585 : i32
        %add3A_587 = vector.broadcast %mul3A_586 : i32 to vector<16xi32>
        %add3A_588 = arith.addi %iota3A, %add3A_587 : vector<16xi32>
        %mul3A_589 = arith.constant 16 : i32
        %mul3A_590 = arith.muli %scan3A_584, %mul3A_589 : i32
        %get3A_591 = arith.constant 1 : i32
        %get3A_592 = arith.index_cast %get3A_591 : i32 to index
        %get3A_593 = arith.index_cast %mul3A_590 : i32 to index
        %get3A_594 = tpu.vector_load %arg11[%get3A_592, %get3A_593] {strides = array<i32>} : memref<2x512xi32, #tpu.memory_space<vmem>>, vector<16xi32>,
        %mul3A_595 = arith.constant 16 : i32
        %mul3A_596 = arith.muli %scan3A_584, %mul3A_595 : i32
        %get3A_597 = arith.constant 1 : i32
        %get3A_598 = arith.index_cast %get3A_597 : i32 to index
        %get3A_599 = arith.index_cast %mul3A_596 : i32 to index
        %get3A_600 = tpu.vector_load %arg12[%get3A_598, %get3A_599] {strides = array<i32>} : memref<2x512xi32, #tpu.memory_space<vmem>>, vector<16xi32>,
        %mul3A_601 = arith.constant 18 : i32
        %mul3A_602 = vector.broadcast %mul3A_601 : i32 to vector<16xi32>
        %mul3A_603 = arith.muli %get3A_600, %mul3A_602 : vector<16xi32>
        %mul3A_604 = arith.constant 64 : i32
        %mul3A_605 = vector.broadcast %mul3A_604 : i32 to vector<16xi32>
        %mul3A_606 = arith.muli %add3A_588, %mul3A_605 : vector<16xi32>
        %mul3A_607 = arith.constant 18 : i32
        %mul3A_608 = vector.broadcast %mul3A_607 : i32 to vector<16xi32>
        %mul3A_609 = arith.muli %get3A_594, %mul3A_608 : vector<16xi32>
        %and3A_610 = arith.constant 31 : i32
        %and3A_611 = vector.broadcast %and3A_610 : i32 to vector<16xi32>
        %and3A_612 = arith.andi %mul3A_609, %and3A_611 : vector<16xi32>
        %add3A_613 = arith.addi %mul3A_606, %and3A_612 : vector<16xi32>
        %add3A_614 = arith.constant 0 : i32
        %add3A_615 = vector.broadcast %add3A_614 : i32 to vector<16xi32>
        %add3A_616 = arith.addi %add3A_613, %add3A_615 : vector<16xi32>
        %shift_right_arithmetic3A = arith.constant 5 : i32
        %shift_right_arithmetic3A_617 = vector.broadcast %shift_right_arithmetic3A : i32 to vector<16xi32>
        %shift_right_arithmetic3A_618 = arith.shrsi %add3A_616, %shift_right_arithmetic3A_617 : vector<16xi32>
        %and3A_619 = arith.constant 31 : i32
        %and3A_620 = vector.broadcast %and3A_619 : i32 to vector<16xi32>
        %and3A_621 = arith.andi %add3A_616, %and3A_620 : vector<16xi32>
        %gather3A = arith.constant 1 : i32
        %gather3A_622 = arith.constant 0 : i32
        %gather3A_623 = arith.constant 0 : i32
        %gather3A_624 = tpu.memref_slice %arg13[%gather3A, %gather3A_622, %gather3A_623] : memref<2x1024x32xf32, #tpu.memory_space<vmem>> -> memref<1x1024x32xf32, #tpu.memory_space<vmem>>
        %gather3A_625 = tpu.memref_squeeze %gather3A_624 : memref<1x1024x32xf32, #tpu.memory_space<vmem>> -> memref<1024x32xf32, #tpu.memory_space<vmem>>
        %gather3A_626 = tpu.vector_load_idx %gather3A_625[%shift_right_arithmetic3A_618, %and3A_621] : memref<1024x32xf32, #tpu.memory_space<vmem>>[vector<16xi32>, vector<16xi32>], vector<16xf32>,
        %add3A_627 = arith.constant 0 : i32
        %add3A_628 = vector.broadcast %add3A_627 : i32 to vector<16xi32>
        %add3A_629 = arith.addi %mul3A_603, %add3A_628 : vector<16xi32>
        %gather3A_630 = tpu.vector_load_idx %arg15[%add3A_629] : memref<324xf32, #tpu.memory_space<vmem>>[vector<16xi32>], vector<16xf32>,
        %mul3A_631 = arith.mulf %gather3A_626, %gather3A_630 : vector<16xf32>
        %add3A_632 = arith.constant 1 : i32
        %add3A_633 = vector.broadcast %add3A_632 : i32 to vector<16xi32>
        %add3A_634 = arith.addi %add3A_613, %add3A_633 : vector<16xi32>
        %shift_right_arithmetic3A_635 = arith.constant 5 : i32
        %shift_right_arithmetic3A_636 = vector.broadcast %shift_right_arithmetic3A_635 : i32 to vector<16xi32>
        %shift_right_arithmetic3A_637 = arith.shrsi %add3A_634, %shift_right_arithmetic3A_636 : vector<16xi32>
        %and3A_638 = arith.constant 31 : i32
        %and3A_639 = vector.broadcast %and3A_638 : i32 to vector<16xi32>
        %and3A_640 = arith.andi %add3A_634, %and3A_639 : vector<16xi32>
        %gather3A_641 = arith.constant 1 : i32
        %gather3A_642 = arith.constant 0 : i32
        %gather3A_643 = arith.constant 0 : i32
        %gather3A_644 = tpu.memref_slice %arg13[%gather3A_641, %gather3A_642, %gather3A_643] : memref<2x1024x32xf32, #tpu.memory_space<vmem>> -> memref<1x1024x32xf32, #tpu.memory_space<vmem>>
        %gather3A_645 = tpu.memref_squeeze %gather3A_644 : memref<1x1024x32xf32, #tpu.memory_space<vmem>> -> memref<1024x32xf32, #tpu.memory_space<vmem>>
        %gather3A_646 = tpu.vector_load_idx %gather3A_645[%shift_right_arithmetic3A_637, %and3A_640] : memref<1024x32xf32, #tpu.memory_space<vmem>>[vector<16xi32>, vector<16xi32>], vector<16xf32>,
        %add3A_647 = arith.constant 1 : i32
        %add3A_648 = vector.broadcast %add3A_647 : i32 to vector<16xi32>
        %add3A_649 = arith.addi %mul3A_603, %add3A_648 : vector<16xi32>
        %gather3A_650 = tpu.vector_load_idx %arg15[%add3A_649] : memref<324xf32, #tpu.memory_space<vmem>>[vector<16xi32>], vector<16xf32>,
        %mul3A_651 = arith.mulf %gather3A_646, %gather3A_650 : vector<16xf32>
        %add3A_652 = arith.constant 2 : i32
        %add3A_653 = vector.broadcast %add3A_652 : i32 to vector<16xi32>
        %add3A_654 = arith.addi %add3A_613, %add3A_653 : vector<16xi32>
        %shift_right_arithmetic3A_655 = arith.constant 5 : i32
        %shift_right_arithmetic3A_656 = vector.broadcast %shift_right_arithmetic3A_655 : i32 to vector<16xi32>
        %shift_right_arithmetic3A_657 = arith.shrsi %add3A_654, %shift_right_arithmetic3A_656 : vector<16xi32>
        %and3A_658 = arith.constant 31 : i32
        %and3A_659 = vector.broadcast %and3A_658 : i32 to vector<16xi32>
        %and3A_660 = arith.andi %add3A_654, %and3A_659 : vector<16xi32>
        %gather3A_661 = arith.constant 1 : i32
        %gather3A_662 = arith.constant 0 : i32
        %gather3A_663 = arith.constant 0 : i32
        %gather3A_664 = tpu.memref_slice %arg13[%gather3A_661, %gather3A_662, %gather3A_663] : memref<2x1024x32xf32, #tpu.memory_space<vmem>> -> memref<1x1024x32xf32, #tpu.memory_space<vmem>>
        %gather3A_665 = tpu.memref_squeeze %gather3A_664 : memref<1x1024x32xf32, #tpu.memory_space<vmem>> -> memref<1024x32xf32, #tpu.memory_space<vmem>>
        %gather3A_666 = tpu.vector_load_idx %gather3A_665[%shift_right_arithmetic3A_657, %and3A_660] : memref<1024x32xf32, #tpu.memory_space<vmem>>[vector<16xi32>, vector<16xi32>], vector<16xf32>,
        %add3A_667 = arith.constant 2 : i32
        %add3A_668 = vector.broadcast %add3A_667 : i32 to vector<16xi32>
        %add3A_669 = arith.addi %mul3A_603, %add3A_668 : vector<16xi32>
        %gather3A_670 = tpu.vector_load_idx %arg15[%add3A_669] : memref<324xf32, #tpu.memory_space<vmem>>[vector<16xi32>], vector<16xf32>,
        %mul3A_671 = arith.mulf %gather3A_666, %gather3A_670 : vector<16xf32>
        %add3A_672 = arith.constant 3 : i32
        %add3A_673 = vector.broadcast %add3A_672 : i32 to vector<16xi32>
        %add3A_674 = arith.addi %add3A_613, %add3A_673 : vector<16xi32>
        %shift_right_arithmetic3A_675 = arith.constant 5 : i32
        %shift_right_arithmetic3A_676 = vector.broadcast %shift_right_arithmetic3A_675 : i32 to vector<16xi32>
        %shift_right_arithmetic3A_677 = arith.shrsi %add3A_674, %shift_right_arithmetic3A_676 : vector<16xi32>
        %and3A_678 = arith.constant 31 : i32
        %and3A_679 = vector.broadcast %and3A_678 : i32 to vector<16xi32>
        %and3A_680 = arith.andi %add3A_674, %and3A_679 : vector<16xi32>
        %gather3A_681 = arith.constant 1 : i32
        %gather3A_682 = arith.constant 0 : i32
        %gather3A_683 = arith.constant 0 : i32
        %gather3A_684 = tpu.memref_slice %arg13[%gather3A_681, %gather3A_682, %gather3A_683] : memref<2x1024x32xf32, #tpu.memory_space<vmem>> -> memref<1x1024x32xf32, #tpu.memory_space<vmem>>
        %gather3A_685 = tpu.memref_squeeze %gather3A_684 : memref<1x1024x32xf32, #tpu.memory_space<vmem>> -> memref<1024x32xf32, #tpu.memory_space<vmem>>
        %gather3A_686 = tpu.vector_load_idx %gather3A_685[%shift_right_arithmetic3A_677, %and3A_680] : memref<1024x32xf32, #tpu.memory_space<vmem>>[vector<16xi32>, vector<16xi32>], vector<16xf32>,
        %add3A_687 = arith.constant 3 : i32
        %add3A_688 = vector.broadcast %add3A_687 : i32 to vector<16xi32>
        %add3A_689 = arith.addi %mul3A_603, %add3A_688 : vector<16xi32>
        %gather3A_690 = tpu.vector_load_idx %arg15[%add3A_689] : memref<324xf32, #tpu.memory_space<vmem>>[vector<16xi32>], vector<16xf32>,
        %mul3A_691 = arith.mulf %gather3A_686, %gather3A_690 : vector<16xf32>
        %add3A_692 = arith.constant 4 : i32
        %add3A_693 = vector.broadcast %add3A_692 : i32 to vector<16xi32>
        %add3A_694 = arith.addi %add3A_613, %add3A_693 : vector<16xi32>
        %shift_right_arithmetic3A_695 = arith.constant 5 : i32
        %shift_right_arithmetic3A_696 = vector.broadcast %shift_right_arithmetic3A_695 : i32 to vector<16xi32>
        %shift_right_arithmetic3A_697 = arith.shrsi %add3A_694, %shift_right_arithmetic3A_696 : vector<16xi32>
        %and3A_698 = arith.constant 31 : i32
        %and3A_699 = vector.broadcast %and3A_698 : i32 to vector<16xi32>
        %and3A_700 = arith.andi %add3A_694, %and3A_699 : vector<16xi32>
        %gather3A_701 = arith.constant 1 : i32
        %gather3A_702 = arith.constant 0 : i32
        %gather3A_703 = arith.constant 0 : i32
        %gather3A_704 = tpu.memref_slice %arg13[%gather3A_701, %gather3A_702, %gather3A_703] : memref<2x1024x32xf32, #tpu.memory_space<vmem>> -> memref<1x1024x32xf32, #tpu.memory_space<vmem>>
        %gather3A_705 = tpu.memref_squeeze %gather3A_704 : memref<1x1024x32xf32, #tpu.memory_space<vmem>> -> memref<1024x32xf32, #tpu.memory_space<vmem>>
        %gather3A_706 = tpu.vector_load_idx %gather3A_705[%shift_right_arithmetic3A_697, %and3A_700] : memref<1024x32xf32, #tpu.memory_space<vmem>>[vector<16xi32>, vector<16xi32>], vector<16xf32>,
        %add3A_707 = arith.constant 4 : i32
        %add3A_708 = vector.broadcast %add3A_707 : i32 to vector<16xi32>
        %add3A_709 = arith.addi %mul3A_603, %add3A_708 : vector<16xi32>
        %gather3A_710 = tpu.vector_load_idx %arg15[%add3A_709] : memref<324xf32, #tpu.memory_space<vmem>>[vector<16xi32>], vector<16xf32>,
        %mul3A_711 = arith.mulf %gather3A_706, %gather3A_710 : vector<16xf32>
        %add3A_712 = arith.constant 5 : i32
        %add3A_713 = vector.broadcast %add3A_712 : i32 to vector<16xi32>
        %add3A_714 = arith.addi %add3A_613, %add3A_713 : vector<16xi32>
        %shift_right_arithmetic3A_715 = arith.constant 5 : i32
        %shift_right_arithmetic3A_716 = vector.broadcast %shift_right_arithmetic3A_715 : i32 to vector<16xi32>
        %shift_right_arithmetic3A_717 = arith.shrsi %add3A_714, %shift_right_arithmetic3A_716 : vector<16xi32>
        %and3A_718 = arith.constant 31 : i32
        %and3A_719 = vector.broadcast %and3A_718 : i32 to vector<16xi32>
        %and3A_720 = arith.andi %add3A_714, %and3A_719 : vector<16xi32>
        %gather3A_721 = arith.constant 1 : i32
        %gather3A_722 = arith.constant 0 : i32
        %gather3A_723 = arith.constant 0 : i32
        %gather3A_724 = tpu.memref_slice %arg13[%gather3A_721, %gather3A_722, %gather3A_723] : memref<2x1024x32xf32, #tpu.memory_space<vmem>> -> memref<1x1024x32xf32, #tpu.memory_space<vmem>>
        %gather3A_725 = tpu.memref_squeeze %gather3A_724 : memref<1x1024x32xf32, #tpu.memory_space<vmem>> -> memref<1024x32xf32, #tpu.memory_space<vmem>>
        %gather3A_726 = tpu.vector_load_idx %gather3A_725[%shift_right_arithmetic3A_717, %and3A_720] : memref<1024x32xf32, #tpu.memory_space<vmem>>[vector<16xi32>, vector<16xi32>], vector<16xf32>,
        %add3A_727 = arith.constant 5 : i32
        %add3A_728 = vector.broadcast %add3A_727 : i32 to vector<16xi32>
        %add3A_729 = arith.addi %mul3A_603, %add3A_728 : vector<16xi32>
        %gather3A_730 = tpu.vector_load_idx %arg15[%add3A_729] : memref<324xf32, #tpu.memory_space<vmem>>[vector<16xi32>], vector<16xf32>,
        %mul3A_731 = arith.mulf %gather3A_726, %gather3A_730 : vector<16xf32>
        %add3A_732 = arith.constant 6 : i32
        %add3A_733 = vector.broadcast %add3A_732 : i32 to vector<16xi32>
        %add3A_734 = arith.addi %add3A_613, %add3A_733 : vector<16xi32>
        %shift_right_arithmetic3A_735 = arith.constant 5 : i32
        %shift_right_arithmetic3A_736 = vector.broadcast %shift_right_arithmetic3A_735 : i32 to vector<16xi32>
        %shift_right_arithmetic3A_737 = arith.shrsi %add3A_734, %shift_right_arithmetic3A_736 : vector<16xi32>
        %and3A_738 = arith.constant 31 : i32
        %and3A_739 = vector.broadcast %and3A_738 : i32 to vector<16xi32>
        %and3A_740 = arith.andi %add3A_734, %and3A_739 : vector<16xi32>
        %gather3A_741 = arith.constant 1 : i32
        %gather3A_742 = arith.constant 0 : i32
        %gather3A_743 = arith.constant 0 : i32
        %gather3A_744 = tpu.memref_slice %arg13[%gather3A_741, %gather3A_742, %gather3A_743] : memref<2x1024x32xf32, #tpu.memory_space<vmem>> -> memref<1x1024x32xf32, #tpu.memory_space<vmem>>
        %gather3A_745 = tpu.memref_squeeze %gather3A_744 : memref<1x1024x32xf32, #tpu.memory_space<vmem>> -> memref<1024x32xf32, #tpu.memory_space<vmem>>
        %gather3A_746 = tpu.vector_load_idx %gather3A_745[%shift_right_arithmetic3A_737, %and3A_740] : memref<1024x32xf32, #tpu.memory_space<vmem>>[vector<16xi32>, vector<16xi32>], vector<16xf32>,
        %add3A_747 = arith.constant 6 : i32
        %add3A_748 = vector.broadcast %add3A_747 : i32 to vector<16xi32>
        %add3A_749 = arith.addi %mul3A_603, %add3A_748 : vector<16xi32>
        %gather3A_750 = tpu.vector_load_idx %arg15[%add3A_749] : memref<324xf32, #tpu.memory_space<vmem>>[vector<16xi32>], vector<16xf32>,
        %mul3A_751 = arith.mulf %gather3A_746, %gather3A_750 : vector<16xf32>
        %add3A_752 = arith.constant 7 : i32
        %add3A_753 = vector.broadcast %add3A_752 : i32 to vector<16xi32>
        %add3A_754 = arith.addi %add3A_613, %add3A_753 : vector<16xi32>
        %shift_right_arithmetic3A_755 = arith.constant 5 : i32
        %shift_right_arithmetic3A_756 = vector.broadcast %shift_right_arithmetic3A_755 : i32 to vector<16xi32>
        %shift_right_arithmetic3A_757 = arith.shrsi %add3A_754, %shift_right_arithmetic3A_756 : vector<16xi32>
        %and3A_758 = arith.constant 31 : i32
        %and3A_759 = vector.broadcast %and3A_758 : i32 to vector<16xi32>
        %and3A_760 = arith.andi %add3A_754, %and3A_759 : vector<16xi32>
        %gather3A_761 = arith.constant 1 : i32
        %gather3A_762 = arith.constant 0 : i32
        %gather3A_763 = arith.constant 0 : i32
        %gather3A_764 = tpu.memref_slice %arg13[%gather3A_761, %gather3A_762, %gather3A_763] : memref<2x1024x32xf32, #tpu.memory_space<vmem>> -> memref<1x1024x32xf32, #tpu.memory_space<vmem>>
        %gather3A_765 = tpu.memref_squeeze %gather3A_764 : memref<1x1024x32xf32, #tpu.memory_space<vmem>> -> memref<1024x32xf32, #tpu.memory_space<vmem>>
        %gather3A_766 = tpu.vector_load_idx %gather3A_765[%shift_right_arithmetic3A_757, %and3A_760] : memref<1024x32xf32, #tpu.memory_space<vmem>>[vector<16xi32>, vector<16xi32>], vector<16xf32>,
        %add3A_767 = arith.constant 7 : i32
        %add3A_768 = vector.broadcast %add3A_767 : i32 to vector<16xi32>
        %add3A_769 = arith.addi %mul3A_603, %add3A_768 : vector<16xi32>
        %gather3A_770 = tpu.vector_load_idx %arg15[%add3A_769] : memref<324xf32, #tpu.memory_space<vmem>>[vector<16xi32>], vector<16xf32>,
        %mul3A_771 = arith.mulf %gather3A_766, %gather3A_770 : vector<16xf32>
        %add3A_772 = arith.constant 8 : i32
        %add3A_773 = vector.broadcast %add3A_772 : i32 to vector<16xi32>
        %add3A_774 = arith.addi %add3A_613, %add3A_773 : vector<16xi32>
        %shift_right_arithmetic3A_775 = arith.constant 5 : i32
        %shift_right_arithmetic3A_776 = vector.broadcast %shift_right_arithmetic3A_775 : i32 to vector<16xi32>
        %shift_right_arithmetic3A_777 = arith.shrsi %add3A_774, %shift_right_arithmetic3A_776 : vector<16xi32>
        %and3A_778 = arith.constant 31 : i32
        %and3A_779 = vector.broadcast %and3A_778 : i32 to vector<16xi32>
        %and3A_780 = arith.andi %add3A_774, %and3A_779 : vector<16xi32>
        %gather3A_781 = arith.constant 1 : i32
        %gather3A_782 = arith.constant 0 : i32
        %gather3A_783 = arith.constant 0 : i32
        %gather3A_784 = tpu.memref_slice %arg13[%gather3A_781, %gather3A_782, %gather3A_783] : memref<2x1024x32xf32, #tpu.memory_space<vmem>> -> memref<1x1024x32xf32, #tpu.memory_space<vmem>>
        %gather3A_785 = tpu.memref_squeeze %gather3A_784 : memref<1x1024x32xf32, #tpu.memory_space<vmem>> -> memref<1024x32xf32, #tpu.memory_space<vmem>>
        %gather3A_786 = tpu.vector_load_idx %gather3A_785[%shift_right_arithmetic3A_777, %and3A_780] : memref<1024x32xf32, #tpu.memory_space<vmem>>[vector<16xi32>, vector<16xi32>], vector<16xf32>,
        %add3A_787 = arith.constant 8 : i32
        %add3A_788 = vector.broadcast %add3A_787 : i32 to vector<16xi32>
        %add3A_789 = arith.addi %mul3A_603, %add3A_788 : vector<16xi32>
        %gather3A_790 = tpu.vector_load_idx %arg15[%add3A_789] : memref<324xf32, #tpu.memory_space<vmem>>[vector<16xi32>], vector<16xf32>,
        %mul3A_791 = arith.mulf %gather3A_786, %gather3A_790 : vector<16xf32>
        %add3A_792 = arith.constant 9 : i32
        %add3A_793 = vector.broadcast %add3A_792 : i32 to vector<16xi32>
        %add3A_794 = arith.addi %add3A_613, %add3A_793 : vector<16xi32>
        %shift_right_arithmetic3A_795 = arith.constant 5 : i32
        %shift_right_arithmetic3A_796 = vector.broadcast %shift_right_arithmetic3A_795 : i32 to vector<16xi32>
        %shift_right_arithmetic3A_797 = arith.shrsi %add3A_794, %shift_right_arithmetic3A_796 : vector<16xi32>
        %and3A_798 = arith.constant 31 : i32
        %and3A_799 = vector.broadcast %and3A_798 : i32 to vector<16xi32>
        %and3A_800 = arith.andi %add3A_794, %and3A_799 : vector<16xi32>
        %gather3A_801 = arith.constant 1 : i32
        %gather3A_802 = arith.constant 0 : i32
        %gather3A_803 = arith.constant 0 : i32
        %gather3A_804 = tpu.memref_slice %arg13[%gather3A_801, %gather3A_802, %gather3A_803] : memref<2x1024x32xf32, #tpu.memory_space<vmem>> -> memref<1x1024x32xf32, #tpu.memory_space<vmem>>
        %gather3A_805 = tpu.memref_squeeze %gather3A_804 : memref<1x1024x32xf32, #tpu.memory_space<vmem>> -> memref<1024x32xf32, #tpu.memory_space<vmem>>
        %gather3A_806 = tpu.vector_load_idx %gather3A_805[%shift_right_arithmetic3A_797, %and3A_800] : memref<1024x32xf32, #tpu.memory_space<vmem>>[vector<16xi32>, vector<16xi32>], vector<16xf32>,
        %add3A_807 = arith.constant 9 : i32
        %add3A_808 = vector.broadcast %add3A_807 : i32 to vector<16xi32>
        %add3A_809 = arith.addi %mul3A_603, %add3A_808 : vector<16xi32>
        %gather3A_810 = tpu.vector_load_idx %arg15[%add3A_809] : memref<324xf32, #tpu.memory_space<vmem>>[vector<16xi32>], vector<16xf32>,
        %mul3A_811 = arith.mulf %gather3A_806, %gather3A_810 : vector<16xf32>
        %add3A_812 = arith.constant 10 : i32
        %add3A_813 = vector.broadcast %add3A_812 : i32 to vector<16xi32>
        %add3A_814 = arith.addi %add3A_613, %add3A_813 : vector<16xi32>
        %shift_right_arithmetic3A_815 = arith.constant 5 : i32
        %shift_right_arithmetic3A_816 = vector.broadcast %shift_right_arithmetic3A_815 : i32 to vector<16xi32>
        %shift_right_arithmetic3A_817 = arith.shrsi %add3A_814, %shift_right_arithmetic3A_816 : vector<16xi32>
        %and3A_818 = arith.constant 31 : i32
        %and3A_819 = vector.broadcast %and3A_818 : i32 to vector<16xi32>
        %and3A_820 = arith.andi %add3A_814, %and3A_819 : vector<16xi32>
        %gather3A_821 = arith.constant 1 : i32
        %gather3A_822 = arith.constant 0 : i32
        %gather3A_823 = arith.constant 0 : i32
        %gather3A_824 = tpu.memref_slice %arg13[%gather3A_821, %gather3A_822, %gather3A_823] : memref<2x1024x32xf32, #tpu.memory_space<vmem>> -> memref<1x1024x32xf32, #tpu.memory_space<vmem>>
        %gather3A_825 = tpu.memref_squeeze %gather3A_824 : memref<1x1024x32xf32, #tpu.memory_space<vmem>> -> memref<1024x32xf32, #tpu.memory_space<vmem>>
        %gather3A_826 = tpu.vector_load_idx %gather3A_825[%shift_right_arithmetic3A_817, %and3A_820] : memref<1024x32xf32, #tpu.memory_space<vmem>>[vector<16xi32>, vector<16xi32>], vector<16xf32>,
        %add3A_827 = arith.constant 10 : i32
        %add3A_828 = vector.broadcast %add3A_827 : i32 to vector<16xi32>
        %add3A_829 = arith.addi %mul3A_603, %add3A_828 : vector<16xi32>
        %gather3A_830 = tpu.vector_load_idx %arg15[%add3A_829] : memref<324xf32, #tpu.memory_space<vmem>>[vector<16xi32>], vector<16xf32>,
        %mul3A_831 = arith.mulf %gather3A_826, %gather3A_830 : vector<16xf32>
        %add3A_832 = arith.constant 11 : i32
        %add3A_833 = vector.broadcast %add3A_832 : i32 to vector<16xi32>
        %add3A_834 = arith.addi %add3A_613, %add3A_833 : vector<16xi32>
        %shift_right_arithmetic3A_835 = arith.constant 5 : i32
        %shift_right_arithmetic3A_836 = vector.broadcast %shift_right_arithmetic3A_835 : i32 to vector<16xi32>
        %shift_right_arithmetic3A_837 = arith.shrsi %add3A_834, %shift_right_arithmetic3A_836 : vector<16xi32>
        %and3A_838 = arith.constant 31 : i32
        %and3A_839 = vector.broadcast %and3A_838 : i32 to vector<16xi32>
        %and3A_840 = arith.andi %add3A_834, %and3A_839 : vector<16xi32>
        %gather3A_841 = arith.constant 1 : i32
        %gather3A_842 = arith.constant 0 : i32
        %gather3A_843 = arith.constant 0 : i32
        %gather3A_844 = tpu.memref_slice %arg13[%gather3A_841, %gather3A_842, %gather3A_843] : memref<2x1024x32xf32, #tpu.memory_space<vmem>> -> memref<1x1024x32xf32, #tpu.memory_space<vmem>>
        %gather3A_845 = tpu.memref_squeeze %gather3A_844 : memref<1x1024x32xf32, #tpu.memory_space<vmem>> -> memref<1024x32xf32, #tpu.memory_space<vmem>>
        %gather3A_846 = tpu.vector_load_idx %gather3A_845[%shift_right_arithmetic3A_837, %and3A_840] : memref<1024x32xf32, #tpu.memory_space<vmem>>[vector<16xi32>, vector<16xi32>], vector<16xf32>,
        %add3A_847 = arith.constant 11 : i32
        %add3A_848 = vector.broadcast %add3A_847 : i32 to vector<16xi32>
        %add3A_849 = arith.addi %mul3A_603, %add3A_848 : vector<16xi32>
        %gather3A_850 = tpu.vector_load_idx %arg15[%add3A_849] : memref<324xf32, #tpu.memory_space<vmem>>[vector<16xi32>], vector<16xf32>,
        %mul3A_851 = arith.mulf %gather3A_846, %gather3A_850 : vector<16xf32>
        %add3A_852 = arith.constant 12 : i32
        %add3A_853 = vector.broadcast %add3A_852 : i32 to vector<16xi32>
        %add3A_854 = arith.addi %add3A_613, %add3A_853 : vector<16xi32>
        %shift_right_arithmetic3A_855 = arith.constant 5 : i32
        %shift_right_arithmetic3A_856 = vector.broadcast %shift_right_arithmetic3A_855 : i32 to vector<16xi32>
        %shift_right_arithmetic3A_857 = arith.shrsi %add3A_854, %shift_right_arithmetic3A_856 : vector<16xi32>
        %and3A_858 = arith.constant 31 : i32
        %and3A_859 = vector.broadcast %and3A_858 : i32 to vector<16xi32>
        %and3A_860 = arith.andi %add3A_854, %and3A_859 : vector<16xi32>
        %gather3A_861 = arith.constant 1 : i32
        %gather3A_862 = arith.constant 0 : i32
        %gather3A_863 = arith.constant 0 : i32
        %gather3A_864 = tpu.memref_slice %arg13[%gather3A_861, %gather3A_862, %gather3A_863] : memref<2x1024x32xf32, #tpu.memory_space<vmem>> -> memref<1x1024x32xf32, #tpu.memory_space<vmem>>
        %gather3A_865 = tpu.memref_squeeze %gather3A_864 : memref<1x1024x32xf32, #tpu.memory_space<vmem>> -> memref<1024x32xf32, #tpu.memory_space<vmem>>
        %gather3A_866 = tpu.vector_load_idx %gather3A_865[%shift_right_arithmetic3A_857, %and3A_860] : memref<1024x32xf32, #tpu.memory_space<vmem>>[vector<16xi32>, vector<16xi32>], vector<16xf32>,
        %add3A_867 = arith.constant 12 : i32
        %add3A_868 = vector.broadcast %add3A_867 : i32 to vector<16xi32>
        %add3A_869 = arith.addi %mul3A_603, %add3A_868 : vector<16xi32>
        %gather3A_870 = tpu.vector_load_idx %arg15[%add3A_869] : memref<324xf32, #tpu.memory_space<vmem>>[vector<16xi32>], vector<16xf32>,
        %mul3A_871 = arith.mulf %gather3A_866, %gather3A_870 : vector<16xf32>
        %add3A_872 = arith.constant 13 : i32
        %add3A_873 = vector.broadcast %add3A_872 : i32 to vector<16xi32>
        %add3A_874 = arith.addi %add3A_613, %add3A_873 : vector<16xi32>
        %shift_right_arithmetic3A_875 = arith.constant 5 : i32
        %shift_right_arithmetic3A_876 = vector.broadcast %shift_right_arithmetic3A_875 : i32 to vector<16xi32>
        %shift_right_arithmetic3A_877 = arith.shrsi %add3A_874, %shift_right_arithmetic3A_876 : vector<16xi32>
        %and3A_878 = arith.constant 31 : i32
        %and3A_879 = vector.broadcast %and3A_878 : i32 to vector<16xi32>
        %and3A_880 = arith.andi %add3A_874, %and3A_879 : vector<16xi32>
        %gather3A_881 = arith.constant 1 : i32
        %gather3A_882 = arith.constant 0 : i32
        %gather3A_883 = arith.constant 0 : i32
        %gather3A_884 = tpu.memref_slice %arg13[%gather3A_881, %gather3A_882, %gather3A_883] : memref<2x1024x32xf32, #tpu.memory_space<vmem>> -> memref<1x1024x32xf32, #tpu.memory_space<vmem>>
        %gather3A_885 = tpu.memref_squeeze %gather3A_884 : memref<1x1024x32xf32, #tpu.memory_space<vmem>> -> memref<1024x32xf32, #tpu.memory_space<vmem>>
        %gather3A_886 = tpu.vector_load_idx %gather3A_885[%shift_right_arithmetic3A_877, %and3A_880] : memref<1024x32xf32, #tpu.memory_space<vmem>>[vector<16xi32>, vector<16xi32>], vector<16xf32>,
        %add3A_887 = arith.constant 13 : i32
        %add3A_888 = vector.broadcast %add3A_887 : i32 to vector<16xi32>
        %add3A_889 = arith.addi %mul3A_603, %add3A_888 : vector<16xi32>
        %gather3A_890 = tpu.vector_load_idx %arg15[%add3A_889] : memref<324xf32, #tpu.memory_space<vmem>>[vector<16xi32>], vector<16xf32>,
        %mul3A_891 = arith.mulf %gather3A_886, %gather3A_890 : vector<16xf32>
        %add3A_892 = arith.constant 14 : i32
        %add3A_893 = vector.broadcast %add3A_892 : i32 to vector<16xi32>
        %add3A_894 = arith.addi %add3A_613, %add3A_893 : vector<16xi32>
        %shift_right_arithmetic3A_895 = arith.constant 5 : i32
        %shift_right_arithmetic3A_896 = vector.broadcast %shift_right_arithmetic3A_895 : i32 to vector<16xi32>
        %shift_right_arithmetic3A_897 = arith.shrsi %add3A_894, %shift_right_arithmetic3A_896 : vector<16xi32>
        %and3A_898 = arith.constant 31 : i32
        %and3A_899 = vector.broadcast %and3A_898 : i32 to vector<16xi32>
        %and3A_900 = arith.andi %add3A_894, %and3A_899 : vector<16xi32>
        %gather3A_901 = arith.constant 1 : i32
        %gather3A_902 = arith.constant 0 : i32
        %gather3A_903 = arith.constant 0 : i32
        %gather3A_904 = tpu.memref_slice %arg13[%gather3A_901, %gather3A_902, %gather3A_903] : memref<2x1024x32xf32, #tpu.memory_space<vmem>> -> memref<1x1024x32xf32, #tpu.memory_space<vmem>>
        %gather3A_905 = tpu.memref_squeeze %gather3A_904 : memref<1x1024x32xf32, #tpu.memory_space<vmem>> -> memref<1024x32xf32, #tpu.memory_space<vmem>>
        %gather3A_906 = tpu.vector_load_idx %gather3A_905[%shift_right_arithmetic3A_897, %and3A_900] : memref<1024x32xf32, #tpu.memory_space<vmem>>[vector<16xi32>, vector<16xi32>], vector<16xf32>,
        %add3A_907 = arith.constant 14 : i32
        %add3A_908 = vector.broadcast %add3A_907 : i32 to vector<16xi32>
        %add3A_909 = arith.addi %mul3A_603, %add3A_908 : vector<16xi32>
        %gather3A_910 = tpu.vector_load_idx %arg15[%add3A_909] : memref<324xf32, #tpu.memory_space<vmem>>[vector<16xi32>], vector<16xf32>,
        %mul3A_911 = arith.mulf %gather3A_906, %gather3A_910 : vector<16xf32>
        %add3A_912 = arith.constant 15 : i32
        %add3A_913 = vector.broadcast %add3A_912 : i32 to vector<16xi32>
        %add3A_914 = arith.addi %add3A_613, %add3A_913 : vector<16xi32>
        %shift_right_arithmetic3A_915 = arith.constant 5 : i32
        %shift_right_arithmetic3A_916 = vector.broadcast %shift_right_arithmetic3A_915 : i32 to vector<16xi32>
        %shift_right_arithmetic3A_917 = arith.shrsi %add3A_914, %shift_right_arithmetic3A_916 : vector<16xi32>
        %and3A_918 = arith.constant 31 : i32
        %and3A_919 = vector.broadcast %and3A_918 : i32 to vector<16xi32>
        %and3A_920 = arith.andi %add3A_914, %and3A_919 : vector<16xi32>
        %gather3A_921 = arith.constant 1 : i32
        %gather3A_922 = arith.constant 0 : i32
        %gather3A_923 = arith.constant 0 : i32
        %gather3A_924 = tpu.memref_slice %arg13[%gather3A_921, %gather3A_922, %gather3A_923] : memref<2x1024x32xf32, #tpu.memory_space<vmem>> -> memref<1x1024x32xf32, #tpu.memory_space<vmem>>
        %gather3A_925 = tpu.memref_squeeze %gather3A_924 : memref<1x1024x32xf32, #tpu.memory_space<vmem>> -> memref<1024x32xf32, #tpu.memory_space<vmem>>
        %gather3A_926 = tpu.vector_load_idx %gather3A_925[%shift_right_arithmetic3A_917, %and3A_920] : memref<1024x32xf32, #tpu.memory_space<vmem>>[vector<16xi32>, vector<16xi32>], vector<16xf32>,
        %add3A_927 = arith.constant 15 : i32
        %add3A_928 = vector.broadcast %add3A_927 : i32 to vector<16xi32>
        %add3A_929 = arith.addi %mul3A_603, %add3A_928 : vector<16xi32>
        %gather3A_930 = tpu.vector_load_idx %arg15[%add3A_929] : memref<324xf32, #tpu.memory_space<vmem>>[vector<16xi32>], vector<16xf32>,
        %mul3A_931 = arith.mulf %gather3A_926, %gather3A_930 : vector<16xf32>
        %add3A_932 = arith.constant 16 : i32
        %add3A_933 = vector.broadcast %add3A_932 : i32 to vector<16xi32>
        %add3A_934 = arith.addi %add3A_613, %add3A_933 : vector<16xi32>
        %shift_right_arithmetic3A_935 = arith.constant 5 : i32
        %shift_right_arithmetic3A_936 = vector.broadcast %shift_right_arithmetic3A_935 : i32 to vector<16xi32>
        %shift_right_arithmetic3A_937 = arith.shrsi %add3A_934, %shift_right_arithmetic3A_936 : vector<16xi32>
        %and3A_938 = arith.constant 31 : i32
        %and3A_939 = vector.broadcast %and3A_938 : i32 to vector<16xi32>
        %and3A_940 = arith.andi %add3A_934, %and3A_939 : vector<16xi32>
        %gather3A_941 = arith.constant 1 : i32
        %gather3A_942 = arith.constant 0 : i32
        %gather3A_943 = arith.constant 0 : i32
        %gather3A_944 = tpu.memref_slice %arg13[%gather3A_941, %gather3A_942, %gather3A_943] : memref<2x1024x32xf32, #tpu.memory_space<vmem>> -> memref<1x1024x32xf32, #tpu.memory_space<vmem>>
        %gather3A_945 = tpu.memref_squeeze %gather3A_944 : memref<1x1024x32xf32, #tpu.memory_space<vmem>> -> memref<1024x32xf32, #tpu.memory_space<vmem>>
        %gather3A_946 = tpu.vector_load_idx %gather3A_945[%shift_right_arithmetic3A_937, %and3A_940] : memref<1024x32xf32, #tpu.memory_space<vmem>>[vector<16xi32>, vector<16xi32>], vector<16xf32>,
        %add3A_947 = arith.constant 16 : i32
        %add3A_948 = vector.broadcast %add3A_947 : i32 to vector<16xi32>
        %add3A_949 = arith.addi %mul3A_603, %add3A_948 : vector<16xi32>
        %gather3A_950 = tpu.vector_load_idx %arg15[%add3A_949] : memref<324xf32, #tpu.memory_space<vmem>>[vector<16xi32>], vector<16xf32>,
        %mul3A_951 = arith.mulf %gather3A_946, %gather3A_950 : vector<16xf32>
        %add3A_952 = arith.constant 17 : i32
        %add3A_953 = vector.broadcast %add3A_952 : i32 to vector<16xi32>
        %add3A_954 = arith.addi %add3A_613, %add3A_953 : vector<16xi32>
        %shift_right_arithmetic3A_955 = arith.constant 5 : i32
        %shift_right_arithmetic3A_956 = vector.broadcast %shift_right_arithmetic3A_955 : i32 to vector<16xi32>
        %shift_right_arithmetic3A_957 = arith.shrsi %add3A_954, %shift_right_arithmetic3A_956 : vector<16xi32>
        %and3A_958 = arith.constant 31 : i32
        %and3A_959 = vector.broadcast %and3A_958 : i32 to vector<16xi32>
        %and3A_960 = arith.andi %add3A_954, %and3A_959 : vector<16xi32>
        %gather3A_961 = arith.constant 1 : i32
        %gather3A_962 = arith.constant 0 : i32
        %gather3A_963 = arith.constant 0 : i32
        %gather3A_964 = tpu.memref_slice %arg13[%gather3A_961, %gather3A_962, %gather3A_963] : memref<2x1024x32xf32, #tpu.memory_space<vmem>> -> memref<1x1024x32xf32, #tpu.memory_space<vmem>>
        %gather3A_965 = tpu.memref_squeeze %gather3A_964 : memref<1x1024x32xf32, #tpu.memory_space<vmem>> -> memref<1024x32xf32, #tpu.memory_space<vmem>>
        %gather3A_966 = tpu.vector_load_idx %gather3A_965[%shift_right_arithmetic3A_957, %and3A_960] : memref<1024x32xf32, #tpu.memory_space<vmem>>[vector<16xi32>, vector<16xi32>], vector<16xf32>,
        %add3A_967 = arith.constant 17 : i32
        %add3A_968 = vector.broadcast %add3A_967 : i32 to vector<16xi32>
        %add3A_969 = arith.addi %mul3A_603, %add3A_968 : vector<16xi32>
        %gather3A_970 = tpu.vector_load_idx %arg15[%add3A_969] : memref<324xf32, #tpu.memory_space<vmem>>[vector<16xi32>], vector<16xf32>,
        %mul3A_971 = arith.mulf %gather3A_966, %gather3A_970 : vector<16xf32>
        %add3A_972 = arith.addf %mul3A_631, %mul3A_651 : vector<16xf32>
        %add3A_973 = arith.addf %add3A_972, %mul3A_671 : vector<16xf32>
        %add3A_974 = arith.addf %add3A_973, %mul3A_691 : vector<16xf32>
        %add3A_975 = arith.addf %add3A_974, %mul3A_711 : vector<16xf32>
        %add3A_976 = arith.addf %add3A_975, %mul3A_731 : vector<16xf32>
        %add3A_977 = arith.addf %add3A_976, %mul3A_751 : vector<16xf32>
        %add3A_978 = arith.addf %add3A_977, %mul3A_771 : vector<16xf32>
        %add3A_979 = arith.addf %add3A_978, %mul3A_791 : vector<16xf32>
        %add3A_980 = arith.addf %add3A_979, %mul3A_811 : vector<16xf32>
        %add3A_981 = arith.addf %add3A_980, %mul3A_831 : vector<16xf32>
        %add3A_982 = arith.addf %add3A_981, %mul3A_851 : vector<16xf32>
        %add3A_983 = arith.addf %add3A_982, %mul3A_871 : vector<16xf32>
        %add3A_984 = arith.addf %add3A_983, %mul3A_891 : vector<16xf32>
        %add3A_985 = arith.addf %add3A_984, %mul3A_911 : vector<16xf32>
        %add3A_986 = arith.addf %add3A_985, %mul3A_931 : vector<16xf32>
        %add3A_987 = arith.addf %add3A_986, %mul3A_951 : vector<16xf32>
        %add3A_988 = arith.addf %add3A_987, %mul3A_971 : vector<16xf32>
        %mul3A_989 = arith.constant 0.055555556 : f32
        %mul3A_990 = vector.broadcast %mul3A_989 : f32 to vector<16xf32>
        %mul3A_991 = arith.mulf %add3A_988, %mul3A_990 : vector<16xf32>
        %sub3A_992 = arith.subf %mul3A_631, %mul3A_991 : vector<16xf32>
        %sub3A_993 = arith.subf %mul3A_651, %mul3A_991 : vector<16xf32>
        %sub3A_994 = arith.subf %mul3A_671, %mul3A_991 : vector<16xf32>
        %sub3A_995 = arith.subf %mul3A_691, %mul3A_991 : vector<16xf32>
        %sub3A_996 = arith.subf %mul3A_711, %mul3A_991 : vector<16xf32>
        %sub3A_997 = arith.subf %mul3A_731, %mul3A_991 : vector<16xf32>
        %sub3A_998 = arith.subf %mul3A_751, %mul3A_991 : vector<16xf32>
        %sub3A_999 = arith.subf %mul3A_771, %mul3A_991 : vector<16xf32>
        %sub3A_1000 = arith.subf %mul3A_791, %mul3A_991 : vector<16xf32>
        %sub3A_1001 = arith.subf %mul3A_811, %mul3A_991 : vector<16xf32>
        %sub3A_1002 = arith.subf %mul3A_831, %mul3A_991 : vector<16xf32>
        %sub3A_1003 = arith.subf %mul3A_851, %mul3A_991 : vector<16xf32>
        %sub3A_1004 = arith.subf %mul3A_871, %mul3A_991 : vector<16xf32>
        %sub3A_1005 = arith.subf %mul3A_891, %mul3A_991 : vector<16xf32>
        %sub3A_1006 = arith.subf %mul3A_911, %mul3A_991 : vector<16xf32>
        %sub3A_1007 = arith.subf %mul3A_931, %mul3A_991 : vector<16xf32>
        %sub3A_1008 = arith.subf %mul3A_951, %mul3A_991 : vector<16xf32>
        %sub3A_1009 = arith.subf %mul3A_971, %mul3A_991 : vector<16xf32>
        %mul3A_1010 = arith.mulf %sub3A_992, %sub3A_992 : vector<16xf32>
        %mul3A_1011 = arith.mulf %sub3A_993, %sub3A_993 : vector<16xf32>
        %add3A_1012 = arith.addf %mul3A_1010, %mul3A_1011 : vector<16xf32>
        %mul3A_1013 = arith.mulf %sub3A_994, %sub3A_994 : vector<16xf32>
        %add3A_1014 = arith.addf %add3A_1012, %mul3A_1013 : vector<16xf32>
        %mul3A_1015 = arith.mulf %sub3A_995, %sub3A_995 : vector<16xf32>
        %add3A_1016 = arith.addf %add3A_1014, %mul3A_1015 : vector<16xf32>
        %mul3A_1017 = arith.mulf %sub3A_996, %sub3A_996 : vector<16xf32>
        %add3A_1018 = arith.addf %add3A_1016, %mul3A_1017 : vector<16xf32>
        %mul3A_1019 = arith.mulf %sub3A_997, %sub3A_997 : vector<16xf32>
        %add3A_1020 = arith.addf %add3A_1018, %mul3A_1019 : vector<16xf32>
        %mul3A_1021 = arith.mulf %sub3A_998, %sub3A_998 : vector<16xf32>
        %add3A_1022 = arith.addf %add3A_1020, %mul3A_1021 : vector<16xf32>
        %mul3A_1023 = arith.mulf %sub3A_999, %sub3A_999 : vector<16xf32>
        %add3A_1024 = arith.addf %add3A_1022, %mul3A_1023 : vector<16xf32>
        %mul3A_1025 = arith.mulf %sub3A_1000, %sub3A_1000 : vector<16xf32>
        %add3A_1026 = arith.addf %add3A_1024, %mul3A_1025 : vector<16xf32>
        %mul3A_1027 = arith.mulf %sub3A_1001, %sub3A_1001 : vector<16xf32>
        %add3A_1028 = arith.addf %add3A_1026, %mul3A_1027 : vector<16xf32>
        %mul3A_1029 = arith.mulf %sub3A_1002, %sub3A_1002 : vector<16xf32>
        %add3A_1030 = arith.addf %add3A_1028, %mul3A_1029 : vector<16xf32>
        %mul3A_1031 = arith.mulf %sub3A_1003, %sub3A_1003 : vector<16xf32>
        %add3A_1032 = arith.addf %add3A_1030, %mul3A_1031 : vector<16xf32>
        %mul3A_1033 = arith.mulf %sub3A_1004, %sub3A_1004 : vector<16xf32>
        %add3A_1034 = arith.addf %add3A_1032, %mul3A_1033 : vector<16xf32>
        %mul3A_1035 = arith.mulf %sub3A_1005, %sub3A_1005 : vector<16xf32>
        %add3A_1036 = arith.addf %add3A_1034, %mul3A_1035 : vector<16xf32>
        %mul3A_1037 = arith.mulf %sub3A_1006, %sub3A_1006 : vector<16xf32>
        %add3A_1038 = arith.addf %add3A_1036, %mul3A_1037 : vector<16xf32>
        %mul3A_1039 = arith.mulf %sub3A_1007, %sub3A_1007 : vector<16xf32>
        %add3A_1040 = arith.addf %add3A_1038, %mul3A_1039 : vector<16xf32>
        %mul3A_1041 = arith.mulf %sub3A_1008, %sub3A_1008 : vector<16xf32>
        %add3A_1042 = arith.addf %add3A_1040, %mul3A_1041 : vector<16xf32>
        %mul3A_1043 = arith.mulf %sub3A_1009, %sub3A_1009 : vector<16xf32>
        %add3A_1044 = arith.addf %add3A_1042, %mul3A_1043 : vector<16xf32>
        %mul3A_1045 = arith.constant 0.055555556 : f32
        %mul3A_1046 = vector.broadcast %mul3A_1045 : f32 to vector<16xf32>
        %mul3A_1047 = arith.mulf %add3A_1044, %mul3A_1046 : vector<16xf32>
        %add3A_1048 = arith.constant 9.99999996E-13 : f32
        %add3A_1049 = vector.broadcast %add3A_1048 : f32 to vector<16xf32>
        %add3A_1050 = arith.addf %mul3A_1047, %add3A_1049 : vector<16xf32>
        %bitcast3A = vector.bitcast %add3A_1050 : vector<16xf32> to vector<16xi32>
        %shift_right_arithmetic3A_1051 = arith.constant 1 : i32
        %shift_right_arithmetic3A_1052 = vector.broadcast %shift_right_arithmetic3A_1051 : i32 to vector<16xi32>
        %shift_right_arithmetic3A_1053 = arith.shrsi %bitcast3A, %shift_right_arithmetic3A_1052 : vector<16xi32>
        %sub3A_1054 = arith.constant 1597463007 : i32
        %sub3A_1055 = vector.broadcast %sub3A_1054 : i32 to vector<16xi32>
        %sub3A_1056 = arith.subi %sub3A_1055, %shift_right_arithmetic3A_1053 : vector<16xi32>
        %bitcast3A_1057 = vector.bitcast %sub3A_1056 : vector<16xi32> to vector<16xf32>
        %mul3A_1058 = arith.constant 5.000000e-01 : f32
        %mul3A_1059 = vector.broadcast %mul3A_1058 : f32 to vector<16xf32>
        %mul3A_1060 = arith.mulf %mul3A_1059, %add3A_1050 : vector<16xf32>
        %mul3A_1061 = arith.mulf %mul3A_1060, %bitcast3A_1057 : vector<16xf32>
        %mul3A_1062 = arith.mulf %mul3A_1061, %bitcast3A_1057 : vector<16xf32>
        %sub3A_1063 = arith.constant 1.500000e+00 : f32
        %sub3A_1064 = vector.broadcast %sub3A_1063 : f32 to vector<16xf32>
        %sub3A_1065 = arith.subf %sub3A_1064, %mul3A_1062 : vector<16xf32>
        %mul3A_1066 = arith.mulf %bitcast3A_1057, %sub3A_1065 : vector<16xf32>
        %mul3A_1067 = arith.constant 5.000000e-01 : f32
        %mul3A_1068 = vector.broadcast %mul3A_1067 : f32 to vector<16xf32>
        %mul3A_1069 = arith.mulf %mul3A_1068, %add3A_1050 : vector<16xf32>
        %mul3A_1070 = arith.mulf %mul3A_1069, %mul3A_1066 : vector<16xf32>
        %mul3A_1071 = arith.mulf %mul3A_1070, %mul3A_1066 : vector<16xf32>
        %sub3A_1072 = arith.constant 1.500000e+00 : f32
        %sub3A_1073 = vector.broadcast %sub3A_1072 : f32 to vector<16xf32>
        %sub3A_1074 = arith.subf %sub3A_1073, %mul3A_1071 : vector<16xf32>
        %mul3A_1075 = arith.mulf %mul3A_1066, %sub3A_1074 : vector<16xf32>
        %mul3A_1076 = arith.constant 5.000000e-01 : f32
        %mul3A_1077 = vector.broadcast %mul3A_1076 : f32 to vector<16xf32>
        %mul3A_1078 = arith.mulf %mul3A_1077, %add3A_1050 : vector<16xf32>
        %mul3A_1079 = arith.mulf %mul3A_1078, %mul3A_1075 : vector<16xf32>
        %mul3A_1080 = arith.mulf %mul3A_1079, %mul3A_1075 : vector<16xf32>
        %sub3A_1081 = arith.constant 1.500000e+00 : f32
        %sub3A_1082 = vector.broadcast %sub3A_1081 : f32 to vector<16xf32>
        %sub3A_1083 = arith.subf %sub3A_1082, %mul3A_1080 : vector<16xf32>
        %mul3A_1084 = arith.mulf %mul3A_1075, %sub3A_1083 : vector<16xf32>
        %mul3A_1085 = arith.constant 18 : i32
        %mul3A_1086 = vector.broadcast %mul3A_1085 : i32 to vector<16xi32>
        %mul3A_1087 = arith.muli %add3A_588, %mul3A_1086 : vector<16xi32>
        %mul3A_1088 = vector.broadcast %squeeze3A : f32 to vector<16xf32>
        %mul3A_1089 = arith.mulf %mul3A_1084, %mul3A_1088 : vector<16xf32>
        %mul3A_1090 = arith.mulf %sub3A_992, %mul3A_1089 : vector<16xf32>
        %add3A_1091 = vector.broadcast %squeeze3A_45 : f32 to vector<16xf32>
        %add3A_1092 = arith.addf %mul3A_1090, %add3A_1091 : vector<16xf32>
        %add3A_1093 = arith.constant 0 : i32
        %add3A_1094 = vector.broadcast %add3A_1093 : i32 to vector<16xi32>
        %add3A_1095 = arith.addi %mul3A_1087, %add3A_1094 : vector<16xi32>
        %scatter3A = arith.constant 1 : i32
        %scatter3A_1096 = arith.constant 0 : i32
        %scatter3A_1097 = tpu.memref_slice %arg14[%scatter3A, %scatter3A_1096] : memref<2x9216xf32, #tpu.memory_space<vmem>> -> memref<1x9216xf32, #tpu.memory_space<vmem>>
        %scatter3A_1098 = tpu.memref_squeeze %scatter3A_1097 : memref<1x9216xf32, #tpu.memory_space<vmem>> -> memref<9216xf32, #tpu.memory_space<vmem>>
        tpu.vector_store_idx %scatter3A_1098[%add3A_1095], %add3A_1092 : memref<9216xf32, #tpu.memory_space<vmem>>[vector<16xi32>], vector<16xf32>,
        %mul3A_1099 = vector.broadcast %squeeze3A_11 : f32 to vector<16xf32>
        %mul3A_1100 = arith.mulf %mul3A_1084, %mul3A_1099 : vector<16xf32>
        %mul3A_1101 = arith.mulf %sub3A_993, %mul3A_1100 : vector<16xf32>
        %add3A_1102 = vector.broadcast %squeeze3A_47 : f32 to vector<16xf32>
        %add3A_1103 = arith.addf %mul3A_1101, %add3A_1102 : vector<16xf32>
        %add3A_1104 = arith.constant 1 : i32
        %add3A_1105 = vector.broadcast %add3A_1104 : i32 to vector<16xi32>
        %add3A_1106 = arith.addi %mul3A_1087, %add3A_1105 : vector<16xi32>
        %scatter3A_1107 = arith.constant 1 : i32
        %scatter3A_1108 = arith.constant 0 : i32
        %scatter3A_1109 = tpu.memref_slice %arg14[%scatter3A_1107, %scatter3A_1108] : memref<2x9216xf32, #tpu.memory_space<vmem>> -> memref<1x9216xf32, #tpu.memory_space<vmem>>
        %scatter3A_1110 = tpu.memref_squeeze %scatter3A_1109 : memref<1x9216xf32, #tpu.memory_space<vmem>> -> memref<9216xf32, #tpu.memory_space<vmem>>
        tpu.vector_store_idx %scatter3A_1110[%add3A_1106], %add3A_1103 : memref<9216xf32, #tpu.memory_space<vmem>>[vector<16xi32>], vector<16xf32>,
        %mul3A_1111 = vector.broadcast %squeeze3A_13 : f32 to vector<16xf32>
        %mul3A_1112 = arith.mulf %mul3A_1084, %mul3A_1111 : vector<16xf32>
        %mul3A_1113 = arith.mulf %sub3A_994, %mul3A_1112 : vector<16xf32>
        %add3A_1114 = vector.broadcast %squeeze3A_49 : f32 to vector<16xf32>
        %add3A_1115 = arith.addf %mul3A_1113, %add3A_1114 : vector<16xf32>
        %add3A_1116 = arith.constant 2 : i32
        %add3A_1117 = vector.broadcast %add3A_1116 : i32 to vector<16xi32>
        %add3A_1118 = arith.addi %mul3A_1087, %add3A_1117 : vector<16xi32>
        %scatter3A_1119 = arith.constant 1 : i32
        %scatter3A_1120 = arith.constant 0 : i32
        %scatter3A_1121 = tpu.memref_slice %arg14[%scatter3A_1119, %scatter3A_1120] : memref<2x9216xf32, #tpu.memory_space<vmem>> -> memref<1x9216xf32, #tpu.memory_space<vmem>>
        %scatter3A_1122 = tpu.memref_squeeze %scatter3A_1121 : memref<1x9216xf32, #tpu.memory_space<vmem>> -> memref<9216xf32, #tpu.memory_space<vmem>>
        tpu.vector_store_idx %scatter3A_1122[%add3A_1118], %add3A_1115 : memref<9216xf32, #tpu.memory_space<vmem>>[vector<16xi32>], vector<16xf32>,
        %mul3A_1123 = vector.broadcast %squeeze3A_15 : f32 to vector<16xf32>
        %mul3A_1124 = arith.mulf %mul3A_1084, %mul3A_1123 : vector<16xf32>
        %mul3A_1125 = arith.mulf %sub3A_995, %mul3A_1124 : vector<16xf32>
        %add3A_1126 = vector.broadcast %squeeze3A_51 : f32 to vector<16xf32>
        %add3A_1127 = arith.addf %mul3A_1125, %add3A_1126 : vector<16xf32>
        %add3A_1128 = arith.constant 3 : i32
        %add3A_1129 = vector.broadcast %add3A_1128 : i32 to vector<16xi32>
        %add3A_1130 = arith.addi %mul3A_1087, %add3A_1129 : vector<16xi32>
        %scatter3A_1131 = arith.constant 1 : i32
        %scatter3A_1132 = arith.constant 0 : i32
        %scatter3A_1133 = tpu.memref_slice %arg14[%scatter3A_1131, %scatter3A_1132] : memref<2x9216xf32, #tpu.memory_space<vmem>> -> memref<1x9216xf32, #tpu.memory_space<vmem>>
        %scatter3A_1134 = tpu.memref_squeeze %scatter3A_1133 : memref<1x9216xf32, #tpu.memory_space<vmem>> -> memref<9216xf32, #tpu.memory_space<vmem>>
        tpu.vector_store_idx %scatter3A_1134[%add3A_1130], %add3A_1127 : memref<9216xf32, #tpu.memory_space<vmem>>[vector<16xi32>], vector<16xf32>,
        %mul3A_1135 = vector.broadcast %squeeze3A_17 : f32 to vector<16xf32>
        %mul3A_1136 = arith.mulf %mul3A_1084, %mul3A_1135 : vector<16xf32>
        %mul3A_1137 = arith.mulf %sub3A_996, %mul3A_1136 : vector<16xf32>
        %add3A_1138 = vector.broadcast %squeeze3A_53 : f32 to vector<16xf32>
        %add3A_1139 = arith.addf %mul3A_1137, %add3A_1138 : vector<16xf32>
        %add3A_1140 = arith.constant 4 : i32
        %add3A_1141 = vector.broadcast %add3A_1140 : i32 to vector<16xi32>
        %add3A_1142 = arith.addi %mul3A_1087, %add3A_1141 : vector<16xi32>
        %scatter3A_1143 = arith.constant 1 : i32
        %scatter3A_1144 = arith.constant 0 : i32
        %scatter3A_1145 = tpu.memref_slice %arg14[%scatter3A_1143, %scatter3A_1144] : memref<2x9216xf32, #tpu.memory_space<vmem>> -> memref<1x9216xf32, #tpu.memory_space<vmem>>
        %scatter3A_1146 = tpu.memref_squeeze %scatter3A_1145 : memref<1x9216xf32, #tpu.memory_space<vmem>> -> memref<9216xf32, #tpu.memory_space<vmem>>
        tpu.vector_store_idx %scatter3A_1146[%add3A_1142], %add3A_1139 : memref<9216xf32, #tpu.memory_space<vmem>>[vector<16xi32>], vector<16xf32>,
        %mul3A_1147 = vector.broadcast %squeeze3A_19 : f32 to vector<16xf32>
        %mul3A_1148 = arith.mulf %mul3A_1084, %mul3A_1147 : vector<16xf32>
        %mul3A_1149 = arith.mulf %sub3A_997, %mul3A_1148 : vector<16xf32>
        %add3A_1150 = vector.broadcast %squeeze3A_55 : f32 to vector<16xf32>
        %add3A_1151 = arith.addf %mul3A_1149, %add3A_1150 : vector<16xf32>
        %add3A_1152 = arith.constant 5 : i32
        %add3A_1153 = vector.broadcast %add3A_1152 : i32 to vector<16xi32>
        %add3A_1154 = arith.addi %mul3A_1087, %add3A_1153 : vector<16xi32>
        %scatter3A_1155 = arith.constant 1 : i32
        %scatter3A_1156 = arith.constant 0 : i32
        %scatter3A_1157 = tpu.memref_slice %arg14[%scatter3A_1155, %scatter3A_1156] : memref<2x9216xf32, #tpu.memory_space<vmem>> -> memref<1x9216xf32, #tpu.memory_space<vmem>>
        %scatter3A_1158 = tpu.memref_squeeze %scatter3A_1157 : memref<1x9216xf32, #tpu.memory_space<vmem>> -> memref<9216xf32, #tpu.memory_space<vmem>>
        tpu.vector_store_idx %scatter3A_1158[%add3A_1154], %add3A_1151 : memref<9216xf32, #tpu.memory_space<vmem>>[vector<16xi32>], vector<16xf32>,
        %mul3A_1159 = vector.broadcast %squeeze3A_21 : f32 to vector<16xf32>
        %mul3A_1160 = arith.mulf %mul3A_1084, %mul3A_1159 : vector<16xf32>
        %mul3A_1161 = arith.mulf %sub3A_998, %mul3A_1160 : vector<16xf32>
        %add3A_1162 = vector.broadcast %squeeze3A_57 : f32 to vector<16xf32>
        %add3A_1163 = arith.addf %mul3A_1161, %add3A_1162 : vector<16xf32>
        %add3A_1164 = arith.constant 6 : i32
        %add3A_1165 = vector.broadcast %add3A_1164 : i32 to vector<16xi32>
        %add3A_1166 = arith.addi %mul3A_1087, %add3A_1165 : vector<16xi32>
        %scatter3A_1167 = arith.constant 1 : i32
        %scatter3A_1168 = arith.constant 0 : i32
        %scatter3A_1169 = tpu.memref_slice %arg14[%scatter3A_1167, %scatter3A_1168] : memref<2x9216xf32, #tpu.memory_space<vmem>> -> memref<1x9216xf32, #tpu.memory_space<vmem>>
        %scatter3A_1170 = tpu.memref_squeeze %scatter3A_1169 : memref<1x9216xf32, #tpu.memory_space<vmem>> -> memref<9216xf32, #tpu.memory_space<vmem>>
        tpu.vector_store_idx %scatter3A_1170[%add3A_1166], %add3A_1163 : memref<9216xf32, #tpu.memory_space<vmem>>[vector<16xi32>], vector<16xf32>,
        %mul3A_1171 = vector.broadcast %squeeze3A_23 : f32 to vector<16xf32>
        %mul3A_1172 = arith.mulf %mul3A_1084, %mul3A_1171 : vector<16xf32>
        %mul3A_1173 = arith.mulf %sub3A_999, %mul3A_1172 : vector<16xf32>
        %add3A_1174 = vector.broadcast %squeeze3A_59 : f32 to vector<16xf32>
        %add3A_1175 = arith.addf %mul3A_1173, %add3A_1174 : vector<16xf32>
        %add3A_1176 = arith.constant 7 : i32
        %add3A_1177 = vector.broadcast %add3A_1176 : i32 to vector<16xi32>
        %add3A_1178 = arith.addi %mul3A_1087, %add3A_1177 : vector<16xi32>
        %scatter3A_1179 = arith.constant 1 : i32
        %scatter3A_1180 = arith.constant 0 : i32
        %scatter3A_1181 = tpu.memref_slice %arg14[%scatter3A_1179, %scatter3A_1180] : memref<2x9216xf32, #tpu.memory_space<vmem>> -> memref<1x9216xf32, #tpu.memory_space<vmem>>
        %scatter3A_1182 = tpu.memref_squeeze %scatter3A_1181 : memref<1x9216xf32, #tpu.memory_space<vmem>> -> memref<9216xf32, #tpu.memory_space<vmem>>
        tpu.vector_store_idx %scatter3A_1182[%add3A_1178], %add3A_1175 : memref<9216xf32, #tpu.memory_space<vmem>>[vector<16xi32>], vector<16xf32>,
        %mul3A_1183 = vector.broadcast %squeeze3A_25 : f32 to vector<16xf32>
        %mul3A_1184 = arith.mulf %mul3A_1084, %mul3A_1183 : vector<16xf32>
        %mul3A_1185 = arith.mulf %sub3A_1000, %mul3A_1184 : vector<16xf32>
        %add3A_1186 = vector.broadcast %squeeze3A_61 : f32 to vector<16xf32>
        %add3A_1187 = arith.addf %mul3A_1185, %add3A_1186 : vector<16xf32>
        %add3A_1188 = arith.constant 8 : i32
        %add3A_1189 = vector.broadcast %add3A_1188 : i32 to vector<16xi32>
        %add3A_1190 = arith.addi %mul3A_1087, %add3A_1189 : vector<16xi32>
        %scatter3A_1191 = arith.constant 1 : i32
        %scatter3A_1192 = arith.constant 0 : i32
        %scatter3A_1193 = tpu.memref_slice %arg14[%scatter3A_1191, %scatter3A_1192] : memref<2x9216xf32, #tpu.memory_space<vmem>> -> memref<1x9216xf32, #tpu.memory_space<vmem>>
        %scatter3A_1194 = tpu.memref_squeeze %scatter3A_1193 : memref<1x9216xf32, #tpu.memory_space<vmem>> -> memref<9216xf32, #tpu.memory_space<vmem>>
        tpu.vector_store_idx %scatter3A_1194[%add3A_1190], %add3A_1187 : memref<9216xf32, #tpu.memory_space<vmem>>[vector<16xi32>], vector<16xf32>,
        %mul3A_1195 = vector.broadcast %squeeze3A_27 : f32 to vector<16xf32>
        %mul3A_1196 = arith.mulf %mul3A_1084, %mul3A_1195 : vector<16xf32>
        %mul3A_1197 = arith.mulf %sub3A_1001, %mul3A_1196 : vector<16xf32>
        %add3A_1198 = vector.broadcast %squeeze3A_63 : f32 to vector<16xf32>
        %add3A_1199 = arith.addf %mul3A_1197, %add3A_1198 : vector<16xf32>
        %add3A_1200 = arith.constant 9 : i32
        %add3A_1201 = vector.broadcast %add3A_1200 : i32 to vector<16xi32>
        %add3A_1202 = arith.addi %mul3A_1087, %add3A_1201 : vector<16xi32>
        %scatter3A_1203 = arith.constant 1 : i32
        %scatter3A_1204 = arith.constant 0 : i32
        %scatter3A_1205 = tpu.memref_slice %arg14[%scatter3A_1203, %scatter3A_1204] : memref<2x9216xf32, #tpu.memory_space<vmem>> -> memref<1x9216xf32, #tpu.memory_space<vmem>>
        %scatter3A_1206 = tpu.memref_squeeze %scatter3A_1205 : memref<1x9216xf32, #tpu.memory_space<vmem>> -> memref<9216xf32, #tpu.memory_space<vmem>>
        tpu.vector_store_idx %scatter3A_1206[%add3A_1202], %add3A_1199 : memref<9216xf32, #tpu.memory_space<vmem>>[vector<16xi32>], vector<16xf32>,
        %mul3A_1207 = vector.broadcast %squeeze3A_29 : f32 to vector<16xf32>
        %mul3A_1208 = arith.mulf %mul3A_1084, %mul3A_1207 : vector<16xf32>
        %mul3A_1209 = arith.mulf %sub3A_1002, %mul3A_1208 : vector<16xf32>
        %add3A_1210 = vector.broadcast %squeeze3A_65 : f32 to vector<16xf32>
        %add3A_1211 = arith.addf %mul3A_1209, %add3A_1210 : vector<16xf32>
        %add3A_1212 = arith.constant 10 : i32
        %add3A_1213 = vector.broadcast %add3A_1212 : i32 to vector<16xi32>
        %add3A_1214 = arith.addi %mul3A_1087, %add3A_1213 : vector<16xi32>
        %scatter3A_1215 = arith.constant 1 : i32
        %scatter3A_1216 = arith.constant 0 : i32
        %scatter3A_1217 = tpu.memref_slice %arg14[%scatter3A_1215, %scatter3A_1216] : memref<2x9216xf32, #tpu.memory_space<vmem>> -> memref<1x9216xf32, #tpu.memory_space<vmem>>
        %scatter3A_1218 = tpu.memref_squeeze %scatter3A_1217 : memref<1x9216xf32, #tpu.memory_space<vmem>> -> memref<9216xf32, #tpu.memory_space<vmem>>
        tpu.vector_store_idx %scatter3A_1218[%add3A_1214], %add3A_1211 : memref<9216xf32, #tpu.memory_space<vmem>>[vector<16xi32>], vector<16xf32>,
        %mul3A_1219 = vector.broadcast %squeeze3A_31 : f32 to vector<16xf32>
        %mul3A_1220 = arith.mulf %mul3A_1084, %mul3A_1219 : vector<16xf32>
        %mul3A_1221 = arith.mulf %sub3A_1003, %mul3A_1220 : vector<16xf32>
        %add3A_1222 = vector.broadcast %squeeze3A_67 : f32 to vector<16xf32>
        %add3A_1223 = arith.addf %mul3A_1221, %add3A_1222 : vector<16xf32>
        %add3A_1224 = arith.constant 11 : i32
        %add3A_1225 = vector.broadcast %add3A_1224 : i32 to vector<16xi32>
        %add3A_1226 = arith.addi %mul3A_1087, %add3A_1225 : vector<16xi32>
        %scatter3A_1227 = arith.constant 1 : i32
        %scatter3A_1228 = arith.constant 0 : i32
        %scatter3A_1229 = tpu.memref_slice %arg14[%scatter3A_1227, %scatter3A_1228] : memref<2x9216xf32, #tpu.memory_space<vmem>> -> memref<1x9216xf32, #tpu.memory_space<vmem>>
        %scatter3A_1230 = tpu.memref_squeeze %scatter3A_1229 : memref<1x9216xf32, #tpu.memory_space<vmem>> -> memref<9216xf32, #tpu.memory_space<vmem>>
        tpu.vector_store_idx %scatter3A_1230[%add3A_1226], %add3A_1223 : memref<9216xf32, #tpu.memory_space<vmem>>[vector<16xi32>], vector<16xf32>,
        %mul3A_1231 = vector.broadcast %squeeze3A_33 : f32 to vector<16xf32>
        %mul3A_1232 = arith.mulf %mul3A_1084, %mul3A_1231 : vector<16xf32>
        %mul3A_1233 = arith.mulf %sub3A_1004, %mul3A_1232 : vector<16xf32>
        %add3A_1234 = vector.broadcast %squeeze3A_69 : f32 to vector<16xf32>
        %add3A_1235 = arith.addf %mul3A_1233, %add3A_1234 : vector<16xf32>
        %add3A_1236 = arith.constant 12 : i32
        %add3A_1237 = vector.broadcast %add3A_1236 : i32 to vector<16xi32>
        %add3A_1238 = arith.addi %mul3A_1087, %add3A_1237 : vector<16xi32>
        %scatter3A_1239 = arith.constant 1 : i32
        %scatter3A_1240 = arith.constant 0 : i32
        %scatter3A_1241 = tpu.memref_slice %arg14[%scatter3A_1239, %scatter3A_1240] : memref<2x9216xf32, #tpu.memory_space<vmem>> -> memref<1x9216xf32, #tpu.memory_space<vmem>>
        %scatter3A_1242 = tpu.memref_squeeze %scatter3A_1241 : memref<1x9216xf32, #tpu.memory_space<vmem>> -> memref<9216xf32, #tpu.memory_space<vmem>>
        tpu.vector_store_idx %scatter3A_1242[%add3A_1238], %add3A_1235 : memref<9216xf32, #tpu.memory_space<vmem>>[vector<16xi32>], vector<16xf32>,
        %mul3A_1243 = vector.broadcast %squeeze3A_35 : f32 to vector<16xf32>
        %mul3A_1244 = arith.mulf %mul3A_1084, %mul3A_1243 : vector<16xf32>
        %mul3A_1245 = arith.mulf %sub3A_1005, %mul3A_1244 : vector<16xf32>
        %add3A_1246 = vector.broadcast %squeeze3A_71 : f32 to vector<16xf32>
        %add3A_1247 = arith.addf %mul3A_1245, %add3A_1246 : vector<16xf32>
        %add3A_1248 = arith.constant 13 : i32
        %add3A_1249 = vector.broadcast %add3A_1248 : i32 to vector<16xi32>
        %add3A_1250 = arith.addi %mul3A_1087, %add3A_1249 : vector<16xi32>
        %scatter3A_1251 = arith.constant 1 : i32
        %scatter3A_1252 = arith.constant 0 : i32
        %scatter3A_1253 = tpu.memref_slice %arg14[%scatter3A_1251, %scatter3A_1252] : memref<2x9216xf32, #tpu.memory_space<vmem>> -> memref<1x9216xf32, #tpu.memory_space<vmem>>
        %scatter3A_1254 = tpu.memref_squeeze %scatter3A_1253 : memref<1x9216xf32, #tpu.memory_space<vmem>> -> memref<9216xf32, #tpu.memory_space<vmem>>
        tpu.vector_store_idx %scatter3A_1254[%add3A_1250], %add3A_1247 : memref<9216xf32, #tpu.memory_space<vmem>>[vector<16xi32>], vector<16xf32>,
        %mul3A_1255 = vector.broadcast %squeeze3A_37 : f32 to vector<16xf32>
        %mul3A_1256 = arith.mulf %mul3A_1084, %mul3A_1255 : vector<16xf32>
        %mul3A_1257 = arith.mulf %sub3A_1006, %mul3A_1256 : vector<16xf32>
        %add3A_1258 = vector.broadcast %squeeze3A_73 : f32 to vector<16xf32>
        %add3A_1259 = arith.addf %mul3A_1257, %add3A_1258 : vector<16xf32>
        %add3A_1260 = arith.constant 14 : i32
        %add3A_1261 = vector.broadcast %add3A_1260 : i32 to vector<16xi32>
        %add3A_1262 = arith.addi %mul3A_1087, %add3A_1261 : vector<16xi32>
        %scatter3A_1263 = arith.constant 1 : i32
        %scatter3A_1264 = arith.constant 0 : i32
        %scatter3A_1265 = tpu.memref_slice %arg14[%scatter3A_1263, %scatter3A_1264] : memref<2x9216xf32, #tpu.memory_space<vmem>> -> memref<1x9216xf32, #tpu.memory_space<vmem>>
        %scatter3A_1266 = tpu.memref_squeeze %scatter3A_1265 : memref<1x9216xf32, #tpu.memory_space<vmem>> -> memref<9216xf32, #tpu.memory_space<vmem>>
        tpu.vector_store_idx %scatter3A_1266[%add3A_1262], %add3A_1259 : memref<9216xf32, #tpu.memory_space<vmem>>[vector<16xi32>], vector<16xf32>,
        %mul3A_1267 = vector.broadcast %squeeze3A_39 : f32 to vector<16xf32>
        %mul3A_1268 = arith.mulf %mul3A_1084, %mul3A_1267 : vector<16xf32>
        %mul3A_1269 = arith.mulf %sub3A_1007, %mul3A_1268 : vector<16xf32>
        %add3A_1270 = vector.broadcast %squeeze3A_75 : f32 to vector<16xf32>
        %add3A_1271 = arith.addf %mul3A_1269, %add3A_1270 : vector<16xf32>
        %add3A_1272 = arith.constant 15 : i32
        %add3A_1273 = vector.broadcast %add3A_1272 : i32 to vector<16xi32>
        %add3A_1274 = arith.addi %mul3A_1087, %add3A_1273 : vector<16xi32>
        %scatter3A_1275 = arith.constant 1 : i32
        %scatter3A_1276 = arith.constant 0 : i32
        %scatter3A_1277 = tpu.memref_slice %arg14[%scatter3A_1275, %scatter3A_1276] : memref<2x9216xf32, #tpu.memory_space<vmem>> -> memref<1x9216xf32, #tpu.memory_space<vmem>>
        %scatter3A_1278 = tpu.memref_squeeze %scatter3A_1277 : memref<1x9216xf32, #tpu.memory_space<vmem>> -> memref<9216xf32, #tpu.memory_space<vmem>>
        tpu.vector_store_idx %scatter3A_1278[%add3A_1274], %add3A_1271 : memref<9216xf32, #tpu.memory_space<vmem>>[vector<16xi32>], vector<16xf32>,
        %mul3A_1279 = vector.broadcast %squeeze3A_41 : f32 to vector<16xf32>
        %mul3A_1280 = arith.mulf %mul3A_1084, %mul3A_1279 : vector<16xf32>
        %mul3A_1281 = arith.mulf %sub3A_1008, %mul3A_1280 : vector<16xf32>
        %add3A_1282 = vector.broadcast %squeeze3A_77 : f32 to vector<16xf32>
        %add3A_1283 = arith.addf %mul3A_1281, %add3A_1282 : vector<16xf32>
        %add3A_1284 = arith.constant 16 : i32
        %add3A_1285 = vector.broadcast %add3A_1284 : i32 to vector<16xi32>
        %add3A_1286 = arith.addi %mul3A_1087, %add3A_1285 : vector<16xi32>
        %scatter3A_1287 = arith.constant 1 : i32
        %scatter3A_1288 = arith.constant 0 : i32
        %scatter3A_1289 = tpu.memref_slice %arg14[%scatter3A_1287, %scatter3A_1288] : memref<2x9216xf32, #tpu.memory_space<vmem>> -> memref<1x9216xf32, #tpu.memory_space<vmem>>
        %scatter3A_1290 = tpu.memref_squeeze %scatter3A_1289 : memref<1x9216xf32, #tpu.memory_space<vmem>> -> memref<9216xf32, #tpu.memory_space<vmem>>
        tpu.vector_store_idx %scatter3A_1290[%add3A_1286], %add3A_1283 : memref<9216xf32, #tpu.memory_space<vmem>>[vector<16xi32>], vector<16xf32>,
        %mul3A_1291 = vector.broadcast %squeeze3A_43 : f32 to vector<16xf32>
        %mul3A_1292 = arith.mulf %mul3A_1084, %mul3A_1291 : vector<16xf32>
        %mul3A_1293 = arith.mulf %sub3A_1009, %mul3A_1292 : vector<16xf32>
        %add3A_1294 = vector.broadcast %squeeze3A_79 : f32 to vector<16xf32>
        %add3A_1295 = arith.addf %mul3A_1293, %add3A_1294 : vector<16xf32>
        %add3A_1296 = arith.constant 17 : i32
        %add3A_1297 = vector.broadcast %add3A_1296 : i32 to vector<16xi32>
        %add3A_1298 = arith.addi %mul3A_1087, %add3A_1297 : vector<16xi32>
        %scatter3A_1299 = arith.constant 1 : i32
        %scatter3A_1300 = arith.constant 0 : i32
        %scatter3A_1301 = tpu.memref_slice %arg14[%scatter3A_1299, %scatter3A_1300] : memref<2x9216xf32, #tpu.memory_space<vmem>> -> memref<1x9216xf32, #tpu.memory_space<vmem>>
        %scatter3A_1302 = tpu.memref_squeeze %scatter3A_1301 : memref<1x9216xf32, #tpu.memory_space<vmem>> -> memref<9216xf32, #tpu.memory_space<vmem>>
        tpu.vector_store_idx %scatter3A_1302[%add3A_1298], %add3A_1295 : memref<9216xf32, #tpu.memory_space<vmem>>[vector<16xi32>], vector<16xf32>,
      }
      %scan3A_577 = arith.constant 32 : i32
      %mul3A_578 = arith.constant 512 : i32
      %mul3A_579 = arith.muli %add3A_468, %mul3A_578 : i32
      %add3A_580 = arith.addi %mul3A_2, %mul3A_579 : i32
      %mul3A_581 = arith.constant 18 : i32
      %mul3A_582 = arith.muli %add3A_580, %mul3A_581 : i32
      %run_scoped3A_583 = arith.constant 1 : i32
      "tpu.region"() ({
        %run_scoped3A_584 = tpu.sem_alloc : memref<!tpu.dma_semaphore, #tpu.memory_space<semaphore_mem>>
        %dma_start3A_585 = arith.constant 0 : i32
        %dma_start3A_586 = tpu.memref_slice %arg14[%run_scoped3A_583, %dma_start3A_585] : memref<2x9216xf32, #tpu.memory_space<vmem>> -> memref<1x9216xf32, #tpu.memory_space<vmem>>
        %dma_start3A_587 = tpu.memref_squeeze %dma_start3A_586 : memref<1x9216xf32, #tpu.memory_space<vmem>> -> memref<9216xf32, #tpu.memory_space<vmem>>
        %dma_start3A_588 = tpu.memref_slice %arg9[%mul3A_582] : memref<58982400xf32, #tpu.memory_space<hbm>> -> memref<9216xf32, #tpu.memory_space<hbm>>
        %dma_start3A_589 = tpu.memref_slice %arg9[%mul3A_582] : memref<58982400xf32, #tpu.memory_space<hbm>> -> memref<9216xf32, #tpu.memory_space<hbm>>
        %dma_start3A_590 = arith.constant 0 : i32
        %dma_start3A_591 = tpu.memref_slice %arg14[%run_scoped3A_583, %dma_start3A_590] : memref<2x9216xf32, #tpu.memory_space<vmem>> -> memref<1x9216xf32, #tpu.memory_space<vmem>>
        %dma_start3A_592 = tpu.memref_squeeze %dma_start3A_591 : memref<1x9216xf32, #tpu.memory_space<vmem>> -> memref<9216xf32, #tpu.memory_space<vmem>>
        tpu.enqueue_dma source(%dma_start3A_592 : memref<9216xf32, #tpu.memory_space<vmem>>) target(%dma_start3A_589 : memref<9216xf32, #tpu.memory_space<hbm>>) target_semaphore(%run_scoped3A_584 : memref<!tpu.dma_semaphore, #tpu.memory_space<semaphore_mem>>)
        %dma_wait3A_593 = arith.constant 0 : i32
        %dma_wait3A_594 = tpu.memref_slice %arg14[%run_scoped3A_583, %dma_wait3A_593] : memref<2x9216xf32, #tpu.memory_space<vmem>> -> memref<1x9216xf32, #tpu.memory_space<vmem>>
        %dma_wait3A_595 = tpu.memref_squeeze %dma_wait3A_594 : memref<1x9216xf32, #tpu.memory_space<vmem>> -> memref<9216xf32, #tpu.memory_space<vmem>>
        %dma_wait3A_596 = tpu.memref_slice %arg9[%mul3A_582] : memref<58982400xf32, #tpu.memory_space<hbm>> -> memref<9216xf32, #tpu.memory_space<hbm>>
        %dma_wait3A_597 = tpu.memref_slice %arg9[%mul3A_582] : memref<58982400xf32, #tpu.memory_space<hbm>> -> memref<9216xf32, #tpu.memory_space<hbm>>
        %dma_wait3A_598 = arith.constant 0 : i32
        %dma_wait3A_599 = tpu.memref_slice %arg14[%run_scoped3A_583, %dma_wait3A_598] : memref<2x9216xf32, #tpu.memory_space<vmem>> -> memref<1x9216xf32, #tpu.memory_space<vmem>>
        %dma_wait3A_600 = tpu.memref_squeeze %dma_wait3A_599 : memref<1x9216xf32, #tpu.memory_space<vmem>> -> memref<9216xf32, #tpu.memory_space<vmem>>
        tpu.wait_dma2 semaphore(%run_scoped3A_584 : memref<!tpu.dma_semaphore, #tpu.memory_space<semaphore_mem>>) src(%dma_wait3A_600 : memref<9216xf32, #tpu.memory_space<vmem>>) dst(%dma_wait3A_597 : memref<9216xf32, #tpu.memory_space<hbm>>)
        tpu.yield
      }) : () -> ()
    }
    %scan3A_206 = arith.constant 100 : i32
    return
  }
}

</mosaic_0001>

<sc_bundles>
// kernel: _run.3.cloned.1.call-start
scs
__scs_entry_jumppad:
0x0: {  	(pc) =	sbr.rel $0x88, $3  }
0x1: {  	(tag) =	ssettag $0x0;
	lr =	simm.s32 $0x1  }
0x2: {  	[smem:$0x3F9A] =	sst lr;
	_ =	strace $0xD0000000  }
0x3: {  	_ = 	snop  }
0x4: {  	_ = 	snop  }
0x5: {  	_ = 	snop  }
0x6: {  	_ = 	snop  }
0x7: {  	_ = 	snop  }
__scs_overlays_trampoline_lowered:
0x8: {  	[smem:$0x3FA9] =	sst s0  }
0x9: {  	[smem:$0x3FAA] =	sst s1  }
0xa: {  	[smem:$0x3FAB] =	sst s2  }
0xb: {  	[smem:$0x3FAC] =	sst s3  }
0xc: {  	[smem:$0x3FAD] =	sst s4  }
0xd: {  	[smem:$0x3FAE] =	sst s5  }
0xe: {  	[smem:$0x3FAF] =	sst s6  }
0xf: {  	[smem:$0x3FB0] =	sst s7  }
0x10: {  	[smem:$0x3FB1] =	sst s8  }
0x11: {  	[smem:$0x3FB2] =	sst s9;
	s0 =	simm.s32 @!p0 $0x0  }
0x12: {  	s1 =	sld [smem:$0x3F98];
	s0 =	simm.s32 @p0 $0x1  }
0x13: {  	[smem:$0x3FB3] =	sst s0;
	s0 =	simm.s32 @!p1 $0x0  }
0x14: {  	s2 =	sld [smem:$0x3F97];
	s0 =	simm.s32 @p1 $0x1  }
0x15: {  	[smem:$0x3FB4] =	sst s0;
	s0 =	simm.s32 @!p2 $0x0  }
0x16: {  	s3 =	sld [smem:$0x3FDB];
	s0 =	simm.s32 @p2 $0x1  }
0x17: {  	s4 =	simm.s32 $0x1BF5;
	[smem:$0x3FB6] =	sst s0  }
0x18: {  	s0 =	sld [smem:$0x3F99];
	_ =	swait.ge [sflag:s4], $0x0  }
0x19: {  	s7 =	sld [smem:$0x3F9A]  }
0x1a: {  	s8 =	sadd.s32 $0xFFFFE003, lr  }
0x1b: {  	s9 =	sadd.s32 $0xFFFFFEF7, lr;
	s5 =	simm.s32 $0xFFFFFFFF;
	p2 =	slt.u32 s8, $0xFFFFF086  }
0x1c: {  	p1 =	slt.u32 s9, $0xF7A;
	s5 =	simm.s32 @!p2 $0x0  }
0x1d: {  	s5 =	simm.s32 @p1 $0x1;
	p0 =	seq.s32 s7, s2  }
0x1e: {  	s7 =	smul.u32 @!p0 $0xF7A, s2;
	p2 =	seq.s32 @!p0 s5, $0x0  }
0x1f: {  	s9 =	smul.u32 $0xF7A, s1;
	s8 =	simm.s32 @!p0 $0x1BF5;
	p2 =	por !p2, p0  }
0x20: {  	[sflag:s8] =	ssyncset.s32 @!p0 $0xFFFFF086;
	s6 =	sadd.s32 @!p0 s3, s7;
	s7 =	simm.s32 @!p0 $0x108  }
0x21: {  	s3 =	sadd.s32 s3, s9;
	s6 =	sadd.s32 @!p0 $0x88, s6;
	s7 =	simm.s32 @p2 $0x1082  }
0x22: {  	[simem:s7], [sflag:s8] =	dma.local @!p0 [hbm:s6], $0xF7A  }
0x23: {  	s9 =	sor.u32 $0xD0000000, s2;
	s6 =	simm.s32 $0x108;
	_ =	swait.ge @!p0 [sflag:s8], $0x0  }
0x24: {  	s3 =	sadd.s32 $0x88, s3;
	s6 =	simm.s32 @!p1 $0x1082;
	[sflag:s4] =	ssyncset.s32 $0xFFFFF086  }
0x25: {  	[simem:s6], [sflag:s4] =	dma.local [hbm:s3], $0xF7A  }
0x26: {  	[smem:$0x3F9A] =	sst s1;
	(tag) =	ssettag s2;
	_ =	strace s9  }
0x27: {  	s1 =	sld [smem:$0x3FAA]  }
0x28: {  	s2 =	sld [smem:$0x3FAB]  }
0x29: {  	s4 =	sld [smem:$0x3FAD]  }
0x2a: {  	p0 =	seq.s32 s5, $0x0;
	s5 =	sld [smem:$0x3FAE]  }
0x2b: {  	s6 =	sld [smem:$0x3FAF]  }
0x2c: {  	s7 =	sld [smem:$0x3FB0]  }
0x2d: {  	s3 =	simm.s32 $0x108;
	s8 =	sld [smem:$0x3FB1]  }
0x2e: {  	s3 =	simm.s32 @!p0 $0x1082;
	s9 =	sld [smem:$0x3FB2]  }
0x2f: {  	lr =	sadd.s32 s0, s3;
	s0 =	sld [smem:$0x3FA9]  }
0x30: {  	s3 =	sld [smem:$0x3FAC]  }
0x31: {  	[smem:$0x3FB5] =	sst s10  }
0x32: {  	s10 =	sld [smem:$0x3FB3];
	_ =	sdelay $0x3  }
0x33: {  	p0 =	seq.s32 s10, $0x1;
	s10 =	sld [smem:$0x3FB5];
	_ =	sdelay $0x3  }
0x34: {  	[smem:$0x3FB5] =	sst s10  }
0x35: {  	s10 =	sld [smem:$0x3FB4];
	_ =	sdelay $0x3  }
0x36: {  	p1 =	seq.s32 s10, $0x1;
	s10 =	sld [smem:$0x3FB5];
	_ =	sdelay $0x3  }
0x37: {  	[smem:$0x3FB5] =	sst s10  }
0x38: {  	s10 =	sld [smem:$0x3FB6]  }
0x39: {  	_ = 	snop;
	(pc) =	sbr.ind lr, $3  }
0x3a: {  	_ = 	snop  }
0x3b: {  	_ = 	snop  }
0x3c: {  	p2 =	seq.s32 s10, $0x1;
	s10 =	sld [smem:$0x3FB5]  }
0x3d: {  	_ =	shalt  }
0x3e: {  	_ =	shalt  }
0x3f: {  	_ =	shalt  }
0x40: {  	_ =	shalt  }
0x41: {  	_ =	shalt  }
0x42: {  	_ =	shalt  }
0x43: {  	_ =	shalt  }
0x44: {  	_ =	shalt  }
0x45: {  	_ =	shalt  }
0x46: {  	_ =	shalt  }
0x47: {  	_ =	shalt  }
0x48: {  	_ =	shalt  }
0x49: {  	_ =	shalt  }
0x4a: {  	_ =	shalt  }
0x4b: {  	_ =	shalt  }
0x4c: {  	_ =	shalt  }
0x4d: {  	_ =	shalt  }
0x4e: {  	_ =	shalt  }
0x4f: {  	_ =	shalt  }
0x50: {  	_ =	shalt  }
0x51: {  	_ =	shalt  }
0x52: {  	_ =	shalt  }
0x53: {  	_ =	shalt  }
0x54: {  	_ =	shalt  }
0x55: {  	_ =	shalt  }
0x56: {  	_ =	shalt  }
0x57: {  	_ =	shalt  }
0x58: {  	_ =	shalt  }
0x59: {  	_ =	shalt  }
0x5a: {  	_ =	shalt  }
0x5b: {  	_ =	shalt  }
0x5c: {  	_ =	shalt  }
0x5d: {  	_ =	shalt  }
0x5e: {  	_ =	shalt  }
0x5f: {  	_ =	shalt  }
0x60: {  	_ =	shalt  }
0x61: {  	_ =	shalt  }
0x62: {  	_ =	shalt  }
0x63: {  	_ =	shalt  }
0x64: {  	_ =	shalt  }
0x65: {  	_ =	shalt  }
0x66: {  	_ =	shalt  }
0x67: {  	_ =	shalt  }
0x68: {  	_ =	shalt  }
0x69: {  	_ =	shalt  }
0x6a: {  	_ =	shalt  }
0x6b: {  	_ =	shalt  }
0x6c: {  	_ =	shalt  }
0x6d: {  	_ =	shalt  }
0x6e: {  	_ =	shalt  }
0x6f: {  	_ =	shalt  }
0x70: {  	_ =	shalt  }
0x71: {  	_ =	shalt  }
0x72: {  	_ =	shalt  }
0x73: {  	_ =	shalt  }
0x74: {  	_ =	shalt  }
0x75: {  	_ =	shalt  }
0x76: {  	_ =	shalt  }
0x77: {  	_ =	shalt  }
0x78: {  	_ =	shalt  }
0x79: {  	_ =	shalt  }
0x7a: {  	_ =	shalt  }
0x7b: {  	_ =	shalt  }
0x7c: {  	_ =	shalt  }
0x7d: {  	_ =	shalt  }
0x7e: {  	_ =	shalt  }
0x7f: {  	_ =	shalt  }
0x80: {  	_ =	shalt  }
0x81: {  	_ =	shalt  }
0x82: {  	_ =	shalt  }
0x83: {  	_ =	shalt  }
0x84: {  	_ =	shalt  }
0x85: {  	_ =	shalt  }
0x86: {  	_ =	shalt  }
0x87: {  	_ =	shalt  }
.Lfunc_end0:
.L_simem_size_0:
called_computation_lowered:
.L_overlay_start_0:
0x88: {  	s2 =	sld [smem:$0x3FD9]  }
0x89: {  	s3 =	sld [smem:$0x3FFE];
	_ =	sdelay $0x1  }
0x8a: {  	s1 =	srdreg.scid  }
0x8b: {  	s0 =	sand.u32 $0x1, s1  }
0x8c: {  	s17 =	sshll.u32 s0, $0xA;
	s2 =	sadd.s32 s3, s2  }
0x8d: {  	s2 =	sadd.s32 s2, s17  }
0x8e: {  	[smem:$0x3FC1] =	sst s2  }
0x8f: {  	_ = 	snop  }
0x90: {  	s2 =	sld [smem:$0x3FC9]  }
0x91: {  	s18 =	sld [smem:$0x3FC8]  }
0x92: {  	s4 =	sld [smem:$0x3FC7]  }
0x93: {  	s5 =	sld [smem:$0x3FC6]  }
0x94: {  	s6 =	sld [smem:$0x3FC4]  }
0x95: {  	s7 =	sld [smem:$0x3FC3]  }
0x96: {  	s8 =	sld [smem:$0x3FD0];
	(tm) =	ssettm $0x1  }
0x97: {  	s9 =	sld [smem:$0x3FFB];
	_ =	sdelay $0x3  }
0x98: {  	_ =	strace s9  }
0x99: {  	s9 =	sld [smem:$0x3FFC];
	_ =	sdelay $0x3  }
0x9a: {  	_ =	strace s9  }
0x9b: {  	s9 =	sld [smem:$0x3FFD];
	_ =	sdelay $0x3  }
0x9c: {  	_ =	strace s9  }
0x9d: {  	_ =	strace $0x8FFFFFFF  }
0x9e: {  	s19 =	sld [smem:$0x3FDB];
	_ =	sdelay $0x1  }
0x9f: {  	s10 =	simm.s32 $_scs_section_size  }
0xa0: {  	s11 =	simm.s32 $_size__tile_overlayer_lowered;
	s12 =	simm.s32 $_tile_overlayer_lowered  }
0xa1: {  	s22 =	simm.s32 $0x1BFF;
	s21 =	sshll.u32 s12, $0x1;
	s9 =	sadd.s32 s10, s19  }
0xa2: {  	s13 =	simm.s32 $0x0;
	s20 =	sshll.u32 s11, $0x1;
	s11 =	sadd.s32 s21, s9  }
0xa3: {  	[timem:s13], [sflag:s22] =	dma.local [hbm:s11], s20  }
0xa4: {  	_ =	swait.ge [sflag:s22], s20  }
0xa5: {  	s10 =	ssub.s32 $0x0, s20;
	[sflag:s22] =	ssyncset.done $0x0  }
0xa6: {  	[sflag:s22] =	ssyncadd.s32 s10;
	_ =	sdelay $0x1  }
0xa7: {  	s23 =	simm.s32 $0x1B8B  }
0xa8: {  	_ =	swait.ge [sflag:s23], $0x1  }
0xa9: {  	[sflag:s23] =	ssyncset.done $0x0  }
0xaa: {  	s25 =	simm.s32 $0x1B8E;
	s24 =	sld [smem:$0x3FFE];
	[sflag:s23] =	ssyncadd.s32 $0xFFFFFFFF  }
0xab: {  	s26 =	simm.s32 $execute0_lowered;
	[smem:$0x3FD2] =	sst s25  }
0xac: {  	s11 =	sshll.u32 s26, $0x1;
	_ =	strace $0x80000046;
	[dreg:$0x1] =	wrdreg $0xFFFFFFFF  }
0xad: {  	s28 =	simm.s32 $_size_execute0_lowered;
	s9 =	sadd.s32 s9, s11;
	[dreg:$0x0] =	wrdreg $0x0  }
0xae: {  	s11 =	sshll.u32 s28, $0x1;
	[dreg:$0x2] =	wrdreg s9  }
0xaf: {  	[dreg:$0x3] =	wrdreg s11  }
0xb0: {  	[dreg:$0x4] =	wrdreg $0xC0  }
0xb1: {  	_ =	task [dreg:s13], $0x5FFFF  }
0xb2: {  	[dreg:$0x1] =	wrdreg $0xFFFFFFFF  }
0xb3: {  	[dreg:$0x0] =	wrdreg $0x60  }
0xb4: {  	[dreg:$0x2] =	wrdreg s2  }
0xb5: {  	[dreg:$0x3] =	wrdreg s18  }
0xb6: {  	[dreg:$0x4] =	wrdreg s4  }
0xb7: {  	[dreg:$0x5] =	wrdreg s5  }
0xb8: {  	[dreg:$0x6] =	wrdreg s24  }
0xb9: {  	[dreg:$0x7] =	wrdreg s6  }
0xba: {  	[dreg:$0x8] =	wrdreg s7  }
0xbb: {  	[dreg:$0x9] =	wrdreg s8  }
0xbc: {  	[dreg:$0xa] =	wrdreg $0x9  }
0xbd: {  	_ =	task.clear_ibuf [dreg:s13], $0xBFFFF;
	_ =	strace $0x90000046  }
0xbe: {  	s29 =	simm.s32 $0x9;
	_ =	strace $0x80000048  }
0xbf: {  	_ =	swait.ge [sflag:s29], $0x1  }
0xc0: {  	[sflag:s29] =	ssyncadd.s32 $0xFFFFFFFF  }
0xc1: {  	_ =	strace $0x90000048  }
0xc2: {  	_ =	sfence  }
0xc3: {  	s30 =	sld [smem:$0x0];
	_ =	sdelay $0x2  }
0xc4: {  	s31 =	sshll.u32 s1, $0xD;
	s1 =	sshrl.u32 s1, $0x2  }
0xc5: {  	s3 =	sand.u32 $0x4000, s31;
	s1 =	sadd.s32 s1, s30  }
0xc6: {  	s0 =	sor.u32 s3, s0;
	s1 =	sshll.u32 s1, $0x11  }
0xc7: {  	s0 =	sor.u32 s1, s0  }
0xc8: {  	s0 =	sadd.s32 $0x8F2B, s0  }
0xc9: {  	[sflag:s0] =	ssyncadd.remote.s32 $0x1  }
0xca: {  	_ =	sfence.sel $0xFFFF  }
0xcb: {  	[dreg:$0x0] =	wrdreg $0xFFFFFFFF;
	(pc) =	sbr.abs _section_cstart, $3  }
0xcc: {  	[dreg:$0x1] =	wrdreg $0xFFFFFFFF  }
0xcd: {  	_ =	task.clear_ibuf [dreg:s13], $0x2FFFF;
	_ =	strace $0x9FFFFFFF  }
0xce: {  	(tm) =	ssettm $0x7FFFFFFF  }
0xcf: {  	_ =	shalt  }
tec
execute0_lowered:
.L_overlay_start_1:
0x0: {  	(tag) =	ssettag $0x1  }
0x1: {  	s0 =	rddreg [dreg:$0x0]  }
0x2: {  	s1 =	rddreg [dreg:$0x1]  }
0x3: {  	s2 =	rddreg [dreg:$0x2]  }
0x4: {  	s3 =	rddreg [dreg:$0x4];
	s4 =	srdreg.scid  }
0x5: {  	s5 =	stileid.u32;
	s8 =	rddreg [dreg:$0x7]  }
0x6: {  	s9 =	simm.s32 $0x0;
	s17 =	simm.s32 $0x15800;
	s18 =	simm.s32 $0x3  }
0x7: {  	s23 =	simm.s32 $0x80;
	s24 =	simm.s32 $0x1000;
	s21 =	simm.s32 $0x400  }
0x8: {  	s7 =	simm.s32 $0x680;
	s19 =	simm.s32 $0xE000;
	s20 =	simm.s32 $0x700  }
0x9: {  	s12 =	simm.s32 $0xF000;
	s4 =	sand.u32 $0x1, s4;
	s5 =	sshll.u32 s5, $0x1  }
0xa: {  	s13 =	simm.s32 $0x780;
	s14 =	simm.s32 $0x10000;
	s5 =	sor.u32 s4, s5  }
0xb: {  	s16 =	simm.s32 $0x1;
	s22 =	simm.s32 $0x11000;
	s10 =	smul.u32 $0x19000, s5  }
0xc: {  	s25 =	simm.s32 $0x2;
	s4 =	ssub.s32 $0x2, s4;
	s5 =	smul.u32 $0x6400, s5  }
0xd: {  	[smem:$0x7FF] =	sst s9;
	s11 =	sadd.s32 $0x895A00, s3;
	s26 =	sshrl.u32 s4, $0x1  }
0xe: {  	_ =	strace $0x80000047;
	s3 =	ssub.s32 s4, s26;
	s29 =	sadd.s32 s0, s5  }
0xf: {  	s30 =	sshrl.u32 s10, $0x3;
	s3 =	smax.u32 s3, $0x1;
	[dreg:$0x9] =	wrdreg s29  }
0x10: {  	s28 =	simm.s32 $0x13400;
	s31 =	sadd.s32 s1, s30;
	[dreg:$0xc] =	wrdreg s3  }
0x11: {  	s26 =	simm.s32 $0x9000;
	s4 =	sadd.s32 s2, s30;
	[dreg:$0xa] =	wrdreg s31  }
0x12: {  	v4 =	vlaneseq.u32;
	s15 =	sor.u32 $0x400, s10;
	[dreg:$0xb] =	wrdreg s4;
	s4 =	simm.s32 $0x0  }
.LBB2_1:
0x13: {  	[dreg:$0xd] =	wrdreg s4  }
0x14: {  	s3 =	rddreg [dreg:$0x3]  }
0x15: {  	[tilespmem:s17], [sflag:$0x3] =	stream.linear.gather [hbm4b:s3+s9], $0x148, $0x38;
	[tilespmem:$0x15988] =	vst v63  }
0x16: {  	_ =	swait.ge [sflag:s18], $0x148  }
0x17: {  	[sflag:s18] =	ssyncset.done $0x0  }
0x18: {  	[sflag:s18] =	ssyncadd.s32 $0xFFFFFEB8  }
0x19: {  	s6 =	simm.s32 $0x15948;
	s5 =	rddreg [dreg:$0x5]  }
0x1a: {  	[tilespmem:s6], [sflag:$0x3] =	stream.linear.gather [hbm4b:s5+s9], $0x20, $0x38;
	[tilespmem:$0x15988] =	vst v63  }
0x1b: {  	_ =	swait.ge [sflag:s18], $0x20  }
0x1c: {  	[sflag:s18] =	ssyncset.done $0x0  }
0x1d: {  	[sflag:s18] =	ssyncadd.s32 $0xFFFFFFE0  }
0x1e: {  	s31 =	simm.s32 $0x15968;
	s30 =	rddreg [dreg:$0x6]  }
0x1f: {  	[tilespmem:s31], [sflag:$0x3] =	stream.linear.gather [hbm4b:s30+s9], $0x20, $0x38;
	[tilespmem:$0x15988] =	vst v63  }
0x20: {  	_ =	swait.ge [sflag:s18], $0x20  }
0x21: {  	[sflag:s18] =	ssyncset.done $0x0  }
0x22: {  	[sflag:s18] =	ssyncadd.s32 $0xFFFFFFE0  }
0x23: {  	v0 =	vld [tilespmem:$0x15948]  }
0x24: {  	v1 =	vld [tilespmem:$0x15958]  }
0x25: {  	s4 =	rddreg [dreg:$0x9];
	v2 =	vld [tilespmem:$0x15968]  }
0x26: {  	v3 =	vld [tilespmem:$0x15978];
	[tilespmem:s9], [sflag:$0x3] =	stream.linear.gather [hbm4b:s4+s9], $0x400, $0x38  }
0x27: {  	_ =	swait.ge [sflag:s18], $0x400  }
0x28: {  	[sflag:s18] =	ssyncset.done $0x0  }
0x29: {  	s6 =	simm.s32 $0x800;
	s5 =	rddreg [dreg:$0xa];
	[sflag:s18] =	ssyncadd.s32 $0xFFFFFC00  }
0x2a: {  	[tilespmem:s6], [sflag:$0x3] =	stream.linear.gather [hbm4b:s5+s9], $0x200, $0x38;
	[tilespmem:$0x15988] =	vst v63  }
0x2b: {  	_ =	swait.ge [sflag:s18], $0x200  }
0x2c: {  	[sflag:s18] =	ssyncset.done $0x0  }
0x2d: {  	s31 =	simm.s32 $0xC00;
	s30 =	rddreg [dreg:$0xb];
	[sflag:s18] =	ssyncadd.s32 $0xFFFFFE00  }
0x2e: {  	v63 =	vbroadcast v3, $0x1;
	[tilespmem:s31], [sflag:$0x3] =	stream.linear.gather [hbm4b:s30+s9], $0x200, $0x38;
	[tilespmem:$0x15988] =	vst v63  }
0x2f: {  	v62 =	vbroadcast v3, $0x0;
	_ =	swait.ge [sflag:s18], $0x200  }
0x30: {  	v10 =	vbroadcast v0, $0x0;
	v19 =	vbroadcast v2, $0x0;
	[sflag:s18] =	ssyncset.done $0x0;
	[tilespmem:$0x1FF70] =	vst v63  }
0x31: {  	v15 =	vbroadcast v1, $0x0;
	v1 =	vbroadcast v1, $0x1;
	[tilespmem:$0x1FF80] =	vst v62;
	[sflag:s18] =	ssyncadd.s32 $0xFFFFFE00  }
0x32: {  	v12 =	vbroadcast v0, $0x1;
	v20 =	vbroadcast v2, $0x1;
	[tilespmem:s24], [sflag:$0x1] =	stream.indirect.gather [hbm4b:s11+s23], $0x20, s9, s23, $0xb8;
	[tilespmem:$0x15988] =	vst v63  }
0x33: {  	s4 =	simm.s32 $0x2000;
	v14 =	vbroadcast v0, $0x2;
	v5 =	vbroadcast v2, $0xD;
	[tilespmem:$0x1FF90] =	vst v1  }
0x34: {  	v50 =	vbroadcast v2, $0x2;
	v21 =	vbroadcast v0, $0x3;
	[tilespmem:s4], [sflag:$0x1] =	stream.indirect.gather [hbm4b:s11+s23], $0x20, s23, s23, $0xb8;
	[tilespmem:$0x15988] =	vst v63  }
0x35: {  	s5 =	simm.s32 $0x100;
	s6 =	simm.s32 $0x3000;
	v52 =	vbroadcast v2, $0x3;
	v11 =	vbroadcast v2, $0xC;
	[tilespmem:$0x1FFA0] =	vst v5  }
0x36: {  	v17 =	vbroadcast v0, $0x4;
	v54 =	vbroadcast v2, $0x4;
	[tilespmem:s6], [sflag:$0x1] =	stream.indirect.gather [hbm4b:s11+s23], $0x20, s5, s23, $0xb8;
	[tilespmem:$0x15988] =	vst v63  }
0x37: {  	v55 =	vbroadcast v0, $0x5;
	v13 =	vbroadcast v2, $0xB;
	s30 =	simm.s32 $0x180;
	s31 =	simm.s32 $0x4000;
	[tilespmem:$0x1FFB0] =	vst v11  }
0x38: {  	v24 =	vbroadcast v2, $0x5;
	v49 =	vbroadcast v0, $0x6;
	[tilespmem:s31], [sflag:$0x1] =	stream.indirect.gather [hbm4b:s11+s23], $0x20, s30, s23, $0xb8;
	[tilespmem:$0x15988] =	vst v63  }
0x39: {  	v16 =	vbroadcast v2, $0x6;
	v25 =	vbroadcast v0, $0x7;
	[tilespmem:$0x1FFC0] =	vst v13;
	s5 =	simm.s32 $0x200;
	s6 =	simm.s32 $0x5000  }
0x3a: {  	v23 =	vbroadcast v2, $0x7;
	v26 =	vbroadcast v0, $0x8;
	[tilespmem:s6], [sflag:$0x1] =	stream.indirect.gather [hbm4b:s11+s23], $0x20, s5, s23, $0xb8;
	[tilespmem:$0x15988] =	vst v63  }
0x3b: {  	v45 =	vbroadcast v2, $0x8;
	v8 =	vbroadcast v0, $0xF;
	[tilespmem:$0x1FFD0] =	vst v15;
	s30 =	simm.s32 $0x280;
	s31 =	simm.s32 $0x6000  }
0x3c: {  	v28 =	vbroadcast v0, $0x9;
	v22 =	vbroadcast v2, $0x9;
	[tilespmem:s31], [sflag:$0x1] =	stream.indirect.gather [hbm4b:s11+s23], $0x20, s30, s23, $0xb8;
	[tilespmem:$0x15988] =	vst v63  }
0x3d: {  	v48 =	vbroadcast v0, $0xA;
	v7 =	vbroadcast v2, $0xA;
	[tilespmem:$0x1FFE0] =	vst v8;
	s5 =	simm.s32 $0x300;
	s6 =	simm.s32 $0x7000  }
0x3e: {  	v27 =	vbroadcast v0, $0xB;
	v18 =	vbroadcast v0, $0xC;
	[tilespmem:s6], [sflag:$0x1] =	stream.indirect.gather [hbm4b:s11+s23], $0x20, s5, s23, $0xb8;
	[tilespmem:$0x15988] =	vst v63  }
0x3f: {  	s29 =	simm.s32 $0x0;
	v35 =	vbroadcast v0, $0xD;
	v30 =	vbroadcast v0, $0xE;
	[tilespmem:$0x1FFF0] =	vst v7;
	s30 =	simm.s32 $0x380;
	s31 =	simm.s32 $0x8000  }
0x40: {  	v31 =	vbroadcast v2, $0xE;
	v32 =	vbroadcast v2, $0xF;
	[tilespmem:s31], [sflag:$0x1] =	stream.indirect.gather [hbm4b:s11+s23], $0x20, s30, s23, $0xb8;
	[tilespmem:$0x15988] =	vst v63  }
.LBB2_2:
0x41: {  	s31 =	sshll.u32 s29, $0xA  }
0x42: {  	s3 =	sadd.s32 s31, s10  }
0x43: {  	s30 =	sadd.s32 $0x200, s3  }
0x44: {  	s3 =	sshrl.u32 s30, $0x2  }
0x45: {  	s4 =	simm.s32 $0x0;
	s3 =	sadd.s32 s0, s3  }
0x46: {  	[tilespmem:s21], [sflag:$0x3] =	stream.linear.gather [hbm4b:s3+s4], $0x400, $0x38;
	[tilespmem:$0x15988] =	vst v63  }
0x47: {  	_ =	swait.ge [sflag:s18], $0x400  }
0x48: {  	s3 =	sshrl.u32 s30, $0x3;
	[sflag:s18] =	ssyncset.done $0x0  }
0x49: {  	s6 =	simm.s32 $0xA00;
	s5 =	sadd.s32 s1, s3;
	[sflag:s18] =	ssyncadd.s32 $0xFFFFFC00  }
0x4a: {  	[tilespmem:s6], [sflag:$0x3] =	stream.linear.gather [hbm4b:s5+s4], $0x200, $0x38;
	[tilespmem:$0x15988] =	vst v63  }
0x4b: {  	_ =	swait.ge [sflag:s18], $0x200  }
0x4c: {  	[sflag:s18] =	ssyncset.done $0x0  }
0x4d: {  	s3 =	sadd.s32 s2, s3;
	s6 =	simm.s32 $0xE00;
	[sflag:s18] =	ssyncadd.s32 $0xFFFFFE00  }
0x4e: {  	[tilespmem:s6], [sflag:$0x3] =	stream.linear.gather [hbm4b:s3+s4], $0x200, $0x38;
	[tilespmem:$0x15988] =	vst v63  }
0x4f: {  	_ =	swait.ge [sflag:s18], $0x200  }
0x50: {  	[sflag:s18] =	ssyncset.done $0x0  }
0x51: {  	[sflag:s18] =	ssyncadd.s32 $0xFFFFFE00  }
0x52: {  	[tilespmem:s26], [sflag:$0x2] =	stream.indirect.gather [hbm4b:s11+s23], $0x20, s21, s23, $0xb8;
	[tilespmem:$0x15988] =	vst v63  }
0x53: {  	s5 =	simm.s32 $0x480;
	s6 =	simm.s32 $0xA000  }
0x54: {  	[tilespmem:s6], [sflag:$0x2] =	stream.indirect.gather [hbm4b:s11+s23], $0x20, s5, s23, $0xb8;
	[tilespmem:$0x15988] =	vst v63  }
0x55: {  	s5 =	simm.s32 $0x500;
	s6 =	simm.s32 $0xB000  }
0x56: {  	[tilespmem:s6], [sflag:$0x2] =	stream.indirect.gather [hbm4b:s11+s23], $0x20, s5, s23, $0xb8;
	[tilespmem:$0x15988] =	vst v63  }
0x57: {  	s5 =	simm.s32 $0x580;
	s6 =	simm.s32 $0xC000  }
0x58: {  	[tilespmem:s6], [sflag:$0x2] =	stream.indirect.gather [hbm4b:s11+s23], $0x20, s5, s23, $0xb8;
	[tilespmem:$0x15988] =	vst v63  }
0x59: {  	s5 =	simm.s32 $0x600;
	s6 =	simm.s32 $0xD000  }
0x5a: {  	[tilespmem:s6], [sflag:$0x2] =	stream.indirect.gather [hbm4b:s11+s23], $0x20, s5, s23, $0xb8;
	[tilespmem:$0x15988] =	vst v63  }
0x5b: {  	_ = 	snop  }
0x5c: {  	[tilespmem:s19], [sflag:$0x2] =	stream.indirect.gather [hbm4b:s11+s23], $0x20, s7, s23, $0xb8;
	[tilespmem:$0x15988] =	vst v63  }
0x5d: {  	_ = 	snop  }
0x5e: {  	[tilespmem:s12], [sflag:$0x2] =	stream.indirect.gather [hbm4b:s11+s23], $0x20, s20, s23, $0xb8;
	[tilespmem:$0x15988] =	vst v63  }
0x5f: {  	_ = 	snop  }
0x60: {  	[tilespmem:s14], [sflag:$0x2] =	stream.indirect.gather [hbm4b:s11+s23], $0x20, s13, s23, $0xb8;
	[tilespmem:$0x15988] =	vst v63  }
0x61: {  	_ =	swait.ge [sflag:s16], $0x1000  }
0x62: {  	[sflag:s16] =	ssyncset.done $0x0  }
0x63: {  	[sflag:s16] =	ssyncadd.s32 $0xFFFFF000  }
0x64: {  	_ =	swait.ge [sflag:s16], $0x1000  }
0x65: {  	[sflag:s16] =	ssyncset.done $0x0  }
0x66: {  	[sflag:s16] =	ssyncadd.s32 $0xFFFFF000  }
0x67: {  	_ =	swait.ge [sflag:s16], $0x1000  }
0x68: {  	[sflag:s16] =	ssyncset.done $0x0  }
0x69: {  	[sflag:s16] =	ssyncadd.s32 $0xFFFFF000  }
0x6a: {  	_ =	swait.ge [sflag:s16], $0x1000  }
0x6b: {  	[sflag:s16] =	ssyncset.done $0x0  }
0x6c: {  	[sflag:s16] =	ssyncadd.s32 $0xFFFFF000  }
0x6d: {  	_ =	swait.ge [sflag:s16], $0x1000  }
0x6e: {  	[sflag:s16] =	ssyncset.done $0x0  }
0x6f: {  	[sflag:s16] =	ssyncadd.s32 $0xFFFFF000  }
0x70: {  	_ =	swait.ge [sflag:s16], $0x1000  }
0x71: {  	[sflag:s16] =	ssyncset.done $0x0  }
0x72: {  	[sflag:s16] =	ssyncadd.s32 $0xFFFFF000  }
0x73: {  	_ =	swait.ge [sflag:s16], $0x1000  }
0x74: {  	[sflag:s16] =	ssyncset.done $0x0  }
0x75: {  	[sflag:s16] =	ssyncadd.s32 $0xFFFFF000  }
0x76: {  	_ =	swait.ge [sflag:s16], $0x1000  }
0x77: {  	[sflag:s16] =	ssyncset.done $0x0  }
0x78: {  	s6 =	simm.s32 $0x800;
	[sflag:s16] =	ssyncadd.s32 $0xFFFFF000  }
0x79: {  	s3 =	simm.s32 $0xC00;
	v0 =	vld [tilespmem:s6+$0x0]  }
0x7a: {  	v1 =	vld [tilespmem:s3+$0x0];
	_ =	sdelay $0x4  }
0x7b: {  	v0 =	vmul.u32 $0x12, v0;
	v1 =	vmul.u32 $0x12, v1  }
0x7c: {  	v38 =	vor.u32 s4, v4  }
0x7d: {  	v2 =	vshll.u32 v38, $0x6;
	v3 =	vand.u32 $0x1E, v0;
	v4 =	vor.u32 $0x1, v1  }
0x7e: {  	v2 =	vor.u32 v2, v3  }
0x7f: {  	v3 =	vor.u32 $0x1, v2  }
0x80: {  	v37 =	vadd.s32 $0x2, v1  }
0x81: {  	v40 =	vadd.s32 $0x2, v2;
	v39 =	vld.idx.msk [tilespmem:v1+s17+$0x0], $0xffff  }
0x82: {  	v41 =	vadd.s32 $0x3, v1;
	v4 =	vld.idx.msk [tilespmem:v4+s17+$0x0], $0xffff  }
0x83: {  	v43 =	vadd.s32 $0x3, v2;
	v42 =	vld.idx.msk [tilespmem:v2+s24+$0x0], $0xffff  }
0x84: {  	v53 =	vadd.s32 $0x4, v1;
	v3 =	vld.idx.msk [tilespmem:v3+s24+$0x0], $0xffff  }
0x85: {  	v44 =	vadd.s32 $0x4, v2;
	v37 =	vld.idx.msk [tilespmem:v37+s17+$0x0], $0xffff  }
0x86: {  	v47 =	vadd.s32 $0x5, v1;
	v40 =	vld.idx.msk [tilespmem:v40+s24+$0x0], $0xffff  }
0x87: {  	v46 =	vadd.s32 $0x5, v2;
	v41 =	vld.idx.msk [tilespmem:v41+s17+$0x0], $0xffff  }
0x88: {  	v15 =	vmov v45;
	v29 =	vmov v55;
	v55 =	vadd.s32 $0x6, v1;
	v43 =	vld.idx.msk [tilespmem:v43+s24+$0x0], $0xffff  }
0x89: {  	v34 =	vmovc v54;
	v54 =	vadd.s32 $0x6, v2;
	v45 =	vld.idx.msk [tilespmem:v53+s17+$0x0], $0xffff;
	v39 =	vmul.f32 v39, v42;
	v3 =	vmul.f32 v4, v3  }
0x8a: {  	v56 =	vadd.s32 $0x7, v1;
	v0 =	vand.u32 $0x6, v0;
	v57 =	vand.u32 $0x7FFFFFD8, v2;
	v44 =	vld.idx.msk [tilespmem:v44+s24+$0x0], $0xffff  }
0x8b: {  	v47 =	vld.idx.msk [tilespmem:v47+s17+$0x0], $0xffff;
	v4 =	vadd.s32 $0x7, v2;
	v37 =	vmul.f32 v37, v40;
	v58 =	vadd.f32 v3, v39  }
0x8c: {  	v59 =	vadd.s32 $0x8, v1;
	v0 =	vor.u32 v0, v57;
	v46 =	vld.idx.msk [tilespmem:v46+s24+$0x0], $0xffff  }
0x8d: {  	v36 =	vmovc v49;
	v51 =	vadd.s32 $0x8, v0;
	v49 =	vld.idx.msk [tilespmem:v55+s17+$0x0], $0xffff;
	v43 =	vmul.f32 v41, v43;
	v40 =	vadd.f32 v37, v58  }
0x8e: {  	v11 =	vmov v48;
	v60 =	vadd.s32 $0x9, v1;
	v48 =	vld.idx.msk [tilespmem:v54+s24+$0x0], $0xffff  }
0x8f: {  	v61 =	vadd.s32 $0x9, v2;
	v42 =	vld.idx.msk [tilespmem:v56+s17+$0x0], $0xffff;
	v44 =	vmul.f32 v45, v44;
	v40 =	vadd.f32 v43, v40  }
0x90: {  	v53 =	vadd.s32 $0xA, v2;
	v4 =	vld.idx.msk [tilespmem:v4+s24+$0x0], $0xffff  }
0x91: {  	v13 =	vmovc v50;
	v62 =	vadd.s32 $0xA, v1;
	v50 =	vld.idx.msk [tilespmem:v59+s17+$0x0], $0xffff;
	v46 =	vmul.f32 v47, v46;
	v40 =	vadd.f32 v44, v40  }
0x92: {  	v63 =	vadd.s32 $0xB, v1;
	v51 =	vld.idx.msk [tilespmem:v51+s24+$0x0], $0xffff  }
0x93: {  	v54 =	vadd.s32 $0xB, v2;
	v41 =	vld.idx.msk [tilespmem:v60+s17+$0x0], $0xffff;
	v55 =	vmul.f32 v49, v48;
	v40 =	vadd.f32 v46, v40  }
0x94: {  	v48 =	vadd.s32 $0xC, v1;
	v60 =	vld.idx.msk [tilespmem:v61+s24+$0x0], $0xffff  }
0x95: {  	v53 =	vld.idx.msk [tilespmem:v53+s24+$0x0], $0xffff;
	v61 =	vadd.s32 $0xC, v2;
	v4 =	vmul.f32 v42, v4;
	v40 =	vadd.f32 v55, v40  }
0x96: {  	v56 =	vadd.s32 $0xD, v2;
	v45 =	vld.idx.msk [tilespmem:v62+s17+$0x0], $0xffff  }
0x97: {  	v62 =	vadd.s32 $0xD, v1;
	v47 =	vld.idx.msk [tilespmem:v63+s17+$0x0], $0xffff;
	v50 =	vmul.f32 v50, v51;
	v40 =	vadd.f32 v4, v40  }
0x98: {  	v63 =	vadd.s32 $0xE, v1;
	v54 =	vld.idx.msk [tilespmem:v54+s24+$0x0], $0xffff  }
0x99: {  	v57 =	vadd.s32 $0xE, v2;
	v48 =	vld.idx.msk [tilespmem:v48+s17+$0x0], $0xffff;
	v58 =	vmul.f32 v41, v60;
	v40 =	vadd.f32 v50, v40  }
0x9a: {  	v41 =	vadd.s32 $0xF, v1;
	v60 =	vld.idx.msk [tilespmem:v61+s24+$0x0], $0xffff  }
0x9b: {  	v56 =	vld.idx.msk [tilespmem:v56+s24+$0x0], $0xffff;
	v61 =	vadd.s32 $0xF, v2;
	v45 =	vmul.f32 v45, v53;
	v40 =	vadd.f32 v58, v40  }
0x9c: {  	v0 =	vadd.s32 $0x10, v0;
	v42 =	vld.idx.msk [tilespmem:v62+s17+$0x0], $0xffff  }
0x9d: {  	v51 =	vld.idx.msk [tilespmem:v63+s17+$0x0], $0xffff;
	v59 =	vmul.f32 v47, v54;
	v62 =	vadd.s32 $0x10, v1;
	v40 =	vadd.f32 v45, v40  }
0x9e: {  	v63 =	vld.idx.msk [tilespmem:v57+s24+$0x0], $0xffff;
	v2 =	vadd.s32 $0x11, v2  }
0x9f: {  	v1 =	vadd.s32 $0x11, v1;
	v41 =	vld.idx.msk [tilespmem:v41+s17+$0x0], $0xffff;
	v57 =	vmul.f32 v48, v60;
	v40 =	vadd.f32 v59, v40  }
0xa0: {  	v33 =	vmov v52;
	v52 =	vld.idx.msk [tilespmem:v61+s24+$0x0], $0xffff  }
0xa1: {  	v0 =	vld.idx.msk [tilespmem:v0+s24+$0x0], $0xffff;
	v42 =	vmul.f32 v42, v56;
	v40 =	vadd.f32 v57, v40  }
0xa2: {  	v53 =	vld.idx.msk [tilespmem:v62+s17+$0x0], $0xffff  }
0xa3: {  	v2 =	vld.idx.msk [tilespmem:v2+s24+$0x0], $0xffff;
	v56 =	vmul.f32 v51, v63;
	v40 =	vadd.f32 v42, v40  }
0xa4: {  	v1 =	vld.idx.msk [tilespmem:v1+s17+$0x0], $0xffff  }
0xa5: {  	v60 =	vmul.f32 v41, v52;
	v40 =	vadd.f32 v56, v40;
	_ =	sdelay $0x1  }
0xa6: {  	v0 =	vmul.f32 v53, v0;
	v40 =	vadd.f32 v60, v40;
	_ =	sdelay $0x1  }
0xa7: {  	v1 =	vmul.f32 v1, v2;
	v2 =	vadd.f32 v0, v40;
	_ =	sdelay $0x1  }
0xa8: {  	v2 =	vadd.f32 v1, v2;
	_ =	sdelay $0x1  }
0xa9: {  	v2 =	vmul.f32 $5.555555600e-02, v2;
	_ =	sdelay $0x1  }
0xaa: {  	v53 =	vsub.f32 v39, v2;
	v41 =	vsub.f32 v3, v2;
	_ =	sdelay $0x1  }
0xab: {  	v48 =	vsub.f32 v37, v2;
	v3 =	vmul.f32 v53, v53;
	v52 =	vmul.f32 v41, v41;
	_ =	sdelay $0x1  }
0xac: {  	v49 =	vsub.f32 v43, v2;
	v54 =	vmul.f32 v48, v48;
	v3 =	vadd.f32 v52, v3;
	_ =	sdelay $0x1  }
0xad: {  	v47 =	vsub.f32 v44, v2;
	v61 =	vmul.f32 v49, v49;
	v3 =	vadd.f32 v3, v54;
	_ =	sdelay $0x1  }
0xae: {  	v62 =	vmul.f32 v47, v47;
	v54 =	vsub.f32 v46, v2;
	v3 =	vadd.f32 v3, v61;
	_ =	sdelay $0x1  }
0xaf: {  	v52 =	vsub.f32 v55, v2;
	v63 =	vmul.f32 v54, v54;
	v3 =	vadd.f32 v3, v62;
	_ =	sdelay $0x1  }
0xb0: {  	v46 =	vsub.f32 v4, v2;
	v4 =	vmul.f32 v52, v52;
	v3 =	vadd.f32 v3, v63;
	_ =	sdelay $0x1  }
0xb1: {  	v40 =	vsub.f32 v50, v2;
	v3 =	vadd.f32 v3, v4;
	v4 =	vmul.f32 v46, v46;
	_ =	sdelay $0x1  }
0xb2: {  	v55 =	vsub.f32 v58, v2;
	v3 =	vadd.f32 v3, v4;
	v4 =	vmul.f32 v40, v40;
	_ =	sdelay $0x1  }
0xb3: {  	v50 =	vsub.f32 v45, v2;
	v3 =	vadd.f32 v3, v4;
	v4 =	vmul.f32 v55, v55;
	_ =	sdelay $0x1  }
0xb4: {  	v51 =	vsub.f32 v59, v2;
	v3 =	vadd.f32 v3, v4;
	v4 =	vmul.f32 v50, v50;
	_ =	sdelay $0x1  }
0xb5: {  	v45 =	vsub.f32 v57, v2;
	v3 =	vadd.f32 v3, v4;
	v4 =	vmul.f32 v51, v51;
	_ =	sdelay $0x1  }
0xb6: {  	v44 =	vsub.f32 v42, v2;
	v3 =	vadd.f32 v3, v4;
	v4 =	vmul.f32 v45, v45;
	_ =	sdelay $0x1  }
0xb7: {  	v43 =	vsub.f32 v56, v2;
	v3 =	vadd.f32 v3, v4;
	v4 =	vmul.f32 v44, v44;
	_ =	sdelay $0x1  }
0xb8: {  	v42 =	vsub.f32 v60, v2;
	v3 =	vadd.f32 v3, v4;
	v4 =	vmul.f32 v43, v43;
	_ =	sdelay $0x1  }
0xb9: {  	v37 =	vsub.f32 v0, v2;
	v0 =	vadd.f32 v3, v4;
	v3 =	vmul.f32 v42, v42;
	_ =	sdelay $0x1  }
0xba: {  	v39 =	vsub.f32 v1, v2;
	v1 =	vmul.f32 v37, v37;
	v0 =	vadd.f32 v0, v3;
	_ =	sdelay $0x1  }
0xbb: {  	v0 =	vadd.f32 v0, v1;
	v1 =	vmul.f32 v39, v39;
	_ =	sdelay $0x1  }
0xbc: {  	v0 =	vadd.f32 v0, v1;
	_ =	sdelay $0x1  }
0xbd: {  	v0 =	vmul.f32 $5.555555600e-02, v0;
	_ =	sdelay $0x1  }
0xbe: {  	v0 =	vadd.f32 $9.999999960e-13, v0;
	_ =	sdelay $0x1  }
0xbf: {  	v1 =	vshra.s32 v0, $0x1;
	v0 =	vmul.f32 $5.000000000e-01, v0  }
0xc0: {  	v1 =	vsub.s32 $0x5F3759DF, v1  }
0xc1: {  	v2 =	vmul.f32 v1, v0;
	_ =	sdelay $0x1  }
0xc2: {  	v2 =	vmul.f32 v1, v2;
	_ =	sdelay $0x1  }
0xc3: {  	v2 =	vsub.f32 $1.500000000e+00, v2;
	_ =	sdelay $0x1  }
0xc4: {  	v1 =	vmul.f32 v1, v2;
	_ =	sdelay $0x1  }
0xc5: {  	v2 =	vmul.f32 v1, v0;
	_ =	sdelay $0x1  }
0xc6: {  	v2 =	vmul.f32 v2, v1;
	_ =	sdelay $0x1  }
0xc7: {  	v2 =	vsub.f32 $1.500000000e+00, v2;
	_ =	sdelay $0x1  }
0xc8: {  	v1 =	vmul.f32 v2, v1;
	_ =	sdelay $0x1  }
0xc9: {  	v0 =	vmul.f32 v1, v0;
	_ =	sdelay $0x1  }
0xca: {  	v0 =	vmul.f32 v0, v1  }
0xcb: {  	v56 =	vmul.u32 $0x12, v38  }
0xcc: {  	v0 =	vsub.f32 $1.500000000e+00, v0  }
0xcd: {  	v38 =	vadd.s32 $0x7, v56  }
0xce: {  	v57 =	vand.u32 $0x3FFE, v56;
	v59 =	vadd.s32 $0x4, v56;
	v58 =	vmul.f32 v0, v1  }
0xcf: {  	v60 =	vadd.s32 $0x6, v56;
	v61 =	vadd.s32 $0x3, v56;
	v62 =	vadd.s32 $0x5, v56  }
0xd0: {  	v63 =	vadd.s32 $0x2, v56;
	v4 =	vmul.f32 v58, v10;
	v1 =	vmul.f32 v58, v28  }
0xd1: {  	s4 =	simm.s32 $0x10;
	v0 =	vor.u32 $0x1, v56;
	v3 =	vmul.f32 v58, v14;
	v2 =	vmul.f32 v58, v26  }
.LBB2_3:
0xd2: {  	v5 =	vmul.f32 v58, v12  }
0xd3: {  	v4 =	vmul.f32 v4, v53  }
0xd4: {  	v6 =	vmul.f32 v58, v21;
	v5 =	vmul.f32 v5, v41  }
0xd5: {  	v7 =	vmul.f32 v58, v17;
	v8 =	vmul.f32 v58, v29;
	v4 =	vadd.f32 v4, v19  }
0xd6: {  	v53 =	vmul.f32 v58, v36;
	v3 =	vmul.f32 v3, v48;
	v5 =	vadd.f32 v5, v20  }
0xd7: {  	[tilespmem:v56+s22+$0x0] =	vst.idx.msk $0xffff, v4;
	v4 =	vmul.f32 v6, v49;
	v6 =	vmul.f32 v7, v47  }
0xd8: {  	v3 =	vadd.f32 v3, v13;
	v7 =	vmul.f32 v8, v54;
	v8 =	vmul.f32 v53, v52  }
0xd9: {  	v53 =	vmul.f32 v58, v25;
	[tilespmem:v0+s22+$0x0] =	vst.idx.msk $0xffff, v5;
	v4 =	vadd.f32 v4, v33  }
0xda: {  	v0 =	vadd.f32 v6, v34;
	[tilespmem:v63+s22+$0x0] =	vst.idx.msk $0xffff, v3  }
0xdb: {  	v47 =	vadd.s32 $0x8, v57;
	v7 =	vadd.f32 v7, v24;
	v5 =	vmul.f32 v53, v46;
	[tilespmem:v61+s22+$0x0] =	vst.idx.msk $0xffff, v4  }
0xdc: {  	v9 =	vadd.s32 $0x9, v56;
	v2 =	vmul.f32 v2, v40;
	v8 =	vadd.f32 v8, v16;
	[tilespmem:v59+s22+$0x0] =	vst.idx.msk $0xffff, v0  }
0xdd: {  	v1 =	vmul.f32 v1, v55;
	v5 =	vadd.f32 v5, v23;
	[tilespmem:v62+s22+$0x0] =	vst.idx.msk $0xffff, v7  }
0xde: {  	v2 =	vadd.f32 v2, v15;
	[tilespmem:v60+s22+$0x0] =	vst.idx.msk $0xffff, v8  }
0xdf: {  	v1 =	vadd.f32 v1, v22;
	[tilespmem:v38+s22+$0x0] =	vst.idx.msk $0xffff, v5  }
0xe0: {  	v0 =	vld [tilespmem:$0x1FFF0];
	[tilespmem:v47+s22+$0x0] =	vst.idx.msk $0xffff, v2  }
0xe1: {  	v48 =	vmul.f32 v58, v11;
	[tilespmem:v9+s22+$0x0] =	vst.idx.msk $0xffff, v1;
	v1 =	vld [tilespmem:$0x1FFC0]  }
0xe2: {  	v40 =	vadd.s32 $0xA, v56;
	v54 =	vmul.f32 v58, v27  }
0xe3: {  	v6 =	vadd.s32 $0xB, v56;
	v3 =	vmul.f32 v48, v50  }
0xe4: {  	v4 =	vmul.f32 v54, v51  }
0xe5: {  	v0 =	vadd.f32 v3, v0  }
0xe6: {  	v53 =	vld [tilespmem:$0x1FFE0];
	v1 =	vadd.f32 v4, v1  }
0xe7: {  	[tilespmem:v40+s22+$0x0] =	vst.idx.msk $0xffff, v0;
	v0 =	vld [tilespmem:$0x1FFB0]  }
0xe8: {  	v3 =	vmul.f32 v58, v18;
	[tilespmem:v6+s22+$0x0] =	vst.idx.msk $0xffff, v1;
	v1 =	vld [tilespmem:$0x1FFA0]  }
0xe9: {  	v7 =	vmul.f32 v58, v35;
	v5 =	vadd.s32 $0xC, v56  }
0xea: {  	v8 =	vmul.f32 v58, v30;
	v2 =	vadd.s32 $0xD, v56;
	v3 =	vmul.f32 v3, v45  }
0xeb: {  	v52 =	vadd.s32 $0xE, v56;
	v54 =	vmul.f32 v58, v53;
	v7 =	vmul.f32 v7, v44  }
0xec: {  	v55 =	vld [tilespmem:$0x1FFD0];
	v51 =	vadd.s32 $0xF, v56;
	v8 =	vmul.f32 v8, v43;
	v0 =	vadd.f32 v3, v0  }
0xed: {  	v4 =	vmul.f32 v54, v42;
	v1 =	vadd.f32 v7, v1;
	v7 =	vld [tilespmem:$0x1FF90]  }
0xee: {  	[tilespmem:v5+s22+$0x0] =	vst.idx.msk $0xffff, v0;
	v0 =	vadd.f32 v8, v31  }
0xef: {  	[tilespmem:v2+s22+$0x0] =	vst.idx.msk $0xffff, v1;
	v1 =	vadd.f32 v4, v32  }
0xf0: {  	[tilespmem:v52+s22+$0x0] =	vst.idx.msk $0xffff, v0;
	v0 =	vld [tilespmem:$0x1FF80]  }
0xf1: {  	v59 =	vmul.f32 v58, v55;
	[tilespmem:v51+s22+$0x0] =	vst.idx.msk $0xffff, v1;
	v1 =	vld [tilespmem:$0x1FF70]  }
0xf2: {  	v6 =	vadd.s32 $0x10, v57;
	v7 =	vmul.f32 v58, v7  }
0xf3: {  	v3 =	vmul.f32 v59, v37;
	v5 =	vadd.s32 $0x11, v56  }
0xf4: {  	v2 =	vmul.f32 v7, v39  }
0xf5: {  	v0 =	vadd.f32 v3, v0  }
0xf6: {  	v1 =	vadd.f32 v2, v1  }
0xf7: {  	[tilespmem:v6+s22+$0x0] =	vst.idx.msk $0xffff, v0  }
0xf8: {  	s6 =	sadd.s32 $0x10, s6;
	[tilespmem:v5+s22+$0x0] =	vst.idx.msk $0xffff, v1  }
0xf9: {  	s3 =	sadd.s32 $0x10, s3;
	v0 =	vld [tilespmem:s6+$0x0]  }
0xfa: {  	v1 =	vld [tilespmem:s3+$0x0];
	_ =	sdelay $0x4  }
0xfb: {  	s5 =	smov.u32 s4;
	v60 =	vlaneseq.u32;
	v0 =	vmul.u32 $0x12, v0;
	v1 =	vmul.u32 $0x12, v1  }
0xfc: {  	v38 =	vor.u32 s5, v60  }
0xfd: {  	v9 =	vshll.u32 v38, $0x6;
	v2 =	vand.u32 $0x1E, v0;
	v3 =	vor.u32 $0x1, v1  }
0xfe: {  	v2 =	vor.u32 v9, v2  }
0xff: {  	v8 =	vor.u32 $0x1, v2  }
0x100: {  	v4 =	vadd.s32 $0x2, v1  }
0x101: {  	v62 =	vadd.s32 $0x2, v2;
	v41 =	vld.idx.msk [tilespmem:v1+s17+$0x0], $0xffff  }
0x102: {  	v63 =	vadd.s32 $0x3, v1;
	v3 =	vld.idx.msk [tilespmem:v3+s17+$0x0], $0xffff  }
0x103: {  	v47 =	vadd.s32 $0x3, v2;
	v46 =	vld.idx.msk [tilespmem:v2+s24+$0x0], $0xffff  }
0x104: {  	v5 =	vadd.s32 $0x4, v1;
	v8 =	vld.idx.msk [tilespmem:v8+s24+$0x0], $0xffff  }
0x105: {  	v50 =	vadd.s32 $0x4, v2;
	v4 =	vld.idx.msk [tilespmem:v4+s17+$0x0], $0xffff  }
0x106: {  	v6 =	vadd.s32 $0x5, v1;
	v42 =	vld.idx.msk [tilespmem:v62+s24+$0x0], $0xffff  }
0x107: {  	v56 =	vadd.s32 $0x5, v2;
	v43 =	vld.idx.msk [tilespmem:v63+s17+$0x0], $0xffff  }
0x108: {  	v7 =	vadd.s32 $0x6, v1;
	v39 =	vadd.s32 $0x7, v1;
	v47 =	vld.idx.msk [tilespmem:v47+s24+$0x0], $0xffff  }
0x109: {  	v9 =	vadd.s32 $0x6, v2;
	v5 =	vld.idx.msk [tilespmem:v5+s17+$0x0], $0xffff;
	v41 =	vmul.f32 v41, v46;
	v3 =	vmul.f32 v3, v8  }
0x10a: {  	v0 =	vand.u32 $0x6, v0;
	v37 =	vadd.s32 $0x7, v2;
	v61 =	vand.u32 $0x7FFFFFD8, v2;
	v50 =	vld.idx.msk [tilespmem:v50+s24+$0x0], $0xffff  }
0x10b: {  	v0 =	vor.u32 v0, v61;
	v6 =	vld.idx.msk [tilespmem:v6+s17+$0x0], $0xffff;
	v4 =	vmul.f32 v4, v42;
	v46 =	vadd.f32 v3, v41  }
0x10c: {  	v40 =	vadd.s32 $0x8, v1;
	v61 =	vadd.s32 $0x10, v0;
	v8 =	vld.idx.msk [tilespmem:v56+s24+$0x0], $0xffff  }
0x10d: {  	v0 =	vadd.s32 $0x8, v0;
	v7 =	vld.idx.msk [tilespmem:v7+s17+$0x0], $0xffff;
	v43 =	vmul.f32 v43, v47;
	v42 =	vadd.f32 v4, v46  }
0x10e: {  	v45 =	vadd.s32 $0x9, v1;
	v9 =	vld.idx.msk [tilespmem:v9+s24+$0x0], $0xffff  }
0x10f: {  	v44 =	vadd.s32 $0x9, v2;
	v39 =	vld.idx.msk [tilespmem:v39+s17+$0x0], $0xffff;
	v5 =	vmul.f32 v5, v50;
	v42 =	vadd.f32 v43, v42  }
0x110: {  	v49 =	vadd.s32 $0xA, v1;
	v37 =	vld.idx.msk [tilespmem:v37+s24+$0x0], $0xffff  }
0x111: {  	v48 =	vadd.s32 $0xA, v2;
	v40 =	vld.idx.msk [tilespmem:v40+s17+$0x0], $0xffff;
	v6 =	vmul.f32 v6, v8;
	v8 =	vadd.f32 v5, v42  }
0x112: {  	v52 =	vadd.s32 $0xB, v1;
	v0 =	vld.idx.msk [tilespmem:v0+s24+$0x0], $0xffff  }
0x113: {  	v51 =	vadd.s32 $0xB, v2;
	v56 =	vld.idx.msk [tilespmem:v45+s17+$0x0], $0xffff;
	v7 =	vmul.f32 v7, v9;
	v8 =	vadd.f32 v6, v8  }
0x114: {  	v54 =	vadd.s32 $0xC, v1;
	v9 =	vld.idx.msk [tilespmem:v44+s24+$0x0], $0xffff  }
0x115: {  	v53 =	vadd.s32 $0xC, v2;
	v49 =	vld.idx.msk [tilespmem:v49+s17+$0x0], $0xffff;
	v39 =	vmul.f32 v39, v37;
	v8 =	vadd.f32 v7, v8  }
0x116: {  	v57 =	vadd.s32 $0xD, v1;
	v50 =	vld.idx.msk [tilespmem:v48+s24+$0x0], $0xffff  }
0x117: {  	v55 =	vadd.s32 $0xD, v2;
	v45 =	vld.idx.msk [tilespmem:v52+s17+$0x0], $0xffff;
	v0 =	vmul.f32 v40, v0;
	v8 =	vadd.f32 v39, v8  }
0x118: {  	v59 =	vadd.s32 $0xE, v1;
	v40 =	vld.idx.msk [tilespmem:v51+s24+$0x0], $0xffff  }
0x119: {  	v58 =	vadd.s32 $0xE, v2;
	v52 =	vld.idx.msk [tilespmem:v54+s17+$0x0], $0xffff;
	v9 =	vmul.f32 v56, v9;
	v8 =	vadd.f32 v0, v8  }
0x11a: {  	v62 =	vadd.s32 $0xF, v1;
	v54 =	vld.idx.msk [tilespmem:v53+s24+$0x0], $0xffff  }
0x11b: {  	v60 =	vadd.s32 $0xF, v2;
	v56 =	vld.idx.msk [tilespmem:v57+s17+$0x0], $0xffff;
	v44 =	vmul.f32 v49, v50;
	v8 =	vadd.f32 v9, v8  }
0x11c: {  	v57 =	vld.idx.msk [tilespmem:v55+s24+$0x0], $0xffff  }
0x11d: {  	v63 =	vadd.s32 $0x10, v1;
	v48 =	vld.idx.msk [tilespmem:v59+s17+$0x0], $0xffff;
	v45 =	vmul.f32 v45, v40;
	v8 =	vadd.f32 v44, v8  }
0x11e: {  	v2 =	vadd.s32 $0x11, v2;
	v40 =	vld.idx.msk [tilespmem:v58+s24+$0x0], $0xffff  }
0x11f: {  	v1 =	vadd.s32 $0x11, v1;
	v49 =	vld.idx.msk [tilespmem:v62+s17+$0x0], $0xffff;
	v42 =	vmul.f32 v52, v54;
	v8 =	vadd.f32 v45, v8  }
0x120: {  	v52 =	vld.idx.msk [tilespmem:v60+s24+$0x0], $0xffff  }
0x121: {  	v61 =	vld.idx.msk [tilespmem:v61+s24+$0x0], $0xffff;
	v60 =	vmul.f32 v56, v57;
	v8 =	vadd.f32 v42, v8  }
0x122: {  	v53 =	vld.idx.msk [tilespmem:v63+s17+$0x0], $0xffff  }
0x123: {  	v2 =	vld.idx.msk [tilespmem:v2+s24+$0x0], $0xffff;
	v62 =	vmul.f32 v48, v40;
	v8 =	vadd.f32 v60, v8  }
0x124: {  	v1 =	vld.idx.msk [tilespmem:v1+s17+$0x0], $0xffff  }
0x125: {  	v63 =	vmul.f32 v49, v52;
	v8 =	vadd.f32 v62, v8;
	_ =	sdelay $0x1  }
0x126: {  	v37 =	vmul.f32 v53, v61;
	v8 =	vadd.f32 v63, v8;
	_ =	sdelay $0x1  }
0x127: {  	v1 =	vmul.f32 v1, v2;
	v2 =	vadd.f32 v37, v8;
	_ =	sdelay $0x1  }
0x128: {  	v2 =	vadd.f32 v1, v2;
	_ =	sdelay $0x1  }
0x129: {  	v2 =	vmul.f32 $5.555555600e-02, v2;
	_ =	sdelay $0x1  }
0x12a: {  	v53 =	vsub.f32 v41, v2;
	v41 =	vsub.f32 v3, v2  }
0x12b: {  	v48 =	vsub.f32 v4, v2  }
0x12c: {  	v40 =	vsub.f32 v0, v2;
	v0 =	vmul.f32 v53, v53;
	v3 =	vmul.f32 v41, v41;
	_ =	sdelay $0x1  }
0x12d: {  	v49 =	vsub.f32 v43, v2;
	v0 =	vadd.f32 v3, v0;
	v3 =	vmul.f32 v48, v48;
	_ =	sdelay $0x1  }
0x12e: {  	v47 =	vsub.f32 v5, v2;
	v0 =	vadd.f32 v0, v3;
	v3 =	vmul.f32 v49, v49;
	_ =	sdelay $0x1  }
0x12f: {  	v54 =	vsub.f32 v6, v2;
	v0 =	vadd.f32 v0, v3;
	v3 =	vmul.f32 v47, v47;
	_ =	sdelay $0x1  }
0x130: {  	v52 =	vsub.f32 v7, v2;
	v0 =	vadd.f32 v0, v3;
	v3 =	vmul.f32 v54, v54;
	_ =	sdelay $0x1  }
0x131: {  	v46 =	vsub.f32 v39, v2;
	v0 =	vadd.f32 v0, v3;
	v3 =	vmul.f32 v52, v52;
	_ =	sdelay $0x1  }
0x132: {  	v0 =	vadd.f32 v0, v3;
	v3 =	vmul.f32 v46, v46;
	_ =	sdelay $0x1  }
0x133: {  	v55 =	vsub.f32 v9, v2;
	v0 =	vadd.f32 v0, v3;
	v3 =	vmul.f32 v40, v40;
	_ =	sdelay $0x1  }
0x134: {  	v50 =	vsub.f32 v44, v2;
	v0 =	vadd.f32 v0, v3;
	v3 =	vmul.f32 v55, v55;
	_ =	sdelay $0x1  }
0x135: {  	v51 =	vsub.f32 v45, v2;
	v0 =	vadd.f32 v0, v3;
	v3 =	vmul.f32 v50, v50;
	_ =	sdelay $0x1  }
0x136: {  	v45 =	vsub.f32 v42, v2;
	v0 =	vadd.f32 v0, v3;
	v3 =	vmul.f32 v51, v51;
	_ =	sdelay $0x1  }
0x137: {  	v44 =	vsub.f32 v60, v2;
	v0 =	vadd.f32 v0, v3;
	v3 =	vmul.f32 v45, v45;
	_ =	sdelay $0x1  }
0x138: {  	v43 =	vsub.f32 v62, v2;
	v0 =	vadd.f32 v0, v3;
	v3 =	vmul.f32 v44, v44;
	_ =	sdelay $0x1  }
0x139: {  	v42 =	vsub.f32 v63, v2;
	v0 =	vadd.f32 v0, v3;
	v3 =	vmul.f32 v43, v43;
	_ =	sdelay $0x1  }
0x13a: {  	v37 =	vsub.f32 v37, v2;
	v0 =	vadd.f32 v0, v3;
	v3 =	vmul.f32 v42, v42;
	_ =	sdelay $0x1  }
0x13b: {  	v39 =	vsub.f32 v1, v2;
	v1 =	vmul.f32 v37, v37;
	v0 =	vadd.f32 v0, v3;
	_ =	sdelay $0x1  }
0x13c: {  	v0 =	vadd.f32 v0, v1;
	v1 =	vmul.f32 v39, v39;
	_ =	sdelay $0x1  }
0x13d: {  	v0 =	vadd.f32 v0, v1;
	_ =	sdelay $0x1  }
0x13e: {  	v0 =	vmul.f32 $5.555555600e-02, v0;
	_ =	sdelay $0x1  }
0x13f: {  	v0 =	vadd.f32 $9.999999960e-13, v0;
	_ =	sdelay $0x1  }
0x140: {  	v1 =	vshra.s32 v0, $0x1;
	v0 =	vmul.f32 $5.000000000e-01, v0  }
0x141: {  	v1 =	vsub.s32 $0x5F3759DF, v1  }
0x142: {  	v2 =	vmul.f32 v1, v0;
	_ =	sdelay $0x1  }
0x143: {  	v2 =	vmul.f32 v1, v2;
	_ =	sdelay $0x1  }
0x144: {  	v2 =	vsub.f32 $1.500000000e+00, v2;
	_ =	sdelay $0x1  }
0x145: {  	v1 =	vmul.f32 v1, v2;
	_ =	sdelay $0x1  }
0x146: {  	v2 =	vmul.f32 v1, v0;
	_ =	sdelay $0x1  }
0x147: {  	v2 =	vmul.f32 v2, v1;
	_ =	sdelay $0x1  }
0x148: {  	v2 =	vsub.f32 $1.500000000e+00, v2;
	_ =	sdelay $0x1  }
0x149: {  	v1 =	vmul.f32 v2, v1;
	_ =	sdelay $0x1  }
0x14a: {  	v0 =	vmul.f32 v1, v0;
	_ =	sdelay $0x1  }
0x14b: {  	v2 =	vmul.f32 v0, v1  }
0x14c: {  	v56 =	vmul.u32 $0x12, v38  }
0x14d: {  	p0 =	sne.s32 s4, $0x1F0;
	v2 =	vsub.f32 $1.500000000e+00, v2  }
.Ltmp0:
0x14e: {  	v38 =	vadd.s32 $0x7, v56;
	(pc) =	sbr.rel @p0 .LBB2_3-.Ltmp0, $4  }
0x14f: {  	v57 =	vand.u32 $0x3FFE, v56;
	v61 =	vadd.s32 $0x3, v56;
	v58 =	vmul.f32 v2, v1  }
0x150: {  	v59 =	vadd.s32 $0x4, v56;
	v63 =	vadd.s32 $0x2, v56;
	v62 =	vadd.s32 $0x5, v56  }
0x151: {  	v60 =	vadd.s32 $0x6, v56;
	v4 =	vmul.f32 v58, v10;
	v1 =	vmul.f32 v58, v28  }
0x152: {  	s4 =	sadd.s32 $0x10, s4;
	v0 =	vor.u32 $0x1, v56;
	v3 =	vmul.f32 v58, v14;
	v2 =	vmul.f32 v58, v26  }
0x153: {  	v4 =	vmul.f32 v4, v53  }
0x154: {  	v8 =	vmul.f32 v58, v12  }
0x155: {  	v6 =	vmul.f32 v58, v21;
	v7 =	vmul.f32 v58, v29;
	v4 =	vadd.f32 v4, v19  }
0x156: {  	v3 =	vmul.f32 v3, v48;
	v8 =	vmul.f32 v8, v41  }
0x157: {  	[tilespmem:v56+s22+$0x0] =	vst.idx.msk $0xffff, v4;
	v4 =	vmul.f32 v7, v54;
	v7 =	vmul.f32 v58, v17  }
0x158: {  	v5 =	vmul.f32 v58, v36;
	v6 =	vmul.f32 v6, v49;
	v8 =	vadd.f32 v8, v20  }
0x159: {  	v9 =	vmul.f32 v58, v11;
	v3 =	vadd.f32 v3, v13;
	v7 =	vmul.f32 v7, v47  }
0x15a: {  	v6 =	vadd.f32 v6, v33;
	v54 =	vmul.f32 v58, v25;
	[tilespmem:v0+s22+$0x0] =	vst.idx.msk $0xffff, v8  }
0x15b: {  	v5 =	vmul.f32 v5, v52;
	[tilespmem:v63+s22+$0x0] =	vst.idx.msk $0xffff, v3;
	v0 =	vadd.f32 v7, v34  }
0x15c: {  	v4 =	vadd.f32 v4, v24;
	v3 =	vadd.s32 $0x8, v57;
	v7 =	vmul.f32 v54, v46;
	[tilespmem:v61+s22+$0x0] =	vst.idx.msk $0xffff, v6  }
0x15d: {  	v2 =	vmul.f32 v2, v40;
	v5 =	vadd.f32 v5, v16;
	v6 =	vadd.s32 $0x9, v56;
	[tilespmem:v59+s22+$0x0] =	vst.idx.msk $0xffff, v0  }
0x15e: {  	v1 =	vmul.f32 v1, v55;
	[tilespmem:v62+s22+$0x0] =	vst.idx.msk $0xffff, v4;
	v4 =	vadd.f32 v7, v23  }
0x15f: {  	v48 =	vmul.f32 v58, v27;
	v2 =	vadd.f32 v2, v15;
	[tilespmem:v60+s22+$0x0] =	vst.idx.msk $0xffff, v5  }
0x160: {  	v1 =	vadd.f32 v1, v22;
	[tilespmem:v38+s22+$0x0] =	vst.idx.msk $0xffff, v4  }
0x161: {  	v8 =	vmul.f32 v9, v50;
	v9 =	vmul.f32 v48, v51;
	v51 =	vld [tilespmem:$0x1FFF0];
	[tilespmem:v3+s22+$0x0] =	vst.idx.msk $0xffff, v2  }
0x162: {  	[tilespmem:v6+s22+$0x0] =	vst.idx.msk $0xffff, v1;
	v1 =	vld [tilespmem:$0x1FFC0]  }
0x163: {  	v49 =	vadd.s32 $0xA, v56  }
0x164: {  	v50 =	vadd.s32 $0xB, v56;
	_ =	sdelay $0x1  }
0x165: {  	v8 =	vadd.f32 v8, v51  }
0x166: {  	v52 =	vld [tilespmem:$0x1FFE0];
	v1 =	vadd.f32 v9, v1  }
0x167: {  	[tilespmem:v49+s22+$0x0] =	vst.idx.msk $0xffff, v8;
	v8 =	vld [tilespmem:$0x1FFB0]  }
0x168: {  	v0 =	vmul.f32 v58, v18;
	v7 =	vmul.f32 v58, v35;
	[tilespmem:v50+s22+$0x0] =	vst.idx.msk $0xffff, v1;
	v1 =	vld [tilespmem:$0x1FFA0]  }
0x169: {  	v5 =	vmul.f32 v58, v30;
	v4 =	vadd.s32 $0xC, v56  }
0x16a: {  	v0 =	vmul.f32 v0, v45;
	v7 =	vmul.f32 v7, v44;
	v2 =	vadd.s32 $0xD, v56  }
0x16b: {  	v38 =	vmul.f32 v58, v52;
	v3 =	vmul.f32 v5, v43;
	v5 =	vadd.s32 $0xE, v56  }
0x16c: {  	v53 =	vld [tilespmem:$0x1FFD0];
	v6 =	vadd.s32 $0xF, v56;
	v0 =	vadd.f32 v0, v8  }
0x16d: {  	v9 =	vmul.f32 v38, v42;
	v8 =	vld [tilespmem:$0x1FF90];
	v1 =	vadd.f32 v7, v1  }
0x16e: {  	[tilespmem:v4+s22+$0x0] =	vst.idx.msk $0xffff, v0;
	v0 =	vadd.f32 v3, v31  }
0x16f: {  	[tilespmem:v2+s22+$0x0] =	vst.idx.msk $0xffff, v1;
	v1 =	vadd.f32 v9, v32  }
0x170: {  	[tilespmem:v5+s22+$0x0] =	vst.idx.msk $0xffff, v0;
	v0 =	vld [tilespmem:$0x1FF80]  }
0x171: {  	v43 =	vmul.f32 v58, v53;
	[tilespmem:v6+s22+$0x0] =	vst.idx.msk $0xffff, v1;
	v1 =	vld [tilespmem:$0x1FF70]  }
0x172: {  	v8 =	vmul.f32 v58, v8;
	v7 =	vadd.s32 $0x10, v57  }
0x173: {  	v37 =	vmul.f32 v43, v37;
	v3 =	vadd.s32 $0x11, v56  }
0x174: {  	s3 =	sadd.s32 s10, s31;
	v2 =	vmul.f32 v8, v39  }
0x175: {  	s3 =	smul.u32 $0x12, s3;
	v0 =	vadd.f32 v37, v0  }
0x176: {  	v1 =	vadd.f32 v2, v1  }
0x177: {  	s3 =	sshrl.u32 s3, $0x3;
	[tilespmem:v7+s22+$0x0] =	vst.idx.msk $0xffff, v0  }
0x178: {  	p0 =	seq.s32 s29, $0x63;
	s3 =	sadd.s32 s8, s3;
	[tilespmem:v3+s22+$0x0] =	vst.idx.msk $0xffff, v1  }
0x179: {  	[hbm4b:s3+s9] =	stream.linear.scatter [tilespmem:s22], [sflag:$0x3], $0x2400, $0x38;
	[tilespmem:$0x15988] =	vst v63  }
0x17a: {  	s3 =	sadd.s32 @!p0 s31, s15;
	_ =	swait.ge [sflag:s18], $0x2400  }
0x17b: {  	s4 =	sshrl.u32 @!p0 s3, $0x2;
	[sflag:s18] =	ssyncset.done $0x0  }
0x17c: {  	s5 =	simm.s32 @!p0 $0x0;
	s4 =	sadd.s32 @!p0 s0, s4;
	[sflag:s18] =	ssyncadd.s32 $0xFFFFDC00  }
0x17d: {  	[tilespmem:s5], [sflag:$0x3] =	stream.linear.gather @!p0 [hbm4b:s4+s5], $0x400, $0x38;
	[tilespmem:$0x15988] =	vst v63  }
0x17e: {  	s4 =	simm.s32 @!p0 $0x3  }
0x17f: {  	_ =	swait.ge @!p0 [sflag:s4], $0x400  }
0x180: {  	s3 =	sshrl.u32 @!p0 s3, $0x3;
	[sflag:s4] =	ssyncset.done @!p0 $0x0  }
0x181: {  	s31 =	simm.s32 @!p0 $0x800;
	s6 =	sadd.s32 @!p0 s1, s3;
	[sflag:s4] =	ssyncadd.s32 @!p0 $0xFFFFFC00  }
0x182: {  	[tilespmem:s31], [sflag:$0x3] =	stream.linear.gather @!p0 [hbm4b:s6+s5], $0x200, $0x38;
	[tilespmem:$0x15988] =	vst v63  }
0x183: {  	_ =	swait.ge @!p0 [sflag:s4], $0x200  }
0x184: {  	[sflag:s4] =	ssyncset.done @!p0 $0x0  }
0x185: {  	s3 =	sadd.s32 @!p0 s2, s3;
	s6 =	simm.s32 @!p0 $0xC00;
	[sflag:s4] =	ssyncadd.s32 @!p0 $0xFFFFFE00  }
0x186: {  	[tilespmem:s6], [sflag:$0x3] =	stream.linear.gather @!p0 [hbm4b:s3+s5], $0x200, $0x38;
	[tilespmem:$0x15988] =	vst v63  }
0x187: {  	_ =	swait.ge @!p0 [sflag:s4], $0x200  }
0x188: {  	[sflag:s4] =	ssyncset.done @!p0 $0x0  }
0x189: {  	s3 =	simm.s32 @!p0 $0x80;
	[sflag:s4] =	ssyncadd.s32 @!p0 $0xFFFFFE00;
	s4 =	simm.s32 @!p0 $0x1000  }
0x18a: {  	[tilespmem:s4], [sflag:$0x1] =	stream.indirect.gather @!p0 [hbm4b:s11+s3], $0x20, s5, s3, $0xb8;
	[tilespmem:$0x15988] =	vst v63  }
0x18b: {  	s4 =	simm.s32 @!p0 $0x2000  }
0x18c: {  	[tilespmem:s4], [sflag:$0x1] =	stream.indirect.gather @!p0 [hbm4b:s11+s3], $0x20, s3, s3, $0xb8;
	[tilespmem:$0x15988] =	vst v63  }
0x18d: {  	s5 =	simm.s32 @!p0 $0x3000;
	s4 =	simm.s32 @!p0 $0x100  }
0x18e: {  	[tilespmem:s5], [sflag:$0x1] =	stream.indirect.gather @!p0 [hbm4b:s11+s3], $0x20, s4, s3, $0xb8;
	[tilespmem:$0x15988] =	vst v63  }
0x18f: {  	s4 =	simm.s32 @!p0 $0x180;
	s5 =	simm.s32 @!p0 $0x4000  }
0x190: {  	[tilespmem:s5], [sflag:$0x1] =	stream.indirect.gather @!p0 [hbm4b:s11+s3], $0x20, s4, s3, $0xb8;
	[tilespmem:$0x15988] =	vst v63  }
0x191: {  	s4 =	simm.s32 @!p0 $0x200;
	s5 =	simm.s32 @!p0 $0x5000  }
0x192: {  	[tilespmem:s5], [sflag:$0x1] =	stream.indirect.gather @!p0 [hbm4b:s11+s3], $0x20, s4, s3, $0xb8;
	[tilespmem:$0x15988] =	vst v63  }
0x193: {  	s4 =	simm.s32 @!p0 $0x280;
	s5 =	simm.s32 @!p0 $0x6000  }
0x194: {  	[tilespmem:s5], [sflag:$0x1] =	stream.indirect.gather @!p0 [hbm4b:s11+s3], $0x20, s4, s3, $0xb8;
	[tilespmem:$0x15988] =	vst v63  }
0x195: {  	s4 =	simm.s32 @!p0 $0x300;
	s5 =	simm.s32 @!p0 $0x7000  }
0x196: {  	[tilespmem:s5], [sflag:$0x1] =	stream.indirect.gather @!p0 [hbm4b:s11+s3], $0x20, s4, s3, $0xb8;
	[tilespmem:$0x15988] =	vst v63  }
0x197: {  	s4 =	simm.s32 @!p0 $0x380;
	s5 =	simm.s32 @!p0 $0x8000  }
0x198: {  	[tilespmem:s5], [sflag:$0x1] =	stream.indirect.gather @!p0 [hbm4b:s11+s3], $0x20, s4, s3, $0xb8;
	[tilespmem:$0x15988] =	vst v63  }
0x199: {  	_ =	swait.ge [sflag:s25], $0x1000  }
0x19a: {  	[sflag:s25] =	ssyncset.done $0x0  }
0x19b: {  	[sflag:s25] =	ssyncadd.s32 $0xFFFFF000  }
0x19c: {  	_ =	swait.ge [sflag:s25], $0x1000  }
0x19d: {  	[sflag:s25] =	ssyncset.done $0x0  }
0x19e: {  	[sflag:s25] =	ssyncadd.s32 $0xFFFFF000  }
0x19f: {  	_ =	swait.ge [sflag:s25], $0x1000  }
0x1a0: {  	[sflag:s25] =	ssyncset.done $0x0  }
0x1a1: {  	[sflag:s25] =	ssyncadd.s32 $0xFFFFF000  }
0x1a2: {  	_ =	swait.ge [sflag:s25], $0x1000  }
0x1a3: {  	[sflag:s25] =	ssyncset.done $0x0  }
0x1a4: {  	[sflag:s25] =	ssyncadd.s32 $0xFFFFF000  }
0x1a5: {  	_ =	swait.ge [sflag:s25], $0x1000  }
0x1a6: {  	[sflag:s25] =	ssyncset.done $0x0  }
0x1a7: {  	[sflag:s25] =	ssyncadd.s32 $0xFFFFF000  }
0x1a8: {  	_ =	swait.ge [sflag:s25], $0x1000  }
0x1a9: {  	[sflag:s25] =	ssyncset.done $0x0  }
0x1aa: {  	[sflag:s25] =	ssyncadd.s32 $0xFFFFF000  }
0x1ab: {  	_ =	swait.ge [sflag:s25], $0x1000  }
0x1ac: {  	[sflag:s25] =	ssyncset.done $0x0  }
0x1ad: {  	[sflag:s25] =	ssyncadd.s32 $0xFFFFF000  }
0x1ae: {  	_ =	swait.ge [sflag:s25], $0x1000  }
0x1af: {  	[sflag:s25] =	ssyncset.done $0x0  }
0x1b0: {  	s31 =	simm.s32 $0xA00;
	[sflag:s25] =	ssyncadd.s32 $0xFFFFF000  }
0x1b1: {  	s6 =	simm.s32 $0xE00;
	v0 =	vld [tilespmem:s31+$0x0]  }
0x1b2: {  	v1 =	vld [tilespmem:s6+$0x0];
	_ =	sdelay $0x4  }
0x1b3: {  	v2 =	vlaneseq.u32;
	s5 =	simm.s32 $0x0;
	v0 =	vmul.u32 $0x12, v0;
	v1 =	vmul.u32 $0x12, v1  }
0x1b4: {  	v38 =	vor.u32 s5, v2  }
0x1b5: {  	v2 =	vshll.u32 v38, $0x6;
	v3 =	vand.u32 $0x1E, v0;
	v4 =	vor.u32 $0x1, v1  }
0x1b6: {  	v2 =	vor.u32 v2, v3  }
0x1b7: {  	v3 =	vor.u32 $0x1, v2  }
0x1b8: {  	v5 =	vadd.s32 $0x2, v1  }
0x1b9: {  	v7 =	vadd.s32 $0x2, v2;
	v6 =	vld.idx.msk [tilespmem:v1+s17+$0x0], $0xffff  }
0x1ba: {  	v8 =	vadd.s32 $0x3, v1;
	v4 =	vld.idx.msk [tilespmem:v4+s17+$0x0], $0xffff  }
0x1bb: {  	v54 =	vadd.s32 $0x3, v2;
	v9 =	vld.idx.msk [tilespmem:v2+s26+$0x0], $0xffff  }
0x1bc: {  	v56 =	vadd.s32 $0x4, v1;
	v3 =	vld.idx.msk [tilespmem:v3+s26+$0x0], $0xffff  }
0x1bd: {  	v55 =	vadd.s32 $0x4, v2;
	v5 =	vld.idx.msk [tilespmem:v5+s17+$0x0], $0xffff  }
0x1be: {  	v58 =	vadd.s32 $0x5, v1;
	v7 =	vld.idx.msk [tilespmem:v7+s26+$0x0], $0xffff  }
0x1bf: {  	v57 =	vadd.s32 $0x5, v2;
	v8 =	vld.idx.msk [tilespmem:v8+s17+$0x0], $0xffff  }
0x1c0: {  	v60 =	vadd.s32 $0x6, v1;
	v37 =	vld.idx.msk [tilespmem:v54+s26+$0x0], $0xffff  }
0x1c1: {  	v59 =	vadd.s32 $0x6, v2;
	v40 =	vld.idx.msk [tilespmem:v56+s17+$0x0], $0xffff;
	v6 =	vmul.f32 v6, v9;
	v3 =	vmul.f32 v4, v3  }
0x1c2: {  	v0 =	vand.u32 $0x6, v0;
	v61 =	vand.u32 $0x7FFFFFD8, v2;
	v39 =	vld.idx.msk [tilespmem:v55+s26+$0x0], $0xffff;
	v9 =	vadd.s32 $0x7, v1  }
0x1c3: {  	v42 =	vld.idx.msk [tilespmem:v58+s17+$0x0], $0xffff;
	v4 =	vadd.s32 $0x7, v2;
	v5 =	vmul.f32 v5, v7;
	v7 =	vadd.f32 v3, v6  }
0x1c4: {  	v62 =	vadd.s32 $0x8, v1;
	v0 =	vor.u32 v0, v61;
	v41 =	vld.idx.msk [tilespmem:v57+s26+$0x0], $0xffff  }
0x1c5: {  	v63 =	vadd.s32 $0x8, v0;
	v44 =	vld.idx.msk [tilespmem:v60+s17+$0x0], $0xffff;
	v8 =	vmul.f32 v8, v37;
	v7 =	vadd.f32 v5, v7  }
0x1c6: {  	v53 =	vadd.s32 $0x9, v2;
	v43 =	vld.idx.msk [tilespmem:v59+s26+$0x0], $0xffff  }
0x1c7: {  	v52 =	vadd.s32 $0x9, v1;
	v39 =	vmul.f32 v40, v39;
	v9 =	vld.idx.msk [tilespmem:v9+s17+$0x0], $0xffff;
	v7 =	vadd.f32 v8, v7  }
0x1c8: {  	v54 =	vadd.s32 $0xA, v1;
	v4 =	vld.idx.msk [tilespmem:v4+s26+$0x0], $0xffff  }
0x1c9: {  	v45 =	vld.idx.msk [tilespmem:v62+s17+$0x0], $0xffff;
	v55 =	vadd.s32 $0xA, v2;
	v41 =	vmul.f32 v42, v41;
	v7 =	vadd.f32 v39, v7  }
0x1ca: {  	v56 =	vadd.s32 $0xB, v1;
	v46 =	vld.idx.msk [tilespmem:v63+s26+$0x0], $0xffff  }
0x1cb: {  	v57 =	vadd.s32 $0xB, v2;
	v47 =	vld.idx.msk [tilespmem:v53+s26+$0x0], $0xffff;
	v44 =	vmul.f32 v44, v43;
	v7 =	vadd.f32 v41, v7  }
0x1cc: {  	v58 =	vadd.s32 $0xC, v1;
	v37 =	vld.idx.msk [tilespmem:v52+s17+$0x0], $0xffff  }
0x1cd: {  	v59 =	vadd.s32 $0xC, v2;
	v40 =	vld.idx.msk [tilespmem:v54+s17+$0x0], $0xffff;
	v4 =	vmul.f32 v9, v4;
	v7 =	vadd.f32 v44, v7  }
0x1ce: {  	v51 =	vadd.s32 $0xD, v2;
	v48 =	vld.idx.msk [tilespmem:v55+s26+$0x0], $0xffff  }
0x1cf: {  	v42 =	vld.idx.msk [tilespmem:v56+s17+$0x0], $0xffff;
	v45 =	vmul.f32 v45, v46;
	v9 =	vadd.s32 $0xD, v1;
	v7 =	vadd.f32 v4, v7  }
0x1d0: {  	v60 =	vadd.s32 $0xE, v2;
	v49 =	vld.idx.msk [tilespmem:v57+s26+$0x0], $0xffff  }
0x1d1: {  	v43 =	vld.idx.msk [tilespmem:v58+s17+$0x0], $0xffff;
	v46 =	vadd.s32 $0xE, v1;
	v37 =	vmul.f32 v37, v47;
	v7 =	vadd.f32 v45, v7  }
0x1d2: {  	v61 =	vadd.s32 $0xF, v1;
	v50 =	vld.idx.msk [tilespmem:v59+s26+$0x0], $0xffff  }
0x1d3: {  	v62 =	vadd.s32 $0xF, v2;
	v54 =	vld.idx.msk [tilespmem:v51+s26+$0x0], $0xffff;
	v56 =	vmul.f32 v40, v48;
	v7 =	vadd.f32 v37, v7  }
0x1d4: {  	v0 =	vadd.s32 $0x10, v0;
	v9 =	vld.idx.msk [tilespmem:v9+s17+$0x0], $0xffff  }
0x1d5: {  	v63 =	vadd.s32 $0x10, v1;
	v55 =	vld.idx.msk [tilespmem:v60+s26+$0x0], $0xffff;
	v42 =	vmul.f32 v42, v49;
	v7 =	vadd.f32 v56, v7  }
0x1d6: {  	v2 =	vadd.s32 $0x11, v2;
	v46 =	vld.idx.msk [tilespmem:v46+s17+$0x0], $0xffff  }
0x1d7: {  	v47 =	vld.idx.msk [tilespmem:v61+s17+$0x0], $0xffff;
	v60 =	vmul.f32 v43, v50;
	v1 =	vadd.s32 $0x11, v1;
	v7 =	vadd.f32 v42, v7  }
0x1d8: {  	v61 =	vld.idx.msk [tilespmem:v62+s26+$0x0], $0xffff  }
0x1d9: {  	v0 =	vld.idx.msk [tilespmem:v0+s26+$0x0], $0xffff;
	v9 =	vmul.f32 v9, v54;
	v7 =	vadd.f32 v60, v7  }
0x1da: {  	v40 =	vld.idx.msk [tilespmem:v63+s17+$0x0], $0xffff  }
0x1db: {  	v2 =	vld.idx.msk [tilespmem:v2+s26+$0x0], $0xffff;
	v62 =	vmul.f32 v46, v55;
	v7 =	vadd.f32 v9, v7  }
0x1dc: {  	v1 =	vld.idx.msk [tilespmem:v1+s17+$0x0], $0xffff  }
0x1dd: {  	v63 =	vmul.f32 v47, v61;
	v7 =	vadd.f32 v62, v7;
	_ =	sdelay $0x1  }
0x1de: {  	v0 =	vmul.f32 v40, v0;
	v7 =	vadd.f32 v63, v7;
	_ =	sdelay $0x1  }
0x1df: {  	v1 =	vmul.f32 v1, v2;
	v2 =	vadd.f32 v0, v7;
	_ =	sdelay $0x1  }
0x1e0: {  	v2 =	vadd.f32 v1, v2;
	_ =	sdelay $0x1  }
0x1e1: {  	v2 =	vmul.f32 $5.555555600e-02, v2;
	_ =	sdelay $0x1  }
0x1e2: {  	v55 =	vsub.f32 v6, v2;
	v43 =	vsub.f32 v3, v2;
	_ =	sdelay $0x1  }
0x1e3: {  	v49 =	vsub.f32 v5, v2;
	v3 =	vmul.f32 v55, v55;
	v5 =	vmul.f32 v43, v43;
	_ =	sdelay $0x1  }
0x1e4: {  	v47 =	vsub.f32 v8, v2;
	v3 =	vadd.f32 v5, v3;
	v5 =	vmul.f32 v49, v49;
	_ =	sdelay $0x1  }
0x1e5: {  	v48 =	vsub.f32 v39, v2;
	v3 =	vadd.f32 v3, v5;
	v5 =	vmul.f32 v47, v47;
	_ =	sdelay $0x1  }
0x1e6: {  	v52 =	vsub.f32 v41, v2;
	v3 =	vadd.f32 v3, v5;
	v5 =	vmul.f32 v48, v48;
	_ =	sdelay $0x1  }
0x1e7: {  	v53 =	vsub.f32 v44, v2;
	v3 =	vadd.f32 v3, v5;
	v5 =	vmul.f32 v52, v52;
	_ =	sdelay $0x1  }
0x1e8: {  	v44 =	vsub.f32 v4, v2;
	v4 =	vmul.f32 v53, v53;
	v3 =	vadd.f32 v3, v5;
	_ =	sdelay $0x1  }
0x1e9: {  	v40 =	vsub.f32 v45, v2;
	v3 =	vadd.f32 v3, v4;
	v4 =	vmul.f32 v44, v44;
	_ =	sdelay $0x1  }
0x1ea: {  	v54 =	vsub.f32 v37, v2;
	v3 =	vadd.f32 v3, v4;
	v4 =	vmul.f32 v40, v40;
	_ =	sdelay $0x1  }
0x1eb: {  	v50 =	vsub.f32 v56, v2;
	v3 =	vadd.f32 v3, v4;
	v4 =	vmul.f32 v54, v54;
	_ =	sdelay $0x1  }
0x1ec: {  	v51 =	vsub.f32 v42, v2;
	v3 =	vadd.f32 v3, v4;
	v4 =	vmul.f32 v50, v50;
	_ =	sdelay $0x1  }
0x1ed: {  	v46 =	vsub.f32 v60, v2;
	v3 =	vadd.f32 v3, v4;
	v4 =	vmul.f32 v51, v51;
	_ =	sdelay $0x1  }
0x1ee: {  	v45 =	vsub.f32 v9, v2;
	v3 =	vadd.f32 v3, v4;
	v4 =	vmul.f32 v46, v46;
	_ =	sdelay $0x1  }
0x1ef: {  	v42 =	vsub.f32 v62, v2;
	v3 =	vadd.f32 v3, v4;
	v4 =	vmul.f32 v45, v45;
	_ =	sdelay $0x1  }
0x1f0: {  	v41 =	vsub.f32 v63, v2;
	v3 =	vadd.f32 v3, v4;
	v4 =	vmul.f32 v42, v42;
	_ =	sdelay $0x1  }
0x1f1: {  	v37 =	vsub.f32 v0, v2;
	v0 =	vadd.f32 v3, v4;
	v3 =	vmul.f32 v41, v41;
	_ =	sdelay $0x1  }
0x1f2: {  	v39 =	vsub.f32 v1, v2;
	v1 =	vmul.f32 v37, v37;
	v0 =	vadd.f32 v0, v3;
	_ =	sdelay $0x1  }
0x1f3: {  	v0 =	vadd.f32 v0, v1;
	v1 =	vmul.f32 v39, v39;
	_ =	sdelay $0x1  }
0x1f4: {  	v0 =	vadd.f32 v0, v1;
	_ =	sdelay $0x1  }
0x1f5: {  	v0 =	vmul.f32 $5.555555600e-02, v0;
	_ =	sdelay $0x1  }
0x1f6: {  	v0 =	vadd.f32 $9.999999960e-13, v0;
	_ =	sdelay $0x1  }
0x1f7: {  	v1 =	vshra.s32 v0, $0x1;
	v0 =	vmul.f32 $5.000000000e-01, v0  }
0x1f8: {  	v1 =	vsub.s32 $0x5F3759DF, v1  }
0x1f9: {  	v2 =	vmul.f32 v1, v0;
	_ =	sdelay $0x1  }
0x1fa: {  	v2 =	vmul.f32 v1, v2;
	_ =	sdelay $0x1  }
0x1fb: {  	v2 =	vsub.f32 $1.500000000e+00, v2;
	_ =	sdelay $0x1  }
0x1fc: {  	v1 =	vmul.f32 v1, v2;
	_ =	sdelay $0x1  }
0x1fd: {  	v2 =	vmul.f32 v1, v0;
	_ =	sdelay $0x1  }
0x1fe: {  	v2 =	vmul.f32 v2, v1;
	_ =	sdelay $0x1  }
0x1ff: {  	v2 =	vsub.f32 $1.500000000e+00, v2;
	_ =	sdelay $0x1  }
0x200: {  	v1 =	vmul.f32 v2, v1;
	_ =	sdelay $0x1  }
0x201: {  	v0 =	vmul.f32 v1, v0;
	_ =	sdelay $0x1  }
0x202: {  	v0 =	vmul.f32 v0, v1  }
0x203: {  	v56 =	vmul.u32 $0x12, v38  }
0x204: {  	v0 =	vsub.f32 $1.500000000e+00, v0  }
0x205: {  	v38 =	vadd.s32 $0x7, v56  }
0x206: {  	v57 =	vand.u32 $0x3FFE, v56;
	v63 =	vadd.s32 $0x2, v56;
	v58 =	vmul.f32 v0, v1  }
0x207: {  	v62 =	vadd.s32 $0x3, v56;
	v59 =	vadd.s32 $0x4, v56;
	v61 =	vadd.s32 $0x5, v56  }
0x208: {  	v60 =	vadd.s32 $0x6, v56;
	v4 =	vmul.f32 v58, v10;
	v1 =	vmul.f32 v58, v28  }
0x209: {  	s3 =	simm.s32 $0x10;
	v0 =	vor.u32 $0x1, v56;
	v3 =	vmul.f32 v58, v14;
	v2 =	vmul.f32 v58, v26  }
.LBB2_5:
0x20a: {  	v6 =	vmul.f32 v58, v12;
	v4 =	vmul.f32 v4, v55  }
0x20b: {  	v5 =	vmul.f32 v58, v36;
	v7 =	vmul.f32 v58, v21  }
0x20c: {  	v9 =	vmul.f32 v58, v17;
	v6 =	vmul.f32 v6, v43;
	v4 =	vadd.f32 v4, v19  }
0x20d: {  	v3 =	vmul.f32 v3, v49;
	v49 =	vmul.f32 v58, v29  }
0x20e: {  	v6 =	vadd.f32 v6, v20;
	[tilespmem:v56+s28+$0x0] =	vst.idx.msk $0xffff, v4;
	v4 =	vmul.f32 v7, v47  }
0x20f: {  	v3 =	vadd.f32 v3, v13;
	v7 =	vmul.f32 v9, v48;
	v9 =	vmul.f32 v49, v52  }
0x210: {  	v52 =	vmul.f32 v58, v25;
	[tilespmem:v0+s28+$0x0] =	vst.idx.msk $0xffff, v6;
	v4 =	vadd.f32 v4, v33  }
0x211: {  	v5 =	vmul.f32 v5, v53;
	v0 =	vadd.f32 v7, v34;
	[tilespmem:v63+s28+$0x0] =	vst.idx.msk $0xffff, v3  }
0x212: {  	v47 =	vadd.s32 $0x8, v57;
	v9 =	vadd.f32 v9, v24;
	v6 =	vmul.f32 v52, v44;
	[tilespmem:v62+s28+$0x0] =	vst.idx.msk $0xffff, v4  }
0x213: {  	v55 =	vadd.s32 $0x9, v56;
	v2 =	vmul.f32 v2, v40;
	v5 =	vadd.f32 v5, v16;
	[tilespmem:v59+s28+$0x0] =	vst.idx.msk $0xffff, v0  }
0x214: {  	v1 =	vmul.f32 v1, v54;
	v6 =	vadd.f32 v6, v23;
	[tilespmem:v61+s28+$0x0] =	vst.idx.msk $0xffff, v9  }
0x215: {  	v2 =	vadd.f32 v2, v15;
	[tilespmem:v60+s28+$0x0] =	vst.idx.msk $0xffff, v5  }
0x216: {  	v1 =	vadd.f32 v1, v22;
	[tilespmem:v38+s28+$0x0] =	vst.idx.msk $0xffff, v6  }
0x217: {  	v0 =	vld [tilespmem:$0x1FFF0];
	[tilespmem:v47+s28+$0x0] =	vst.idx.msk $0xffff, v2  }
0x218: {  	v8 =	vmul.f32 v58, v11;
	[tilespmem:v55+s28+$0x0] =	vst.idx.msk $0xffff, v1;
	v1 =	vld [tilespmem:$0x1FFC0]  }
0x219: {  	v53 =	vmul.f32 v58, v27;
	v49 =	vadd.s32 $0xA, v56  }
0x21a: {  	v7 =	vadd.s32 $0xB, v56;
	v3 =	vmul.f32 v8, v50  }
0x21b: {  	v4 =	vmul.f32 v53, v51  }
0x21c: {  	v0 =	vadd.f32 v3, v0  }
0x21d: {  	v51 =	vld [tilespmem:$0x1FFE0];
	v1 =	vadd.f32 v4, v1  }
0x21e: {  	[tilespmem:v49+s28+$0x0] =	vst.idx.msk $0xffff, v0;
	v0 =	vld [tilespmem:$0x1FFB0]  }
0x21f: {  	v3 =	vmul.f32 v58, v18;
	[tilespmem:v7+s28+$0x0] =	vst.idx.msk $0xffff, v1;
	v1 =	vld [tilespmem:$0x1FFA0]  }
0x220: {  	v8 =	vmul.f32 v58, v35;
	v6 =	vadd.s32 $0xC, v56  }
0x221: {  	v5 =	vmul.f32 v58, v30;
	v2 =	vadd.s32 $0xD, v56;
	v3 =	vmul.f32 v3, v46  }
0x222: {  	v50 =	vadd.s32 $0xE, v56;
	v8 =	vmul.f32 v8, v45;
	v52 =	vmul.f32 v58, v51  }
0x223: {  	v53 =	vld [tilespmem:$0x1FFD0];
	v9 =	vadd.s32 $0xF, v56;
	v5 =	vmul.f32 v5, v42;
	v0 =	vadd.f32 v3, v0  }
0x224: {  	v4 =	vmul.f32 v52, v41;
	v1 =	vadd.f32 v8, v1;
	v8 =	vld [tilespmem:$0x1FF90]  }
0x225: {  	[tilespmem:v6+s28+$0x0] =	vst.idx.msk $0xffff, v0;
	v0 =	vadd.f32 v5, v31  }
0x226: {  	[tilespmem:v2+s28+$0x0] =	vst.idx.msk $0xffff, v1;
	v1 =	vadd.f32 v4, v32  }
0x227: {  	[tilespmem:v50+s28+$0x0] =	vst.idx.msk $0xffff, v0;
	v0 =	vld [tilespmem:$0x1FF80]  }
0x228: {  	v54 =	vmul.f32 v58, v53;
	[tilespmem:v9+s28+$0x0] =	vst.idx.msk $0xffff, v1;
	v1 =	vld [tilespmem:$0x1FF70]  }
0x229: {  	v7 =	vadd.s32 $0x10, v57;
	v8 =	vmul.f32 v58, v8  }
0x22a: {  	v3 =	vmul.f32 v54, v37;
	v5 =	vadd.s32 $0x11, v56  }
0x22b: {  	v2 =	vmul.f32 v8, v39  }
0x22c: {  	v0 =	vadd.f32 v3, v0  }
0x22d: {  	v1 =	vadd.f32 v2, v1  }
0x22e: {  	[tilespmem:v7+s28+$0x0] =	vst.idx.msk $0xffff, v0  }
0x22f: {  	s31 =	sadd.s32 $0x10, s31;
	[tilespmem:v5+s28+$0x0] =	vst.idx.msk $0xffff, v1  }
0x230: {  	s6 =	sadd.s32 $0x10, s6;
	v0 =	vld [tilespmem:s31+$0x0]  }
0x231: {  	v1 =	vld [tilespmem:s6+$0x0];
	_ =	sdelay $0x4  }
0x232: {  	s4 =	smov.u32 s3;
	v59 =	vlaneseq.u32;
	v0 =	vmul.u32 $0x12, v0;
	v1 =	vmul.u32 $0x12, v1  }
0x233: {  	v38 =	vor.u32 s4, v59  }
0x234: {  	v60 =	vshll.u32 v38, $0x6;
	v2 =	vand.u32 $0x1E, v0;
	v3 =	vor.u32 $0x1, v1  }
0x235: {  	v2 =	vor.u32 v60, v2  }
0x236: {  	v8 =	vor.u32 $0x1, v2  }
0x237: {  	v4 =	vadd.s32 $0x2, v1  }
0x238: {  	v62 =	vadd.s32 $0x2, v2;
	v41 =	vld.idx.msk [tilespmem:v1+s17+$0x0], $0xffff  }
0x239: {  	v63 =	vadd.s32 $0x3, v1;
	v3 =	vld.idx.msk [tilespmem:v3+s17+$0x0], $0xffff  }
0x23a: {  	v47 =	vadd.s32 $0x3, v2;
	v46 =	vld.idx.msk [tilespmem:v2+s26+$0x0], $0xffff  }
0x23b: {  	v5 =	vadd.s32 $0x4, v1;
	v8 =	vld.idx.msk [tilespmem:v8+s26+$0x0], $0xffff  }
0x23c: {  	v50 =	vadd.s32 $0x4, v2;
	v4 =	vld.idx.msk [tilespmem:v4+s17+$0x0], $0xffff  }
0x23d: {  	v56 =	vadd.s32 $0x5, v2;
	v42 =	vld.idx.msk [tilespmem:v62+s26+$0x0], $0xffff  }
0x23e: {  	v6 =	vadd.s32 $0x5, v1;
	v43 =	vld.idx.msk [tilespmem:v63+s17+$0x0], $0xffff  }
0x23f: {  	v7 =	vadd.s32 $0x6, v1;
	v39 =	vadd.s32 $0x7, v1;
	v47 =	vld.idx.msk [tilespmem:v47+s26+$0x0], $0xffff  }
0x240: {  	v9 =	vadd.s32 $0x6, v2;
	v5 =	vld.idx.msk [tilespmem:v5+s17+$0x0], $0xffff;
	v41 =	vmul.f32 v41, v46;
	v3 =	vmul.f32 v3, v8  }
0x241: {  	v0 =	vand.u32 $0x6, v0;
	v37 =	vadd.s32 $0x7, v2;
	v61 =	vand.u32 $0x7FFFFFD8, v2;
	v50 =	vld.idx.msk [tilespmem:v50+s26+$0x0], $0xffff  }
0x242: {  	v0 =	vor.u32 v0, v61;
	v8 =	vld.idx.msk [tilespmem:v56+s26+$0x0], $0xffff;
	v4 =	vmul.f32 v4, v42;
	v56 =	vadd.f32 v3, v41  }
0x243: {  	v40 =	vadd.s32 $0x8, v1;
	v61 =	vadd.s32 $0x10, v0;
	v6 =	vld.idx.msk [tilespmem:v6+s17+$0x0], $0xffff  }
0x244: {  	v0 =	vadd.s32 $0x8, v0;
	v7 =	vld.idx.msk [tilespmem:v7+s17+$0x0], $0xffff;
	v46 =	vmul.f32 v43, v47;
	v42 =	vadd.f32 v4, v56  }
0x245: {  	v44 =	vadd.s32 $0x9, v2;
	v9 =	vld.idx.msk [tilespmem:v9+s26+$0x0], $0xffff  }
0x246: {  	v45 =	vadd.s32 $0x9, v1;
	v39 =	vld.idx.msk [tilespmem:v39+s17+$0x0], $0xffff;
	v5 =	vmul.f32 v5, v50;
	v42 =	vadd.f32 v46, v42  }
0x247: {  	v49 =	vadd.s32 $0xA, v1;
	v37 =	vld.idx.msk [tilespmem:v37+s26+$0x0], $0xffff  }
0x248: {  	v48 =	vadd.s32 $0xA, v2;
	v40 =	vld.idx.msk [tilespmem:v40+s17+$0x0], $0xffff;
	v6 =	vmul.f32 v6, v8;
	v8 =	vadd.f32 v5, v42  }
0x249: {  	v52 =	vadd.s32 $0xB, v1;
	v0 =	vld.idx.msk [tilespmem:v0+s26+$0x0], $0xffff  }
0x24a: {  	v51 =	vadd.s32 $0xB, v2;
	v7 =	vmul.f32 v7, v9;
	v9 =	vld.idx.msk [tilespmem:v44+s26+$0x0], $0xffff;
	v8 =	vadd.f32 v6, v8  }
0x24b: {  	v54 =	vadd.s32 $0xC, v1;
	v56 =	vld.idx.msk [tilespmem:v45+s17+$0x0], $0xffff  }
0x24c: {  	v53 =	vadd.s32 $0xC, v2;
	v49 =	vld.idx.msk [tilespmem:v49+s17+$0x0], $0xffff;
	v39 =	vmul.f32 v39, v37;
	v8 =	vadd.f32 v7, v8  }
0x24d: {  	v57 =	vadd.s32 $0xD, v1;
	v50 =	vld.idx.msk [tilespmem:v48+s26+$0x0], $0xffff  }
0x24e: {  	v55 =	vadd.s32 $0xD, v2;
	v44 =	vld.idx.msk [tilespmem:v52+s17+$0x0], $0xffff;
	v0 =	vmul.f32 v40, v0;
	v8 =	vadd.f32 v39, v8  }
0x24f: {  	v59 =	vadd.s32 $0xE, v1;
	v52 =	vld.idx.msk [tilespmem:v51+s26+$0x0], $0xffff  }
0x250: {  	v58 =	vadd.s32 $0xE, v2;
	v45 =	vld.idx.msk [tilespmem:v54+s17+$0x0], $0xffff;
	v9 =	vmul.f32 v56, v9;
	v8 =	vadd.f32 v0, v8  }
0x251: {  	v62 =	vadd.s32 $0xF, v1;
	v54 =	vld.idx.msk [tilespmem:v53+s26+$0x0], $0xffff  }
0x252: {  	v60 =	vadd.s32 $0xF, v2;
	v50 =	vmul.f32 v49, v50;
	v56 =	vld.idx.msk [tilespmem:v57+s17+$0x0], $0xffff;
	v8 =	vadd.f32 v9, v8  }
0x253: {  	v57 =	vld.idx.msk [tilespmem:v55+s26+$0x0], $0xffff  }
0x254: {  	v63 =	vadd.s32 $0x10, v1;
	v43 =	vld.idx.msk [tilespmem:v59+s17+$0x0], $0xffff;
	v51 =	vmul.f32 v44, v52;
	v8 =	vadd.f32 v50, v8  }
0x255: {  	v2 =	vadd.s32 $0x11, v2;
	v40 =	vld.idx.msk [tilespmem:v58+s26+$0x0], $0xffff  }
0x256: {  	v1 =	vadd.s32 $0x11, v1;
	v44 =	vld.idx.msk [tilespmem:v62+s17+$0x0], $0xffff;
	v42 =	vmul.f32 v45, v54;
	v8 =	vadd.f32 v51, v8  }
0x257: {  	v52 =	vld.idx.msk [tilespmem:v60+s26+$0x0], $0xffff  }
0x258: {  	v61 =	vld.idx.msk [tilespmem:v61+s26+$0x0], $0xffff;
	v60 =	vmul.f32 v56, v57;
	v8 =	vadd.f32 v42, v8  }
0x259: {  	v53 =	vld.idx.msk [tilespmem:v63+s17+$0x0], $0xffff  }
0x25a: {  	v2 =	vld.idx.msk [tilespmem:v2+s26+$0x0], $0xffff;
	v62 =	vmul.f32 v43, v40;
	v8 =	vadd.f32 v60, v8  }
0x25b: {  	v1 =	vld.idx.msk [tilespmem:v1+s17+$0x0], $0xffff  }
0x25c: {  	v63 =	vmul.f32 v44, v52;
	v8 =	vadd.f32 v62, v8;
	_ =	sdelay $0x1  }
0x25d: {  	v37 =	vmul.f32 v53, v61;
	v8 =	vadd.f32 v63, v8;
	_ =	sdelay $0x1  }
0x25e: {  	v1 =	vmul.f32 v1, v2;
	v2 =	vadd.f32 v37, v8;
	_ =	sdelay $0x1  }
0x25f: {  	v2 =	vadd.f32 v1, v2;
	_ =	sdelay $0x1  }
0x260: {  	v2 =	vmul.f32 $5.555555600e-02, v2;
	_ =	sdelay $0x1  }
0x261: {  	v55 =	vsub.f32 v41, v2;
	v43 =	vsub.f32 v3, v2  }
0x262: {  	v49 =	vsub.f32 v4, v2  }
0x263: {  	v40 =	vsub.f32 v0, v2;
	v0 =	vmul.f32 v55, v55;
	v3 =	vmul.f32 v43, v43;
	_ =	sdelay $0x1  }
0x264: {  	v47 =	vsub.f32 v46, v2;
	v0 =	vadd.f32 v3, v0;
	v3 =	vmul.f32 v49, v49;
	_ =	sdelay $0x1  }
0x265: {  	v48 =	vsub.f32 v5, v2;
	v0 =	vadd.f32 v0, v3;
	v3 =	vmul.f32 v47, v47;
	_ =	sdelay $0x1  }
0x266: {  	v52 =	vsub.f32 v6, v2;
	v0 =	vadd.f32 v0, v3;
	v3 =	vmul.f32 v48, v48;
	_ =	sdelay $0x1  }
0x267: {  	v53 =	vsub.f32 v7, v2;
	v0 =	vadd.f32 v0, v3;
	v3 =	vmul.f32 v52, v52;
	_ =	sdelay $0x1  }
0x268: {  	v44 =	vsub.f32 v39, v2;
	v0 =	vadd.f32 v0, v3;
	v3 =	vmul.f32 v53, v53;
	_ =	sdelay $0x1  }
0x269: {  	v0 =	vadd.f32 v0, v3;
	v3 =	vmul.f32 v44, v44;
	_ =	sdelay $0x1  }
0x26a: {  	v54 =	vsub.f32 v9, v2;
	v0 =	vadd.f32 v0, v3;
	v3 =	vmul.f32 v40, v40;
	_ =	sdelay $0x1  }
0x26b: {  	v50 =	vsub.f32 v50, v2;
	v0 =	vadd.f32 v0, v3;
	v3 =	vmul.f32 v54, v54;
	_ =	sdelay $0x1  }
0x26c: {  	v51 =	vsub.f32 v51, v2;
	v0 =	vadd.f32 v0, v3;
	v3 =	vmul.f32 v50, v50;
	_ =	sdelay $0x1  }
0x26d: {  	v46 =	vsub.f32 v42, v2;
	v0 =	vadd.f32 v0, v3;
	v3 =	vmul.f32 v51, v51;
	_ =	sdelay $0x1  }
0x26e: {  	v45 =	vsub.f32 v60, v2;
	v0 =	vadd.f32 v0, v3;
	v3 =	vmul.f32 v46, v46;
	_ =	sdelay $0x1  }
0x26f: {  	v42 =	vsub.f32 v62, v2;
	v0 =	vadd.f32 v0, v3;
	v3 =	vmul.f32 v45, v45;
	_ =	sdelay $0x1  }
0x270: {  	v41 =	vsub.f32 v63, v2;
	v0 =	vadd.f32 v0, v3;
	v3 =	vmul.f32 v42, v42;
	_ =	sdelay $0x1  }
0x271: {  	v37 =	vsub.f32 v37, v2;
	v0 =	vadd.f32 v0, v3;
	v3 =	vmul.f32 v41, v41;
	_ =	sdelay $0x1  }
0x272: {  	v39 =	vsub.f32 v1, v2;
	v1 =	vmul.f32 v37, v37;
	v0 =	vadd.f32 v0, v3;
	_ =	sdelay $0x1  }
0x273: {  	v0 =	vadd.f32 v0, v1;
	v1 =	vmul.f32 v39, v39;
	_ =	sdelay $0x1  }
0x274: {  	v0 =	vadd.f32 v0, v1;
	_ =	sdelay $0x1  }
0x275: {  	v0 =	vmul.f32 $5.555555600e-02, v0;
	_ =	sdelay $0x1  }
0x276: {  	v0 =	vadd.f32 $9.999999960e-13, v0;
	_ =	sdelay $0x1  }
0x277: {  	v1 =	vshra.s32 v0, $0x1;
	v0 =	vmul.f32 $5.000000000e-01, v0  }
0x278: {  	v1 =	vsub.s32 $0x5F3759DF, v1  }
0x279: {  	v2 =	vmul.f32 v1, v0;
	_ =	sdelay $0x1  }
0x27a: {  	v2 =	vmul.f32 v1, v2;
	_ =	sdelay $0x1  }
0x27b: {  	v2 =	vsub.f32 $1.500000000e+00, v2;
	_ =	sdelay $0x1  }
0x27c: {  	v1 =	vmul.f32 v1, v2;
	_ =	sdelay $0x1  }
0x27d: {  	v2 =	vmul.f32 v1, v0;
	_ =	sdelay $0x1  }
0x27e: {  	v2 =	vmul.f32 v2, v1;
	_ =	sdelay $0x1  }
0x27f: {  	v2 =	vsub.f32 $1.500000000e+00, v2;
	_ =	sdelay $0x1  }
0x280: {  	v1 =	vmul.f32 v2, v1;
	_ =	sdelay $0x1  }
0x281: {  	v0 =	vmul.f32 v1, v0;
	_ =	sdelay $0x1  }
0x282: {  	v2 =	vmul.f32 v0, v1  }
0x283: {  	v56 =	vmul.u32 $0x12, v38  }
0x284: {  	p0 =	sne.s32 s3, $0x1F0;
	v2 =	vsub.f32 $1.500000000e+00, v2  }
.Ltmp1:
0x285: {  	v38 =	vadd.s32 $0x7, v56;
	(pc) =	sbr.rel @p0 .LBB2_5-.Ltmp1, $4  }
0x286: {  	v57 =	vand.u32 $0x3FFE, v56;
	v59 =	vadd.s32 $0x4, v56;
	v58 =	vmul.f32 v2, v1  }
0x287: {  	v61 =	vadd.s32 $0x5, v56;
	v63 =	vadd.s32 $0x2, v56;
	v62 =	vadd.s32 $0x3, v56  }
0x288: {  	v60 =	vadd.s32 $0x6, v56;
	v4 =	vmul.f32 v58, v10;
	v1 =	vmul.f32 v58, v28  }
0x289: {  	s3 =	sadd.s32 $0x10, s3;
	v0 =	vor.u32 $0x1, v56;
	v3 =	vmul.f32 v58, v14;
	v2 =	vmul.f32 v58, v26  }
0x28a: {  	v4 =	vmul.f32 v4, v55;
	v5 =	vmul.f32 v58, v12  }
0x28b: {  	v6 =	vmul.f32 v58, v21  }
0x28c: {  	v5 =	vmul.f32 v5, v43;
	v4 =	vadd.f32 v4, v19  }
0x28d: {  	v3 =	vmul.f32 v3, v49;
	v6 =	vmul.f32 v6, v47  }
0x28e: {  	[tilespmem:v56+s28+$0x0] =	vst.idx.msk $0xffff, v4;
	v4 =	vmul.f32 v58, v17;
	v5 =	vadd.f32 v5, v20  }
0x28f: {  	v7 =	vmul.f32 v58, v29;
	v2 =	vmul.f32 v2, v40;
	v3 =	vadd.f32 v3, v13  }
0x290: {  	[tilespmem:v0+s28+$0x0] =	vst.idx.msk $0xffff, v5;
	v47 =	vmul.f32 v4, v48;
	v5 =	vadd.f32 v6, v33  }
0x291: {  	v4 =	vmul.f32 v58, v36;
	[tilespmem:v63+s28+$0x0] =	vst.idx.msk $0xffff, v3;
	v3 =	vmul.f32 v7, v52  }
0x292: {  	v0 =	vadd.f32 v47, v34;
	[tilespmem:v62+s28+$0x0] =	vst.idx.msk $0xffff, v5;
	v5 =	vmul.f32 v58, v25  }
0x293: {  	v6 =	vmul.f32 v58, v11;
	v4 =	vmul.f32 v4, v53  }
0x294: {  	[tilespmem:v59+s28+$0x0] =	vst.idx.msk $0xffff, v0;
	v59 =	vadd.f32 v3, v24;
	v5 =	vmul.f32 v5, v44  }
0x295: {  	v55 =	vmovc v29;
	v29 =	vld [tilespmem:$0x1FFF0];
	v7 =	vmul.f32 v58, v27;
	v3 =	vadd.s32 $0x8, v57;
	v4 =	vadd.f32 v4, v16  }
0x296: {  	v6 =	vmul.f32 v6, v50;
	v50 =	vld [tilespmem:$0x1FFC0];
	[tilespmem:v61+s28+$0x0] =	vst.idx.msk $0xffff, v59;
	v61 =	vadd.s32 $0x9, v56;
	v5 =	vadd.f32 v5, v23  }
0x297: {  	v1 =	vmul.f32 v1, v54;
	[tilespmem:v60+s28+$0x0] =	vst.idx.msk $0xffff, v4;
	v4 =	vmul.f32 v7, v51;
	v7 =	vadd.s32 $0xA, v56  }
0x298: {  	v2 =	vadd.f32 v2, v15;
	[tilespmem:v38+s28+$0x0] =	vst.idx.msk $0xffff, v5;
	v5 =	vadd.s32 $0xB, v56  }
0x299: {  	v54 =	vld [tilespmem:$0x1FFA0];
	v1 =	vadd.f32 v1, v22  }
0x29a: {  	v52 =	vmov v33;
	v33 =	vld [tilespmem:$0x1FFE0];
	v6 =	vadd.f32 v6, v29;
	[tilespmem:v3+s28+$0x0] =	vst.idx.msk $0xffff, v2  }
0x29b: {  	v53 =	vld [tilespmem:$0x1FFB0];
	v4 =	vadd.f32 v4, v50;
	[tilespmem:v61+s28+$0x0] =	vst.idx.msk $0xffff, v1  }
0x29c: {  	v8 =	vmul.f32 v58, v18;
	v51 =	vld [tilespmem:$0x1FFD0];
	[tilespmem:v7+s28+$0x0] =	vst.idx.msk $0xffff, v6  }
0x29d: {  	v9 =	vmul.f32 v58, v35;
	[tilespmem:v5+s28+$0x0] =	vst.idx.msk $0xffff, v4;
	v5 =	vadd.s32 $0x10, v57;
	v57 =	vld [tilespmem:$0x1FF90]  }
0x29e: {  	v8 =	vmul.f32 v8, v46;
	v3 =	vadd.s32 $0xC, v56  }
0x29f: {  	v49 =	vmovc v36;
	v9 =	vmul.f32 v9, v45;
	v36 =	vadd.s32 $0xD, v56;
	v62 =	vmul.f32 v58, v30  }
0x2a0: {  	v48 =	vmovc v11;
	v11 =	vmovc v34;
	v63 =	vadd.s32 $0xF, v56;
	v34 =	vmul.f32 v58, v33;
	v60 =	vld [tilespmem:$0x1FF80];
	v6 =	vadd.s32 $0xE, v56  }
0x2a1: {  	v8 =	vadd.f32 v8, v53;
	v2 =	vmul.f32 v62, v42;
	v62 =	vld [tilespmem:$0x1FF70];
	v7 =	vmul.f32 v58, v51  }
0x2a2: {  	v0 =	vmul.f32 v34, v41;
	v4 =	vadd.f32 v9, v54;
	v9 =	vmul.f32 v58, v57  }
0x2a3: {  	v2 =	vadd.f32 v2, v31;
	[tilespmem:v3+s28+$0x0] =	vst.idx.msk $0xffff, v8;
	v3 =	vmul.f32 v7, v37;
	v7 =	vadd.s32 $0x11, v56  }
0x2a4: {  	v0 =	vadd.f32 v0, v32;
	[tilespmem:v36+s28+$0x0] =	vst.idx.msk $0xffff, v4;
	v59 =	vmul.f32 v9, v39  }
0x2a5: {  	s3 =	smul.u32 $0x12, s30;
	v61 =	vadd.f32 v3, v60;
	[tilespmem:v6+s28+$0x0] =	vst.idx.msk $0xffff, v2  }
0x2a6: {  	s29 =	sadd.s32 $0x1, s29;
	[tilespmem:v63+s28+$0x0] =	vst.idx.msk $0xffff, v0;
	v63 =	vadd.f32 v59, v62  }
0x2a7: {  	p0 =	sne.s32 s29, $0x64;
	s3 =	sshrl.u32 s3, $0x3;
	[tilespmem:v5+s28+$0x0] =	vst.idx.msk $0xffff, v61  }
.Ltmp2:
0x2a8: {  	s3 =	sadd.s32 s8, s3;
	[tilespmem:v7+s28+$0x0] =	vst.idx.msk $0xffff, v63;
	(pc) =	sbr.rel @p0 .LBB2_2-.Ltmp2, $4  }
0x2a9: {  	[hbm4b:s3+s9] =	stream.linear.scatter [tilespmem:s28], [sflag:$0x3], $0x2400, $0x38;
	[tilespmem:$0x15988] =	vst v63  }
0x2aa: {  	_ =	swait.ge [sflag:s18], $0x2400  }
0x2ab: {  	[sflag:s18] =	ssyncset.done $0x0  }
0x2ac: {  	v45 =	vmovc v15;
	v50 =	vmov v13;
	v54 =	vmov v11;
	v4 =	vlaneseq.u32;
	[sflag:s18] =	ssyncadd.s32 $0xFFFFDC00  }
0x2ad: {  	s4 =	rddreg [dreg:$0xd]  }
0x2ae: {  	s3 =	rddreg [dreg:$0xc];
	s4 =	sadd.s32 $0x1, s4  }
0x2af: {  	p0 =	sne.s32 s4, s3  }
.Ltmp3:
0x2b0: {  	_ = 	snop;
	(pc) =	sbr.rel @p0 .LBB2_1-.Ltmp3, $1  }
0x2b1: {  	_ =	sdelay $0x3  }
0x2b2: {  	_ =	sfence.sel $0x180000  }
0x2b3: {  	[bflag:$0x0] =	sbarrier.arrive $0xFFFF  }
0x2b4: {  	_ =	strace $0x90000047  }
0x2b5: {  	s0 =	stileid.u32;
	[bflag:$0x2] =	sbarrier.arrive $0xFFFF  }
0x2b6: {  	p0 =	sne.s32 s0, $0x0;
	s0 =	rddreg [dreg:$0x8]  }
0x2b7: {  	s0 =	sadd.s32 @!p0 $0x100000, s0  }
0x2b8: {  	[sflag:s0] =	ssyncadd.tile.s32 @!p0 $0x1;
	_ =	shalt  }
.Lfunc_end2:
_tile_overlayer_lowered:
.L_overlay_start_2:
0x2b9: {  	(tag) =	ssettag $0x2  }
0x2ba: {  	s0 =	rddreg [dreg:$0x0];
	s2 =	stileid.u32  }
0x2bb: {  	s1 =	rddreg [dreg:$0x1];
	p0 =	sne.s32 s2, $0x0  }
0x2bc: {  	s3 =	rddreg [dreg:$0x2];
	[bflag:$0x3] =	sbarrier.arrive $0xFFFF;
	s2 =	simm.s32 @!p0 $0x1C03  }
0x2bd: {  	[timem:s3], [sflag:s2] =	dma.local @!p0 [hbm:s0], s1  }
0x2be: {  	s0 =	simm.s32 @!p0 $0x3  }
0x2bf: {  	_ =	swait.ge @!p0 [sflag:s0], s1  }
0x2c0: {  	s1 =	ssub.s32 @!p0 $0x0, s1;
	[sflag:s0] =	ssyncset.done @!p0 $0x0  }
0x2c1: {  	[sflag:s0] =	ssyncadd.s32 @!p0 s1  }
0x2c2: {  	[bflag:$0x3] =	sbarrier.arrive $0xFFFF  }
0x2c3: {  	_ =	shalt  }

</sc_bundles>
